<compile_context>
chip_gen: v7x
topology: tpu7x:2x2x1
jax: 0.10.2.dev20260603
libtpu: 0.0.44.dev20260713+nightly
codegen_flags: <defaults>
</compile_context>

<pallas_src>
import functools
import math

import jax
import jax.numpy as jnp
from jax import lax
from jax.experimental import pallas as pl
from jax.experimental.pallas import tpu as pltpu
from jax.experimental.pallas import tpu_sc as plsc

_BLK = 2000


def _mmh(a, b):
    return lax.dot_general(a, b, (((1,), (0,)), ((), ())),
                           precision=lax.Precision.HIGHEST,
                           preferred_element_type=jnp.float32)


def _mmd(a, b):
    return lax.dot_general(a, b, (((1,), (0,)), ((), ())),
                           precision=lax.Precision.DEFAULT,
                           preferred_element_type=jnp.float32)


def _encode_body(feat8, layer2, gid2, t2, ge8,
                 le, Wc1a, Wc1b, bc1, Wc2, bc2,
                 Wp1, bp1, Wp2, bp2,
                 Wi1a, Wi1t, Wi1c, bi1, Wi2, bi2,
                 We1a, We1b, be1,
                 cell_o, h_o, A_o, B_o):
    f32 = jnp.float32
    t = t2[...]
    iot = lax.broadcasted_iota(jnp.int32, (1, 32), 1).astype(f32)
    freqs = jnp.exp(iot * (-math.log(200.0) / 32.0))
    x = t * freqs
    te = jnp.concatenate([jnp.cos(x), jnp.sin(x)], axis=1)
    cond = _mmd(jnp.maximum(_mmd(ge8[...], Wp1[...]) + bp1[...], 0.0), Wp2[...]) + bp2[...]
    G = _mmd(te, Wi1t[...]) + _mmd(cond, Wi1c[...])
    LT = _mmd(le[...], Wc1b[...])
    lay = layer2[...]
    ohl = (lax.broadcasted_iota(jnp.int32, (_BLK, 48), 1) == lay).astype(f32)
    c1 = _mmd(feat8[...], Wc1a[...]) + _mmh(ohl, LT) + bc1[...]
    cell = _mmd(jnp.maximum(c1, 0.0), Wc2[...]) + bc2[...]
    gid = gid2[...]
    ohg = (lax.broadcasted_iota(jnp.int32, (_BLK, 64), 1) == gid).astype(f32)
    h = _mmd(jnp.maximum(_mmd(cell, Wi1a[...]) + _mmh(ohg, G) + bi1[...], 0.0), Wi2[...]) + bi2[...]
    cell_o[...] = cell
    h_o[...] = h
    A = _mmd(h, We1a[...]) + be1[...]
    Bv = _mmd(h, We1b[...])
    A_o[0] = A[:, :32]
    A_o[1] = A[:, 32:]
    B_o[0] = Bv[:, :32]
    B_o[1] = Bv[:, 32:]


def _encode(feat8, layer2, gid2, t2, ge8, le, weights, N):
    grid = (N // _BLK,)
    row = lambda shape: pl.BlockSpec(shape, lambda i: (i, 0))
    full = lambda a: pl.BlockSpec(a.shape, lambda i: tuple([0] * a.ndim))
    in_specs = [row((_BLK, 8)), row((_BLK, 1)), row((_BLK, 1)),
                full(t2), full(ge8), full(le)] + [full(w) for w in weights]
    out_shape = [jax.ShapeDtypeStruct((N, 64), jnp.float32),
                 jax.ShapeDtypeStruct((N, 64), jnp.float32),
                 jax.ShapeDtypeStruct((2, N, 32), jnp.float32),
                 jax.ShapeDtypeStruct((2, N, 32), jnp.float32)]
    out_specs = [row((_BLK, 64)), row((_BLK, 64)),
                 pl.BlockSpec((2, _BLK, 32), lambda i: (0, i, 0)),
                 pl.BlockSpec((2, _BLK, 32), lambda i: (0, i, 0))]
    return pl.pallas_call(_encode_body, grid=grid, in_specs=in_specs,
                          out_specs=out_specs, out_shape=out_shape)(
        feat8, layer2, gid2, t2, ge8, le, *weights)


def _update_body(emit, h_i, S3, deg2,
                 We2a, We2b, be2, Wn1a, Wn1b, bn1, Wn2, bn2, *rest):
    if emit:
        We1a, We1b, be1, h_o, A_o, B_o = rest
    else:
        (h_o,) = rest
    h = h_i[...]
    agg = _mmh(S3[0], We2a[...]) + _mmh(S3[1], We2b[...]) + deg2[...] * be2[...]
    hn = h + _mmd(jnp.maximum(_mmd(h, Wn1a[...]) + _mmd(agg, Wn1b[...]) + bn1[...], 0.0), Wn2[...]) + bn2[...]
    h_o[...] = hn
    if emit:
        A = _mmd(hn, We1a[...]) + be1[...]
        Bv = _mmd(hn, We1b[...])
        A_o[0] = A[:, :32]
        A_o[1] = A[:, 32:]
        B_o[0] = Bv[:, :32]
        B_o[1] = Bv[:, 32:]


def _update(h, S3, deg2, weights, emit, N):
    grid = (N // _BLK,)
    row = lambda shape: pl.BlockSpec(shape, lambda i: (i, 0))
    full = lambda a: pl.BlockSpec(a.shape, lambda i: tuple([0] * a.ndim))
    in_specs = [row((_BLK, 64)), pl.BlockSpec((2, _BLK, 32), lambda i: (0, i, 0)),
                row((_BLK, 1))] + [full(w) for w in weights]
    out_shape = [jax.ShapeDtypeStruct((N, 64), jnp.float32)]
    out_specs = [row((_BLK, 64))]
    if emit:
        out_shape += [jax.ShapeDtypeStruct((2, N, 32), jnp.float32)] * 2
        out_specs += [pl.BlockSpec((2, _BLK, 32), lambda i: (0, i, 0))] * 2
    return pl.pallas_call(functools.partial(_update_body, emit), grid=grid,
                          in_specs=in_specs, out_specs=out_specs,
                          out_shape=out_shape)(h, S3, deg2, *weights)


def _update_final_body(h_i, S3, deg2, cell_i, gid2, t2, ge8,
                       We2a, We2b, be2, Wn1a, Wn1b, bn1, Wn2, bn2,
                       Wp1, bp1, Wp2, bp2,
                       Wz1h, Wz1cell, Wz1t, Wz1c, bz1, Wz2, bz2, F_o):
    f32 = jnp.float32
    h = h_i[...]
    agg = _mmh(S3[0], We2a[...]) + _mmh(S3[1], We2b[...]) + deg2[...] * be2[...]
    hn = h + _mmd(jnp.maximum(_mmd(h, Wn1a[...]) + _mmd(agg, Wn1b[...]) + bn1[...], 0.0), Wn2[...]) + bn2[...]
    t = t2[...]
    iot = lax.broadcasted_iota(jnp.int32, (1, 32), 1).astype(f32)
    freqs = jnp.exp(iot * (-math.log(200.0) / 32.0))
    x = t * freqs
    te = jnp.concatenate([jnp.cos(x), jnp.sin(x)], axis=1)
    cond = _mmd(jnp.maximum(_mmd(ge8[...], Wp1[...]) + bp1[...], 0.0), Wp2[...]) + bp2[...]
    Gn = _mmd(te, Wz1t[...]) + _mmd(cond, Wz1c[...])
    gid = gid2[...]
    ohg = (lax.broadcasted_iota(jnp.int32, (_BLK, 64), 1) == gid).astype(f32)
    u1 = _mmd(hn, Wz1h[...]) + _mmd(cell_i[...], Wz1cell[...]) + _mmh(ohg, Gn) + bz1[...]
    F_o[...] = _mmd(jnp.maximum(u1, 0.0), Wz2[...]) + bz2[...]


def _update_final(h, S3, deg2, cell, gid2, t2, ge8, weights, N):
    grid = (N // _BLK,)
    row = lambda shape: pl.BlockSpec(shape, lambda i: (i, 0))
    full = lambda a: pl.BlockSpec(a.shape, lambda i: tuple([0] * a.ndim))
    in_specs = [row((_BLK, 64)), pl.BlockSpec((2, _BLK, 32), lambda i: (0, i, 0)),
                row((_BLK, 1)), row((_BLK, 64)), row((_BLK, 1)),
                full(t2), full(ge8)] + [full(w) for w in weights]
    return pl.pallas_call(_update_final_body, grid=grid, in_specs=in_specs,
                          out_specs=row((_BLK, 1)),
                          out_shape=jax.ShapeDtypeStruct((N, 1), jnp.float32))(
        h, S3, deg2, cell, gid2, t2, ge8, *weights)


def _final_body(h_i, cell_i, gid2, t2, ge8,
                Wp1, bp1, Wp2, bp2,
                Wz1h, Wz1cell, Wz1t, Wz1c, bz1, Wz2, bz2, F_o):
    f32 = jnp.float32
    t = t2[...]
    iot = lax.broadcasted_iota(jnp.int32, (1, 32), 1).astype(f32)
    freqs = jnp.exp(iot * (-math.log(200.0) / 32.0))
    x = t * freqs
    te = jnp.concatenate([jnp.cos(x), jnp.sin(x)], axis=1)
    cond = _mmd(jnp.maximum(_mmd(ge8[...], Wp1[...]) + bp1[...], 0.0), Wp2[...]) + bp2[...]
    Gn = _mmd(te, Wz1t[...]) + _mmd(cond, Wz1c[...])
    gid = gid2[...]
    ohg = (lax.broadcasted_iota(jnp.int32, (_BLK, 64), 1) == gid).astype(f32)
    u1 = _mmd(h_i[...], Wz1h[...]) + _mmd(cell_i[...], Wz1cell[...]) + _mmh(ohg, Gn) + bz1[...]
    F_o[...] = _mmd(jnp.maximum(u1, 0.0), Wz2[...]) + bz2[...]


def _final(h, cell, gid2, t2, ge8, weights, N):
    grid = (N // _BLK,)
    row = lambda shape: pl.BlockSpec(shape, lambda i: (i, 0))
    full = lambda a: pl.BlockSpec(a.shape, lambda i: tuple([0] * a.ndim))
    in_specs = [row((_BLK, 64)), row((_BLK, 64)), row((_BLK, 1)),
                full(t2), full(ge8)] + [full(w) for w in weights]
    return pl.pallas_call(_final_body, grid=grid, in_specs=in_specs,
                          out_specs=row((_BLK, 1)),
                          out_shape=jax.ShapeDtypeStruct((N, 1), jnp.float32))(
        h, cell, gid2, t2, ge8, *weights)


def _make_edge_kernel(N, E, compute_deg):
    NS = 16
    EperS = E // NS
    C = 400
    NCH = EperS // C
    RperS = -(-(N // NS) // 8) * 8
    NP = NS * RperS
    assert EperS % C == 0

    mesh = plsc.VectorSubcoreMesh(core_axis_name="c", subcore_axis_name="s")

    out_type = [jax.ShapeDtypeStruct((2 * NP, 32), jnp.float32)]
    if compute_deg:
        out_type.append(jax.ShapeDtypeStruct((N,), jnp.float32))

    scratch_types = [
        pltpu.VMEM((C,), jnp.int32),
        pltpu.VMEM((C,), jnp.int32),
        pltpu.VMEM((C,), jnp.int32),
        pltpu.VMEM((C, 32), jnp.float32),
        pltpu.VMEM((C, 32), jnp.float32),
        pltpu.VMEM((C,), jnp.float32),
        pltpu.VMEM_SHARED((NP, 32), jnp.float32),
    ]
    if compute_deg:
        scratch_types.append(pltpu.VMEM_SHARED((N,), jnp.float32))
    scratch_types += [pltpu.SemaphoreType.DMA, pltpu.SemaphoreType.DMA]

    def body(A_h, B_h, src_h, dst_h, *refs):
        if compute_deg:
            (S_out, deg_out, src_v, dst_v, dstg_v, bufA, bufB, ones_v,
             S_sh, deg_sh, semA, semB) = refs
        else:
            (S_out, src_v, dst_v, dstg_v, bufA, bufB, ones_v,
             S_sh, semA, semB) = refs
        c = lax.axis_index("c")
        s = lax.axis_index("s")
        cN = c * N
        cNP = c * NP
        zeros16 = jnp.zeros((16,), jnp.float32)

        def zrow(i, _):
            bufA[i, pl.ds(0, 16)] = zeros16
            bufA[i, pl.ds(16, 16)] = zeros16
            return _
        lax.fori_loop(0, C, zrow, None)

        def zv(i, _):
            ones_v[pl.ds(i * 16, 16)] = zeros16
            return _
        lax.fori_loop(0, C // 16, zv, None)

        r0 = s * RperS
        n_full = RperS // C
        rem = RperS - n_full * C
        for j in range(n_full):
            pltpu.sync_copy(bufA, S_sh.at[pl.ds(r0 + j * C, C)])
        if rem:
            pltpu.sync_copy(bufA.at[pl.ds(0, rem)], S_sh.at[pl.ds(r0 + n_full * C, rem)])

        if compute_deg:
            DEG_PER = N // 10
            dfull, drem = DEG_PER // C, DEG_PER % C

            @pl.when(jnp.logical_and(c == 0, s < 10))
            def _():
                for j in range(dfull):
                    pltpu.sync_copy(ones_v, deg_sh.at[pl.ds(s * DEG_PER + j * C, C)])
                if drem:
                    pltpu.sync_copy(ones_v.at[pl.ds(0, drem)],
                                    deg_sh.at[pl.ds(s * DEG_PER + dfull * C, drem)])

            ones16 = jnp.full((16,), 1.0, jnp.float32)

            def ov(i, _):
                ones_v[pl.ds(i * 16, 16)] = ones16
                return _
            lax.fori_loop(0, C // 16, ov, None)

        plsc.subcore_barrier()

        ebase = s * EperS

        def bf16_round(v):
            u = lax.bitcast_convert_type(v, jnp.int32)
            bit = jnp.bitwise_and(lax.shift_right_logical(u, 16), 1)
            r = jnp.bitwise_and(u + 32767 + bit, jnp.int32(-65536))
            return lax.bitcast_convert_type(r, jnp.float32)

        def chunk(k, _):
            b0 = ebase + k * C
            pltpu.sync_copy(src_h.at[pl.ds(b0, C)], src_v)
            pltpu.sync_copy(dst_h.at[pl.ds(b0, C)], dst_v)

            @plsc.parallel_loop(0, C // 16, 1, unroll=4)
            def _(i):
                src_v[pl.ds(i * 16, 16)] = src_v[pl.ds(i * 16, 16)] + cN
                dstg_v[pl.ds(i * 16, 16)] = dst_v[pl.ds(i * 16, 16)] + cN

            cpA = pltpu.async_copy(A_h.at[src_v], bufA, semA)
            cpB = pltpu.async_copy(B_h.at[dstg_v], bufB, semB)
            cpA.wait()
            cpB.wait()

            @plsc.parallel_loop(0, C, 1, unroll=8)
            def _(i):
                a0 = bufA[i, pl.ds(0, 16)]
                b0_ = bufB[i, pl.ds(0, 16)]
                bufA[i, pl.ds(0, 16)] = bf16_round(jnp.maximum(a0 + b0_, 0.0))
                a1 = bufA[i, pl.ds(16, 16)]
                b1_ = bufB[i, pl.ds(16, 16)]
                bufA[i, pl.ds(16, 16)] = bf16_round(jnp.maximum(a1 + b1_, 0.0))

            pltpu.sync_copy(bufA, S_sh.at[dst_v], add=True)
            if compute_deg:
                @pl.when(c == 0)
                def _():
                    pltpu.sync_copy(ones_v, deg_sh.at[dst_v], add=True)
            return _
        lax.fori_loop(0, NCH, chunk, None)

        plsc.subcore_barrier()

        o0 = cNP + r0
        for j in range(n_full):
            pltpu.sync_copy(S_sh.at[pl.ds(r0 + j * C, C)], bufA)
            pltpu.sync_copy(bufA, S_out.at[pl.ds(o0 + j * C, C)])
        if rem:
            pltpu.sync_copy(S_sh.at[pl.ds(r0 + n_full * C, rem)], bufA.at[pl.ds(0, rem)])
            pltpu.sync_copy(bufA.at[pl.ds(0, rem)], S_out.at[pl.ds(o0 + n_full * C, rem)])

        if compute_deg:
            DEG_PER2 = N // 10
            dfull2, drem2 = DEG_PER2 // C, DEG_PER2 % C

            @pl.when(jnp.logical_and(c == 0, s < 10))
            def _():
                for j in range(dfull2):
                    pltpu.sync_copy(deg_sh.at[pl.ds(s * DEG_PER2 + j * C, C)], ones_v)
                    pltpu.sync_copy(ones_v, deg_out.at[pl.ds(s * DEG_PER2 + j * C, C)])
                if drem2:
                    pltpu.sync_copy(deg_sh.at[pl.ds(s * DEG_PER2 + dfull2 * C, drem2)],
                                    ones_v.at[pl.ds(0, drem2)])
                    pltpu.sync_copy(ones_v.at[pl.ds(0, drem2)],
                                    deg_out.at[pl.ds(s * DEG_PER2 + dfull2 * C, drem2)])

    return pl.kernel(body, mesh=mesh, out_type=out_type,
                     scratch_types=scratch_types,
                     compiler_params=pltpu.CompilerParams(
                         use_tc_tiling_on_sc=False))


def kernel(t, global_energy, features_0, energy_corrupted, layer, edge_index,
           graph_id, params):
    N = features_0.shape[0]
    E = edge_index.shape[1]
    f32 = jnp.float32

    (Wp1, bp1), (Wp2, bp2) = params['particle']
    (Wc1, bc1), (Wc2, bc2) = params['cell']
    (Wi1, bi1), (Wi2, bi2) = params['init']
    (Wz1, bz1), (Wz2, bz2) = params['noise']

    Wp1_8 = jnp.zeros((8, 64), f32).at[:4].set(Wp1)
    Wc1a = jnp.zeros((8, 64), f32).at[:5].set(Wc1[:5])
    Wc1b = Wc1[5:21]
    le48 = jnp.zeros((48, 16), f32).at[:45].set(params['layer_emb'])
    row2 = lambda b: b.reshape(1, -1)

    feat8 = jnp.concatenate(
        [energy_corrupted, features_0, jnp.zeros((N, 3), f32)], axis=1)
    layer2 = layer.reshape(N, 1).astype(jnp.int32)
    gid2 = graph_id.reshape(N, 1).astype(jnp.int32)
    t2 = t.reshape(-1, 1)
    ge8 = jnp.zeros((global_energy.shape[0], 8), f32).at[:, :4].set(global_energy)

    (We1_0, be1_0), (We2_0, be2_0) = params['mpnn'][0][0]
    (Wn1_0, bn1_0), (Wn2_0, bn2_0) = params['mpnn'][0][1]
    (We1_1, be1_1), (We2_1, be2_1) = params['mpnn'][1][0]
    (Wn1_1, bn1_1), (Wn2_1, bn2_1) = params['mpnn'][1][1]

    enc_w = [Wc1a, Wc1b, row2(bc1), Wc2, row2(bc2),
             Wp1_8, row2(bp1), Wp2, row2(bp2),
             Wi1[:64], Wi1[64:128], Wi1[128:192], row2(bi1), Wi2, row2(bi2),
             We1_0[:64], We1_0[64:], row2(be1_0)]
    cell, h, A3, B3 = _encode(feat8, layer2, gid2, t2, ge8, le48, enc_w, N)

    src = edge_index[0].astype(jnp.int32)
    dst = edge_index[1].astype(jnp.int32)

    NP = 16 * (-(-(N // 16) // 8) * 8)

    edge_k1 = _make_edge_kernel(N, E, compute_deg=True)
    S_flat, deg = edge_k1(A3.reshape(2 * N, 32), B3.reshape(2 * N, 32), src, dst)
    deg2 = deg.reshape(N, 1)

    bf = lambda w: w.astype(jnp.bfloat16).astype(f32)
    upd_w0 = [bf(We2_0[:32]), bf(We2_0[32:]), row2(be2_0),
              Wn1_0[:64], Wn1_0[64:], row2(bn1_0), Wn2_0, row2(bn2_0),
              We1_1[:64], We1_1[64:], row2(be1_1)]
    h, A3, B3 = _update(h, S_flat.reshape(2, NP, 32), deg2, upd_w0, True, N)

    edge_k2 = _make_edge_kernel(N, E, compute_deg=False)
    S_flat = edge_k2(A3.reshape(2 * N, 32), B3.reshape(2 * N, 32), src, dst)
    if isinstance(S_flat, (list, tuple)):
        S_flat = S_flat[0]

    uf_w = [bf(We2_1[:32]), bf(We2_1[32:]), row2(be2_1),
            Wn1_1[:64], Wn1_1[64:], row2(bn1_1), Wn2_1, row2(bn2_1),
            Wp1_8, row2(bp1), Wp2, row2(bp2),
            Wz1[:64], Wz1[64:128], Wz1[128:192], Wz1[192:256],
            row2(bz1), Wz2, row2(bz2)]
    return _update_final(h, S_flat.reshape(2, NP, 32), deg2, cell, gid2, t2,
                         ge8, uf_w, N)

# --- scband reference (transcript-rebuilt; emitter-appended) ---
"""Pipeline reference for scband-ddimdenoising-model-29884382446412 (READ-ONLY COPY).

The authoritative reference and input builder live on the scoring server;
editing this copy changes nothing except your own understanding.
"""

import jax, jax.numpy as jnp
import numpy as np


def _mlp_params(key, sizes):
    params = []
    for i in range(len(sizes) - 1):
        key, k = jax.random.split(key)
        W = jax.random.normal(k, (sizes[i], sizes[i + 1]), jnp.float32) * (1.0 / np.sqrt(sizes[i]))
        b = jnp.zeros((sizes[i + 1],), jnp.float32)
        params.append((W, b))
    return params


def _mlp_apply(params, x):
    for i, (W, b) in enumerate(params):
        x = x @ W + b
        if i < len(params) - 1:
            x = jax.nn.relu(x)
    return x


def _pos_embed(t, embd_size=64, max_positions=200):
    half = embd_size // 2
    freqs = jnp.arange(half, dtype=jnp.float32) / float(half)
    freqs = (1.0 / max_positions) ** freqs
    x = t[:, None] * freqs[None, :]
    return jnp.concatenate([jnp.cos(x), jnp.sin(x)], axis=1)


def setup_inputs(seed: int = 0):
    key = jax.random.key(seed)
    ks = jax.random.split(key, 16)
    B, N, E = 64, 50000, 800000
    t = jax.random.uniform(ks[0], (B,), jnp.float32)
    global_energy = jax.random.normal(ks[1], (B, 4), jnp.float32)
    features_0 = jax.random.normal(ks[2], (N, 4), jnp.float32)
    energy_corrupted = jax.random.normal(ks[3], (N, 1), jnp.float32)
    layer = jax.random.randint(ks[4], (N,), 0, 45)
    edge_index = jax.random.randint(ks[5], (2, E), 0, N)
    graph_id = jnp.sort(jax.random.randint(ks[6], (N,), 0, B))
    mpnn = []
    for i in range(2):
        edge_p = _mlp_params(jax.random.fold_in(ks[11], 2 * i), [128, 64, 64])
        node_p = _mlp_params(jax.random.fold_in(ks[11], 2 * i + 1), [128, 64, 64])
        mpnn.append((edge_p, node_p))
    params = {
        'layer_emb': jax.random.normal(ks[7], (45, 16), jnp.float32) * 0.05,
        'particle': _mlp_params(ks[8], [4, 64, 64]),
        'cell': _mlp_params(ks[9], [21, 64, 64]),
        'init': _mlp_params(ks[10], [192, 64, 64]),
        'mpnn': mpnn,
        'noise': _mlp_params(ks[12], [256, 64, 1]),
    }
    return {'t': t, 'global_energy': global_energy, 'features_0': features_0,
            'energy_corrupted': energy_corrupted, 'layer': layer,
            'edge_index': edge_index, 'graph_id': graph_id, 'params': params}


def reference(t, global_energy, features_0, energy_corrupted, layer, edge_index, graph_id, params):
    N = features_0.shape[0]
    time_embd = _pos_embed(t, 64, 200)
    node_features = jnp.concatenate([features_0, jnp.take(params['layer_emb'], layer, axis=0)], axis=1)
    condition = _mlp_apply(params['particle'], global_energy)
    gt = jnp.take(time_embd, graph_id, axis=0)
    gc = jnp.take(condition, graph_id, axis=0)
    cell_embedding = _mlp_apply(params['cell'], jnp.concatenate([energy_corrupted, node_features], axis=1))
    h = _mlp_apply(params['init'], jnp.concatenate([cell_embedding, gt, gc], axis=1))
    src = edge_index[0]
    dst = edge_index[1]
    for edge_p, node_p in params['mpnn']:
        m = _mlp_apply(edge_p, jnp.concatenate([jnp.take(h, src, axis=0), jnp.take(h, dst, axis=0)], axis=1))
        agg = jax.ops.segment_sum(m, dst, num_segments=N)
        h = h + _mlp_apply(node_p, jnp.concatenate([h, agg], axis=1))
    updated = jnp.concatenate([h, cell_embedding, gt, gc], axis=1)
    F_x = _mlp_apply(params['noise'], updated)
    return F_x

if __name__ == "__main__":
    import jax
    _d = setup_inputs()
    print(jax.jit(kernel)(*tuple(_d.values())))

</pallas_src>

<mosaic_0001>
#map = affine_map<(d0, d1) -> (0, 0)>
#map1 = affine_map<(d0, d1) -> (0)>
module attributes {stable_mosaic.version = 14 : i64} {
  func.func @body(%arg0: i32, %arg1: i32, %arg2: memref<100000x32xf32, #tpu.memory_space<hbm>>, %arg3: memref<100000x32xf32, #tpu.memory_space<hbm>>, %arg4: memref<800000xi32, #tpu.memory_space<hbm>>, %arg5: memref<800000xi32, #tpu.memory_space<hbm>>, %arg6: memref<100096x32xf32, #tpu.memory_space<hbm>>, %arg7: memref<400xi32, #tpu.memory_space<vmem>>, %arg8: memref<400xi32, #tpu.memory_space<vmem>>, %arg9: memref<400xi32, #tpu.memory_space<vmem>>, %arg10: memref<400x32xf32, #tpu.memory_space<vmem>>, %arg11: memref<400x32xf32, #tpu.memory_space<vmem>>, %arg12: memref<400xf32, #tpu.memory_space<vmem>>, %arg13: memref<50048x32xf32, #tpu.memory_space<vmem_shared>>, %arg14: memref<!tpu.dma_semaphore, #tpu.memory_space<semaphore_mem>>, %arg15: memref<!tpu.dma_semaphore, #tpu.memory_space<semaphore_mem>>) attributes {dimension_semantics = [#tpu.dimension_semantics<core_parallel>, #tpu.dimension_semantics<subcore_parallel>], iteration_bounds = array<i64: 2, 16>, scalar_prefetch = 0 : i64, scratch_operands = 9 : i64, tpu.core_type = #tpu.core_type<sc_vector_subcore>, window_params = [{transform_indices = #map}, {transform_indices = #map}, {transform_indices = #map1}, {transform_indices = #map1}, {transform_indices = #map}]} {
    %mul3A = arith.constant 50000 : i32
    %mul3A_0 = arith.muli %arg0, %mul3A : i32
    %mul3A_1 = arith.constant 50048 : i32
    %mul3A_2 = arith.muli %arg0, %mul3A_1 : i32
    %broadcast_in_dim3A = arith.constant 0.000000e+00 : f32
    %broadcast_in_dim3A_3 = vector.broadcast %broadcast_in_dim3A : f32 to vector<16xf32>
    %scan3A = arith.constant 0 : i32
    %scan3A_4 = arith.constant 400 : i32
    %scan3A_5 = arith.addi %scan3A, %scan3A_4 : i32
    %scan3A_6 = arith.constant 1 : i32
    scf.for %scan3A_71 = %scan3A to %scan3A_5 step %scan3A_6  : i32 {
      %swap3A = arith.index_cast %scan3A_71 : i32 to index
      %swap3A_72 = arith.constant 0 : index
      %swap3A_73 = tpu.vector_load %arg10[%swap3A, %swap3A_72] {strides = array<i32>} : memref<400x32xf32, #tpu.memory_space<vmem>>, vector<1x16xf32>,
      %swap3A_74 = vector.shape_cast %swap3A_73 : vector<1x16xf32> to vector<16xf32>
      %swap3A_75 = vector.shape_cast %broadcast_in_dim3A_3 : vector<16xf32> to vector<1x16xf32>
      tpu.vector_store %arg10[%swap3A, %swap3A_72], %swap3A_75 {strides = array<i32>} : memref<400x32xf32, #tpu.memory_space<vmem>>, vector<1x16xf32>,
      %swap3A_76 = arith.index_cast %scan3A_71 : i32 to index
      %swap3A_77 = arith.constant 16 : index
      %swap3A_78 = tpu.vector_load %arg10[%swap3A_76, %swap3A_77] {strides = array<i32>} : memref<400x32xf32, #tpu.memory_space<vmem>>, vector<1x16xf32>,
      %swap3A_79 = vector.shape_cast %swap3A_78 : vector<1x16xf32> to vector<16xf32>
      %swap3A_80 = vector.shape_cast %broadcast_in_dim3A_3 : vector<16xf32> to vector<1x16xf32>
      tpu.vector_store %arg10[%swap3A_76, %swap3A_77], %swap3A_80 {strides = array<i32>} : memref<400x32xf32, #tpu.memory_space<vmem>>, vector<1x16xf32>,
    }
    %scan3A_7 = arith.constant 400 : i32
    %scan3A_8 = arith.constant 0 : i32
    %scan3A_9 = arith.constant 25 : i32
    %scan3A_10 = arith.addi %scan3A_8, %scan3A_9 : i32
    %scan3A_11 = arith.constant 1 : i32
    scf.for %scan3A_71 = %scan3A_8 to %scan3A_10 step %scan3A_11  : i32 {
      %mul3A_72 = arith.constant 16 : i32
      %mul3A_73 = arith.muli %scan3A_71, %mul3A_72 : i32
      %swap3A = arith.index_cast %mul3A_73 : i32 to index
      %swap3A_74 = tpu.vector_load %arg12[%swap3A] {strides = array<i32>} : memref<400xf32, #tpu.memory_space<vmem>>, vector<16xf32>,
      %swap3A_75 = vector.shape_cast %swap3A_74 : vector<16xf32> to vector<16xf32>
      %swap3A_76 = vector.shape_cast %broadcast_in_dim3A_3 : vector<16xf32> to vector<16xf32>
      tpu.vector_store %arg12[%swap3A], %swap3A_76 {strides = array<i32>} : memref<400xf32, #tpu.memory_space<vmem>>, vector<16xf32>,
    }
    %scan3A_12 = arith.constant 25 : i32
    %mul3A_13 = arith.constant 3128 : i32
    %mul3A_14 = arith.muli %arg1, %mul3A_13 : i32
    %add3A = arith.constant 0 : i32
    %add3A_15 = arith.addi %mul3A_14, %add3A : i32
    "tpu.region"() ({
      %run_scoped3A = tpu.sem_alloc : memref<!tpu.dma_semaphore, #tpu.memory_space<semaphore_mem>>
      %dma_start3A = arith.constant 0 : i32
      %dma_start3A_71 = tpu.memref_slice %arg13[%add3A_15, %dma_start3A] : memref<50048x32xf32, #tpu.memory_space<vmem_shared>> -> memref<400x32xf32, #tpu.memory_space<vmem_shared>>
      %dma_start3A_72 = arith.constant 0 : i32
      %dma_start3A_73 = tpu.memref_slice %arg13[%add3A_15, %dma_start3A_72] : memref<50048x32xf32, #tpu.memory_space<vmem_shared>> -> memref<400x32xf32, #tpu.memory_space<vmem_shared>>
      tpu.enqueue_dma source(%arg10 : memref<400x32xf32, #tpu.memory_space<vmem>>) target(%dma_start3A_73 : memref<400x32xf32, #tpu.memory_space<vmem_shared>>) target_semaphore(%run_scoped3A : memref<!tpu.dma_semaphore, #tpu.memory_space<semaphore_mem>>)
      %dma_wait3A = arith.constant 0 : i32
      %dma_wait3A_74 = tpu.memref_slice %arg13[%add3A_15, %dma_wait3A] : memref<50048x32xf32, #tpu.memory_space<vmem_shared>> -> memref<400x32xf32, #tpu.memory_space<vmem_shared>>
      %dma_wait3A_75 = arith.constant 0 : i32
      %dma_wait3A_76 = tpu.memref_slice %arg13[%add3A_15, %dma_wait3A_75] : memref<50048x32xf32, #tpu.memory_space<vmem_shared>> -> memref<400x32xf32, #tpu.memory_space<vmem_shared>>
      tpu.wait_dma2 semaphore(%run_scoped3A : memref<!tpu.dma_semaphore, #tpu.memory_space<semaphore_mem>>) src(%arg10 : memref<400x32xf32, #tpu.memory_space<vmem>>) dst(%dma_wait3A_76 : memref<400x32xf32, #tpu.memory_space<vmem_shared>>)
      tpu.yield
    }) : () -> ()
    %add3A_16 = arith.constant 400 : i32
    %add3A_17 = arith.addi %mul3A_14, %add3A_16 : i32
    "tpu.region"() ({
      %run_scoped3A = tpu.sem_alloc : memref<!tpu.dma_semaphore, #tpu.memory_space<semaphore_mem>>
      %dma_start3A = arith.constant 0 : i32
      %dma_start3A_71 = tpu.memref_slice %arg13[%add3A_17, %dma_start3A] : memref<50048x32xf32, #tpu.memory_space<vmem_shared>> -> memref<400x32xf32, #tpu.memory_space<vmem_shared>>
      %dma_start3A_72 = arith.constant 0 : i32
      %dma_start3A_73 = tpu.memref_slice %arg13[%add3A_17, %dma_start3A_72] : memref<50048x32xf32, #tpu.memory_space<vmem_shared>> -> memref<400x32xf32, #tpu.memory_space<vmem_shared>>
      tpu.enqueue_dma source(%arg10 : memref<400x32xf32, #tpu.memory_space<vmem>>) target(%dma_start3A_73 : memref<400x32xf32, #tpu.memory_space<vmem_shared>>) target_semaphore(%run_scoped3A : memref<!tpu.dma_semaphore, #tpu.memory_space<semaphore_mem>>)
      %dma_wait3A = arith.constant 0 : i32
      %dma_wait3A_74 = tpu.memref_slice %arg13[%add3A_17, %dma_wait3A] : memref<50048x32xf32, #tpu.memory_space<vmem_shared>> -> memref<400x32xf32, #tpu.memory_space<vmem_shared>>
      %dma_wait3A_75 = arith.constant 0 : i32
      %dma_wait3A_76 = tpu.memref_slice %arg13[%add3A_17, %dma_wait3A_75] : memref<50048x32xf32, #tpu.memory_space<vmem_shared>> -> memref<400x32xf32, #tpu.memory_space<vmem_shared>>
      tpu.wait_dma2 semaphore(%run_scoped3A : memref<!tpu.dma_semaphore, #tpu.memory_space<semaphore_mem>>) src(%arg10 : memref<400x32xf32, #tpu.memory_space<vmem>>) dst(%dma_wait3A_76 : memref<400x32xf32, #tpu.memory_space<vmem_shared>>)
      tpu.yield
    }) : () -> ()
    %add3A_18 = arith.constant 800 : i32
    %add3A_19 = arith.addi %mul3A_14, %add3A_18 : i32
    "tpu.region"() ({
      %run_scoped3A = tpu.sem_alloc : memref<!tpu.dma_semaphore, #tpu.memory_space<semaphore_mem>>
      %dma_start3A = arith.constant 0 : i32
      %dma_start3A_71 = tpu.memref_slice %arg13[%add3A_19, %dma_start3A] : memref<50048x32xf32, #tpu.memory_space<vmem_shared>> -> memref<400x32xf32, #tpu.memory_space<vmem_shared>>
      %dma_start3A_72 = arith.constant 0 : i32
      %dma_start3A_73 = tpu.memref_slice %arg13[%add3A_19, %dma_start3A_72] : memref<50048x32xf32, #tpu.memory_space<vmem_shared>> -> memref<400x32xf32, #tpu.memory_space<vmem_shared>>
      tpu.enqueue_dma source(%arg10 : memref<400x32xf32, #tpu.memory_space<vmem>>) target(%dma_start3A_73 : memref<400x32xf32, #tpu.memory_space<vmem_shared>>) target_semaphore(%run_scoped3A : memref<!tpu.dma_semaphore, #tpu.memory_space<semaphore_mem>>)
      %dma_wait3A = arith.constant 0 : i32
      %dma_wait3A_74 = tpu.memref_slice %arg13[%add3A_19, %dma_wait3A] : memref<50048x32xf32, #tpu.memory_space<vmem_shared>> -> memref<400x32xf32, #tpu.memory_space<vmem_shared>>
      %dma_wait3A_75 = arith.constant 0 : i32
      %dma_wait3A_76 = tpu.memref_slice %arg13[%add3A_19, %dma_wait3A_75] : memref<50048x32xf32, #tpu.memory_space<vmem_shared>> -> memref<400x32xf32, #tpu.memory_space<vmem_shared>>
      tpu.wait_dma2 semaphore(%run_scoped3A : memref<!tpu.dma_semaphore, #tpu.memory_space<semaphore_mem>>) src(%arg10 : memref<400x32xf32, #tpu.memory_space<vmem>>) dst(%dma_wait3A_76 : memref<400x32xf32, #tpu.memory_space<vmem_shared>>)
      tpu.yield
    }) : () -> ()
    %add3A_20 = arith.constant 1200 : i32
    %add3A_21 = arith.addi %mul3A_14, %add3A_20 : i32
    "tpu.region"() ({
      %run_scoped3A = tpu.sem_alloc : memref<!tpu.dma_semaphore, #tpu.memory_space<semaphore_mem>>
      %dma_start3A = arith.constant 0 : i32
      %dma_start3A_71 = tpu.memref_slice %arg13[%add3A_21, %dma_start3A] : memref<50048x32xf32, #tpu.memory_space<vmem_shared>> -> memref<400x32xf32, #tpu.memory_space<vmem_shared>>
      %dma_start3A_72 = arith.constant 0 : i32
      %dma_start3A_73 = tpu.memref_slice %arg13[%add3A_21, %dma_start3A_72] : memref<50048x32xf32, #tpu.memory_space<vmem_shared>> -> memref<400x32xf32, #tpu.memory_space<vmem_shared>>
      tpu.enqueue_dma source(%arg10 : memref<400x32xf32, #tpu.memory_space<vmem>>) target(%dma_start3A_73 : memref<400x32xf32, #tpu.memory_space<vmem_shared>>) target_semaphore(%run_scoped3A : memref<!tpu.dma_semaphore, #tpu.memory_space<semaphore_mem>>)
      %dma_wait3A = arith.constant 0 : i32
      %dma_wait3A_74 = tpu.memref_slice %arg13[%add3A_21, %dma_wait3A] : memref<50048x32xf32, #tpu.memory_space<vmem_shared>> -> memref<400x32xf32, #tpu.memory_space<vmem_shared>>
      %dma_wait3A_75 = arith.constant 0 : i32
      %dma_wait3A_76 = tpu.memref_slice %arg13[%add3A_21, %dma_wait3A_75] : memref<50048x32xf32, #tpu.memory_space<vmem_shared>> -> memref<400x32xf32, #tpu.memory_space<vmem_shared>>
      tpu.wait_dma2 semaphore(%run_scoped3A : memref<!tpu.dma_semaphore, #tpu.memory_space<semaphore_mem>>) src(%arg10 : memref<400x32xf32, #tpu.memory_space<vmem>>) dst(%dma_wait3A_76 : memref<400x32xf32, #tpu.memory_space<vmem_shared>>)
      tpu.yield
    }) : () -> ()
    %add3A_22 = arith.constant 1600 : i32
    %add3A_23 = arith.addi %mul3A_14, %add3A_22 : i32
    "tpu.region"() ({
      %run_scoped3A = tpu.sem_alloc : memref<!tpu.dma_semaphore, #tpu.memory_space<semaphore_mem>>
      %dma_start3A = arith.constant 0 : i32
      %dma_start3A_71 = tpu.memref_slice %arg13[%add3A_23, %dma_start3A] : memref<50048x32xf32, #tpu.memory_space<vmem_shared>> -> memref<400x32xf32, #tpu.memory_space<vmem_shared>>
      %dma_start3A_72 = arith.constant 0 : i32
      %dma_start3A_73 = tpu.memref_slice %arg13[%add3A_23, %dma_start3A_72] : memref<50048x32xf32, #tpu.memory_space<vmem_shared>> -> memref<400x32xf32, #tpu.memory_space<vmem_shared>>
      tpu.enqueue_dma source(%arg10 : memref<400x32xf32, #tpu.memory_space<vmem>>) target(%dma_start3A_73 : memref<400x32xf32, #tpu.memory_space<vmem_shared>>) target_semaphore(%run_scoped3A : memref<!tpu.dma_semaphore, #tpu.memory_space<semaphore_mem>>)
      %dma_wait3A = arith.constant 0 : i32
      %dma_wait3A_74 = tpu.memref_slice %arg13[%add3A_23, %dma_wait3A] : memref<50048x32xf32, #tpu.memory_space<vmem_shared>> -> memref<400x32xf32, #tpu.memory_space<vmem_shared>>
      %dma_wait3A_75 = arith.constant 0 : i32
      %dma_wait3A_76 = tpu.memref_slice %arg13[%add3A_23, %dma_wait3A_75] : memref<50048x32xf32, #tpu.memory_space<vmem_shared>> -> memref<400x32xf32, #tpu.memory_space<vmem_shared>>
      tpu.wait_dma2 semaphore(%run_scoped3A : memref<!tpu.dma_semaphore, #tpu.memory_space<semaphore_mem>>) src(%arg10 : memref<400x32xf32, #tpu.memory_space<vmem>>) dst(%dma_wait3A_76 : memref<400x32xf32, #tpu.memory_space<vmem_shared>>)
      tpu.yield
    }) : () -> ()
    %add3A_24 = arith.constant 2000 : i32
    %add3A_25 = arith.addi %mul3A_14, %add3A_24 : i32
    "tpu.region"() ({
      %run_scoped3A = tpu.sem_alloc : memref<!tpu.dma_semaphore, #tpu.memory_space<semaphore_mem>>
      %dma_start3A = arith.constant 0 : i32
      %dma_start3A_71 = tpu.memref_slice %arg13[%add3A_25, %dma_start3A] : memref<50048x32xf32, #tpu.memory_space<vmem_shared>> -> memref<400x32xf32, #tpu.memory_space<vmem_shared>>
      %dma_start3A_72 = arith.constant 0 : i32
      %dma_start3A_73 = tpu.memref_slice %arg13[%add3A_25, %dma_start3A_72] : memref<50048x32xf32, #tpu.memory_space<vmem_shared>> -> memref<400x32xf32, #tpu.memory_space<vmem_shared>>
      tpu.enqueue_dma source(%arg10 : memref<400x32xf32, #tpu.memory_space<vmem>>) target(%dma_start3A_73 : memref<400x32xf32, #tpu.memory_space<vmem_shared>>) target_semaphore(%run_scoped3A : memref<!tpu.dma_semaphore, #tpu.memory_space<semaphore_mem>>)
      %dma_wait3A = arith.constant 0 : i32
      %dma_wait3A_74 = tpu.memref_slice %arg13[%add3A_25, %dma_wait3A] : memref<50048x32xf32, #tpu.memory_space<vmem_shared>> -> memref<400x32xf32, #tpu.memory_space<vmem_shared>>
      %dma_wait3A_75 = arith.constant 0 : i32
      %dma_wait3A_76 = tpu.memref_slice %arg13[%add3A_25, %dma_wait3A_75] : memref<50048x32xf32, #tpu.memory_space<vmem_shared>> -> memref<400x32xf32, #tpu.memory_space<vmem_shared>>
      tpu.wait_dma2 semaphore(%run_scoped3A : memref<!tpu.dma_semaphore, #tpu.memory_space<semaphore_mem>>) src(%arg10 : memref<400x32xf32, #tpu.memory_space<vmem>>) dst(%dma_wait3A_76 : memref<400x32xf32, #tpu.memory_space<vmem_shared>>)
      tpu.yield
    }) : () -> ()
    %add3A_26 = arith.constant 2400 : i32
    %add3A_27 = arith.addi %mul3A_14, %add3A_26 : i32
    "tpu.region"() ({
      %run_scoped3A = tpu.sem_alloc : memref<!tpu.dma_semaphore, #tpu.memory_space<semaphore_mem>>
      %dma_start3A = arith.constant 0 : i32
      %dma_start3A_71 = tpu.memref_slice %arg13[%add3A_27, %dma_start3A] : memref<50048x32xf32, #tpu.memory_space<vmem_shared>> -> memref<400x32xf32, #tpu.memory_space<vmem_shared>>
      %dma_start3A_72 = arith.constant 0 : i32
      %dma_start3A_73 = tpu.memref_slice %arg13[%add3A_27, %dma_start3A_72] : memref<50048x32xf32, #tpu.memory_space<vmem_shared>> -> memref<400x32xf32, #tpu.memory_space<vmem_shared>>
      tpu.enqueue_dma source(%arg10 : memref<400x32xf32, #tpu.memory_space<vmem>>) target(%dma_start3A_73 : memref<400x32xf32, #tpu.memory_space<vmem_shared>>) target_semaphore(%run_scoped3A : memref<!tpu.dma_semaphore, #tpu.memory_space<semaphore_mem>>)
      %dma_wait3A = arith.constant 0 : i32
      %dma_wait3A_74 = tpu.memref_slice %arg13[%add3A_27, %dma_wait3A] : memref<50048x32xf32, #tpu.memory_space<vmem_shared>> -> memref<400x32xf32, #tpu.memory_space<vmem_shared>>
      %dma_wait3A_75 = arith.constant 0 : i32
      %dma_wait3A_76 = tpu.memref_slice %arg13[%add3A_27, %dma_wait3A_75] : memref<50048x32xf32, #tpu.memory_space<vmem_shared>> -> memref<400x32xf32, #tpu.memory_space<vmem_shared>>
      tpu.wait_dma2 semaphore(%run_scoped3A : memref<!tpu.dma_semaphore, #tpu.memory_space<semaphore_mem>>) src(%arg10 : memref<400x32xf32, #tpu.memory_space<vmem>>) dst(%dma_wait3A_76 : memref<400x32xf32, #tpu.memory_space<vmem_shared>>)
      tpu.yield
    }) : () -> ()
    %add3A_28 = arith.constant 2800 : i32
    %add3A_29 = arith.addi %mul3A_14, %add3A_28 : i32
    "tpu.region"() ({
      %run_scoped3A = tpu.sem_alloc : memref<!tpu.dma_semaphore, #tpu.memory_space<semaphore_mem>>
      %dma_start3A = arith.constant 0 : i32
      %dma_start3A_71 = arith.constant 0 : i32
      %dma_start3A_72 = tpu.memref_slice %arg10[%dma_start3A, %dma_start3A_71] : memref<400x32xf32, #tpu.memory_space<vmem>> -> memref<328x32xf32, #tpu.memory_space<vmem>>
      %dma_start3A_73 = arith.constant 0 : i32
      %dma_start3A_74 = tpu.memref_slice %arg13[%add3A_29, %dma_start3A_73] : memref<50048x32xf32, #tpu.memory_space<vmem_shared>> -> memref<328x32xf32, #tpu.memory_space<vmem_shared>>
      %dma_start3A_75 = arith.constant 0 : i32
      %dma_start3A_76 = tpu.memref_slice %arg13[%add3A_29, %dma_start3A_75] : memref<50048x32xf32, #tpu.memory_space<vmem_shared>> -> memref<328x32xf32, #tpu.memory_space<vmem_shared>>
      %dma_start3A_77 = arith.constant 0 : i32
      %dma_start3A_78 = arith.constant 0 : i32
      %dma_start3A_79 = tpu.memref_slice %arg10[%dma_start3A_77, %dma_start3A_78] : memref<400x32xf32, #tpu.memory_space<vmem>> -> memref<328x32xf32, #tpu.memory_space<vmem>>
      tpu.enqueue_dma source(%dma_start3A_79 : memref<328x32xf32, #tpu.memory_space<vmem>>) target(%dma_start3A_76 : memref<328x32xf32, #tpu.memory_space<vmem_shared>>) target_semaphore(%run_scoped3A : memref<!tpu.dma_semaphore, #tpu.memory_space<semaphore_mem>>)
      %dma_wait3A = arith.constant 0 : i32
      %dma_wait3A_80 = arith.constant 0 : i32
      %dma_wait3A_81 = tpu.memref_slice %arg10[%dma_wait3A, %dma_wait3A_80] : memref<400x32xf32, #tpu.memory_space<vmem>> -> memref<328x32xf32, #tpu.memory_space<vmem>>
      %dma_wait3A_82 = arith.constant 0 : i32
      %dma_wait3A_83 = tpu.memref_slice %arg13[%add3A_29, %dma_wait3A_82] : memref<50048x32xf32, #tpu.memory_space<vmem_shared>> -> memref<328x32xf32, #tpu.memory_space<vmem_shared>>
      %dma_wait3A_84 = arith.constant 0 : i32
      %dma_wait3A_85 = tpu.memref_slice %arg13[%add3A_29, %dma_wait3A_84] : memref<50048x32xf32, #tpu.memory_space<vmem_shared>> -> memref<328x32xf32, #tpu.memory_space<vmem_shared>>
      %dma_wait3A_86 = arith.constant 0 : i32
      %dma_wait3A_87 = arith.constant 0 : i32
      %dma_wait3A_88 = tpu.memref_slice %arg10[%dma_wait3A_86, %dma_wait3A_87] : memref<400x32xf32, #tpu.memory_space<vmem>> -> memref<328x32xf32, #tpu.memory_space<vmem>>
      tpu.wait_dma2 semaphore(%run_scoped3A : memref<!tpu.dma_semaphore, #tpu.memory_space<semaphore_mem>>) src(%dma_wait3A_88 : memref<328x32xf32, #tpu.memory_space<vmem>>) dst(%dma_wait3A_85 : memref<328x32xf32, #tpu.memory_space<vmem_shared>>)
      tpu.yield
    }) : () -> ()
    %barrier3A = arith.constant 0 : index
    tpu.barrier barrier_id(%barrier3A)
    %mul3A_30 = arith.constant 50000 : i32
    %mul3A_31 = arith.muli %arg1, %mul3A_30 : i32
    %scan3A_32 = arith.constant 0 : i32
    %scan3A_33 = arith.constant 125 : i32
    %scan3A_34 = arith.addi %scan3A_32, %scan3A_33 : i32
    %scan3A_35 = arith.constant 1 : i32
    scf.for %scan3A_71 = %scan3A_32 to %scan3A_34 step %scan3A_35  : i32 {
      %mul3A_72 = arith.constant 400 : i32
      %mul3A_73 = arith.muli %scan3A_71, %mul3A_72 : i32
      %add3A_74 = arith.addi %mul3A_31, %mul3A_73 : i32
      "tpu.region"() ({
        %run_scoped3A = tpu.sem_alloc : memref<!tpu.dma_semaphore, #tpu.memory_space<semaphore_mem>>
        %dma_start3A_90 = tpu.memref_slice %arg4[%add3A_74] : memref<800000xi32, #tpu.memory_space<hbm>> -> memref<400xi32, #tpu.memory_space<hbm>>
        %dma_start3A_91 = tpu.memref_slice %arg4[%add3A_74] : memref<800000xi32, #tpu.memory_space<hbm>> -> memref<400xi32, #tpu.memory_space<hbm>>
        tpu.enqueue_dma source(%dma_start3A_91 : memref<400xi32, #tpu.memory_space<hbm>>) target(%arg7 : memref<400xi32, #tpu.memory_space<vmem>>) target_semaphore(%run_scoped3A : memref<!tpu.dma_semaphore, #tpu.memory_space<semaphore_mem>>)
        %dma_wait3A_92 = tpu.memref_slice %arg4[%add3A_74] : memref<800000xi32, #tpu.memory_space<hbm>> -> memref<400xi32, #tpu.memory_space<hbm>>
        %dma_wait3A_93 = tpu.memref_slice %arg4[%add3A_74] : memref<800000xi32, #tpu.memory_space<hbm>> -> memref<400xi32, #tpu.memory_space<hbm>>
        tpu.wait_dma2 semaphore(%run_scoped3A : memref<!tpu.dma_semaphore, #tpu.memory_space<semaphore_mem>>) src(%dma_wait3A_93 : memref<400xi32, #tpu.memory_space<hbm>>) dst(%arg7 : memref<400xi32, #tpu.memory_space<vmem>>)
        tpu.yield
      }) : () -> ()
      "tpu.region"() ({
        %run_scoped3A = tpu.sem_alloc : memref<!tpu.dma_semaphore, #tpu.memory_space<semaphore_mem>>
        %dma_start3A_90 = tpu.memref_slice %arg5[%add3A_74] : memref<800000xi32, #tpu.memory_space<hbm>> -> memref<400xi32, #tpu.memory_space<hbm>>
        %dma_start3A_91 = tpu.memref_slice %arg5[%add3A_74] : memref<800000xi32, #tpu.memory_space<hbm>> -> memref<400xi32, #tpu.memory_space<hbm>>
        tpu.enqueue_dma source(%dma_start3A_91 : memref<400xi32, #tpu.memory_space<hbm>>) target(%arg8 : memref<400xi32, #tpu.memory_space<vmem>>) target_semaphore(%run_scoped3A : memref<!tpu.dma_semaphore, #tpu.memory_space<semaphore_mem>>)
        %dma_wait3A_92 = tpu.memref_slice %arg5[%add3A_74] : memref<800000xi32, #tpu.memory_space<hbm>> -> memref<400xi32, #tpu.memory_space<hbm>>
        %dma_wait3A_93 = tpu.memref_slice %arg5[%add3A_74] : memref<800000xi32, #tpu.memory_space<hbm>> -> memref<400xi32, #tpu.memory_space<hbm>>
        tpu.wait_dma2 semaphore(%run_scoped3A : memref<!tpu.dma_semaphore, #tpu.memory_space<semaphore_mem>>) src(%dma_wait3A_93 : memref<400xi32, #tpu.memory_space<hbm>>) dst(%arg8 : memref<400xi32, #tpu.memory_space<vmem>>)
        tpu.yield
      }) : () -> ()
      %parallel_loop3A = arith.constant 0 : i32
      %parallel_loop3A_75 = arith.constant 25 : i32
      %parallel_loop3A_76 = arith.constant 1 : i32
      scf.for %parallel_loop3A_90 = %parallel_loop3A to %parallel_loop3A_75 step %parallel_loop3A_76  : i32 {
        %parallel_loop3A_91 = arith.constant 16 : i32
        %parallel_loop3A_92 = arith.muli %parallel_loop3A_90, %parallel_loop3A_91 : i32
        %parallel_loop3A_93 = arith.index_cast %parallel_loop3A_92 : i32 to index
        %parallel_loop3A_94 = tpu.vector_load %arg7[%parallel_loop3A_93] {strides = array<i32>} : memref<400xi32, #tpu.memory_space<vmem>>, vector<16xi32>,
        %parallel_loop3A_95 = vector.shape_cast %parallel_loop3A_94 : vector<16xi32> to vector<16xi32>
        %parallel_loop3A_96 = vector.broadcast %mul3A_0 : i32 to vector<16xi32>
        %parallel_loop3A_97 = arith.addi %parallel_loop3A_95, %parallel_loop3A_96 : vector<16xi32>
        %parallel_loop3A_98 = arith.constant 16 : i32
        %parallel_loop3A_99 = arith.muli %parallel_loop3A_90, %parallel_loop3A_98 : i32
        %parallel_loop3A_100 = arith.index_cast %parallel_loop3A_99 : i32 to index
        %parallel_loop3A_101 = tpu.vector_load %arg7[%parallel_loop3A_100] {strides = array<i32>} : memref<400xi32, #tpu.memory_space<vmem>>, vector<16xi32>,
        %parallel_loop3A_102 = vector.shape_cast %parallel_loop3A_101 : vector<16xi32> to vector<16xi32>
        %parallel_loop3A_103 = vector.shape_cast %parallel_loop3A_97 : vector<16xi32> to vector<16xi32>
        tpu.vector_store %arg7[%parallel_loop3A_100], %parallel_loop3A_103 {strides = array<i32>} : memref<400xi32, #tpu.memory_space<vmem>>, vector<16xi32>,
        %parallel_loop3A_104 = arith.constant 16 : i32
        %parallel_loop3A_105 = arith.muli %parallel_loop3A_90, %parallel_loop3A_104 : i32
        %parallel_loop3A_106 = arith.index_cast %parallel_loop3A_105 : i32 to index
        %parallel_loop3A_107 = tpu.vector_load %arg8[%parallel_loop3A_106] {strides = array<i32>} : memref<400xi32, #tpu.memory_space<vmem>>, vector<16xi32>,
        %parallel_loop3A_108 = vector.shape_cast %parallel_loop3A_107 : vector<16xi32> to vector<16xi32>
        %parallel_loop3A_109 = vector.broadcast %mul3A_0 : i32 to vector<16xi32>
        %parallel_loop3A_110 = arith.addi %parallel_loop3A_108, %parallel_loop3A_109 : vector<16xi32>
        %parallel_loop3A_111 = arith.constant 16 : i32
        %parallel_loop3A_112 = arith.muli %parallel_loop3A_90, %parallel_loop3A_111 : i32
        %parallel_loop3A_113 = arith.index_cast %parallel_loop3A_112 : i32 to index
        %parallel_loop3A_114 = tpu.vector_load %arg9[%parallel_loop3A_113] {strides = array<i32>} : memref<400xi32, #tpu.memory_space<vmem>>, vector<16xi32>,
        %parallel_loop3A_115 = vector.shape_cast %parallel_loop3A_114 : vector<16xi32> to vector<16xi32>
        %parallel_loop3A_116 = vector.shape_cast %parallel_loop3A_110 : vector<16xi32> to vector<16xi32>
        tpu.vector_store %arg9[%parallel_loop3A_113], %parallel_loop3A_116 {strides = array<i32>} : memref<400xi32, #tpu.memory_space<vmem>>, vector<16xi32>,
      } {sc.loop_unroll_factor = 4 : i64, sc.parallel_access}
      %dma_start3A = arith.constant 0 : i32
      %dma_start3A_77 = arith.constant 0 : i32
      %dma_start3A_78 = tpu.memref_slice %arg2[%dma_start3A, %dma_start3A_77] : memref<100000x32xf32, #tpu.memory_space<hbm>> -> memref<100000x32xf32, #tpu.memory_space<hbm>>
      tpu.enqueue_indirect_dma source(%dma_start3A_78 : memref<100000x32xf32, #tpu.memory_space<hbm>>) target(%arg10 : memref<400x32xf32, #tpu.memory_space<vmem>>) offsets(%arg7 : memref<400xi32, #tpu.memory_space<vmem>>) semaphore(%arg14 : memref<!tpu.dma_semaphore, #tpu.memory_space<semaphore_mem>>)
      %dma_start3A_79 = arith.constant 0 : i32
      %dma_start3A_80 = arith.constant 0 : i32
      %dma_start3A_81 = tpu.memref_slice %arg3[%dma_start3A_79, %dma_start3A_80] : memref<100000x32xf32, #tpu.memory_space<hbm>> -> memref<100000x32xf32, #tpu.memory_space<hbm>>
      tpu.enqueue_indirect_dma source(%dma_start3A_81 : memref<100000x32xf32, #tpu.memory_space<hbm>>) target(%arg11 : memref<400x32xf32, #tpu.memory_space<vmem>>) offsets(%arg9 : memref<400xi32, #tpu.memory_space<vmem>>) semaphore(%arg15 : memref<!tpu.dma_semaphore, #tpu.memory_space<semaphore_mem>>)
      %dma_wait3A = arith.constant 0 : i32
      %dma_wait3A_82 = arith.constant 0 : i32
      %dma_wait3A_83 = tpu.memref_slice %arg2[%dma_wait3A, %dma_wait3A_82] : memref<100000x32xf32, #tpu.memory_space<hbm>> -> memref<100000x32xf32, #tpu.memory_space<hbm>>
      tpu.wait_indirect_dma semaphore(%arg14 : memref<!tpu.dma_semaphore, #tpu.memory_space<semaphore_mem>>) src(%dma_wait3A_83 : memref<100000x32xf32, #tpu.memory_space<hbm>>) dst(%arg10 : memref<400x32xf32, #tpu.memory_space<vmem>>)
      %dma_wait3A_84 = arith.constant 0 : i32
      %dma_wait3A_85 = arith.constant 0 : i32
      %dma_wait3A_86 = tpu.memref_slice %arg3[%dma_wait3A_84, %dma_wait3A_85] : memref<100000x32xf32, #tpu.memory_space<hbm>> -> memref<100000x32xf32, #tpu.memory_space<hbm>>
      tpu.wait_indirect_dma semaphore(%arg15 : memref<!tpu.dma_semaphore, #tpu.memory_space<semaphore_mem>>) src(%dma_wait3A_86 : memref<100000x32xf32, #tpu.memory_space<hbm>>) dst(%arg11 : memref<400x32xf32, #tpu.memory_space<vmem>>)
      %parallel_loop3A_87 = arith.constant 0 : i32
      %parallel_loop3A_88 = arith.constant 400 : i32
      %parallel_loop3A_89 = arith.constant 1 : i32
      scf.for %parallel_loop3A_90 = %parallel_loop3A_87 to %parallel_loop3A_88 step %parallel_loop3A_89  : i32 {
        %parallel_loop3A_91 = arith.index_cast %parallel_loop3A_90 : i32 to index
        %parallel_loop3A_92 = arith.constant 0 : index
        %parallel_loop3A_93 = tpu.vector_load %arg10[%parallel_loop3A_91, %parallel_loop3A_92] {strides = array<i32>} : memref<400x32xf32, #tpu.memory_space<vmem>>, vector<1x16xf32>,
        %parallel_loop3A_94 = vector.shape_cast %parallel_loop3A_93 : vector<1x16xf32> to vector<16xf32>
        %parallel_loop3A_95 = arith.index_cast %parallel_loop3A_90 : i32 to index
        %parallel_loop3A_96 = arith.constant 0 : index
        %parallel_loop3A_97 = tpu.vector_load %arg11[%parallel_loop3A_95, %parallel_loop3A_96] {strides = array<i32>} : memref<400x32xf32, #tpu.memory_space<vmem>>, vector<1x16xf32>,
        %parallel_loop3A_98 = vector.shape_cast %parallel_loop3A_97 : vector<1x16xf32> to vector<16xf32>
        %parallel_loop3A_99 = arith.addf %parallel_loop3A_94, %parallel_loop3A_98 : vector<16xf32>
        %parallel_loop3A_100 = arith.constant 0.000000e+00 : f32
        %parallel_loop3A_101 = vector.broadcast %parallel_loop3A_100 : f32 to vector<16xf32>
        %parallel_loop3A_102 = arith.maximumf %parallel_loop3A_99, %parallel_loop3A_101 : vector<16xf32>
        %parallel_loop3A_103 = tpu.bitcast %parallel_loop3A_102 : vector<16xf32> -> vector<16xi32>
        %parallel_loop3A_104 = arith.constant 16 : i32
        %parallel_loop3A_105 = vector.broadcast %parallel_loop3A_104 : i32 to vector<16xi32>
        %parallel_loop3A_106 = arith.shrui %parallel_loop3A_103, %parallel_loop3A_105 : vector<16xi32>
        %parallel_loop3A_107 = arith.constant 1 : i32
        %parallel_loop3A_108 = vector.broadcast %parallel_loop3A_107 : i32 to vector<16xi32>
        %parallel_loop3A_109 = arith.andi %parallel_loop3A_106, %parallel_loop3A_108 : vector<16xi32>
        %parallel_loop3A_110 = arith.constant 32767 : i32
        %parallel_loop3A_111 = vector.broadcast %parallel_loop3A_110 : i32 to vector<16xi32>
        %parallel_loop3A_112 = arith.addi %parallel_loop3A_103, %parallel_loop3A_111 : vector<16xi32>
        %parallel_loop3A_113 = arith.addi %parallel_loop3A_112, %parallel_loop3A_109 : vector<16xi32>
        %parallel_loop3A_114 = arith.constant -65536 : i32
        %parallel_loop3A_115 = vector.broadcast %parallel_loop3A_114 : i32 to vector<16xi32>
        %parallel_loop3A_116 = arith.andi %parallel_loop3A_113, %parallel_loop3A_115 : vector<16xi32>
        %parallel_loop3A_117 = tpu.bitcast %parallel_loop3A_116 : vector<16xi32> -> vector<16xf32>
        %parallel_loop3A_118 = arith.index_cast %parallel_loop3A_90 : i32 to index
        %parallel_loop3A_119 = arith.constant 0 : index
        %parallel_loop3A_120 = tpu.vector_load %arg10[%parallel_loop3A_118, %parallel_loop3A_119] {strides = array<i32>} : memref<400x32xf32, #tpu.memory_space<vmem>>, vector<1x16xf32>,
        %parallel_loop3A_121 = vector.shape_cast %parallel_loop3A_120 : vector<1x16xf32> to vector<16xf32>
        %parallel_loop3A_122 = vector.shape_cast %parallel_loop3A_117 : vector<16xf32> to vector<1x16xf32>
        tpu.vector_store %arg10[%parallel_loop3A_118, %parallel_loop3A_119], %parallel_loop3A_122 {strides = array<i32>} : memref<400x32xf32, #tpu.memory_space<vmem>>, vector<1x16xf32>,
        %parallel_loop3A_123 = arith.index_cast %parallel_loop3A_90 : i32 to index
        %parallel_loop3A_124 = arith.constant 16 : index
        %parallel_loop3A_125 = tpu.vector_load %arg10[%parallel_loop3A_123, %parallel_loop3A_124] {strides = array<i32>} : memref<400x32xf32, #tpu.memory_space<vmem>>, vector<1x16xf32>,
        %parallel_loop3A_126 = vector.shape_cast %parallel_loop3A_125 : vector<1x16xf32> to vector<16xf32>
        %parallel_loop3A_127 = arith.index_cast %parallel_loop3A_90 : i32 to index
        %parallel_loop3A_128 = arith.constant 16 : index
        %parallel_loop3A_129 = tpu.vector_load %arg11[%parallel_loop3A_127, %parallel_loop3A_128] {strides = array<i32>} : memref<400x32xf32, #tpu.memory_space<vmem>>, vector<1x16xf32>,
        %parallel_loop3A_130 = vector.shape_cast %parallel_loop3A_129 : vector<1x16xf32> to vector<16xf32>
        %parallel_loop3A_131 = arith.addf %parallel_loop3A_126, %parallel_loop3A_130 : vector<16xf32>
        %parallel_loop3A_132 = arith.constant 0.000000e+00 : f32
        %parallel_loop3A_133 = vector.broadcast %parallel_loop3A_132 : f32 to vector<16xf32>
        %parallel_loop3A_134 = arith.maximumf %parallel_loop3A_131, %parallel_loop3A_133 : vector<16xf32>
        %parallel_loop3A_135 = tpu.bitcast %parallel_loop3A_134 : vector<16xf32> -> vector<16xi32>
        %parallel_loop3A_136 = arith.constant 16 : i32
        %parallel_loop3A_137 = vector.broadcast %parallel_loop3A_136 : i32 to vector<16xi32>
        %parallel_loop3A_138 = arith.shrui %parallel_loop3A_135, %parallel_loop3A_137 : vector<16xi32>
        %parallel_loop3A_139 = arith.constant 1 : i32
        %parallel_loop3A_140 = vector.broadcast %parallel_loop3A_139 : i32 to vector<16xi32>
        %parallel_loop3A_141 = arith.andi %parallel_loop3A_138, %parallel_loop3A_140 : vector<16xi32>
        %parallel_loop3A_142 = arith.constant 32767 : i32
        %parallel_loop3A_143 = vector.broadcast %parallel_loop3A_142 : i32 to vector<16xi32>
        %parallel_loop3A_144 = arith.addi %parallel_loop3A_135, %parallel_loop3A_143 : vector<16xi32>
        %parallel_loop3A_145 = arith.addi %parallel_loop3A_144, %parallel_loop3A_141 : vector<16xi32>
        %parallel_loop3A_146 = arith.constant -65536 : i32
        %parallel_loop3A_147 = vector.broadcast %parallel_loop3A_146 : i32 to vector<16xi32>
        %parallel_loop3A_148 = arith.andi %parallel_loop3A_145, %parallel_loop3A_147 : vector<16xi32>
        %parallel_loop3A_149 = tpu.bitcast %parallel_loop3A_148 : vector<16xi32> -> vector<16xf32>
        %parallel_loop3A_150 = arith.index_cast %parallel_loop3A_90 : i32 to index
        %parallel_loop3A_151 = arith.constant 16 : index
        %parallel_loop3A_152 = tpu.vector_load %arg10[%parallel_loop3A_150, %parallel_loop3A_151] {strides = array<i32>} : memref<400x32xf32, #tpu.memory_space<vmem>>, vector<1x16xf32>,
        %parallel_loop3A_153 = vector.shape_cast %parallel_loop3A_152 : vector<1x16xf32> to vector<16xf32>
        %parallel_loop3A_154 = vector.shape_cast %parallel_loop3A_149 : vector<16xf32> to vector<1x16xf32>
        tpu.vector_store %arg10[%parallel_loop3A_150, %parallel_loop3A_151], %parallel_loop3A_154 {strides = array<i32>} : memref<400x32xf32, #tpu.memory_space<vmem>>, vector<1x16xf32>,
      } {sc.loop_unroll_factor = 8 : i64, sc.parallel_access}
      "tpu.region"() ({
        %run_scoped3A = tpu.sem_alloc : memref<!tpu.dma_semaphore, #tpu.memory_space<semaphore_mem>>
        %dma_start3A_90 = arith.constant 0 : i32
        %dma_start3A_91 = arith.constant 0 : i32
        %dma_start3A_92 = tpu.memref_slice %arg13[%dma_start3A_90, %dma_start3A_91] : memref<50048x32xf32, #tpu.memory_space<vmem_shared>> -> memref<50048x32xf32, #tpu.memory_space<vmem_shared>>
        tpu.enqueue_indirect_dma source(%arg10 : memref<400x32xf32, #tpu.memory_space<vmem>>) target(%dma_start3A_92 : memref<50048x32xf32, #tpu.memory_space<vmem_shared>>) offsets(%arg8 : memref<400xi32, #tpu.memory_space<vmem>>) semaphore(%run_scoped3A : memref<!tpu.dma_semaphore, #tpu.memory_space<semaphore_mem>>) {add = true}
        %dma_wait3A_93 = arith.constant 0 : i32
        %dma_wait3A_94 = arith.constant 0 : i32
        %dma_wait3A_95 = tpu.memref_slice %arg13[%dma_wait3A_93, %dma_wait3A_94] : memref<50048x32xf32, #tpu.memory_space<vmem_shared>> -> memref<50048x32xf32, #tpu.memory_space<vmem_shared>>
        tpu.wait_indirect_dma semaphore(%run_scoped3A : memref<!tpu.dma_semaphore, #tpu.memory_space<semaphore_mem>>) src(%arg10 : memref<400x32xf32, #tpu.memory_space<vmem>>) dst(%dma_wait3A_95 : memref<50048x32xf32, #tpu.memory_space<vmem_shared>>)
        tpu.yield
      }) : () -> ()
    }
    %scan3A_36 = arith.constant 125 : i32
    %barrier3A_37 = arith.constant 0 : index
    tpu.barrier barrier_id(%barrier3A_37)
    %add3A_38 = arith.addi %mul3A_2, %mul3A_14 : i32
    %add3A_39 = arith.constant 0 : i32
    %add3A_40 = arith.addi %mul3A_14, %add3A_39 : i32
    "tpu.region"() ({
      %run_scoped3A = tpu.sem_alloc : memref<!tpu.dma_semaphore, #tpu.memory_space<semaphore_mem>>
      %dma_start3A = arith.constant 0 : i32
      %dma_start3A_71 = tpu.memref_slice %arg13[%add3A_40, %dma_start3A] : memref<50048x32xf32, #tpu.memory_space<vmem_shared>> -> memref<400x32xf32, #tpu.memory_space<vmem_shared>>
      %dma_start3A_72 = arith.constant 0 : i32
      %dma_start3A_73 = tpu.memref_slice %arg13[%add3A_40, %dma_start3A_72] : memref<50048x32xf32, #tpu.memory_space<vmem_shared>> -> memref<400x32xf32, #tpu.memory_space<vmem_shared>>
      tpu.enqueue_dma source(%dma_start3A_73 : memref<400x32xf32, #tpu.memory_space<vmem_shared>>) target(%arg10 : memref<400x32xf32, #tpu.memory_space<vmem>>) target_semaphore(%run_scoped3A : memref<!tpu.dma_semaphore, #tpu.memory_space<semaphore_mem>>)
      %dma_wait3A = arith.constant 0 : i32
      %dma_wait3A_74 = tpu.memref_slice %arg13[%add3A_40, %dma_wait3A] : memref<50048x32xf32, #tpu.memory_space<vmem_shared>> -> memref<400x32xf32, #tpu.memory_space<vmem_shared>>
      %dma_wait3A_75 = arith.constant 0 : i32
      %dma_wait3A_76 = tpu.memref_slice %arg13[%add3A_40, %dma_wait3A_75] : memref<50048x32xf32, #tpu.memory_space<vmem_shared>> -> memref<400x32xf32, #tpu.memory_space<vmem_shared>>
      tpu.wait_dma2 semaphore(%run_scoped3A : memref<!tpu.dma_semaphore, #tpu.memory_space<semaphore_mem>>) src(%dma_wait3A_76 : memref<400x32xf32, #tpu.memory_space<vmem_shared>>) dst(%arg10 : memref<400x32xf32, #tpu.memory_space<vmem>>)
      tpu.yield
    }) : () -> ()
    %add3A_41 = arith.constant 0 : i32
    %add3A_42 = arith.addi %add3A_38, %add3A_41 : i32
    "tpu.region"() ({
      %run_scoped3A = tpu.sem_alloc : memref<!tpu.dma_semaphore, #tpu.memory_space<semaphore_mem>>
      %dma_start3A = arith.constant 0 : i32
      %dma_start3A_71 = tpu.memref_slice %arg6[%add3A_42, %dma_start3A] : memref<100096x32xf32, #tpu.memory_space<hbm>> -> memref<400x32xf32, #tpu.memory_space<hbm>>
      %dma_start3A_72 = arith.constant 0 : i32
      %dma_start3A_73 = tpu.memref_slice %arg6[%add3A_42, %dma_start3A_72] : memref<100096x32xf32, #tpu.memory_space<hbm>> -> memref<400x32xf32, #tpu.memory_space<hbm>>
      tpu.enqueue_dma source(%arg10 : memref<400x32xf32, #tpu.memory_space<vmem>>) target(%dma_start3A_73 : memref<400x32xf32, #tpu.memory_space<hbm>>) target_semaphore(%run_scoped3A : memref<!tpu.dma_semaphore, #tpu.memory_space<semaphore_mem>>)
      %dma_wait3A = arith.constant 0 : i32
      %dma_wait3A_74 = tpu.memref_slice %arg6[%add3A_42, %dma_wait3A] : memref<100096x32xf32, #tpu.memory_space<hbm>> -> memref<400x32xf32, #tpu.memory_space<hbm>>
      %dma_wait3A_75 = arith.constant 0 : i32
      %dma_wait3A_76 = tpu.memref_slice %arg6[%add3A_42, %dma_wait3A_75] : memref<100096x32xf32, #tpu.memory_space<hbm>> -> memref<400x32xf32, #tpu.memory_space<hbm>>
      tpu.wait_dma2 semaphore(%run_scoped3A : memref<!tpu.dma_semaphore, #tpu.memory_space<semaphore_mem>>) src(%arg10 : memref<400x32xf32, #tpu.memory_space<vmem>>) dst(%dma_wait3A_76 : memref<400x32xf32, #tpu.memory_space<hbm>>)
      tpu.yield
    }) : () -> ()
    %add3A_43 = arith.constant 400 : i32
    %add3A_44 = arith.addi %mul3A_14, %add3A_43 : i32
    "tpu.region"() ({
      %run_scoped3A = tpu.sem_alloc : memref<!tpu.dma_semaphore, #tpu.memory_space<semaphore_mem>>
      %dma_start3A = arith.constant 0 : i32
      %dma_start3A_71 = tpu.memref_slice %arg13[%add3A_44, %dma_start3A] : memref<50048x32xf32, #tpu.memory_space<vmem_shared>> -> memref<400x32xf32, #tpu.memory_space<vmem_shared>>
      %dma_start3A_72 = arith.constant 0 : i32
      %dma_start3A_73 = tpu.memref_slice %arg13[%add3A_44, %dma_start3A_72] : memref<50048x32xf32, #tpu.memory_space<vmem_shared>> -> memref<400x32xf32, #tpu.memory_space<vmem_shared>>
      tpu.enqueue_dma source(%dma_start3A_73 : memref<400x32xf32, #tpu.memory_space<vmem_shared>>) target(%arg10 : memref<400x32xf32, #tpu.memory_space<vmem>>) target_semaphore(%run_scoped3A : memref<!tpu.dma_semaphore, #tpu.memory_space<semaphore_mem>>)
      %dma_wait3A = arith.constant 0 : i32
      %dma_wait3A_74 = tpu.memref_slice %arg13[%add3A_44, %dma_wait3A] : memref<50048x32xf32, #tpu.memory_space<vmem_shared>> -> memref<400x32xf32, #tpu.memory_space<vmem_shared>>
      %dma_wait3A_75 = arith.constant 0 : i32
      %dma_wait3A_76 = tpu.memref_slice %arg13[%add3A_44, %dma_wait3A_75] : memref<50048x32xf32, #tpu.memory_space<vmem_shared>> -> memref<400x32xf32, #tpu.memory_space<vmem_shared>>
      tpu.wait_dma2 semaphore(%run_scoped3A : memref<!tpu.dma_semaphore, #tpu.memory_space<semaphore_mem>>) src(%dma_wait3A_76 : memref<400x32xf32, #tpu.memory_space<vmem_shared>>) dst(%arg10 : memref<400x32xf32, #tpu.memory_space<vmem>>)
      tpu.yield
    }) : () -> ()
    %add3A_45 = arith.constant 400 : i32
    %add3A_46 = arith.addi %add3A_38, %add3A_45 : i32
    "tpu.region"() ({
      %run_scoped3A = tpu.sem_alloc : memref<!tpu.dma_semaphore, #tpu.memory_space<semaphore_mem>>
      %dma_start3A = arith.constant 0 : i32
      %dma_start3A_71 = tpu.memref_slice %arg6[%add3A_46, %dma_start3A] : memref<100096x32xf32, #tpu.memory_space<hbm>> -> memref<400x32xf32, #tpu.memory_space<hbm>>
      %dma_start3A_72 = arith.constant 0 : i32
      %dma_start3A_73 = tpu.memref_slice %arg6[%add3A_46, %dma_start3A_72] : memref<100096x32xf32, #tpu.memory_space<hbm>> -> memref<400x32xf32, #tpu.memory_space<hbm>>
      tpu.enqueue_dma source(%arg10 : memref<400x32xf32, #tpu.memory_space<vmem>>) target(%dma_start3A_73 : memref<400x32xf32, #tpu.memory_space<hbm>>) target_semaphore(%run_scoped3A : memref<!tpu.dma_semaphore, #tpu.memory_space<semaphore_mem>>)
      %dma_wait3A = arith.constant 0 : i32
      %dma_wait3A_74 = tpu.memref_slice %arg6[%add3A_46, %dma_wait3A] : memref<100096x32xf32, #tpu.memory_space<hbm>> -> memref<400x32xf32, #tpu.memory_space<hbm>>
      %dma_wait3A_75 = arith.constant 0 : i32
      %dma_wait3A_76 = tpu.memref_slice %arg6[%add3A_46, %dma_wait3A_75] : memref<100096x32xf32, #tpu.memory_space<hbm>> -> memref<400x32xf32, #tpu.memory_space<hbm>>
      tpu.wait_dma2 semaphore(%run_scoped3A : memref<!tpu.dma_semaphore, #tpu.memory_space<semaphore_mem>>) src(%arg10 : memref<400x32xf32, #tpu.memory_space<vmem>>) dst(%dma_wait3A_76 : memref<400x32xf32, #tpu.memory_space<hbm>>)
      tpu.yield
    }) : () -> ()
    %add3A_47 = arith.constant 800 : i32
    %add3A_48 = arith.addi %mul3A_14, %add3A_47 : i32
    "tpu.region"() ({
      %run_scoped3A = tpu.sem_alloc : memref<!tpu.dma_semaphore, #tpu.memory_space<semaphore_mem>>
      %dma_start3A = arith.constant 0 : i32
      %dma_start3A_71 = tpu.memref_slice %arg13[%add3A_48, %dma_start3A] : memref<50048x32xf32, #tpu.memory_space<vmem_shared>> -> memref<400x32xf32, #tpu.memory_space<vmem_shared>>
      %dma_start3A_72 = arith.constant 0 : i32
      %dma_start3A_73 = tpu.memref_slice %arg13[%add3A_48, %dma_start3A_72] : memref<50048x32xf32, #tpu.memory_space<vmem_shared>> -> memref<400x32xf32, #tpu.memory_space<vmem_shared>>
      tpu.enqueue_dma source(%dma_start3A_73 : memref<400x32xf32, #tpu.memory_space<vmem_shared>>) target(%arg10 : memref<400x32xf32, #tpu.memory_space<vmem>>) target_semaphore(%run_scoped3A : memref<!tpu.dma_semaphore, #tpu.memory_space<semaphore_mem>>)
      %dma_wait3A = arith.constant 0 : i32
      %dma_wait3A_74 = tpu.memref_slice %arg13[%add3A_48, %dma_wait3A] : memref<50048x32xf32, #tpu.memory_space<vmem_shared>> -> memref<400x32xf32, #tpu.memory_space<vmem_shared>>
      %dma_wait3A_75 = arith.constant 0 : i32
      %dma_wait3A_76 = tpu.memref_slice %arg13[%add3A_48, %dma_wait3A_75] : memref<50048x32xf32, #tpu.memory_space<vmem_shared>> -> memref<400x32xf32, #tpu.memory_space<vmem_shared>>
      tpu.wait_dma2 semaphore(%run_scoped3A : memref<!tpu.dma_semaphore, #tpu.memory_space<semaphore_mem>>) src(%dma_wait3A_76 : memref<400x32xf32, #tpu.memory_space<vmem_shared>>) dst(%arg10 : memref<400x32xf32, #tpu.memory_space<vmem>>)
      tpu.yield
    }) : () -> ()
    %add3A_49 = arith.constant 800 : i32
    %add3A_50 = arith.addi %add3A_38, %add3A_49 : i32
    "tpu.region"() ({
      %run_scoped3A = tpu.sem_alloc : memref<!tpu.dma_semaphore, #tpu.memory_space<semaphore_mem>>
      %dma_start3A = arith.constant 0 : i32
      %dma_start3A_71 = tpu.memref_slice %arg6[%add3A_50, %dma_start3A] : memref<100096x32xf32, #tpu.memory_space<hbm>> -> memref<400x32xf32, #tpu.memory_space<hbm>>
      %dma_start3A_72 = arith.constant 0 : i32
      %dma_start3A_73 = tpu.memref_slice %arg6[%add3A_50, %dma_start3A_72] : memref<100096x32xf32, #tpu.memory_space<hbm>> -> memref<400x32xf32, #tpu.memory_space<hbm>>
      tpu.enqueue_dma source(%arg10 : memref<400x32xf32, #tpu.memory_space<vmem>>) target(%dma_start3A_73 : memref<400x32xf32, #tpu.memory_space<hbm>>) target_semaphore(%run_scoped3A : memref<!tpu.dma_semaphore, #tpu.memory_space<semaphore_mem>>)
      %dma_wait3A = arith.constant 0 : i32
      %dma_wait3A_74 = tpu.memref_slice %arg6[%add3A_50, %dma_wait3A] : memref<100096x32xf32, #tpu.memory_space<hbm>> -> memref<400x32xf32, #tpu.memory_space<hbm>>
      %dma_wait3A_75 = arith.constant 0 : i32
      %dma_wait3A_76 = tpu.memref_slice %arg6[%add3A_50, %dma_wait3A_75] : memref<100096x32xf32, #tpu.memory_space<hbm>> -> memref<400x32xf32, #tpu.memory_space<hbm>>
      tpu.wait_dma2 semaphore(%run_scoped3A : memref<!tpu.dma_semaphore, #tpu.memory_space<semaphore_mem>>) src(%arg10 : memref<400x32xf32, #tpu.memory_space<vmem>>) dst(%dma_wait3A_76 : memref<400x32xf32, #tpu.memory_space<hbm>>)
      tpu.yield
    }) : () -> ()
    %add3A_51 = arith.constant 1200 : i32
    %add3A_52 = arith.addi %mul3A_14, %add3A_51 : i32
    "tpu.region"() ({
      %run_scoped3A = tpu.sem_alloc : memref<!tpu.dma_semaphore, #tpu.memory_space<semaphore_mem>>
      %dma_start3A = arith.constant 0 : i32
      %dma_start3A_71 = tpu.memref_slice %arg13[%add3A_52, %dma_start3A] : memref<50048x32xf32, #tpu.memory_space<vmem_shared>> -> memref<400x32xf32, #tpu.memory_space<vmem_shared>>
      %dma_start3A_72 = arith.constant 0 : i32
      %dma_start3A_73 = tpu.memref_slice %arg13[%add3A_52, %dma_start3A_72] : memref<50048x32xf32, #tpu.memory_space<vmem_shared>> -> memref<400x32xf32, #tpu.memory_space<vmem_shared>>
      tpu.enqueue_dma source(%dma_start3A_73 : memref<400x32xf32, #tpu.memory_space<vmem_shared>>) target(%arg10 : memref<400x32xf32, #tpu.memory_space<vmem>>) target_semaphore(%run_scoped3A : memref<!tpu.dma_semaphore, #tpu.memory_space<semaphore_mem>>)
      %dma_wait3A = arith.constant 0 : i32
      %dma_wait3A_74 = tpu.memref_slice %arg13[%add3A_52, %dma_wait3A] : memref<50048x32xf32, #tpu.memory_space<vmem_shared>> -> memref<400x32xf32, #tpu.memory_space<vmem_shared>>
      %dma_wait3A_75 = arith.constant 0 : i32
      %dma_wait3A_76 = tpu.memref_slice %arg13[%add3A_52, %dma_wait3A_75] : memref<50048x32xf32, #tpu.memory_space<vmem_shared>> -> memref<400x32xf32, #tpu.memory_space<vmem_shared>>
      tpu.wait_dma2 semaphore(%run_scoped3A : memref<!tpu.dma_semaphore, #tpu.memory_space<semaphore_mem>>) src(%dma_wait3A_76 : memref<400x32xf32, #tpu.memory_space<vmem_shared>>) dst(%arg10 : memref<400x32xf32, #tpu.memory_space<vmem>>)
      tpu.yield
    }) : () -> ()
    %add3A_53 = arith.constant 1200 : i32
    %add3A_54 = arith.addi %add3A_38, %add3A_53 : i32
    "tpu.region"() ({
      %run_scoped3A = tpu.sem_alloc : memref<!tpu.dma_semaphore, #tpu.memory_space<semaphore_mem>>
      %dma_start3A = arith.constant 0 : i32
      %dma_start3A_71 = tpu.memref_slice %arg6[%add3A_54, %dma_start3A] : memref<100096x32xf32, #tpu.memory_space<hbm>> -> memref<400x32xf32, #tpu.memory_space<hbm>>
      %dma_start3A_72 = arith.constant 0 : i32
      %dma_start3A_73 = tpu.memref_slice %arg6[%add3A_54, %dma_start3A_72] : memref<100096x32xf32, #tpu.memory_space<hbm>> -> memref<400x32xf32, #tpu.memory_space<hbm>>
      tpu.enqueue_dma source(%arg10 : memref<400x32xf32, #tpu.memory_space<vmem>>) target(%dma_start3A_73 : memref<400x32xf32, #tpu.memory_space<hbm>>) target_semaphore(%run_scoped3A : memref<!tpu.dma_semaphore, #tpu.memory_space<semaphore_mem>>)
      %dma_wait3A = arith.constant 0 : i32
      %dma_wait3A_74 = tpu.memref_slice %arg6[%add3A_54, %dma_wait3A] : memref<100096x32xf32, #tpu.memory_space<hbm>> -> memref<400x32xf32, #tpu.memory_space<hbm>>
      %dma_wait3A_75 = arith.constant 0 : i32
      %dma_wait3A_76 = tpu.memref_slice %arg6[%add3A_54, %dma_wait3A_75] : memref<100096x32xf32, #tpu.memory_space<hbm>> -> memref<400x32xf32, #tpu.memory_space<hbm>>
      tpu.wait_dma2 semaphore(%run_scoped3A : memref<!tpu.dma_semaphore, #tpu.memory_space<semaphore_mem>>) src(%arg10 : memref<400x32xf32, #tpu.memory_space<vmem>>) dst(%dma_wait3A_76 : memref<400x32xf32, #tpu.memory_space<hbm>>)
      tpu.yield
    }) : () -> ()
    %add3A_55 = arith.constant 1600 : i32
    %add3A_56 = arith.addi %mul3A_14, %add3A_55 : i32
    "tpu.region"() ({
      %run_scoped3A = tpu.sem_alloc : memref<!tpu.dma_semaphore, #tpu.memory_space<semaphore_mem>>
      %dma_start3A = arith.constant 0 : i32
      %dma_start3A_71 = tpu.memref_slice %arg13[%add3A_56, %dma_start3A] : memref<50048x32xf32, #tpu.memory_space<vmem_shared>> -> memref<400x32xf32, #tpu.memory_space<vmem_shared>>
      %dma_start3A_72 = arith.constant 0 : i32
      %dma_start3A_73 = tpu.memref_slice %arg13[%add3A_56, %dma_start3A_72] : memref<50048x32xf32, #tpu.memory_space<vmem_shared>> -> memref<400x32xf32, #tpu.memory_space<vmem_shared>>
      tpu.enqueue_dma source(%dma_start3A_73 : memref<400x32xf32, #tpu.memory_space<vmem_shared>>) target(%arg10 : memref<400x32xf32, #tpu.memory_space<vmem>>) target_semaphore(%run_scoped3A : memref<!tpu.dma_semaphore, #tpu.memory_space<semaphore_mem>>)
      %dma_wait3A = arith.constant 0 : i32
      %dma_wait3A_74 = tpu.memref_slice %arg13[%add3A_56, %dma_wait3A] : memref<50048x32xf32, #tpu.memory_space<vmem_shared>> -> memref<400x32xf32, #tpu.memory_space<vmem_shared>>
      %dma_wait3A_75 = arith.constant 0 : i32
      %dma_wait3A_76 = tpu.memref_slice %arg13[%add3A_56, %dma_wait3A_75] : memref<50048x32xf32, #tpu.memory_space<vmem_shared>> -> memref<400x32xf32, #tpu.memory_space<vmem_shared>>
      tpu.wait_dma2 semaphore(%run_scoped3A : memref<!tpu.dma_semaphore, #tpu.memory_space<semaphore_mem>>) src(%dma_wait3A_76 : memref<400x32xf32, #tpu.memory_space<vmem_shared>>) dst(%arg10 : memref<400x32xf32, #tpu.memory_space<vmem>>)
      tpu.yield
    }) : () -> ()
    %add3A_57 = arith.constant 1600 : i32
    %add3A_58 = arith.addi %add3A_38, %add3A_57 : i32
    "tpu.region"() ({
      %run_scoped3A = tpu.sem_alloc : memref<!tpu.dma_semaphore, #tpu.memory_space<semaphore_mem>>
      %dma_start3A = arith.constant 0 : i32
      %dma_start3A_71 = tpu.memref_slice %arg6[%add3A_58, %dma_start3A] : memref<100096x32xf32, #tpu.memory_space<hbm>> -> memref<400x32xf32, #tpu.memory_space<hbm>>
      %dma_start3A_72 = arith.constant 0 : i32
      %dma_start3A_73 = tpu.memref_slice %arg6[%add3A_58, %dma_start3A_72] : memref<100096x32xf32, #tpu.memory_space<hbm>> -> memref<400x32xf32, #tpu.memory_space<hbm>>
      tpu.enqueue_dma source(%arg10 : memref<400x32xf32, #tpu.memory_space<vmem>>) target(%dma_start3A_73 : memref<400x32xf32, #tpu.memory_space<hbm>>) target_semaphore(%run_scoped3A : memref<!tpu.dma_semaphore, #tpu.memory_space<semaphore_mem>>)
      %dma_wait3A = arith.constant 0 : i32
      %dma_wait3A_74 = tpu.memref_slice %arg6[%add3A_58, %dma_wait3A] : memref<100096x32xf32, #tpu.memory_space<hbm>> -> memref<400x32xf32, #tpu.memory_space<hbm>>
      %dma_wait3A_75 = arith.constant 0 : i32
      %dma_wait3A_76 = tpu.memref_slice %arg6[%add3A_58, %dma_wait3A_75] : memref<100096x32xf32, #tpu.memory_space<hbm>> -> memref<400x32xf32, #tpu.memory_space<hbm>>
      tpu.wait_dma2 semaphore(%run_scoped3A : memref<!tpu.dma_semaphore, #tpu.memory_space<semaphore_mem>>) src(%arg10 : memref<400x32xf32, #tpu.memory_space<vmem>>) dst(%dma_wait3A_76 : memref<400x32xf32, #tpu.memory_space<hbm>>)
      tpu.yield
    }) : () -> ()
    %add3A_59 = arith.constant 2000 : i32
    %add3A_60 = arith.addi %mul3A_14, %add3A_59 : i32
    "tpu.region"() ({
      %run_scoped3A = tpu.sem_alloc : memref<!tpu.dma_semaphore, #tpu.memory_space<semaphore_mem>>
      %dma_start3A = arith.constant 0 : i32
      %dma_start3A_71 = tpu.memref_slice %arg13[%add3A_60, %dma_start3A] : memref<50048x32xf32, #tpu.memory_space<vmem_shared>> -> memref<400x32xf32, #tpu.memory_space<vmem_shared>>
      %dma_start3A_72 = arith.constant 0 : i32
      %dma_start3A_73 = tpu.memref_slice %arg13[%add3A_60, %dma_start3A_72] : memref<50048x32xf32, #tpu.memory_space<vmem_shared>> -> memref<400x32xf32, #tpu.memory_space<vmem_shared>>
      tpu.enqueue_dma source(%dma_start3A_73 : memref<400x32xf32, #tpu.memory_space<vmem_shared>>) target(%arg10 : memref<400x32xf32, #tpu.memory_space<vmem>>) target_semaphore(%run_scoped3A : memref<!tpu.dma_semaphore, #tpu.memory_space<semaphore_mem>>)
      %dma_wait3A = arith.constant 0 : i32
      %dma_wait3A_74 = tpu.memref_slice %arg13[%add3A_60, %dma_wait3A] : memref<50048x32xf32, #tpu.memory_space<vmem_shared>> -> memref<400x32xf32, #tpu.memory_space<vmem_shared>>
      %dma_wait3A_75 = arith.constant 0 : i32
      %dma_wait3A_76 = tpu.memref_slice %arg13[%add3A_60, %dma_wait3A_75] : memref<50048x32xf32, #tpu.memory_space<vmem_shared>> -> memref<400x32xf32, #tpu.memory_space<vmem_shared>>
      tpu.wait_dma2 semaphore(%run_scoped3A : memref<!tpu.dma_semaphore, #tpu.memory_space<semaphore_mem>>) src(%dma_wait3A_76 : memref<400x32xf32, #tpu.memory_space<vmem_shared>>) dst(%arg10 : memref<400x32xf32, #tpu.memory_space<vmem>>)
      tpu.yield
    }) : () -> ()
    %add3A_61 = arith.constant 2000 : i32
    %add3A_62 = arith.addi %add3A_38, %add3A_61 : i32
    "tpu.region"() ({
      %run_scoped3A = tpu.sem_alloc : memref<!tpu.dma_semaphore, #tpu.memory_space<semaphore_mem>>
      %dma_start3A = arith.constant 0 : i32
      %dma_start3A_71 = tpu.memref_slice %arg6[%add3A_62, %dma_start3A] : memref<100096x32xf32, #tpu.memory_space<hbm>> -> memref<400x32xf32, #tpu.memory_space<hbm>>
      %dma_start3A_72 = arith.constant 0 : i32
      %dma_start3A_73 = tpu.memref_slice %arg6[%add3A_62, %dma_start3A_72] : memref<100096x32xf32, #tpu.memory_space<hbm>> -> memref<400x32xf32, #tpu.memory_space<hbm>>
      tpu.enqueue_dma source(%arg10 : memref<400x32xf32, #tpu.memory_space<vmem>>) target(%dma_start3A_73 : memref<400x32xf32, #tpu.memory_space<hbm>>) target_semaphore(%run_scoped3A : memref<!tpu.dma_semaphore, #tpu.memory_space<semaphore_mem>>)
      %dma_wait3A = arith.constant 0 : i32
      %dma_wait3A_74 = tpu.memref_slice %arg6[%add3A_62, %dma_wait3A] : memref<100096x32xf32, #tpu.memory_space<hbm>> -> memref<400x32xf32, #tpu.memory_space<hbm>>
      %dma_wait3A_75 = arith.constant 0 : i32
      %dma_wait3A_76 = tpu.memref_slice %arg6[%add3A_62, %dma_wait3A_75] : memref<100096x32xf32, #tpu.memory_space<hbm>> -> memref<400x32xf32, #tpu.memory_space<hbm>>
      tpu.wait_dma2 semaphore(%run_scoped3A : memref<!tpu.dma_semaphore, #tpu.memory_space<semaphore_mem>>) src(%arg10 : memref<400x32xf32, #tpu.memory_space<vmem>>) dst(%dma_wait3A_76 : memref<400x32xf32, #tpu.memory_space<hbm>>)
      tpu.yield
    }) : () -> ()
    %add3A_63 = arith.constant 2400 : i32
    %add3A_64 = arith.addi %mul3A_14, %add3A_63 : i32
    "tpu.region"() ({
      %run_scoped3A = tpu.sem_alloc : memref<!tpu.dma_semaphore, #tpu.memory_space<semaphore_mem>>
      %dma_start3A = arith.constant 0 : i32
      %dma_start3A_71 = tpu.memref_slice %arg13[%add3A_64, %dma_start3A] : memref<50048x32xf32, #tpu.memory_space<vmem_shared>> -> memref<400x32xf32, #tpu.memory_space<vmem_shared>>
      %dma_start3A_72 = arith.constant 0 : i32
      %dma_start3A_73 = tpu.memref_slice %arg13[%add3A_64, %dma_start3A_72] : memref<50048x32xf32, #tpu.memory_space<vmem_shared>> -> memref<400x32xf32, #tpu.memory_space<vmem_shared>>
      tpu.enqueue_dma source(%dma_start3A_73 : memref<400x32xf32, #tpu.memory_space<vmem_shared>>) target(%arg10 : memref<400x32xf32, #tpu.memory_space<vmem>>) target_semaphore(%run_scoped3A : memref<!tpu.dma_semaphore, #tpu.memory_space<semaphore_mem>>)
      %dma_wait3A = arith.constant 0 : i32
      %dma_wait3A_74 = tpu.memref_slice %arg13[%add3A_64, %dma_wait3A] : memref<50048x32xf32, #tpu.memory_space<vmem_shared>> -> memref<400x32xf32, #tpu.memory_space<vmem_shared>>
      %dma_wait3A_75 = arith.constant 0 : i32
      %dma_wait3A_76 = tpu.memref_slice %arg13[%add3A_64, %dma_wait3A_75] : memref<50048x32xf32, #tpu.memory_space<vmem_shared>> -> memref<400x32xf32, #tpu.memory_space<vmem_shared>>
      tpu.wait_dma2 semaphore(%run_scoped3A : memref<!tpu.dma_semaphore, #tpu.memory_space<semaphore_mem>>) src(%dma_wait3A_76 : memref<400x32xf32, #tpu.memory_space<vmem_shared>>) dst(%arg10 : memref<400x32xf32, #tpu.memory_space<vmem>>)
      tpu.yield
    }) : () -> ()
    %add3A_65 = arith.constant 2400 : i32
    %add3A_66 = arith.addi %add3A_38, %add3A_65 : i32
    "tpu.region"() ({
      %run_scoped3A = tpu.sem_alloc : memref<!tpu.dma_semaphore, #tpu.memory_space<semaphore_mem>>
      %dma_start3A = arith.constant 0 : i32
      %dma_start3A_71 = tpu.memref_slice %arg6[%add3A_66, %dma_start3A] : memref<100096x32xf32, #tpu.memory_space<hbm>> -> memref<400x32xf32, #tpu.memory_space<hbm>>
      %dma_start3A_72 = arith.constant 0 : i32
      %dma_start3A_73 = tpu.memref_slice %arg6[%add3A_66, %dma_start3A_72] : memref<100096x32xf32, #tpu.memory_space<hbm>> -> memref<400x32xf32, #tpu.memory_space<hbm>>
      tpu.enqueue_dma source(%arg10 : memref<400x32xf32, #tpu.memory_space<vmem>>) target(%dma_start3A_73 : memref<400x32xf32, #tpu.memory_space<hbm>>) target_semaphore(%run_scoped3A : memref<!tpu.dma_semaphore, #tpu.memory_space<semaphore_mem>>)
      %dma_wait3A = arith.constant 0 : i32
      %dma_wait3A_74 = tpu.memref_slice %arg6[%add3A_66, %dma_wait3A] : memref<100096x32xf32, #tpu.memory_space<hbm>> -> memref<400x32xf32, #tpu.memory_space<hbm>>
      %dma_wait3A_75 = arith.constant 0 : i32
      %dma_wait3A_76 = tpu.memref_slice %arg6[%add3A_66, %dma_wait3A_75] : memref<100096x32xf32, #tpu.memory_space<hbm>> -> memref<400x32xf32, #tpu.memory_space<hbm>>
      tpu.wait_dma2 semaphore(%run_scoped3A : memref<!tpu.dma_semaphore, #tpu.memory_space<semaphore_mem>>) src(%arg10 : memref<400x32xf32, #tpu.memory_space<vmem>>) dst(%dma_wait3A_76 : memref<400x32xf32, #tpu.memory_space<hbm>>)
      tpu.yield
    }) : () -> ()
    %add3A_67 = arith.constant 2800 : i32
    %add3A_68 = arith.addi %mul3A_14, %add3A_67 : i32
    "tpu.region"() ({
      %run_scoped3A = tpu.sem_alloc : memref<!tpu.dma_semaphore, #tpu.memory_space<semaphore_mem>>
      %dma_start3A = arith.constant 0 : i32
      %dma_start3A_71 = arith.constant 0 : i32
      %dma_start3A_72 = tpu.memref_slice %arg10[%dma_start3A, %dma_start3A_71] : memref<400x32xf32, #tpu.memory_space<vmem>> -> memref<328x32xf32, #tpu.memory_space<vmem>>
      %dma_start3A_73 = arith.constant 0 : i32
      %dma_start3A_74 = tpu.memref_slice %arg13[%add3A_68, %dma_start3A_73] : memref<50048x32xf32, #tpu.memory_space<vmem_shared>> -> memref<328x32xf32, #tpu.memory_space<vmem_shared>>
      %dma_start3A_75 = arith.constant 0 : i32
      %dma_start3A_76 = arith.constant 0 : i32
      %dma_start3A_77 = tpu.memref_slice %arg10[%dma_start3A_75, %dma_start3A_76] : memref<400x32xf32, #tpu.memory_space<vmem>> -> memref<328x32xf32, #tpu.memory_space<vmem>>
      %dma_start3A_78 = arith.constant 0 : i32
      %dma_start3A_79 = tpu.memref_slice %arg13[%add3A_68, %dma_start3A_78] : memref<50048x32xf32, #tpu.memory_space<vmem_shared>> -> memref<328x32xf32, #tpu.memory_space<vmem_shared>>
      tpu.enqueue_dma source(%dma_start3A_79 : memref<328x32xf32, #tpu.memory_space<vmem_shared>>) target(%dma_start3A_77 : memref<328x32xf32, #tpu.memory_space<vmem>>) target_semaphore(%run_scoped3A : memref<!tpu.dma_semaphore, #tpu.memory_space<semaphore_mem>>)
      %dma_wait3A = arith.constant 0 : i32
      %dma_wait3A_80 = arith.constant 0 : i32
      %dma_wait3A_81 = tpu.memref_slice %arg10[%dma_wait3A, %dma_wait3A_80] : memref<400x32xf32, #tpu.memory_space<vmem>> -> memref<328x32xf32, #tpu.memory_space<vmem>>
      %dma_wait3A_82 = arith.constant 0 : i32
      %dma_wait3A_83 = tpu.memref_slice %arg13[%add3A_68, %dma_wait3A_82] : memref<50048x32xf32, #tpu.memory_space<vmem_shared>> -> memref<328x32xf32, #tpu.memory_space<vmem_shared>>
      %dma_wait3A_84 = arith.constant 0 : i32
      %dma_wait3A_85 = arith.constant 0 : i32
      %dma_wait3A_86 = tpu.memref_slice %arg10[%dma_wait3A_84, %dma_wait3A_85] : memref<400x32xf32, #tpu.memory_space<vmem>> -> memref<328x32xf32, #tpu.memory_space<vmem>>
      %dma_wait3A_87 = arith.constant 0 : i32
      %dma_wait3A_88 = tpu.memref_slice %arg13[%add3A_68, %dma_wait3A_87] : memref<50048x32xf32, #tpu.memory_space<vmem_shared>> -> memref<328x32xf32, #tpu.memory_space<vmem_shared>>
      tpu.wait_dma2 semaphore(%run_scoped3A : memref<!tpu.dma_semaphore, #tpu.memory_space<semaphore_mem>>) src(%dma_wait3A_88 : memref<328x32xf32, #tpu.memory_space<vmem_shared>>) dst(%dma_wait3A_86 : memref<328x32xf32, #tpu.memory_space<vmem>>)
      tpu.yield
    }) : () -> ()
    %add3A_69 = arith.constant 2800 : i32
    %add3A_70 = arith.addi %add3A_38, %add3A_69 : i32
    "tpu.region"() ({
      %run_scoped3A = tpu.sem_alloc : memref<!tpu.dma_semaphore, #tpu.memory_space<semaphore_mem>>
      %dma_start3A = arith.constant 0 : i32
      %dma_start3A_71 = arith.constant 0 : i32
      %dma_start3A_72 = tpu.memref_slice %arg10[%dma_start3A, %dma_start3A_71] : memref<400x32xf32, #tpu.memory_space<vmem>> -> memref<328x32xf32, #tpu.memory_space<vmem>>
      %dma_start3A_73 = arith.constant 0 : i32
      %dma_start3A_74 = tpu.memref_slice %arg6[%add3A_70, %dma_start3A_73] : memref<100096x32xf32, #tpu.memory_space<hbm>> -> memref<328x32xf32, #tpu.memory_space<hbm>>
      %dma_start3A_75 = arith.constant 0 : i32
      %dma_start3A_76 = tpu.memref_slice %arg6[%add3A_70, %dma_start3A_75] : memref<100096x32xf32, #tpu.memory_space<hbm>> -> memref<328x32xf32, #tpu.memory_space<hbm>>
      %dma_start3A_77 = arith.constant 0 : i32
      %dma_start3A_78 = arith.constant 0 : i32
      %dma_start3A_79 = tpu.memref_slice %arg10[%dma_start3A_77, %dma_start3A_78] : memref<400x32xf32, #tpu.memory_space<vmem>> -> memref<328x32xf32, #tpu.memory_space<vmem>>
      tpu.enqueue_dma source(%dma_start3A_79 : memref<328x32xf32, #tpu.memory_space<vmem>>) target(%dma_start3A_76 : memref<328x32xf32, #tpu.memory_space<hbm>>) target_semaphore(%run_scoped3A : memref<!tpu.dma_semaphore, #tpu.memory_space<semaphore_mem>>)
      %dma_wait3A = arith.constant 0 : i32
      %dma_wait3A_80 = arith.constant 0 : i32
      %dma_wait3A_81 = tpu.memref_slice %arg10[%dma_wait3A, %dma_wait3A_80] : memref<400x32xf32, #tpu.memory_space<vmem>> -> memref<328x32xf32, #tpu.memory_space<vmem>>
      %dma_wait3A_82 = arith.constant 0 : i32
      %dma_wait3A_83 = tpu.memref_slice %arg6[%add3A_70, %dma_wait3A_82] : memref<100096x32xf32, #tpu.memory_space<hbm>> -> memref<328x32xf32, #tpu.memory_space<hbm>>
      %dma_wait3A_84 = arith.constant 0 : i32
      %dma_wait3A_85 = tpu.memref_slice %arg6[%add3A_70, %dma_wait3A_84] : memref<100096x32xf32, #tpu.memory_space<hbm>> -> memref<328x32xf32, #tpu.memory_space<hbm>>
      %dma_wait3A_86 = arith.constant 0 : i32
      %dma_wait3A_87 = arith.constant 0 : i32
      %dma_wait3A_88 = tpu.memref_slice %arg10[%dma_wait3A_86, %dma_wait3A_87] : memref<400x32xf32, #tpu.memory_space<vmem>> -> memref<328x32xf32, #tpu.memory_space<vmem>>
      tpu.wait_dma2 semaphore(%run_scoped3A : memref<!tpu.dma_semaphore, #tpu.memory_space<semaphore_mem>>) src(%dma_wait3A_88 : memref<328x32xf32, #tpu.memory_space<vmem>>) dst(%dma_wait3A_85 : memref<328x32xf32, #tpu.memory_space<hbm>>)
      tpu.yield
    }) : () -> ()
    return
  }
}

#map = affine_map<(d0, d1) -> (0, 0)>
#map1 = affine_map<(d0, d1) -> (0)>
module attributes {stable_mosaic.version = 14 : i64} {
  func.func @body(%arg0: i32, %arg1: i32, %arg2: memref<100000x32xf32, #tpu.memory_space<hbm>>, %arg3: memref<100000x32xf32, #tpu.memory_space<hbm>>, %arg4: memref<800000xi32, #tpu.memory_space<hbm>>, %arg5: memref<800000xi32, #tpu.memory_space<hbm>>, %arg6: memref<100096x32xf32, #tpu.memory_space<hbm>>, %arg7: memref<50000xf32, #tpu.memory_space<hbm>>, %arg8: memref<400xi32, #tpu.memory_space<vmem>>, %arg9: memref<400xi32, #tpu.memory_space<vmem>>, %arg10: memref<400xi32, #tpu.memory_space<vmem>>, %arg11: memref<400x32xf32, #tpu.memory_space<vmem>>, %arg12: memref<400x32xf32, #tpu.memory_space<vmem>>, %arg13: memref<400xf32, #tpu.memory_space<vmem>>, %arg14: memref<50048x32xf32, #tpu.memory_space<vmem_shared>>, %arg15: memref<50000xf32, #tpu.memory_space<vmem_shared>>, %arg16: memref<!tpu.dma_semaphore, #tpu.memory_space<semaphore_mem>>, %arg17: memref<!tpu.dma_semaphore, #tpu.memory_space<semaphore_mem>>) attributes {dimension_semantics = [#tpu.dimension_semantics<core_parallel>, #tpu.dimension_semantics<subcore_parallel>], iteration_bounds = array<i64: 2, 16>, scalar_prefetch = 0 : i64, scratch_operands = 10 : i64, tpu.core_type = #tpu.core_type<sc_vector_subcore>, window_params = [{transform_indices = #map}, {transform_indices = #map}, {transform_indices = #map1}, {transform_indices = #map1}, {transform_indices = #map}, {transform_indices = #map1}]} {
    %mul3A = arith.constant 50000 : i32
    %mul3A_0 = arith.muli %arg0, %mul3A : i32
    %mul3A_1 = arith.constant 50048 : i32
    %mul3A_2 = arith.muli %arg0, %mul3A_1 : i32
    %broadcast_in_dim3A = arith.constant 0.000000e+00 : f32
    %broadcast_in_dim3A_3 = vector.broadcast %broadcast_in_dim3A : f32 to vector<16xf32>
    %scan3A = arith.constant 0 : i32
    %scan3A_4 = arith.constant 400 : i32
    %scan3A_5 = arith.addi %scan3A, %scan3A_4 : i32
    %scan3A_6 = arith.constant 1 : i32
    scf.for %scan3A_89 = %scan3A to %scan3A_5 step %scan3A_6  : i32 {
      %swap3A = arith.index_cast %scan3A_89 : i32 to index
      %swap3A_90 = arith.constant 0 : index
      %swap3A_91 = tpu.vector_load %arg11[%swap3A, %swap3A_90] {strides = array<i32>} : memref<400x32xf32, #tpu.memory_space<vmem>>, vector<1x16xf32>,
      %swap3A_92 = vector.shape_cast %swap3A_91 : vector<1x16xf32> to vector<16xf32>
      %swap3A_93 = vector.shape_cast %broadcast_in_dim3A_3 : vector<16xf32> to vector<1x16xf32>
      tpu.vector_store %arg11[%swap3A, %swap3A_90], %swap3A_93 {strides = array<i32>} : memref<400x32xf32, #tpu.memory_space<vmem>>, vector<1x16xf32>,
      %swap3A_94 = arith.index_cast %scan3A_89 : i32 to index
      %swap3A_95 = arith.constant 16 : index
      %swap3A_96 = tpu.vector_load %arg11[%swap3A_94, %swap3A_95] {strides = array<i32>} : memref<400x32xf32, #tpu.memory_space<vmem>>, vector<1x16xf32>,
      %swap3A_97 = vector.shape_cast %swap3A_96 : vector<1x16xf32> to vector<16xf32>
      %swap3A_98 = vector.shape_cast %broadcast_in_dim3A_3 : vector<16xf32> to vector<1x16xf32>
      tpu.vector_store %arg11[%swap3A_94, %swap3A_95], %swap3A_98 {strides = array<i32>} : memref<400x32xf32, #tpu.memory_space<vmem>>, vector<1x16xf32>,
    }
    %scan3A_7 = arith.constant 400 : i32
    %scan3A_8 = arith.constant 0 : i32
    %scan3A_9 = arith.constant 25 : i32
    %scan3A_10 = arith.addi %scan3A_8, %scan3A_9 : i32
    %scan3A_11 = arith.constant 1 : i32
    scf.for %scan3A_89 = %scan3A_8 to %scan3A_10 step %scan3A_11  : i32 {
      %mul3A_90 = arith.constant 16 : i32
      %mul3A_91 = arith.muli %scan3A_89, %mul3A_90 : i32
      %swap3A = arith.index_cast %mul3A_91 : i32 to index
      %swap3A_92 = tpu.vector_load %arg13[%swap3A] {strides = array<i32>} : memref<400xf32, #tpu.memory_space<vmem>>, vector<16xf32>,
      %swap3A_93 = vector.shape_cast %swap3A_92 : vector<16xf32> to vector<16xf32>
      %swap3A_94 = vector.shape_cast %broadcast_in_dim3A_3 : vector<16xf32> to vector<16xf32>
      tpu.vector_store %arg13[%swap3A], %swap3A_94 {strides = array<i32>} : memref<400xf32, #tpu.memory_space<vmem>>, vector<16xf32>,
    }
    %scan3A_12 = arith.constant 25 : i32
    %mul3A_13 = arith.constant 3128 : i32
    %mul3A_14 = arith.muli %arg1, %mul3A_13 : i32
    %add3A = arith.constant 0 : i32
    %add3A_15 = arith.addi %mul3A_14, %add3A : i32
    "tpu.region"() ({
      %run_scoped3A = tpu.sem_alloc : memref<!tpu.dma_semaphore, #tpu.memory_space<semaphore_mem>>
      %dma_start3A = arith.constant 0 : i32
      %dma_start3A_89 = tpu.memref_slice %arg14[%add3A_15, %dma_start3A] : memref<50048x32xf32, #tpu.memory_space<vmem_shared>> -> memref<400x32xf32, #tpu.memory_space<vmem_shared>>
      %dma_start3A_90 = arith.constant 0 : i32
      %dma_start3A_91 = tpu.memref_slice %arg14[%add3A_15, %dma_start3A_90] : memref<50048x32xf32, #tpu.memory_space<vmem_shared>> -> memref<400x32xf32, #tpu.memory_space<vmem_shared>>
      tpu.enqueue_dma source(%arg11 : memref<400x32xf32, #tpu.memory_space<vmem>>) target(%dma_start3A_91 : memref<400x32xf32, #tpu.memory_space<vmem_shared>>) target_semaphore(%run_scoped3A : memref<!tpu.dma_semaphore, #tpu.memory_space<semaphore_mem>>)
      %dma_wait3A = arith.constant 0 : i32
      %dma_wait3A_92 = tpu.memref_slice %arg14[%add3A_15, %dma_wait3A] : memref<50048x32xf32, #tpu.memory_space<vmem_shared>> -> memref<400x32xf32, #tpu.memory_space<vmem_shared>>
      %dma_wait3A_93 = arith.constant 0 : i32
      %dma_wait3A_94 = tpu.memref_slice %arg14[%add3A_15, %dma_wait3A_93] : memref<50048x32xf32, #tpu.memory_space<vmem_shared>> -> memref<400x32xf32, #tpu.memory_space<vmem_shared>>
      tpu.wait_dma2 semaphore(%run_scoped3A : memref<!tpu.dma_semaphore, #tpu.memory_space<semaphore_mem>>) src(%arg11 : memref<400x32xf32, #tpu.memory_space<vmem>>) dst(%dma_wait3A_94 : memref<400x32xf32, #tpu.memory_space<vmem_shared>>)
      tpu.yield
    }) : () -> ()
    %add3A_16 = arith.constant 400 : i32
    %add3A_17 = arith.addi %mul3A_14, %add3A_16 : i32
    "tpu.region"() ({
      %run_scoped3A = tpu.sem_alloc : memref<!tpu.dma_semaphore, #tpu.memory_space<semaphore_mem>>
      %dma_start3A = arith.constant 0 : i32
      %dma_start3A_89 = tpu.memref_slice %arg14[%add3A_17, %dma_start3A] : memref<50048x32xf32, #tpu.memory_space<vmem_shared>> -> memref<400x32xf32, #tpu.memory_space<vmem_shared>>
      %dma_start3A_90 = arith.constant 0 : i32
      %dma_start3A_91 = tpu.memref_slice %arg14[%add3A_17, %dma_start3A_90] : memref<50048x32xf32, #tpu.memory_space<vmem_shared>> -> memref<400x32xf32, #tpu.memory_space<vmem_shared>>
      tpu.enqueue_dma source(%arg11 : memref<400x32xf32, #tpu.memory_space<vmem>>) target(%dma_start3A_91 : memref<400x32xf32, #tpu.memory_space<vmem_shared>>) target_semaphore(%run_scoped3A : memref<!tpu.dma_semaphore, #tpu.memory_space<semaphore_mem>>)
      %dma_wait3A = arith.constant 0 : i32
      %dma_wait3A_92 = tpu.memref_slice %arg14[%add3A_17, %dma_wait3A] : memref<50048x32xf32, #tpu.memory_space<vmem_shared>> -> memref<400x32xf32, #tpu.memory_space<vmem_shared>>
      %dma_wait3A_93 = arith.constant 0 : i32
      %dma_wait3A_94 = tpu.memref_slice %arg14[%add3A_17, %dma_wait3A_93] : memref<50048x32xf32, #tpu.memory_space<vmem_shared>> -> memref<400x32xf32, #tpu.memory_space<vmem_shared>>
      tpu.wait_dma2 semaphore(%run_scoped3A : memref<!tpu.dma_semaphore, #tpu.memory_space<semaphore_mem>>) src(%arg11 : memref<400x32xf32, #tpu.memory_space<vmem>>) dst(%dma_wait3A_94 : memref<400x32xf32, #tpu.memory_space<vmem_shared>>)
      tpu.yield
    }) : () -> ()
    %add3A_18 = arith.constant 800 : i32
    %add3A_19 = arith.addi %mul3A_14, %add3A_18 : i32
    "tpu.region"() ({
      %run_scoped3A = tpu.sem_alloc : memref<!tpu.dma_semaphore, #tpu.memory_space<semaphore_mem>>
      %dma_start3A = arith.constant 0 : i32
      %dma_start3A_89 = tpu.memref_slice %arg14[%add3A_19, %dma_start3A] : memref<50048x32xf32, #tpu.memory_space<vmem_shared>> -> memref<400x32xf32, #tpu.memory_space<vmem_shared>>
      %dma_start3A_90 = arith.constant 0 : i32
      %dma_start3A_91 = tpu.memref_slice %arg14[%add3A_19, %dma_start3A_90] : memref<50048x32xf32, #tpu.memory_space<vmem_shared>> -> memref<400x32xf32, #tpu.memory_space<vmem_shared>>
      tpu.enqueue_dma source(%arg11 : memref<400x32xf32, #tpu.memory_space<vmem>>) target(%dma_start3A_91 : memref<400x32xf32, #tpu.memory_space<vmem_shared>>) target_semaphore(%run_scoped3A : memref<!tpu.dma_semaphore, #tpu.memory_space<semaphore_mem>>)
      %dma_wait3A = arith.constant 0 : i32
      %dma_wait3A_92 = tpu.memref_slice %arg14[%add3A_19, %dma_wait3A] : memref<50048x32xf32, #tpu.memory_space<vmem_shared>> -> memref<400x32xf32, #tpu.memory_space<vmem_shared>>
      %dma_wait3A_93 = arith.constant 0 : i32
      %dma_wait3A_94 = tpu.memref_slice %arg14[%add3A_19, %dma_wait3A_93] : memref<50048x32xf32, #tpu.memory_space<vmem_shared>> -> memref<400x32xf32, #tpu.memory_space<vmem_shared>>
      tpu.wait_dma2 semaphore(%run_scoped3A : memref<!tpu.dma_semaphore, #tpu.memory_space<semaphore_mem>>) src(%arg11 : memref<400x32xf32, #tpu.memory_space<vmem>>) dst(%dma_wait3A_94 : memref<400x32xf32, #tpu.memory_space<vmem_shared>>)
      tpu.yield
    }) : () -> ()
    %add3A_20 = arith.constant 1200 : i32
    %add3A_21 = arith.addi %mul3A_14, %add3A_20 : i32
    "tpu.region"() ({
      %run_scoped3A = tpu.sem_alloc : memref<!tpu.dma_semaphore, #tpu.memory_space<semaphore_mem>>
      %dma_start3A = arith.constant 0 : i32
      %dma_start3A_89 = tpu.memref_slice %arg14[%add3A_21, %dma_start3A] : memref<50048x32xf32, #tpu.memory_space<vmem_shared>> -> memref<400x32xf32, #tpu.memory_space<vmem_shared>>
      %dma_start3A_90 = arith.constant 0 : i32
      %dma_start3A_91 = tpu.memref_slice %arg14[%add3A_21, %dma_start3A_90] : memref<50048x32xf32, #tpu.memory_space<vmem_shared>> -> memref<400x32xf32, #tpu.memory_space<vmem_shared>>
      tpu.enqueue_dma source(%arg11 : memref<400x32xf32, #tpu.memory_space<vmem>>) target(%dma_start3A_91 : memref<400x32xf32, #tpu.memory_space<vmem_shared>>) target_semaphore(%run_scoped3A : memref<!tpu.dma_semaphore, #tpu.memory_space<semaphore_mem>>)
      %dma_wait3A = arith.constant 0 : i32
      %dma_wait3A_92 = tpu.memref_slice %arg14[%add3A_21, %dma_wait3A] : memref<50048x32xf32, #tpu.memory_space<vmem_shared>> -> memref<400x32xf32, #tpu.memory_space<vmem_shared>>
      %dma_wait3A_93 = arith.constant 0 : i32
      %dma_wait3A_94 = tpu.memref_slice %arg14[%add3A_21, %dma_wait3A_93] : memref<50048x32xf32, #tpu.memory_space<vmem_shared>> -> memref<400x32xf32, #tpu.memory_space<vmem_shared>>
      tpu.wait_dma2 semaphore(%run_scoped3A : memref<!tpu.dma_semaphore, #tpu.memory_space<semaphore_mem>>) src(%arg11 : memref<400x32xf32, #tpu.memory_space<vmem>>) dst(%dma_wait3A_94 : memref<400x32xf32, #tpu.memory_space<vmem_shared>>)
      tpu.yield
    }) : () -> ()
    %add3A_22 = arith.constant 1600 : i32
    %add3A_23 = arith.addi %mul3A_14, %add3A_22 : i32
    "tpu.region"() ({
      %run_scoped3A = tpu.sem_alloc : memref<!tpu.dma_semaphore, #tpu.memory_space<semaphore_mem>>
      %dma_start3A = arith.constant 0 : i32
      %dma_start3A_89 = tpu.memref_slice %arg14[%add3A_23, %dma_start3A] : memref<50048x32xf32, #tpu.memory_space<vmem_shared>> -> memref<400x32xf32, #tpu.memory_space<vmem_shared>>
      %dma_start3A_90 = arith.constant 0 : i32
      %dma_start3A_91 = tpu.memref_slice %arg14[%add3A_23, %dma_start3A_90] : memref<50048x32xf32, #tpu.memory_space<vmem_shared>> -> memref<400x32xf32, #tpu.memory_space<vmem_shared>>
      tpu.enqueue_dma source(%arg11 : memref<400x32xf32, #tpu.memory_space<vmem>>) target(%dma_start3A_91 : memref<400x32xf32, #tpu.memory_space<vmem_shared>>) target_semaphore(%run_scoped3A : memref<!tpu.dma_semaphore, #tpu.memory_space<semaphore_mem>>)
      %dma_wait3A = arith.constant 0 : i32
      %dma_wait3A_92 = tpu.memref_slice %arg14[%add3A_23, %dma_wait3A] : memref<50048x32xf32, #tpu.memory_space<vmem_shared>> -> memref<400x32xf32, #tpu.memory_space<vmem_shared>>
      %dma_wait3A_93 = arith.constant 0 : i32
      %dma_wait3A_94 = tpu.memref_slice %arg14[%add3A_23, %dma_wait3A_93] : memref<50048x32xf32, #tpu.memory_space<vmem_shared>> -> memref<400x32xf32, #tpu.memory_space<vmem_shared>>
      tpu.wait_dma2 semaphore(%run_scoped3A : memref<!tpu.dma_semaphore, #tpu.memory_space<semaphore_mem>>) src(%arg11 : memref<400x32xf32, #tpu.memory_space<vmem>>) dst(%dma_wait3A_94 : memref<400x32xf32, #tpu.memory_space<vmem_shared>>)
      tpu.yield
    }) : () -> ()
    %add3A_24 = arith.constant 2000 : i32
    %add3A_25 = arith.addi %mul3A_14, %add3A_24 : i32
    "tpu.region"() ({
      %run_scoped3A = tpu.sem_alloc : memref<!tpu.dma_semaphore, #tpu.memory_space<semaphore_mem>>
      %dma_start3A = arith.constant 0 : i32
      %dma_start3A_89 = tpu.memref_slice %arg14[%add3A_25, %dma_start3A] : memref<50048x32xf32, #tpu.memory_space<vmem_shared>> -> memref<400x32xf32, #tpu.memory_space<vmem_shared>>
      %dma_start3A_90 = arith.constant 0 : i32
      %dma_start3A_91 = tpu.memref_slice %arg14[%add3A_25, %dma_start3A_90] : memref<50048x32xf32, #tpu.memory_space<vmem_shared>> -> memref<400x32xf32, #tpu.memory_space<vmem_shared>>
      tpu.enqueue_dma source(%arg11 : memref<400x32xf32, #tpu.memory_space<vmem>>) target(%dma_start3A_91 : memref<400x32xf32, #tpu.memory_space<vmem_shared>>) target_semaphore(%run_scoped3A : memref<!tpu.dma_semaphore, #tpu.memory_space<semaphore_mem>>)
      %dma_wait3A = arith.constant 0 : i32
      %dma_wait3A_92 = tpu.memref_slice %arg14[%add3A_25, %dma_wait3A] : memref<50048x32xf32, #tpu.memory_space<vmem_shared>> -> memref<400x32xf32, #tpu.memory_space<vmem_shared>>
      %dma_wait3A_93 = arith.constant 0 : i32
      %dma_wait3A_94 = tpu.memref_slice %arg14[%add3A_25, %dma_wait3A_93] : memref<50048x32xf32, #tpu.memory_space<vmem_shared>> -> memref<400x32xf32, #tpu.memory_space<vmem_shared>>
      tpu.wait_dma2 semaphore(%run_scoped3A : memref<!tpu.dma_semaphore, #tpu.memory_space<semaphore_mem>>) src(%arg11 : memref<400x32xf32, #tpu.memory_space<vmem>>) dst(%dma_wait3A_94 : memref<400x32xf32, #tpu.memory_space<vmem_shared>>)
      tpu.yield
    }) : () -> ()
    %add3A_26 = arith.constant 2400 : i32
    %add3A_27 = arith.addi %mul3A_14, %add3A_26 : i32
    "tpu.region"() ({
      %run_scoped3A = tpu.sem_alloc : memref<!tpu.dma_semaphore, #tpu.memory_space<semaphore_mem>>
      %dma_start3A = arith.constant 0 : i32
      %dma_start3A_89 = tpu.memref_slice %arg14[%add3A_27, %dma_start3A] : memref<50048x32xf32, #tpu.memory_space<vmem_shared>> -> memref<400x32xf32, #tpu.memory_space<vmem_shared>>
      %dma_start3A_90 = arith.constant 0 : i32
      %dma_start3A_91 = tpu.memref_slice %arg14[%add3A_27, %dma_start3A_90] : memref<50048x32xf32, #tpu.memory_space<vmem_shared>> -> memref<400x32xf32, #tpu.memory_space<vmem_shared>>
      tpu.enqueue_dma source(%arg11 : memref<400x32xf32, #tpu.memory_space<vmem>>) target(%dma_start3A_91 : memref<400x32xf32, #tpu.memory_space<vmem_shared>>) target_semaphore(%run_scoped3A : memref<!tpu.dma_semaphore, #tpu.memory_space<semaphore_mem>>)
      %dma_wait3A = arith.constant 0 : i32
      %dma_wait3A_92 = tpu.memref_slice %arg14[%add3A_27, %dma_wait3A] : memref<50048x32xf32, #tpu.memory_space<vmem_shared>> -> memref<400x32xf32, #tpu.memory_space<vmem_shared>>
      %dma_wait3A_93 = arith.constant 0 : i32
      %dma_wait3A_94 = tpu.memref_slice %arg14[%add3A_27, %dma_wait3A_93] : memref<50048x32xf32, #tpu.memory_space<vmem_shared>> -> memref<400x32xf32, #tpu.memory_space<vmem_shared>>
      tpu.wait_dma2 semaphore(%run_scoped3A : memref<!tpu.dma_semaphore, #tpu.memory_space<semaphore_mem>>) src(%arg11 : memref<400x32xf32, #tpu.memory_space<vmem>>) dst(%dma_wait3A_94 : memref<400x32xf32, #tpu.memory_space<vmem_shared>>)
      tpu.yield
    }) : () -> ()
    %add3A_28 = arith.constant 2800 : i32
    %add3A_29 = arith.addi %mul3A_14, %add3A_28 : i32
    "tpu.region"() ({
      %run_scoped3A = tpu.sem_alloc : memref<!tpu.dma_semaphore, #tpu.memory_space<semaphore_mem>>
      %dma_start3A = arith.constant 0 : i32
      %dma_start3A_89 = arith.constant 0 : i32
      %dma_start3A_90 = tpu.memref_slice %arg11[%dma_start3A, %dma_start3A_89] : memref<400x32xf32, #tpu.memory_space<vmem>> -> memref<328x32xf32, #tpu.memory_space<vmem>>
      %dma_start3A_91 = arith.constant 0 : i32
      %dma_start3A_92 = tpu.memref_slice %arg14[%add3A_29, %dma_start3A_91] : memref<50048x32xf32, #tpu.memory_space<vmem_shared>> -> memref<328x32xf32, #tpu.memory_space<vmem_shared>>
      %dma_start3A_93 = arith.constant 0 : i32
      %dma_start3A_94 = tpu.memref_slice %arg14[%add3A_29, %dma_start3A_93] : memref<50048x32xf32, #tpu.memory_space<vmem_shared>> -> memref<328x32xf32, #tpu.memory_space<vmem_shared>>
      %dma_start3A_95 = arith.constant 0 : i32
      %dma_start3A_96 = arith.constant 0 : i32
      %dma_start3A_97 = tpu.memref_slice %arg11[%dma_start3A_95, %dma_start3A_96] : memref<400x32xf32, #tpu.memory_space<vmem>> -> memref<328x32xf32, #tpu.memory_space<vmem>>
      tpu.enqueue_dma source(%dma_start3A_97 : memref<328x32xf32, #tpu.memory_space<vmem>>) target(%dma_start3A_94 : memref<328x32xf32, #tpu.memory_space<vmem_shared>>) target_semaphore(%run_scoped3A : memref<!tpu.dma_semaphore, #tpu.memory_space<semaphore_mem>>)
      %dma_wait3A = arith.constant 0 : i32
      %dma_wait3A_98 = arith.constant 0 : i32
      %dma_wait3A_99 = tpu.memref_slice %arg11[%dma_wait3A, %dma_wait3A_98] : memref<400x32xf32, #tpu.memory_space<vmem>> -> memref<328x32xf32, #tpu.memory_space<vmem>>
      %dma_wait3A_100 = arith.constant 0 : i32
      %dma_wait3A_101 = tpu.memref_slice %arg14[%add3A_29, %dma_wait3A_100] : memref<50048x32xf32, #tpu.memory_space<vmem_shared>> -> memref<328x32xf32, #tpu.memory_space<vmem_shared>>
      %dma_wait3A_102 = arith.constant 0 : i32
      %dma_wait3A_103 = tpu.memref_slice %arg14[%add3A_29, %dma_wait3A_102] : memref<50048x32xf32, #tpu.memory_space<vmem_shared>> -> memref<328x32xf32, #tpu.memory_space<vmem_shared>>
      %dma_wait3A_104 = arith.constant 0 : i32
      %dma_wait3A_105 = arith.constant 0 : i32
      %dma_wait3A_106 = tpu.memref_slice %arg11[%dma_wait3A_104, %dma_wait3A_105] : memref<400x32xf32, #tpu.memory_space<vmem>> -> memref<328x32xf32, #tpu.memory_space<vmem>>
      tpu.wait_dma2 semaphore(%run_scoped3A : memref<!tpu.dma_semaphore, #tpu.memory_space<semaphore_mem>>) src(%dma_wait3A_106 : memref<328x32xf32, #tpu.memory_space<vmem>>) dst(%dma_wait3A_103 : memref<328x32xf32, #tpu.memory_space<vmem_shared>>)
      tpu.yield
    }) : () -> ()
    %eq3A = arith.constant 0 : i32
    %eq3A_30 = arith.cmpi eq, %arg0, %eq3A : i32
    %lt3A = arith.constant 10 : i32
    %lt3A_31 = arith.cmpi slt, %arg1, %lt3A : i32
    %and3A = arith.andi %eq3A_30, %lt3A_31 : i1
    %convert_element_type3A = arith.extui %and3A : i1 to i32
    %cond3A = arith.constant 0 : i32
    %cond3A_32 = arith.cmpi ne, %convert_element_type3A, %cond3A : i32
    scf.if %cond3A_32 {
      %mul3A_89 = arith.constant 5000 : i32
      %mul3A_90 = arith.muli %arg1, %mul3A_89 : i32
      %add3A_91 = arith.constant 0 : i32
      %add3A_92 = arith.addi %mul3A_90, %add3A_91 : i32
      "tpu.region"() ({
        %run_scoped3A = tpu.sem_alloc : memref<!tpu.dma_semaphore, #tpu.memory_space<semaphore_mem>>
        %dma_start3A = tpu.memref_slice %arg15[%add3A_92] : memref<50000xf32, #tpu.memory_space<vmem_shared>> -> memref<400xf32, #tpu.memory_space<vmem_shared>>
        %dma_start3A_141 = tpu.memref_slice %arg15[%add3A_92] : memref<50000xf32, #tpu.memory_space<vmem_shared>> -> memref<400xf32, #tpu.memory_space<vmem_shared>>
        tpu.enqueue_dma source(%arg13 : memref<400xf32, #tpu.memory_space<vmem>>) target(%dma_start3A_141 : memref<400xf32, #tpu.memory_space<vmem_shared>>) target_semaphore(%run_scoped3A : memref<!tpu.dma_semaphore, #tpu.memory_space<semaphore_mem>>)
        %dma_wait3A = tpu.memref_slice %arg15[%add3A_92] : memref<50000xf32, #tpu.memory_space<vmem_shared>> -> memref<400xf32, #tpu.memory_space<vmem_shared>>
        %dma_wait3A_142 = tpu.memref_slice %arg15[%add3A_92] : memref<50000xf32, #tpu.memory_space<vmem_shared>> -> memref<400xf32, #tpu.memory_space<vmem_shared>>
        tpu.wait_dma2 semaphore(%run_scoped3A : memref<!tpu.dma_semaphore, #tpu.memory_space<semaphore_mem>>) src(%arg13 : memref<400xf32, #tpu.memory_space<vmem>>) dst(%dma_wait3A_142 : memref<400xf32, #tpu.memory_space<vmem_shared>>)
        tpu.yield
      }) : () -> ()
      %mul3A_93 = arith.constant 5000 : i32
      %mul3A_94 = arith.muli %arg1, %mul3A_93 : i32
      %add3A_95 = arith.constant 400 : i32
      %add3A_96 = arith.addi %mul3A_94, %add3A_95 : i32
      "tpu.region"() ({
        %run_scoped3A = tpu.sem_alloc : memref<!tpu.dma_semaphore, #tpu.memory_space<semaphore_mem>>
        %dma_start3A = tpu.memref_slice %arg15[%add3A_96] : memref<50000xf32, #tpu.memory_space<vmem_shared>> -> memref<400xf32, #tpu.memory_space<vmem_shared>>
        %dma_start3A_141 = tpu.memref_slice %arg15[%add3A_96] : memref<50000xf32, #tpu.memory_space<vmem_shared>> -> memref<400xf32, #tpu.memory_space<vmem_shared>>
        tpu.enqueue_dma source(%arg13 : memref<400xf32, #tpu.memory_space<vmem>>) target(%dma_start3A_141 : memref<400xf32, #tpu.memory_space<vmem_shared>>) target_semaphore(%run_scoped3A : memref<!tpu.dma_semaphore, #tpu.memory_space<semaphore_mem>>)
        %dma_wait3A = tpu.memref_slice %arg15[%add3A_96] : memref<50000xf32, #tpu.memory_space<vmem_shared>> -> memref<400xf32, #tpu.memory_space<vmem_shared>>
        %dma_wait3A_142 = tpu.memref_slice %arg15[%add3A_96] : memref<50000xf32, #tpu.memory_space<vmem_shared>> -> memref<400xf32, #tpu.memory_space<vmem_shared>>
        tpu.wait_dma2 semaphore(%run_scoped3A : memref<!tpu.dma_semaphore, #tpu.memory_space<semaphore_mem>>) src(%arg13 : memref<400xf32, #tpu.memory_space<vmem>>) dst(%dma_wait3A_142 : memref<400xf32, #tpu.memory_space<vmem_shared>>)
        tpu.yield
      }) : () -> ()
      %mul3A_97 = arith.constant 5000 : i32
      %mul3A_98 = arith.muli %arg1, %mul3A_97 : i32
      %add3A_99 = arith.constant 800 : i32
      %add3A_100 = arith.addi %mul3A_98, %add3A_99 : i32
      "tpu.region"() ({
        %run_scoped3A = tpu.sem_alloc : memref<!tpu.dma_semaphore, #tpu.memory_space<semaphore_mem>>
        %dma_start3A = tpu.memref_slice %arg15[%add3A_100] : memref<50000xf32, #tpu.memory_space<vmem_shared>> -> memref<400xf32, #tpu.memory_space<vmem_shared>>
        %dma_start3A_141 = tpu.memref_slice %arg15[%add3A_100] : memref<50000xf32, #tpu.memory_space<vmem_shared>> -> memref<400xf32, #tpu.memory_space<vmem_shared>>
        tpu.enqueue_dma source(%arg13 : memref<400xf32, #tpu.memory_space<vmem>>) target(%dma_start3A_141 : memref<400xf32, #tpu.memory_space<vmem_shared>>) target_semaphore(%run_scoped3A : memref<!tpu.dma_semaphore, #tpu.memory_space<semaphore_mem>>)
        %dma_wait3A = tpu.memref_slice %arg15[%add3A_100] : memref<50000xf32, #tpu.memory_space<vmem_shared>> -> memref<400xf32, #tpu.memory_space<vmem_shared>>
        %dma_wait3A_142 = tpu.memref_slice %arg15[%add3A_100] : memref<50000xf32, #tpu.memory_space<vmem_shared>> -> memref<400xf32, #tpu.memory_space<vmem_shared>>
        tpu.wait_dma2 semaphore(%run_scoped3A : memref<!tpu.dma_semaphore, #tpu.memory_space<semaphore_mem>>) src(%arg13 : memref<400xf32, #tpu.memory_space<vmem>>) dst(%dma_wait3A_142 : memref<400xf32, #tpu.memory_space<vmem_shared>>)
        tpu.yield
      }) : () -> ()
      %mul3A_101 = arith.constant 5000 : i32
      %mul3A_102 = arith.muli %arg1, %mul3A_101 : i32
      %add3A_103 = arith.constant 1200 : i32
      %add3A_104 = arith.addi %mul3A_102, %add3A_103 : i32
      "tpu.region"() ({
        %run_scoped3A = tpu.sem_alloc : memref<!tpu.dma_semaphore, #tpu.memory_space<semaphore_mem>>
        %dma_start3A = tpu.memref_slice %arg15[%add3A_104] : memref<50000xf32, #tpu.memory_space<vmem_shared>> -> memref<400xf32, #tpu.memory_space<vmem_shared>>
        %dma_start3A_141 = tpu.memref_slice %arg15[%add3A_104] : memref<50000xf32, #tpu.memory_space<vmem_shared>> -> memref<400xf32, #tpu.memory_space<vmem_shared>>
        tpu.enqueue_dma source(%arg13 : memref<400xf32, #tpu.memory_space<vmem>>) target(%dma_start3A_141 : memref<400xf32, #tpu.memory_space<vmem_shared>>) target_semaphore(%run_scoped3A : memref<!tpu.dma_semaphore, #tpu.memory_space<semaphore_mem>>)
        %dma_wait3A = tpu.memref_slice %arg15[%add3A_104] : memref<50000xf32, #tpu.memory_space<vmem_shared>> -> memref<400xf32, #tpu.memory_space<vmem_shared>>
        %dma_wait3A_142 = tpu.memref_slice %arg15[%add3A_104] : memref<50000xf32, #tpu.memory_space<vmem_shared>> -> memref<400xf32, #tpu.memory_space<vmem_shared>>
        tpu.wait_dma2 semaphore(%run_scoped3A : memref<!tpu.dma_semaphore, #tpu.memory_space<semaphore_mem>>) src(%arg13 : memref<400xf32, #tpu.memory_space<vmem>>) dst(%dma_wait3A_142 : memref<400xf32, #tpu.memory_space<vmem_shared>>)
        tpu.yield
      }) : () -> ()
      %mul3A_105 = arith.constant 5000 : i32
      %mul3A_106 = arith.muli %arg1, %mul3A_105 : i32
      %add3A_107 = arith.constant 1600 : i32
      %add3A_108 = arith.addi %mul3A_106, %add3A_107 : i32
      "tpu.region"() ({
        %run_scoped3A = tpu.sem_alloc : memref<!tpu.dma_semaphore, #tpu.memory_space<semaphore_mem>>
        %dma_start3A = tpu.memref_slice %arg15[%add3A_108] : memref<50000xf32, #tpu.memory_space<vmem_shared>> -> memref<400xf32, #tpu.memory_space<vmem_shared>>
        %dma_start3A_141 = tpu.memref_slice %arg15[%add3A_108] : memref<50000xf32, #tpu.memory_space<vmem_shared>> -> memref<400xf32, #tpu.memory_space<vmem_shared>>
        tpu.enqueue_dma source(%arg13 : memref<400xf32, #tpu.memory_space<vmem>>) target(%dma_start3A_141 : memref<400xf32, #tpu.memory_space<vmem_shared>>) target_semaphore(%run_scoped3A : memref<!tpu.dma_semaphore, #tpu.memory_space<semaphore_mem>>)
        %dma_wait3A = tpu.memref_slice %arg15[%add3A_108] : memref<50000xf32, #tpu.memory_space<vmem_shared>> -> memref<400xf32, #tpu.memory_space<vmem_shared>>
        %dma_wait3A_142 = tpu.memref_slice %arg15[%add3A_108] : memref<50000xf32, #tpu.memory_space<vmem_shared>> -> memref<400xf32, #tpu.memory_space<vmem_shared>>
        tpu.wait_dma2 semaphore(%run_scoped3A : memref<!tpu.dma_semaphore, #tpu.memory_space<semaphore_mem>>) src(%arg13 : memref<400xf32, #tpu.memory_space<vmem>>) dst(%dma_wait3A_142 : memref<400xf32, #tpu.memory_space<vmem_shared>>)
        tpu.yield
      }) : () -> ()
      %mul3A_109 = arith.constant 5000 : i32
      %mul3A_110 = arith.muli %arg1, %mul3A_109 : i32
      %add3A_111 = arith.constant 2000 : i32
      %add3A_112 = arith.addi %mul3A_110, %add3A_111 : i32
      "tpu.region"() ({
        %run_scoped3A = tpu.sem_alloc : memref<!tpu.dma_semaphore, #tpu.memory_space<semaphore_mem>>
        %dma_start3A = tpu.memref_slice %arg15[%add3A_112] : memref<50000xf32, #tpu.memory_space<vmem_shared>> -> memref<400xf32, #tpu.memory_space<vmem_shared>>
        %dma_start3A_141 = tpu.memref_slice %arg15[%add3A_112] : memref<50000xf32, #tpu.memory_space<vmem_shared>> -> memref<400xf32, #tpu.memory_space<vmem_shared>>
        tpu.enqueue_dma source(%arg13 : memref<400xf32, #tpu.memory_space<vmem>>) target(%dma_start3A_141 : memref<400xf32, #tpu.memory_space<vmem_shared>>) target_semaphore(%run_scoped3A : memref<!tpu.dma_semaphore, #tpu.memory_space<semaphore_mem>>)
        %dma_wait3A = tpu.memref_slice %arg15[%add3A_112] : memref<50000xf32, #tpu.memory_space<vmem_shared>> -> memref<400xf32, #tpu.memory_space<vmem_shared>>
        %dma_wait3A_142 = tpu.memref_slice %arg15[%add3A_112] : memref<50000xf32, #tpu.memory_space<vmem_shared>> -> memref<400xf32, #tpu.memory_space<vmem_shared>>
        tpu.wait_dma2 semaphore(%run_scoped3A : memref<!tpu.dma_semaphore, #tpu.memory_space<semaphore_mem>>) src(%arg13 : memref<400xf32, #tpu.memory_space<vmem>>) dst(%dma_wait3A_142 : memref<400xf32, #tpu.memory_space<vmem_shared>>)
        tpu.yield
      }) : () -> ()
      %mul3A_113 = arith.constant 5000 : i32
      %mul3A_114 = arith.muli %arg1, %mul3A_113 : i32
      %add3A_115 = arith.constant 2400 : i32
      %add3A_116 = arith.addi %mul3A_114, %add3A_115 : i32
      "tpu.region"() ({
        %run_scoped3A = tpu.sem_alloc : memref<!tpu.dma_semaphore, #tpu.memory_space<semaphore_mem>>
        %dma_start3A = tpu.memref_slice %arg15[%add3A_116] : memref<50000xf32, #tpu.memory_space<vmem_shared>> -> memref<400xf32, #tpu.memory_space<vmem_shared>>
        %dma_start3A_141 = tpu.memref_slice %arg15[%add3A_116] : memref<50000xf32, #tpu.memory_space<vmem_shared>> -> memref<400xf32, #tpu.memory_space<vmem_shared>>
        tpu.enqueue_dma source(%arg13 : memref<400xf32, #tpu.memory_space<vmem>>) target(%dma_start3A_141 : memref<400xf32, #tpu.memory_space<vmem_shared>>) target_semaphore(%run_scoped3A : memref<!tpu.dma_semaphore, #tpu.memory_space<semaphore_mem>>)
        %dma_wait3A = tpu.memref_slice %arg15[%add3A_116] : memref<50000xf32, #tpu.memory_space<vmem_shared>> -> memref<400xf32, #tpu.memory_space<vmem_shared>>
        %dma_wait3A_142 = tpu.memref_slice %arg15[%add3A_116] : memref<50000xf32, #tpu.memory_space<vmem_shared>> -> memref<400xf32, #tpu.memory_space<vmem_shared>>
        tpu.wait_dma2 semaphore(%run_scoped3A : memref<!tpu.dma_semaphore, #tpu.memory_space<semaphore_mem>>) src(%arg13 : memref<400xf32, #tpu.memory_space<vmem>>) dst(%dma_wait3A_142 : memref<400xf32, #tpu.memory_space<vmem_shared>>)
        tpu.yield
      }) : () -> ()
      %mul3A_117 = arith.constant 5000 : i32
      %mul3A_118 = arith.muli %arg1, %mul3A_117 : i32
      %add3A_119 = arith.constant 2800 : i32
      %add3A_120 = arith.addi %mul3A_118, %add3A_119 : i32
      "tpu.region"() ({
        %run_scoped3A = tpu.sem_alloc : memref<!tpu.dma_semaphore, #tpu.memory_space<semaphore_mem>>
        %dma_start3A = tpu.memref_slice %arg15[%add3A_120] : memref<50000xf32, #tpu.memory_space<vmem_shared>> -> memref<400xf32, #tpu.memory_space<vmem_shared>>
        %dma_start3A_141 = tpu.memref_slice %arg15[%add3A_120] : memref<50000xf32, #tpu.memory_space<vmem_shared>> -> memref<400xf32, #tpu.memory_space<vmem_shared>>
        tpu.enqueue_dma source(%arg13 : memref<400xf32, #tpu.memory_space<vmem>>) target(%dma_start3A_141 : memref<400xf32, #tpu.memory_space<vmem_shared>>) target_semaphore(%run_scoped3A : memref<!tpu.dma_semaphore, #tpu.memory_space<semaphore_mem>>)
        %dma_wait3A = tpu.memref_slice %arg15[%add3A_120] : memref<50000xf32, #tpu.memory_space<vmem_shared>> -> memref<400xf32, #tpu.memory_space<vmem_shared>>
        %dma_wait3A_142 = tpu.memref_slice %arg15[%add3A_120] : memref<50000xf32, #tpu.memory_space<vmem_shared>> -> memref<400xf32, #tpu.memory_space<vmem_shared>>
        tpu.wait_dma2 semaphore(%run_scoped3A : memref<!tpu.dma_semaphore, #tpu.memory_space<semaphore_mem>>) src(%arg13 : memref<400xf32, #tpu.memory_space<vmem>>) dst(%dma_wait3A_142 : memref<400xf32, #tpu.memory_space<vmem_shared>>)
        tpu.yield
      }) : () -> ()
      %mul3A_121 = arith.constant 5000 : i32
      %mul3A_122 = arith.muli %arg1, %mul3A_121 : i32
      %add3A_123 = arith.constant 3200 : i32
      %add3A_124 = arith.addi %mul3A_122, %add3A_123 : i32
      "tpu.region"() ({
        %run_scoped3A = tpu.sem_alloc : memref<!tpu.dma_semaphore, #tpu.memory_space<semaphore_mem>>
        %dma_start3A = tpu.memref_slice %arg15[%add3A_124] : memref<50000xf32, #tpu.memory_space<vmem_shared>> -> memref<400xf32, #tpu.memory_space<vmem_shared>>
        %dma_start3A_141 = tpu.memref_slice %arg15[%add3A_124] : memref<50000xf32, #tpu.memory_space<vmem_shared>> -> memref<400xf32, #tpu.memory_space<vmem_shared>>
        tpu.enqueue_dma source(%arg13 : memref<400xf32, #tpu.memory_space<vmem>>) target(%dma_start3A_141 : memref<400xf32, #tpu.memory_space<vmem_shared>>) target_semaphore(%run_scoped3A : memref<!tpu.dma_semaphore, #tpu.memory_space<semaphore_mem>>)
        %dma_wait3A = tpu.memref_slice %arg15[%add3A_124] : memref<50000xf32, #tpu.memory_space<vmem_shared>> -> memref<400xf32, #tpu.memory_space<vmem_shared>>
        %dma_wait3A_142 = tpu.memref_slice %arg15[%add3A_124] : memref<50000xf32, #tpu.memory_space<vmem_shared>> -> memref<400xf32, #tpu.memory_space<vmem_shared>>
        tpu.wait_dma2 semaphore(%run_scoped3A : memref<!tpu.dma_semaphore, #tpu.memory_space<semaphore_mem>>) src(%arg13 : memref<400xf32, #tpu.memory_space<vmem>>) dst(%dma_wait3A_142 : memref<400xf32, #tpu.memory_space<vmem_shared>>)
        tpu.yield
      }) : () -> ()
      %mul3A_125 = arith.constant 5000 : i32
      %mul3A_126 = arith.muli %arg1, %mul3A_125 : i32
      %add3A_127 = arith.constant 3600 : i32
      %add3A_128 = arith.addi %mul3A_126, %add3A_127 : i32
      "tpu.region"() ({
        %run_scoped3A = tpu.sem_alloc : memref<!tpu.dma_semaphore, #tpu.memory_space<semaphore_mem>>
        %dma_start3A = tpu.memref_slice %arg15[%add3A_128] : memref<50000xf32, #tpu.memory_space<vmem_shared>> -> memref<400xf32, #tpu.memory_space<vmem_shared>>
        %dma_start3A_141 = tpu.memref_slice %arg15[%add3A_128] : memref<50000xf32, #tpu.memory_space<vmem_shared>> -> memref<400xf32, #tpu.memory_space<vmem_shared>>
        tpu.enqueue_dma source(%arg13 : memref<400xf32, #tpu.memory_space<vmem>>) target(%dma_start3A_141 : memref<400xf32, #tpu.memory_space<vmem_shared>>) target_semaphore(%run_scoped3A : memref<!tpu.dma_semaphore, #tpu.memory_space<semaphore_mem>>)
        %dma_wait3A = tpu.memref_slice %arg15[%add3A_128] : memref<50000xf32, #tpu.memory_space<vmem_shared>> -> memref<400xf32, #tpu.memory_space<vmem_shared>>
        %dma_wait3A_142 = tpu.memref_slice %arg15[%add3A_128] : memref<50000xf32, #tpu.memory_space<vmem_shared>> -> memref<400xf32, #tpu.memory_space<vmem_shared>>
        tpu.wait_dma2 semaphore(%run_scoped3A : memref<!tpu.dma_semaphore, #tpu.memory_space<semaphore_mem>>) src(%arg13 : memref<400xf32, #tpu.memory_space<vmem>>) dst(%dma_wait3A_142 : memref<400xf32, #tpu.memory_space<vmem_shared>>)
        tpu.yield
      }) : () -> ()
      %mul3A_129 = arith.constant 5000 : i32
      %mul3A_130 = arith.muli %arg1, %mul3A_129 : i32
      %add3A_131 = arith.constant 4000 : i32
      %add3A_132 = arith.addi %mul3A_130, %add3A_131 : i32
      "tpu.region"() ({
        %run_scoped3A = tpu.sem_alloc : memref<!tpu.dma_semaphore, #tpu.memory_space<semaphore_mem>>
        %dma_start3A = tpu.memref_slice %arg15[%add3A_132] : memref<50000xf32, #tpu.memory_space<vmem_shared>> -> memref<400xf32, #tpu.memory_space<vmem_shared>>
        %dma_start3A_141 = tpu.memref_slice %arg15[%add3A_132] : memref<50000xf32, #tpu.memory_space<vmem_shared>> -> memref<400xf32, #tpu.memory_space<vmem_shared>>
        tpu.enqueue_dma source(%arg13 : memref<400xf32, #tpu.memory_space<vmem>>) target(%dma_start3A_141 : memref<400xf32, #tpu.memory_space<vmem_shared>>) target_semaphore(%run_scoped3A : memref<!tpu.dma_semaphore, #tpu.memory_space<semaphore_mem>>)
        %dma_wait3A = tpu.memref_slice %arg15[%add3A_132] : memref<50000xf32, #tpu.memory_space<vmem_shared>> -> memref<400xf32, #tpu.memory_space<vmem_shared>>
        %dma_wait3A_142 = tpu.memref_slice %arg15[%add3A_132] : memref<50000xf32, #tpu.memory_space<vmem_shared>> -> memref<400xf32, #tpu.memory_space<vmem_shared>>
        tpu.wait_dma2 semaphore(%run_scoped3A : memref<!tpu.dma_semaphore, #tpu.memory_space<semaphore_mem>>) src(%arg13 : memref<400xf32, #tpu.memory_space<vmem>>) dst(%dma_wait3A_142 : memref<400xf32, #tpu.memory_space<vmem_shared>>)
        tpu.yield
      }) : () -> ()
      %mul3A_133 = arith.constant 5000 : i32
      %mul3A_134 = arith.muli %arg1, %mul3A_133 : i32
      %add3A_135 = arith.constant 4400 : i32
      %add3A_136 = arith.addi %mul3A_134, %add3A_135 : i32
      "tpu.region"() ({
        %run_scoped3A = tpu.sem_alloc : memref<!tpu.dma_semaphore, #tpu.memory_space<semaphore_mem>>
        %dma_start3A = tpu.memref_slice %arg15[%add3A_136] : memref<50000xf32, #tpu.memory_space<vmem_shared>> -> memref<400xf32, #tpu.memory_space<vmem_shared>>
        %dma_start3A_141 = tpu.memref_slice %arg15[%add3A_136] : memref<50000xf32, #tpu.memory_space<vmem_shared>> -> memref<400xf32, #tpu.memory_space<vmem_shared>>
        tpu.enqueue_dma source(%arg13 : memref<400xf32, #tpu.memory_space<vmem>>) target(%dma_start3A_141 : memref<400xf32, #tpu.memory_space<vmem_shared>>) target_semaphore(%run_scoped3A : memref<!tpu.dma_semaphore, #tpu.memory_space<semaphore_mem>>)
        %dma_wait3A = tpu.memref_slice %arg15[%add3A_136] : memref<50000xf32, #tpu.memory_space<vmem_shared>> -> memref<400xf32, #tpu.memory_space<vmem_shared>>
        %dma_wait3A_142 = tpu.memref_slice %arg15[%add3A_136] : memref<50000xf32, #tpu.memory_space<vmem_shared>> -> memref<400xf32, #tpu.memory_space<vmem_shared>>
        tpu.wait_dma2 semaphore(%run_scoped3A : memref<!tpu.dma_semaphore, #tpu.memory_space<semaphore_mem>>) src(%arg13 : memref<400xf32, #tpu.memory_space<vmem>>) dst(%dma_wait3A_142 : memref<400xf32, #tpu.memory_space<vmem_shared>>)
        tpu.yield
      }) : () -> ()
      %mul3A_137 = arith.constant 5000 : i32
      %mul3A_138 = arith.muli %arg1, %mul3A_137 : i32
      %add3A_139 = arith.constant 4800 : i32
      %add3A_140 = arith.addi %mul3A_138, %add3A_139 : i32
      "tpu.region"() ({
        %run_scoped3A = tpu.sem_alloc : memref<!tpu.dma_semaphore, #tpu.memory_space<semaphore_mem>>
        %dma_start3A = arith.constant 0 : i32
        %dma_start3A_141 = tpu.memref_slice %arg13[%dma_start3A] : memref<400xf32, #tpu.memory_space<vmem>> -> memref<200xf32, #tpu.memory_space<vmem>>
        %dma_start3A_142 = tpu.memref_slice %arg15[%add3A_140] : memref<50000xf32, #tpu.memory_space<vmem_shared>> -> memref<200xf32, #tpu.memory_space<vmem_shared>>
        %dma_start3A_143 = tpu.memref_slice %arg15[%add3A_140] : memref<50000xf32, #tpu.memory_space<vmem_shared>> -> memref<200xf32, #tpu.memory_space<vmem_shared>>
        %dma_start3A_144 = arith.constant 0 : i32
        %dma_start3A_145 = tpu.memref_slice %arg13[%dma_start3A_144] : memref<400xf32, #tpu.memory_space<vmem>> -> memref<200xf32, #tpu.memory_space<vmem>>
        tpu.enqueue_dma source(%dma_start3A_145 : memref<200xf32, #tpu.memory_space<vmem>>) target(%dma_start3A_143 : memref<200xf32, #tpu.memory_space<vmem_shared>>) target_semaphore(%run_scoped3A : memref<!tpu.dma_semaphore, #tpu.memory_space<semaphore_mem>>)
        %dma_wait3A = arith.constant 0 : i32
        %dma_wait3A_146 = tpu.memref_slice %arg13[%dma_wait3A] : memref<400xf32, #tpu.memory_space<vmem>> -> memref<200xf32, #tpu.memory_space<vmem>>
        %dma_wait3A_147 = tpu.memref_slice %arg15[%add3A_140] : memref<50000xf32, #tpu.memory_space<vmem_shared>> -> memref<200xf32, #tpu.memory_space<vmem_shared>>
        %dma_wait3A_148 = tpu.memref_slice %arg15[%add3A_140] : memref<50000xf32, #tpu.memory_space<vmem_shared>> -> memref<200xf32, #tpu.memory_space<vmem_shared>>
        %dma_wait3A_149 = arith.constant 0 : i32
        %dma_wait3A_150 = tpu.memref_slice %arg13[%dma_wait3A_149] : memref<400xf32, #tpu.memory_space<vmem>> -> memref<200xf32, #tpu.memory_space<vmem>>
        tpu.wait_dma2 semaphore(%run_scoped3A : memref<!tpu.dma_semaphore, #tpu.memory_space<semaphore_mem>>) src(%dma_wait3A_150 : memref<200xf32, #tpu.memory_space<vmem>>) dst(%dma_wait3A_148 : memref<200xf32, #tpu.memory_space<vmem_shared>>)
        tpu.yield
      }) : () -> ()
    } else {
    }
    %broadcast_in_dim3A_33 = arith.constant 1.000000e+00 : f32
    %broadcast_in_dim3A_34 = vector.broadcast %broadcast_in_dim3A_33 : f32 to vector<16xf32>
    %scan3A_35 = arith.constant 0 : i32
    %scan3A_36 = arith.constant 25 : i32
    %scan3A_37 = arith.addi %scan3A_35, %scan3A_36 : i32
    %scan3A_38 = arith.constant 1 : i32
    scf.for %scan3A_89 = %scan3A_35 to %scan3A_37 step %scan3A_38  : i32 {
      %mul3A_90 = arith.constant 16 : i32
      %mul3A_91 = arith.muli %scan3A_89, %mul3A_90 : i32
      %swap3A = arith.index_cast %mul3A_91 : i32 to index
      %swap3A_92 = tpu.vector_load %arg13[%swap3A] {strides = array<i32>} : memref<400xf32, #tpu.memory_space<vmem>>, vector<16xf32>,
      %swap3A_93 = vector.shape_cast %swap3A_92 : vector<16xf32> to vector<16xf32>
      %swap3A_94 = vector.shape_cast %broadcast_in_dim3A_34 : vector<16xf32> to vector<16xf32>
      tpu.vector_store %arg13[%swap3A], %swap3A_94 {strides = array<i32>} : memref<400xf32, #tpu.memory_space<vmem>>, vector<16xf32>,
    }
    %scan3A_39 = arith.constant 25 : i32
    %barrier3A = arith.constant 0 : index
    tpu.barrier barrier_id(%barrier3A)
    %mul3A_40 = arith.constant 50000 : i32
    %mul3A_41 = arith.muli %arg1, %mul3A_40 : i32
    %scan3A_42 = arith.constant 0 : i32
    %scan3A_43 = arith.constant 125 : i32
    %scan3A_44 = arith.addi %scan3A_42, %scan3A_43 : i32
    %scan3A_45 = arith.constant 1 : i32
    scf.for %scan3A_89 = %scan3A_42 to %scan3A_44 step %scan3A_45  : i32 {
      %mul3A_90 = arith.constant 400 : i32
      %mul3A_91 = arith.muli %scan3A_89, %mul3A_90 : i32
      %add3A_92 = arith.addi %mul3A_41, %mul3A_91 : i32
      "tpu.region"() ({
        %run_scoped3A = tpu.sem_alloc : memref<!tpu.dma_semaphore, #tpu.memory_space<semaphore_mem>>
        %dma_start3A_113 = tpu.memref_slice %arg4[%add3A_92] : memref<800000xi32, #tpu.memory_space<hbm>> -> memref<400xi32, #tpu.memory_space<hbm>>
        %dma_start3A_114 = tpu.memref_slice %arg4[%add3A_92] : memref<800000xi32, #tpu.memory_space<hbm>> -> memref<400xi32, #tpu.memory_space<hbm>>
        tpu.enqueue_dma source(%dma_start3A_114 : memref<400xi32, #tpu.memory_space<hbm>>) target(%arg8 : memref<400xi32, #tpu.memory_space<vmem>>) target_semaphore(%run_scoped3A : memref<!tpu.dma_semaphore, #tpu.memory_space<semaphore_mem>>)
        %dma_wait3A_115 = tpu.memref_slice %arg4[%add3A_92] : memref<800000xi32, #tpu.memory_space<hbm>> -> memref<400xi32, #tpu.memory_space<hbm>>
        %dma_wait3A_116 = tpu.memref_slice %arg4[%add3A_92] : memref<800000xi32, #tpu.memory_space<hbm>> -> memref<400xi32, #tpu.memory_space<hbm>>
        tpu.wait_dma2 semaphore(%run_scoped3A : memref<!tpu.dma_semaphore, #tpu.memory_space<semaphore_mem>>) src(%dma_wait3A_116 : memref<400xi32, #tpu.memory_space<hbm>>) dst(%arg8 : memref<400xi32, #tpu.memory_space<vmem>>)
        tpu.yield
      }) : () -> ()
      "tpu.region"() ({
        %run_scoped3A = tpu.sem_alloc : memref<!tpu.dma_semaphore, #tpu.memory_space<semaphore_mem>>
        %dma_start3A_113 = tpu.memref_slice %arg5[%add3A_92] : memref<800000xi32, #tpu.memory_space<hbm>> -> memref<400xi32, #tpu.memory_space<hbm>>
        %dma_start3A_114 = tpu.memref_slice %arg5[%add3A_92] : memref<800000xi32, #tpu.memory_space<hbm>> -> memref<400xi32, #tpu.memory_space<hbm>>
        tpu.enqueue_dma source(%dma_start3A_114 : memref<400xi32, #tpu.memory_space<hbm>>) target(%arg9 : memref<400xi32, #tpu.memory_space<vmem>>) target_semaphore(%run_scoped3A : memref<!tpu.dma_semaphore, #tpu.memory_space<semaphore_mem>>)
        %dma_wait3A_115 = tpu.memref_slice %arg5[%add3A_92] : memref<800000xi32, #tpu.memory_space<hbm>> -> memref<400xi32, #tpu.memory_space<hbm>>
        %dma_wait3A_116 = tpu.memref_slice %arg5[%add3A_92] : memref<800000xi32, #tpu.memory_space<hbm>> -> memref<400xi32, #tpu.memory_space<hbm>>
        tpu.wait_dma2 semaphore(%run_scoped3A : memref<!tpu.dma_semaphore, #tpu.memory_space<semaphore_mem>>) src(%dma_wait3A_116 : memref<400xi32, #tpu.memory_space<hbm>>) dst(%arg9 : memref<400xi32, #tpu.memory_space<vmem>>)
        tpu.yield
      }) : () -> ()
      %parallel_loop3A = arith.constant 0 : i32
      %parallel_loop3A_93 = arith.constant 25 : i32
      %parallel_loop3A_94 = arith.constant 1 : i32
      scf.for %parallel_loop3A_113 = %parallel_loop3A to %parallel_loop3A_93 step %parallel_loop3A_94  : i32 {
        %parallel_loop3A_114 = arith.constant 16 : i32
        %parallel_loop3A_115 = arith.muli %parallel_loop3A_113, %parallel_loop3A_114 : i32
        %parallel_loop3A_116 = arith.index_cast %parallel_loop3A_115 : i32 to index
        %parallel_loop3A_117 = tpu.vector_load %arg8[%parallel_loop3A_116] {strides = array<i32>} : memref<400xi32, #tpu.memory_space<vmem>>, vector<16xi32>,
        %parallel_loop3A_118 = vector.shape_cast %parallel_loop3A_117 : vector<16xi32> to vector<16xi32>
        %parallel_loop3A_119 = vector.broadcast %mul3A_0 : i32 to vector<16xi32>
        %parallel_loop3A_120 = arith.addi %parallel_loop3A_118, %parallel_loop3A_119 : vector<16xi32>
        %parallel_loop3A_121 = arith.constant 16 : i32
        %parallel_loop3A_122 = arith.muli %parallel_loop3A_113, %parallel_loop3A_121 : i32
        %parallel_loop3A_123 = arith.index_cast %parallel_loop3A_122 : i32 to index
        %parallel_loop3A_124 = tpu.vector_load %arg8[%parallel_loop3A_123] {strides = array<i32>} : memref<400xi32, #tpu.memory_space<vmem>>, vector<16xi32>,
        %parallel_loop3A_125 = vector.shape_cast %parallel_loop3A_124 : vector<16xi32> to vector<16xi32>
        %parallel_loop3A_126 = vector.shape_cast %parallel_loop3A_120 : vector<16xi32> to vector<16xi32>
        tpu.vector_store %arg8[%parallel_loop3A_123], %parallel_loop3A_126 {strides = array<i32>} : memref<400xi32, #tpu.memory_space<vmem>>, vector<16xi32>,
        %parallel_loop3A_127 = arith.constant 16 : i32
        %parallel_loop3A_128 = arith.muli %parallel_loop3A_113, %parallel_loop3A_127 : i32
        %parallel_loop3A_129 = arith.index_cast %parallel_loop3A_128 : i32 to index
        %parallel_loop3A_130 = tpu.vector_load %arg9[%parallel_loop3A_129] {strides = array<i32>} : memref<400xi32, #tpu.memory_space<vmem>>, vector<16xi32>,
        %parallel_loop3A_131 = vector.shape_cast %parallel_loop3A_130 : vector<16xi32> to vector<16xi32>
        %parallel_loop3A_132 = vector.broadcast %mul3A_0 : i32 to vector<16xi32>
        %parallel_loop3A_133 = arith.addi %parallel_loop3A_131, %parallel_loop3A_132 : vector<16xi32>
        %parallel_loop3A_134 = arith.constant 16 : i32
        %parallel_loop3A_135 = arith.muli %parallel_loop3A_113, %parallel_loop3A_134 : i32
        %parallel_loop3A_136 = arith.index_cast %parallel_loop3A_135 : i32 to index
        %parallel_loop3A_137 = tpu.vector_load %arg10[%parallel_loop3A_136] {strides = array<i32>} : memref<400xi32, #tpu.memory_space<vmem>>, vector<16xi32>,
        %parallel_loop3A_138 = vector.shape_cast %parallel_loop3A_137 : vector<16xi32> to vector<16xi32>
        %parallel_loop3A_139 = vector.shape_cast %parallel_loop3A_133 : vector<16xi32> to vector<16xi32>
        tpu.vector_store %arg10[%parallel_loop3A_136], %parallel_loop3A_139 {strides = array<i32>} : memref<400xi32, #tpu.memory_space<vmem>>, vector<16xi32>,
      } {sc.loop_unroll_factor = 4 : i64, sc.parallel_access}
      %dma_start3A = arith.constant 0 : i32
      %dma_start3A_95 = arith.constant 0 : i32
      %dma_start3A_96 = tpu.memref_slice %arg2[%dma_start3A, %dma_start3A_95] : memref<100000x32xf32, #tpu.memory_space<hbm>> -> memref<100000x32xf32, #tpu.memory_space<hbm>>
      tpu.enqueue_indirect_dma source(%dma_start3A_96 : memref<100000x32xf32, #tpu.memory_space<hbm>>) target(%arg11 : memref<400x32xf32, #tpu.memory_space<vmem>>) offsets(%arg8 : memref<400xi32, #tpu.memory_space<vmem>>) semaphore(%arg16 : memref<!tpu.dma_semaphore, #tpu.memory_space<semaphore_mem>>)
      %dma_start3A_97 = arith.constant 0 : i32
      %dma_start3A_98 = arith.constant 0 : i32
      %dma_start3A_99 = tpu.memref_slice %arg3[%dma_start3A_97, %dma_start3A_98] : memref<100000x32xf32, #tpu.memory_space<hbm>> -> memref<100000x32xf32, #tpu.memory_space<hbm>>
      tpu.enqueue_indirect_dma source(%dma_start3A_99 : memref<100000x32xf32, #tpu.memory_space<hbm>>) target(%arg12 : memref<400x32xf32, #tpu.memory_space<vmem>>) offsets(%arg10 : memref<400xi32, #tpu.memory_space<vmem>>) semaphore(%arg17 : memref<!tpu.dma_semaphore, #tpu.memory_space<semaphore_mem>>)
      %dma_wait3A = arith.constant 0 : i32
      %dma_wait3A_100 = arith.constant 0 : i32
      %dma_wait3A_101 = tpu.memref_slice %arg2[%dma_wait3A, %dma_wait3A_100] : memref<100000x32xf32, #tpu.memory_space<hbm>> -> memref<100000x32xf32, #tpu.memory_space<hbm>>
      tpu.wait_indirect_dma semaphore(%arg16 : memref<!tpu.dma_semaphore, #tpu.memory_space<semaphore_mem>>) src(%dma_wait3A_101 : memref<100000x32xf32, #tpu.memory_space<hbm>>) dst(%arg11 : memref<400x32xf32, #tpu.memory_space<vmem>>)
      %dma_wait3A_102 = arith.constant 0 : i32
      %dma_wait3A_103 = arith.constant 0 : i32
      %dma_wait3A_104 = tpu.memref_slice %arg3[%dma_wait3A_102, %dma_wait3A_103] : memref<100000x32xf32, #tpu.memory_space<hbm>> -> memref<100000x32xf32, #tpu.memory_space<hbm>>
      tpu.wait_indirect_dma semaphore(%arg17 : memref<!tpu.dma_semaphore, #tpu.memory_space<semaphore_mem>>) src(%dma_wait3A_104 : memref<100000x32xf32, #tpu.memory_space<hbm>>) dst(%arg12 : memref<400x32xf32, #tpu.memory_space<vmem>>)
      %parallel_loop3A_105 = arith.constant 0 : i32
      %parallel_loop3A_106 = arith.constant 400 : i32
      %parallel_loop3A_107 = arith.constant 1 : i32
      scf.for %parallel_loop3A_113 = %parallel_loop3A_105 to %parallel_loop3A_106 step %parallel_loop3A_107  : i32 {
        %parallel_loop3A_114 = arith.index_cast %parallel_loop3A_113 : i32 to index
        %parallel_loop3A_115 = arith.constant 0 : index
        %parallel_loop3A_116 = tpu.vector_load %arg11[%parallel_loop3A_114, %parallel_loop3A_115] {strides = array<i32>} : memref<400x32xf32, #tpu.memory_space<vmem>>, vector<1x16xf32>,
        %parallel_loop3A_117 = vector.shape_cast %parallel_loop3A_116 : vector<1x16xf32> to vector<16xf32>
        %parallel_loop3A_118 = arith.index_cast %parallel_loop3A_113 : i32 to index
        %parallel_loop3A_119 = arith.constant 0 : index
        %parallel_loop3A_120 = tpu.vector_load %arg12[%parallel_loop3A_118, %parallel_loop3A_119] {strides = array<i32>} : memref<400x32xf32, #tpu.memory_space<vmem>>, vector<1x16xf32>,
        %parallel_loop3A_121 = vector.shape_cast %parallel_loop3A_120 : vector<1x16xf32> to vector<16xf32>
        %parallel_loop3A_122 = arith.addf %parallel_loop3A_117, %parallel_loop3A_121 : vector<16xf32>
        %parallel_loop3A_123 = arith.constant 0.000000e+00 : f32
        %parallel_loop3A_124 = vector.broadcast %parallel_loop3A_123 : f32 to vector<16xf32>
        %parallel_loop3A_125 = arith.maximumf %parallel_loop3A_122, %parallel_loop3A_124 : vector<16xf32>
        %parallel_loop3A_126 = tpu.bitcast %parallel_loop3A_125 : vector<16xf32> -> vector<16xi32>
        %parallel_loop3A_127 = arith.constant 16 : i32
        %parallel_loop3A_128 = vector.broadcast %parallel_loop3A_127 : i32 to vector<16xi32>
        %parallel_loop3A_129 = arith.shrui %parallel_loop3A_126, %parallel_loop3A_128 : vector<16xi32>
        %parallel_loop3A_130 = arith.constant 1 : i32
        %parallel_loop3A_131 = vector.broadcast %parallel_loop3A_130 : i32 to vector<16xi32>
        %parallel_loop3A_132 = arith.andi %parallel_loop3A_129, %parallel_loop3A_131 : vector<16xi32>
        %parallel_loop3A_133 = arith.constant 32767 : i32
        %parallel_loop3A_134 = vector.broadcast %parallel_loop3A_133 : i32 to vector<16xi32>
        %parallel_loop3A_135 = arith.addi %parallel_loop3A_126, %parallel_loop3A_134 : vector<16xi32>
        %parallel_loop3A_136 = arith.addi %parallel_loop3A_135, %parallel_loop3A_132 : vector<16xi32>
        %parallel_loop3A_137 = arith.constant -65536 : i32
        %parallel_loop3A_138 = vector.broadcast %parallel_loop3A_137 : i32 to vector<16xi32>
        %parallel_loop3A_139 = arith.andi %parallel_loop3A_136, %parallel_loop3A_138 : vector<16xi32>
        %parallel_loop3A_140 = tpu.bitcast %parallel_loop3A_139 : vector<16xi32> -> vector<16xf32>
        %parallel_loop3A_141 = arith.index_cast %parallel_loop3A_113 : i32 to index
        %parallel_loop3A_142 = arith.constant 0 : index
        %parallel_loop3A_143 = tpu.vector_load %arg11[%parallel_loop3A_141, %parallel_loop3A_142] {strides = array<i32>} : memref<400x32xf32, #tpu.memory_space<vmem>>, vector<1x16xf32>,
        %parallel_loop3A_144 = vector.shape_cast %parallel_loop3A_143 : vector<1x16xf32> to vector<16xf32>
        %parallel_loop3A_145 = vector.shape_cast %parallel_loop3A_140 : vector<16xf32> to vector<1x16xf32>
        tpu.vector_store %arg11[%parallel_loop3A_141, %parallel_loop3A_142], %parallel_loop3A_145 {strides = array<i32>} : memref<400x32xf32, #tpu.memory_space<vmem>>, vector<1x16xf32>,
        %parallel_loop3A_146 = arith.index_cast %parallel_loop3A_113 : i32 to index
        %parallel_loop3A_147 = arith.constant 16 : index
        %parallel_loop3A_148 = tpu.vector_load %arg11[%parallel_loop3A_146, %parallel_loop3A_147] {strides = array<i32>} : memref<400x32xf32, #tpu.memory_space<vmem>>, vector<1x16xf32>,
        %parallel_loop3A_149 = vector.shape_cast %parallel_loop3A_148 : vector<1x16xf32> to vector<16xf32>
        %parallel_loop3A_150 = arith.index_cast %parallel_loop3A_113 : i32 to index
        %parallel_loop3A_151 = arith.constant 16 : index
        %parallel_loop3A_152 = tpu.vector_load %arg12[%parallel_loop3A_150, %parallel_loop3A_151] {strides = array<i32>} : memref<400x32xf32, #tpu.memory_space<vmem>>, vector<1x16xf32>,
        %parallel_loop3A_153 = vector.shape_cast %parallel_loop3A_152 : vector<1x16xf32> to vector<16xf32>
        %parallel_loop3A_154 = arith.addf %parallel_loop3A_149, %parallel_loop3A_153 : vector<16xf32>
        %parallel_loop3A_155 = arith.constant 0.000000e+00 : f32
        %parallel_loop3A_156 = vector.broadcast %parallel_loop3A_155 : f32 to vector<16xf32>
        %parallel_loop3A_157 = arith.maximumf %parallel_loop3A_154, %parallel_loop3A_156 : vector<16xf32>
        %parallel_loop3A_158 = tpu.bitcast %parallel_loop3A_157 : vector<16xf32> -> vector<16xi32>
        %parallel_loop3A_159 = arith.constant 16 : i32
        %parallel_loop3A_160 = vector.broadcast %parallel_loop3A_159 : i32 to vector<16xi32>
        %parallel_loop3A_161 = arith.shrui %parallel_loop3A_158, %parallel_loop3A_160 : vector<16xi32>
        %parallel_loop3A_162 = arith.constant 1 : i32
        %parallel_loop3A_163 = vector.broadcast %parallel_loop3A_162 : i32 to vector<16xi32>
        %parallel_loop3A_164 = arith.andi %parallel_loop3A_161, %parallel_loop3A_163 : vector<16xi32>
        %parallel_loop3A_165 = arith.constant 32767 : i32
        %parallel_loop3A_166 = vector.broadcast %parallel_loop3A_165 : i32 to vector<16xi32>
        %parallel_loop3A_167 = arith.addi %parallel_loop3A_158, %parallel_loop3A_166 : vector<16xi32>
        %parallel_loop3A_168 = arith.addi %parallel_loop3A_167, %parallel_loop3A_164 : vector<16xi32>
        %parallel_loop3A_169 = arith.constant -65536 : i32
        %parallel_loop3A_170 = vector.broadcast %parallel_loop3A_169 : i32 to vector<16xi32>
        %parallel_loop3A_171 = arith.andi %parallel_loop3A_168, %parallel_loop3A_170 : vector<16xi32>
        %parallel_loop3A_172 = tpu.bitcast %parallel_loop3A_171 : vector<16xi32> -> vector<16xf32>
        %parallel_loop3A_173 = arith.index_cast %parallel_loop3A_113 : i32 to index
        %parallel_loop3A_174 = arith.constant 16 : index
        %parallel_loop3A_175 = tpu.vector_load %arg11[%parallel_loop3A_173, %parallel_loop3A_174] {strides = array<i32>} : memref<400x32xf32, #tpu.memory_space<vmem>>, vector<1x16xf32>,
        %parallel_loop3A_176 = vector.shape_cast %parallel_loop3A_175 : vector<1x16xf32> to vector<16xf32>
        %parallel_loop3A_177 = vector.shape_cast %parallel_loop3A_172 : vector<16xf32> to vector<1x16xf32>
        tpu.vector_store %arg11[%parallel_loop3A_173, %parallel_loop3A_174], %parallel_loop3A_177 {strides = array<i32>} : memref<400x32xf32, #tpu.memory_space<vmem>>, vector<1x16xf32>,
      } {sc.loop_unroll_factor = 8 : i64, sc.parallel_access}
      "tpu.region"() ({
        %run_scoped3A = tpu.sem_alloc : memref<!tpu.dma_semaphore, #tpu.memory_space<semaphore_mem>>
        %dma_start3A_113 = arith.constant 0 : i32
        %dma_start3A_114 = arith.constant 0 : i32
        %dma_start3A_115 = tpu.memref_slice %arg14[%dma_start3A_113, %dma_start3A_114] : memref<50048x32xf32, #tpu.memory_space<vmem_shared>> -> memref<50048x32xf32, #tpu.memory_space<vmem_shared>>
        tpu.enqueue_indirect_dma source(%arg11 : memref<400x32xf32, #tpu.memory_space<vmem>>) target(%dma_start3A_115 : memref<50048x32xf32, #tpu.memory_space<vmem_shared>>) offsets(%arg9 : memref<400xi32, #tpu.memory_space<vmem>>) semaphore(%run_scoped3A : memref<!tpu.dma_semaphore, #tpu.memory_space<semaphore_mem>>) {add = true}
        %dma_wait3A_116 = arith.constant 0 : i32
        %dma_wait3A_117 = arith.constant 0 : i32
        %dma_wait3A_118 = tpu.memref_slice %arg14[%dma_wait3A_116, %dma_wait3A_117] : memref<50048x32xf32, #tpu.memory_space<vmem_shared>> -> memref<50048x32xf32, #tpu.memory_space<vmem_shared>>
        tpu.wait_indirect_dma semaphore(%run_scoped3A : memref<!tpu.dma_semaphore, #tpu.memory_space<semaphore_mem>>) src(%arg11 : memref<400x32xf32, #tpu.memory_space<vmem>>) dst(%dma_wait3A_118 : memref<50048x32xf32, #tpu.memory_space<vmem_shared>>)
        tpu.yield
      }) : () -> ()
      %eq3A_108 = arith.constant 0 : i32
      %eq3A_109 = arith.cmpi eq, %arg0, %eq3A_108 : i32
      %convert_element_type3A_110 = arith.extui %eq3A_109 : i1 to i32
      %cond3A_111 = arith.constant 0 : i32
      %cond3A_112 = arith.cmpi ne, %convert_element_type3A_110, %cond3A_111 : i32
      scf.if %cond3A_112 {
        "tpu.region"() ({
          %run_scoped3A = tpu.sem_alloc : memref<!tpu.dma_semaphore, #tpu.memory_space<semaphore_mem>>
          %dma_start3A_113 = arith.constant 0 : i32
          %dma_start3A_114 = tpu.memref_slice %arg15[%dma_start3A_113] : memref<50000xf32, #tpu.memory_space<vmem_shared>> -> memref<50000xf32, #tpu.memory_space<vmem_shared>>
          tpu.enqueue_indirect_dma source(%arg13 : memref<400xf32, #tpu.memory_space<vmem>>) target(%dma_start3A_114 : memref<50000xf32, #tpu.memory_space<vmem_shared>>) offsets(%arg9 : memref<400xi32, #tpu.memory_space<vmem>>) semaphore(%run_scoped3A : memref<!tpu.dma_semaphore, #tpu.memory_space<semaphore_mem>>) {add = true}
          %dma_wait3A_115 = arith.constant 0 : i32
          %dma_wait3A_116 = tpu.memref_slice %arg15[%dma_wait3A_115] : memref<50000xf32, #tpu.memory_space<vmem_shared>> -> memref<50000xf32, #tpu.memory_space<vmem_shared>>
          tpu.wait_indirect_dma semaphore(%run_scoped3A : memref<!tpu.dma_semaphore, #tpu.memory_space<semaphore_mem>>) src(%arg13 : memref<400xf32, #tpu.memory_space<vmem>>) dst(%dma_wait3A_116 : memref<50000xf32, #tpu.memory_space<vmem_shared>>)
          tpu.yield
        }) : () -> ()
      } else {
      }
    }
    %scan3A_46 = arith.constant 125 : i32
    %barrier3A_47 = arith.constant 0 : index
    tpu.barrier barrier_id(%barrier3A_47)
    %add3A_48 = arith.addi %mul3A_2, %mul3A_14 : i32
    %add3A_49 = arith.constant 0 : i32
    %add3A_50 = arith.addi %mul3A_14, %add3A_49 : i32
    "tpu.region"() ({
      %run_scoped3A = tpu.sem_alloc : memref<!tpu.dma_semaphore, #tpu.memory_space<semaphore_mem>>
      %dma_start3A = arith.constant 0 : i32
      %dma_start3A_89 = tpu.memref_slice %arg14[%add3A_50, %dma_start3A] : memref<50048x32xf32, #tpu.memory_space<vmem_shared>> -> memref<400x32xf32, #tpu.memory_space<vmem_shared>>
      %dma_start3A_90 = arith.constant 0 : i32
      %dma_start3A_91 = tpu.memref_slice %arg14[%add3A_50, %dma_start3A_90] : memref<50048x32xf32, #tpu.memory_space<vmem_shared>> -> memref<400x32xf32, #tpu.memory_space<vmem_shared>>
      tpu.enqueue_dma source(%dma_start3A_91 : memref<400x32xf32, #tpu.memory_space<vmem_shared>>) target(%arg11 : memref<400x32xf32, #tpu.memory_space<vmem>>) target_semaphore(%run_scoped3A : memref<!tpu.dma_semaphore, #tpu.memory_space<semaphore_mem>>)
      %dma_wait3A = arith.constant 0 : i32
      %dma_wait3A_92 = tpu.memref_slice %arg14[%add3A_50, %dma_wait3A] : memref<50048x32xf32, #tpu.memory_space<vmem_shared>> -> memref<400x32xf32, #tpu.memory_space<vmem_shared>>
      %dma_wait3A_93 = arith.constant 0 : i32
      %dma_wait3A_94 = tpu.memref_slice %arg14[%add3A_50, %dma_wait3A_93] : memref<50048x32xf32, #tpu.memory_space<vmem_shared>> -> memref<400x32xf32, #tpu.memory_space<vmem_shared>>
      tpu.wait_dma2 semaphore(%run_scoped3A : memref<!tpu.dma_semaphore, #tpu.memory_space<semaphore_mem>>) src(%dma_wait3A_94 : memref<400x32xf32, #tpu.memory_space<vmem_shared>>) dst(%arg11 : memref<400x32xf32, #tpu.memory_space<vmem>>)
      tpu.yield
    }) : () -> ()
    %add3A_51 = arith.constant 0 : i32
    %add3A_52 = arith.addi %add3A_48, %add3A_51 : i32
    "tpu.region"() ({
      %run_scoped3A = tpu.sem_alloc : memref<!tpu.dma_semaphore, #tpu.memory_space<semaphore_mem>>
      %dma_start3A = arith.constant 0 : i32
      %dma_start3A_89 = tpu.memref_slice %arg6[%add3A_52, %dma_start3A] : memref<100096x32xf32, #tpu.memory_space<hbm>> -> memref<400x32xf32, #tpu.memory_space<hbm>>
      %dma_start3A_90 = arith.constant 0 : i32
      %dma_start3A_91 = tpu.memref_slice %arg6[%add3A_52, %dma_start3A_90] : memref<100096x32xf32, #tpu.memory_space<hbm>> -> memref<400x32xf32, #tpu.memory_space<hbm>>
      tpu.enqueue_dma source(%arg11 : memref<400x32xf32, #tpu.memory_space<vmem>>) target(%dma_start3A_91 : memref<400x32xf32, #tpu.memory_space<hbm>>) target_semaphore(%run_scoped3A : memref<!tpu.dma_semaphore, #tpu.memory_space<semaphore_mem>>)
      %dma_wait3A = arith.constant 0 : i32
      %dma_wait3A_92 = tpu.memref_slice %arg6[%add3A_52, %dma_wait3A] : memref<100096x32xf32, #tpu.memory_space<hbm>> -> memref<400x32xf32, #tpu.memory_space<hbm>>
      %dma_wait3A_93 = arith.constant 0 : i32
      %dma_wait3A_94 = tpu.memref_slice %arg6[%add3A_52, %dma_wait3A_93] : memref<100096x32xf32, #tpu.memory_space<hbm>> -> memref<400x32xf32, #tpu.memory_space<hbm>>
      tpu.wait_dma2 semaphore(%run_scoped3A : memref<!tpu.dma_semaphore, #tpu.memory_space<semaphore_mem>>) src(%arg11 : memref<400x32xf32, #tpu.memory_space<vmem>>) dst(%dma_wait3A_94 : memref<400x32xf32, #tpu.memory_space<hbm>>)
      tpu.yield
    }) : () -> ()
    %add3A_53 = arith.constant 400 : i32
    %add3A_54 = arith.addi %mul3A_14, %add3A_53 : i32
    "tpu.region"() ({
      %run_scoped3A = tpu.sem_alloc : memref<!tpu.dma_semaphore, #tpu.memory_space<semaphore_mem>>
      %dma_start3A = arith.constant 0 : i32
      %dma_start3A_89 = tpu.memref_slice %arg14[%add3A_54, %dma_start3A] : memref<50048x32xf32, #tpu.memory_space<vmem_shared>> -> memref<400x32xf32, #tpu.memory_space<vmem_shared>>
      %dma_start3A_90 = arith.constant 0 : i32
      %dma_start3A_91 = tpu.memref_slice %arg14[%add3A_54, %dma_start3A_90] : memref<50048x32xf32, #tpu.memory_space<vmem_shared>> -> memref<400x32xf32, #tpu.memory_space<vmem_shared>>
      tpu.enqueue_dma source(%dma_start3A_91 : memref<400x32xf32, #tpu.memory_space<vmem_shared>>) target(%arg11 : memref<400x32xf32, #tpu.memory_space<vmem>>) target_semaphore(%run_scoped3A : memref<!tpu.dma_semaphore, #tpu.memory_space<semaphore_mem>>)
      %dma_wait3A = arith.constant 0 : i32
      %dma_wait3A_92 = tpu.memref_slice %arg14[%add3A_54, %dma_wait3A] : memref<50048x32xf32, #tpu.memory_space<vmem_shared>> -> memref<400x32xf32, #tpu.memory_space<vmem_shared>>
      %dma_wait3A_93 = arith.constant 0 : i32
      %dma_wait3A_94 = tpu.memref_slice %arg14[%add3A_54, %dma_wait3A_93] : memref<50048x32xf32, #tpu.memory_space<vmem_shared>> -> memref<400x32xf32, #tpu.memory_space<vmem_shared>>
      tpu.wait_dma2 semaphore(%run_scoped3A : memref<!tpu.dma_semaphore, #tpu.memory_space<semaphore_mem>>) src(%dma_wait3A_94 : memref<400x32xf32, #tpu.memory_space<vmem_shared>>) dst(%arg11 : memref<400x32xf32, #tpu.memory_space<vmem>>)
      tpu.yield
    }) : () -> ()
    %add3A_55 = arith.constant 400 : i32
    %add3A_56 = arith.addi %add3A_48, %add3A_55 : i32
    "tpu.region"() ({
      %run_scoped3A = tpu.sem_alloc : memref<!tpu.dma_semaphore, #tpu.memory_space<semaphore_mem>>
      %dma_start3A = arith.constant 0 : i32
      %dma_start3A_89 = tpu.memref_slice %arg6[%add3A_56, %dma_start3A] : memref<100096x32xf32, #tpu.memory_space<hbm>> -> memref<400x32xf32, #tpu.memory_space<hbm>>
      %dma_start3A_90 = arith.constant 0 : i32
      %dma_start3A_91 = tpu.memref_slice %arg6[%add3A_56, %dma_start3A_90] : memref<100096x32xf32, #tpu.memory_space<hbm>> -> memref<400x32xf32, #tpu.memory_space<hbm>>
      tpu.enqueue_dma source(%arg11 : memref<400x32xf32, #tpu.memory_space<vmem>>) target(%dma_start3A_91 : memref<400x32xf32, #tpu.memory_space<hbm>>) target_semaphore(%run_scoped3A : memref<!tpu.dma_semaphore, #tpu.memory_space<semaphore_mem>>)
      %dma_wait3A = arith.constant 0 : i32
      %dma_wait3A_92 = tpu.memref_slice %arg6[%add3A_56, %dma_wait3A] : memref<100096x32xf32, #tpu.memory_space<hbm>> -> memref<400x32xf32, #tpu.memory_space<hbm>>
      %dma_wait3A_93 = arith.constant 0 : i32
      %dma_wait3A_94 = tpu.memref_slice %arg6[%add3A_56, %dma_wait3A_93] : memref<100096x32xf32, #tpu.memory_space<hbm>> -> memref<400x32xf32, #tpu.memory_space<hbm>>
      tpu.wait_dma2 semaphore(%run_scoped3A : memref<!tpu.dma_semaphore, #tpu.memory_space<semaphore_mem>>) src(%arg11 : memref<400x32xf32, #tpu.memory_space<vmem>>) dst(%dma_wait3A_94 : memref<400x32xf32, #tpu.memory_space<hbm>>)
      tpu.yield
    }) : () -> ()
    %add3A_57 = arith.constant 800 : i32
    %add3A_58 = arith.addi %mul3A_14, %add3A_57 : i32
    "tpu.region"() ({
      %run_scoped3A = tpu.sem_alloc : memref<!tpu.dma_semaphore, #tpu.memory_space<semaphore_mem>>
      %dma_start3A = arith.constant 0 : i32
      %dma_start3A_89 = tpu.memref_slice %arg14[%add3A_58, %dma_start3A] : memref<50048x32xf32, #tpu.memory_space<vmem_shared>> -> memref<400x32xf32, #tpu.memory_space<vmem_shared>>
      %dma_start3A_90 = arith.constant 0 : i32
      %dma_start3A_91 = tpu.memref_slice %arg14[%add3A_58, %dma_start3A_90] : memref<50048x32xf32, #tpu.memory_space<vmem_shared>> -> memref<400x32xf32, #tpu.memory_space<vmem_shared>>
      tpu.enqueue_dma source(%dma_start3A_91 : memref<400x32xf32, #tpu.memory_space<vmem_shared>>) target(%arg11 : memref<400x32xf32, #tpu.memory_space<vmem>>) target_semaphore(%run_scoped3A : memref<!tpu.dma_semaphore, #tpu.memory_space<semaphore_mem>>)
      %dma_wait3A = arith.constant 0 : i32
      %dma_wait3A_92 = tpu.memref_slice %arg14[%add3A_58, %dma_wait3A] : memref<50048x32xf32, #tpu.memory_space<vmem_shared>> -> memref<400x32xf32, #tpu.memory_space<vmem_shared>>
      %dma_wait3A_93 = arith.constant 0 : i32
      %dma_wait3A_94 = tpu.memref_slice %arg14[%add3A_58, %dma_wait3A_93] : memref<50048x32xf32, #tpu.memory_space<vmem_shared>> -> memref<400x32xf32, #tpu.memory_space<vmem_shared>>
      tpu.wait_dma2 semaphore(%run_scoped3A : memref<!tpu.dma_semaphore, #tpu.memory_space<semaphore_mem>>) src(%dma_wait3A_94 : memref<400x32xf32, #tpu.memory_space<vmem_shared>>) dst(%arg11 : memref<400x32xf32, #tpu.memory_space<vmem>>)
      tpu.yield
    }) : () -> ()
    %add3A_59 = arith.constant 800 : i32
    %add3A_60 = arith.addi %add3A_48, %add3A_59 : i32
    "tpu.region"() ({
      %run_scoped3A = tpu.sem_alloc : memref<!tpu.dma_semaphore, #tpu.memory_space<semaphore_mem>>
      %dma_start3A = arith.constant 0 : i32
      %dma_start3A_89 = tpu.memref_slice %arg6[%add3A_60, %dma_start3A] : memref<100096x32xf32, #tpu.memory_space<hbm>> -> memref<400x32xf32, #tpu.memory_space<hbm>>
      %dma_start3A_90 = arith.constant 0 : i32
      %dma_start3A_91 = tpu.memref_slice %arg6[%add3A_60, %dma_start3A_90] : memref<100096x32xf32, #tpu.memory_space<hbm>> -> memref<400x32xf32, #tpu.memory_space<hbm>>
      tpu.enqueue_dma source(%arg11 : memref<400x32xf32, #tpu.memory_space<vmem>>) target(%dma_start3A_91 : memref<400x32xf32, #tpu.memory_space<hbm>>) target_semaphore(%run_scoped3A : memref<!tpu.dma_semaphore, #tpu.memory_space<semaphore_mem>>)
      %dma_wait3A = arith.constant 0 : i32
      %dma_wait3A_92 = tpu.memref_slice %arg6[%add3A_60, %dma_wait3A] : memref<100096x32xf32, #tpu.memory_space<hbm>> -> memref<400x32xf32, #tpu.memory_space<hbm>>
      %dma_wait3A_93 = arith.constant 0 : i32
      %dma_wait3A_94 = tpu.memref_slice %arg6[%add3A_60, %dma_wait3A_93] : memref<100096x32xf32, #tpu.memory_space<hbm>> -> memref<400x32xf32, #tpu.memory_space<hbm>>
      tpu.wait_dma2 semaphore(%run_scoped3A : memref<!tpu.dma_semaphore, #tpu.memory_space<semaphore_mem>>) src(%arg11 : memref<400x32xf32, #tpu.memory_space<vmem>>) dst(%dma_wait3A_94 : memref<400x32xf32, #tpu.memory_space<hbm>>)
      tpu.yield
    }) : () -> ()
    %add3A_61 = arith.constant 1200 : i32
    %add3A_62 = arith.addi %mul3A_14, %add3A_61 : i32
    "tpu.region"() ({
      %run_scoped3A = tpu.sem_alloc : memref<!tpu.dma_semaphore, #tpu.memory_space<semaphore_mem>>
      %dma_start3A = arith.constant 0 : i32
      %dma_start3A_89 = tpu.memref_slice %arg14[%add3A_62, %dma_start3A] : memref<50048x32xf32, #tpu.memory_space<vmem_shared>> -> memref<400x32xf32, #tpu.memory_space<vmem_shared>>
      %dma_start3A_90 = arith.constant 0 : i32
      %dma_start3A_91 = tpu.memref_slice %arg14[%add3A_62, %dma_start3A_90] : memref<50048x32xf32, #tpu.memory_space<vmem_shared>> -> memref<400x32xf32, #tpu.memory_space<vmem_shared>>
      tpu.enqueue_dma source(%dma_start3A_91 : memref<400x32xf32, #tpu.memory_space<vmem_shared>>) target(%arg11 : memref<400x32xf32, #tpu.memory_space<vmem>>) target_semaphore(%run_scoped3A : memref<!tpu.dma_semaphore, #tpu.memory_space<semaphore_mem>>)
      %dma_wait3A = arith.constant 0 : i32
      %dma_wait3A_92 = tpu.memref_slice %arg14[%add3A_62, %dma_wait3A] : memref<50048x32xf32, #tpu.memory_space<vmem_shared>> -> memref<400x32xf32, #tpu.memory_space<vmem_shared>>
      %dma_wait3A_93 = arith.constant 0 : i32
      %dma_wait3A_94 = tpu.memref_slice %arg14[%add3A_62, %dma_wait3A_93] : memref<50048x32xf32, #tpu.memory_space<vmem_shared>> -> memref<400x32xf32, #tpu.memory_space<vmem_shared>>
      tpu.wait_dma2 semaphore(%run_scoped3A : memref<!tpu.dma_semaphore, #tpu.memory_space<semaphore_mem>>) src(%dma_wait3A_94 : memref<400x32xf32, #tpu.memory_space<vmem_shared>>) dst(%arg11 : memref<400x32xf32, #tpu.memory_space<vmem>>)
      tpu.yield
    }) : () -> ()
    %add3A_63 = arith.constant 1200 : i32
    %add3A_64 = arith.addi %add3A_48, %add3A_63 : i32
    "tpu.region"() ({
      %run_scoped3A = tpu.sem_alloc : memref<!tpu.dma_semaphore, #tpu.memory_space<semaphore_mem>>
      %dma_start3A = arith.constant 0 : i32
      %dma_start3A_89 = tpu.memref_slice %arg6[%add3A_64, %dma_start3A] : memref<100096x32xf32, #tpu.memory_space<hbm>> -> memref<400x32xf32, #tpu.memory_space<hbm>>
      %dma_start3A_90 = arith.constant 0 : i32
      %dma_start3A_91 = tpu.memref_slice %arg6[%add3A_64, %dma_start3A_90] : memref<100096x32xf32, #tpu.memory_space<hbm>> -> memref<400x32xf32, #tpu.memory_space<hbm>>
      tpu.enqueue_dma source(%arg11 : memref<400x32xf32, #tpu.memory_space<vmem>>) target(%dma_start3A_91 : memref<400x32xf32, #tpu.memory_space<hbm>>) target_semaphore(%run_scoped3A : memref<!tpu.dma_semaphore, #tpu.memory_space<semaphore_mem>>)
      %dma_wait3A = arith.constant 0 : i32
      %dma_wait3A_92 = tpu.memref_slice %arg6[%add3A_64, %dma_wait3A] : memref<100096x32xf32, #tpu.memory_space<hbm>> -> memref<400x32xf32, #tpu.memory_space<hbm>>
      %dma_wait3A_93 = arith.constant 0 : i32
      %dma_wait3A_94 = tpu.memref_slice %arg6[%add3A_64, %dma_wait3A_93] : memref<100096x32xf32, #tpu.memory_space<hbm>> -> memref<400x32xf32, #tpu.memory_space<hbm>>
      tpu.wait_dma2 semaphore(%run_scoped3A : memref<!tpu.dma_semaphore, #tpu.memory_space<semaphore_mem>>) src(%arg11 : memref<400x32xf32, #tpu.memory_space<vmem>>) dst(%dma_wait3A_94 : memref<400x32xf32, #tpu.memory_space<hbm>>)
      tpu.yield
    }) : () -> ()
    %add3A_65 = arith.constant 1600 : i32
    %add3A_66 = arith.addi %mul3A_14, %add3A_65 : i32
    "tpu.region"() ({
      %run_scoped3A = tpu.sem_alloc : memref<!tpu.dma_semaphore, #tpu.memory_space<semaphore_mem>>
      %dma_start3A = arith.constant 0 : i32
      %dma_start3A_89 = tpu.memref_slice %arg14[%add3A_66, %dma_start3A] : memref<50048x32xf32, #tpu.memory_space<vmem_shared>> -> memref<400x32xf32, #tpu.memory_space<vmem_shared>>
      %dma_start3A_90 = arith.constant 0 : i32
      %dma_start3A_91 = tpu.memref_slice %arg14[%add3A_66, %dma_start3A_90] : memref<50048x32xf32, #tpu.memory_space<vmem_shared>> -> memref<400x32xf32, #tpu.memory_space<vmem_shared>>
      tpu.enqueue_dma source(%dma_start3A_91 : memref<400x32xf32, #tpu.memory_space<vmem_shared>>) target(%arg11 : memref<400x32xf32, #tpu.memory_space<vmem>>) target_semaphore(%run_scoped3A : memref<!tpu.dma_semaphore, #tpu.memory_space<semaphore_mem>>)
      %dma_wait3A = arith.constant 0 : i32
      %dma_wait3A_92 = tpu.memref_slice %arg14[%add3A_66, %dma_wait3A] : memref<50048x32xf32, #tpu.memory_space<vmem_shared>> -> memref<400x32xf32, #tpu.memory_space<vmem_shared>>
      %dma_wait3A_93 = arith.constant 0 : i32
      %dma_wait3A_94 = tpu.memref_slice %arg14[%add3A_66, %dma_wait3A_93] : memref<50048x32xf32, #tpu.memory_space<vmem_shared>> -> memref<400x32xf32, #tpu.memory_space<vmem_shared>>
      tpu.wait_dma2 semaphore(%run_scoped3A : memref<!tpu.dma_semaphore, #tpu.memory_space<semaphore_mem>>) src(%dma_wait3A_94 : memref<400x32xf32, #tpu.memory_space<vmem_shared>>) dst(%arg11 : memref<400x32xf32, #tpu.memory_space<vmem>>)
      tpu.yield
    }) : () -> ()
    %add3A_67 = arith.constant 1600 : i32
    %add3A_68 = arith.addi %add3A_48, %add3A_67 : i32
    "tpu.region"() ({
      %run_scoped3A = tpu.sem_alloc : memref<!tpu.dma_semaphore, #tpu.memory_space<semaphore_mem>>
      %dma_start3A = arith.constant 0 : i32
      %dma_start3A_89 = tpu.memref_slice %arg6[%add3A_68, %dma_start3A] : memref<100096x32xf32, #tpu.memory_space<hbm>> -> memref<400x32xf32, #tpu.memory_space<hbm>>
      %dma_start3A_90 = arith.constant 0 : i32
      %dma_start3A_91 = tpu.memref_slice %arg6[%add3A_68, %dma_start3A_90] : memref<100096x32xf32, #tpu.memory_space<hbm>> -> memref<400x32xf32, #tpu.memory_space<hbm>>
      tpu.enqueue_dma source(%arg11 : memref<400x32xf32, #tpu.memory_space<vmem>>) target(%dma_start3A_91 : memref<400x32xf32, #tpu.memory_space<hbm>>) target_semaphore(%run_scoped3A : memref<!tpu.dma_semaphore, #tpu.memory_space<semaphore_mem>>)
      %dma_wait3A = arith.constant 0 : i32
      %dma_wait3A_92 = tpu.memref_slice %arg6[%add3A_68, %dma_wait3A] : memref<100096x32xf32, #tpu.memory_space<hbm>> -> memref<400x32xf32, #tpu.memory_space<hbm>>
      %dma_wait3A_93 = arith.constant 0 : i32
      %dma_wait3A_94 = tpu.memref_slice %arg6[%add3A_68, %dma_wait3A_93] : memref<100096x32xf32, #tpu.memory_space<hbm>> -> memref<400x32xf32, #tpu.memory_space<hbm>>
      tpu.wait_dma2 semaphore(%run_scoped3A : memref<!tpu.dma_semaphore, #tpu.memory_space<semaphore_mem>>) src(%arg11 : memref<400x32xf32, #tpu.memory_space<vmem>>) dst(%dma_wait3A_94 : memref<400x32xf32, #tpu.memory_space<hbm>>)
      tpu.yield
    }) : () -> ()
    %add3A_69 = arith.constant 2000 : i32
    %add3A_70 = arith.addi %mul3A_14, %add3A_69 : i32
    "tpu.region"() ({
      %run_scoped3A = tpu.sem_alloc : memref<!tpu.dma_semaphore, #tpu.memory_space<semaphore_mem>>
      %dma_start3A = arith.constant 0 : i32
      %dma_start3A_89 = tpu.memref_slice %arg14[%add3A_70, %dma_start3A] : memref<50048x32xf32, #tpu.memory_space<vmem_shared>> -> memref<400x32xf32, #tpu.memory_space<vmem_shared>>
      %dma_start3A_90 = arith.constant 0 : i32
      %dma_start3A_91 = tpu.memref_slice %arg14[%add3A_70, %dma_start3A_90] : memref<50048x32xf32, #tpu.memory_space<vmem_shared>> -> memref<400x32xf32, #tpu.memory_space<vmem_shared>>
      tpu.enqueue_dma source(%dma_start3A_91 : memref<400x32xf32, #tpu.memory_space<vmem_shared>>) target(%arg11 : memref<400x32xf32, #tpu.memory_space<vmem>>) target_semaphore(%run_scoped3A : memref<!tpu.dma_semaphore, #tpu.memory_space<semaphore_mem>>)
      %dma_wait3A = arith.constant 0 : i32
      %dma_wait3A_92 = tpu.memref_slice %arg14[%add3A_70, %dma_wait3A] : memref<50048x32xf32, #tpu.memory_space<vmem_shared>> -> memref<400x32xf32, #tpu.memory_space<vmem_shared>>
      %dma_wait3A_93 = arith.constant 0 : i32
      %dma_wait3A_94 = tpu.memref_slice %arg14[%add3A_70, %dma_wait3A_93] : memref<50048x32xf32, #tpu.memory_space<vmem_shared>> -> memref<400x32xf32, #tpu.memory_space<vmem_shared>>
      tpu.wait_dma2 semaphore(%run_scoped3A : memref<!tpu.dma_semaphore, #tpu.memory_space<semaphore_mem>>) src(%dma_wait3A_94 : memref<400x32xf32, #tpu.memory_space<vmem_shared>>) dst(%arg11 : memref<400x32xf32, #tpu.memory_space<vmem>>)
      tpu.yield
    }) : () -> ()
    %add3A_71 = arith.constant 2000 : i32
    %add3A_72 = arith.addi %add3A_48, %add3A_71 : i32
    "tpu.region"() ({
      %run_scoped3A = tpu.sem_alloc : memref<!tpu.dma_semaphore, #tpu.memory_space<semaphore_mem>>
      %dma_start3A = arith.constant 0 : i32
      %dma_start3A_89 = tpu.memref_slice %arg6[%add3A_72, %dma_start3A] : memref<100096x32xf32, #tpu.memory_space<hbm>> -> memref<400x32xf32, #tpu.memory_space<hbm>>
      %dma_start3A_90 = arith.constant 0 : i32
      %dma_start3A_91 = tpu.memref_slice %arg6[%add3A_72, %dma_start3A_90] : memref<100096x32xf32, #tpu.memory_space<hbm>> -> memref<400x32xf32, #tpu.memory_space<hbm>>
      tpu.enqueue_dma source(%arg11 : memref<400x32xf32, #tpu.memory_space<vmem>>) target(%dma_start3A_91 : memref<400x32xf32, #tpu.memory_space<hbm>>) target_semaphore(%run_scoped3A : memref<!tpu.dma_semaphore, #tpu.memory_space<semaphore_mem>>)
      %dma_wait3A = arith.constant 0 : i32
      %dma_wait3A_92 = tpu.memref_slice %arg6[%add3A_72, %dma_wait3A] : memref<100096x32xf32, #tpu.memory_space<hbm>> -> memref<400x32xf32, #tpu.memory_space<hbm>>
      %dma_wait3A_93 = arith.constant 0 : i32
      %dma_wait3A_94 = tpu.memref_slice %arg6[%add3A_72, %dma_wait3A_93] : memref<100096x32xf32, #tpu.memory_space<hbm>> -> memref<400x32xf32, #tpu.memory_space<hbm>>
      tpu.wait_dma2 semaphore(%run_scoped3A : memref<!tpu.dma_semaphore, #tpu.memory_space<semaphore_mem>>) src(%arg11 : memref<400x32xf32, #tpu.memory_space<vmem>>) dst(%dma_wait3A_94 : memref<400x32xf32, #tpu.memory_space<hbm>>)
      tpu.yield
    }) : () -> ()
    %add3A_73 = arith.constant 2400 : i32
    %add3A_74 = arith.addi %mul3A_14, %add3A_73 : i32
    "tpu.region"() ({
      %run_scoped3A = tpu.sem_alloc : memref<!tpu.dma_semaphore, #tpu.memory_space<semaphore_mem>>
      %dma_start3A = arith.constant 0 : i32
      %dma_start3A_89 = tpu.memref_slice %arg14[%add3A_74, %dma_start3A] : memref<50048x32xf32, #tpu.memory_space<vmem_shared>> -> memref<400x32xf32, #tpu.memory_space<vmem_shared>>
      %dma_start3A_90 = arith.constant 0 : i32
      %dma_start3A_91 = tpu.memref_slice %arg14[%add3A_74, %dma_start3A_90] : memref<50048x32xf32, #tpu.memory_space<vmem_shared>> -> memref<400x32xf32, #tpu.memory_space<vmem_shared>>
      tpu.enqueue_dma source(%dma_start3A_91 : memref<400x32xf32, #tpu.memory_space<vmem_shared>>) target(%arg11 : memref<400x32xf32, #tpu.memory_space<vmem>>) target_semaphore(%run_scoped3A : memref<!tpu.dma_semaphore, #tpu.memory_space<semaphore_mem>>)
      %dma_wait3A = arith.constant 0 : i32
      %dma_wait3A_92 = tpu.memref_slice %arg14[%add3A_74, %dma_wait3A] : memref<50048x32xf32, #tpu.memory_space<vmem_shared>> -> memref<400x32xf32, #tpu.memory_space<vmem_shared>>
      %dma_wait3A_93 = arith.constant 0 : i32
      %dma_wait3A_94 = tpu.memref_slice %arg14[%add3A_74, %dma_wait3A_93] : memref<50048x32xf32, #tpu.memory_space<vmem_shared>> -> memref<400x32xf32, #tpu.memory_space<vmem_shared>>
      tpu.wait_dma2 semaphore(%run_scoped3A : memref<!tpu.dma_semaphore, #tpu.memory_space<semaphore_mem>>) src(%dma_wait3A_94 : memref<400x32xf32, #tpu.memory_space<vmem_shared>>) dst(%arg11 : memref<400x32xf32, #tpu.memory_space<vmem>>)
      tpu.yield
    }) : () -> ()
    %add3A_75 = arith.constant 2400 : i32
    %add3A_76 = arith.addi %add3A_48, %add3A_75 : i32
    "tpu.region"() ({
      %run_scoped3A = tpu.sem_alloc : memref<!tpu.dma_semaphore, #tpu.memory_space<semaphore_mem>>
      %dma_start3A = arith.constant 0 : i32
      %dma_start3A_89 = tpu.memref_slice %arg6[%add3A_76, %dma_start3A] : memref<100096x32xf32, #tpu.memory_space<hbm>> -> memref<400x32xf32, #tpu.memory_space<hbm>>
      %dma_start3A_90 = arith.constant 0 : i32
      %dma_start3A_91 = tpu.memref_slice %arg6[%add3A_76, %dma_start3A_90] : memref<100096x32xf32, #tpu.memory_space<hbm>> -> memref<400x32xf32, #tpu.memory_space<hbm>>
      tpu.enqueue_dma source(%arg11 : memref<400x32xf32, #tpu.memory_space<vmem>>) target(%dma_start3A_91 : memref<400x32xf32, #tpu.memory_space<hbm>>) target_semaphore(%run_scoped3A : memref<!tpu.dma_semaphore, #tpu.memory_space<semaphore_mem>>)
      %dma_wait3A = arith.constant 0 : i32
      %dma_wait3A_92 = tpu.memref_slice %arg6[%add3A_76, %dma_wait3A] : memref<100096x32xf32, #tpu.memory_space<hbm>> -> memref<400x32xf32, #tpu.memory_space<hbm>>
      %dma_wait3A_93 = arith.constant 0 : i32
      %dma_wait3A_94 = tpu.memref_slice %arg6[%add3A_76, %dma_wait3A_93] : memref<100096x32xf32, #tpu.memory_space<hbm>> -> memref<400x32xf32, #tpu.memory_space<hbm>>
      tpu.wait_dma2 semaphore(%run_scoped3A : memref<!tpu.dma_semaphore, #tpu.memory_space<semaphore_mem>>) src(%arg11 : memref<400x32xf32, #tpu.memory_space<vmem>>) dst(%dma_wait3A_94 : memref<400x32xf32, #tpu.memory_space<hbm>>)
      tpu.yield
    }) : () -> ()
    %add3A_77 = arith.constant 2800 : i32
    %add3A_78 = arith.addi %mul3A_14, %add3A_77 : i32
    "tpu.region"() ({
      %run_scoped3A = tpu.sem_alloc : memref<!tpu.dma_semaphore, #tpu.memory_space<semaphore_mem>>
      %dma_start3A = arith.constant 0 : i32
      %dma_start3A_89 = arith.constant 0 : i32
      %dma_start3A_90 = tpu.memref_slice %arg11[%dma_start3A, %dma_start3A_89] : memref<400x32xf32, #tpu.memory_space<vmem>> -> memref<328x32xf32, #tpu.memory_space<vmem>>
      %dma_start3A_91 = arith.constant 0 : i32
      %dma_start3A_92 = tpu.memref_slice %arg14[%add3A_78, %dma_start3A_91] : memref<50048x32xf32, #tpu.memory_space<vmem_shared>> -> memref<328x32xf32, #tpu.memory_space<vmem_shared>>
      %dma_start3A_93 = arith.constant 0 : i32
      %dma_start3A_94 = arith.constant 0 : i32
      %dma_start3A_95 = tpu.memref_slice %arg11[%dma_start3A_93, %dma_start3A_94] : memref<400x32xf32, #tpu.memory_space<vmem>> -> memref<328x32xf32, #tpu.memory_space<vmem>>
      %dma_start3A_96 = arith.constant 0 : i32
      %dma_start3A_97 = tpu.memref_slice %arg14[%add3A_78, %dma_start3A_96] : memref<50048x32xf32, #tpu.memory_space<vmem_shared>> -> memref<328x32xf32, #tpu.memory_space<vmem_shared>>
      tpu.enqueue_dma source(%dma_start3A_97 : memref<328x32xf32, #tpu.memory_space<vmem_shared>>) target(%dma_start3A_95 : memref<328x32xf32, #tpu.memory_space<vmem>>) target_semaphore(%run_scoped3A : memref<!tpu.dma_semaphore, #tpu.memory_space<semaphore_mem>>)
      %dma_wait3A = arith.constant 0 : i32
      %dma_wait3A_98 = arith.constant 0 : i32
      %dma_wait3A_99 = tpu.memref_slice %arg11[%dma_wait3A, %dma_wait3A_98] : memref<400x32xf32, #tpu.memory_space<vmem>> -> memref<328x32xf32, #tpu.memory_space<vmem>>
      %dma_wait3A_100 = arith.constant 0 : i32
      %dma_wait3A_101 = tpu.memref_slice %arg14[%add3A_78, %dma_wait3A_100] : memref<50048x32xf32, #tpu.memory_space<vmem_shared>> -> memref<328x32xf32, #tpu.memory_space<vmem_shared>>
      %dma_wait3A_102 = arith.constant 0 : i32
      %dma_wait3A_103 = arith.constant 0 : i32
      %dma_wait3A_104 = tpu.memref_slice %arg11[%dma_wait3A_102, %dma_wait3A_103] : memref<400x32xf32, #tpu.memory_space<vmem>> -> memref<328x32xf32, #tpu.memory_space<vmem>>
      %dma_wait3A_105 = arith.constant 0 : i32
      %dma_wait3A_106 = tpu.memref_slice %arg14[%add3A_78, %dma_wait3A_105] : memref<50048x32xf32, #tpu.memory_space<vmem_shared>> -> memref<328x32xf32, #tpu.memory_space<vmem_shared>>
      tpu.wait_dma2 semaphore(%run_scoped3A : memref<!tpu.dma_semaphore, #tpu.memory_space<semaphore_mem>>) src(%dma_wait3A_106 : memref<328x32xf32, #tpu.memory_space<vmem_shared>>) dst(%dma_wait3A_104 : memref<328x32xf32, #tpu.memory_space<vmem>>)
      tpu.yield
    }) : () -> ()
    %add3A_79 = arith.constant 2800 : i32
    %add3A_80 = arith.addi %add3A_48, %add3A_79 : i32
    "tpu.region"() ({
      %run_scoped3A = tpu.sem_alloc : memref<!tpu.dma_semaphore, #tpu.memory_space<semaphore_mem>>
      %dma_start3A = arith.constant 0 : i32
      %dma_start3A_89 = arith.constant 0 : i32
      %dma_start3A_90 = tpu.memref_slice %arg11[%dma_start3A, %dma_start3A_89] : memref<400x32xf32, #tpu.memory_space<vmem>> -> memref<328x32xf32, #tpu.memory_space<vmem>>
      %dma_start3A_91 = arith.constant 0 : i32
      %dma_start3A_92 = tpu.memref_slice %arg6[%add3A_80, %dma_start3A_91] : memref<100096x32xf32, #tpu.memory_space<hbm>> -> memref<328x32xf32, #tpu.memory_space<hbm>>
      %dma_start3A_93 = arith.constant 0 : i32
      %dma_start3A_94 = tpu.memref_slice %arg6[%add3A_80, %dma_start3A_93] : memref<100096x32xf32, #tpu.memory_space<hbm>> -> memref<328x32xf32, #tpu.memory_space<hbm>>
      %dma_start3A_95 = arith.constant 0 : i32
      %dma_start3A_96 = arith.constant 0 : i32
      %dma_start3A_97 = tpu.memref_slice %arg11[%dma_start3A_95, %dma_start3A_96] : memref<400x32xf32, #tpu.memory_space<vmem>> -> memref<328x32xf32, #tpu.memory_space<vmem>>
      tpu.enqueue_dma source(%dma_start3A_97 : memref<328x32xf32, #tpu.memory_space<vmem>>) target(%dma_start3A_94 : memref<328x32xf32, #tpu.memory_space<hbm>>) target_semaphore(%run_scoped3A : memref<!tpu.dma_semaphore, #tpu.memory_space<semaphore_mem>>)
      %dma_wait3A = arith.constant 0 : i32
      %dma_wait3A_98 = arith.constant 0 : i32
      %dma_wait3A_99 = tpu.memref_slice %arg11[%dma_wait3A, %dma_wait3A_98] : memref<400x32xf32, #tpu.memory_space<vmem>> -> memref<328x32xf32, #tpu.memory_space<vmem>>
      %dma_wait3A_100 = arith.constant 0 : i32
      %dma_wait3A_101 = tpu.memref_slice %arg6[%add3A_80, %dma_wait3A_100] : memref<100096x32xf32, #tpu.memory_space<hbm>> -> memref<328x32xf32, #tpu.memory_space<hbm>>
      %dma_wait3A_102 = arith.constant 0 : i32
      %dma_wait3A_103 = tpu.memref_slice %arg6[%add3A_80, %dma_wait3A_102] : memref<100096x32xf32, #tpu.memory_space<hbm>> -> memref<328x32xf32, #tpu.memory_space<hbm>>
      %dma_wait3A_104 = arith.constant 0 : i32
      %dma_wait3A_105 = arith.constant 0 : i32
      %dma_wait3A_106 = tpu.memref_slice %arg11[%dma_wait3A_104, %dma_wait3A_105] : memref<400x32xf32, #tpu.memory_space<vmem>> -> memref<328x32xf32, #tpu.memory_space<vmem>>
      tpu.wait_dma2 semaphore(%run_scoped3A : memref<!tpu.dma_semaphore, #tpu.memory_space<semaphore_mem>>) src(%dma_wait3A_106 : memref<328x32xf32, #tpu.memory_space<vmem>>) dst(%dma_wait3A_103 : memref<328x32xf32, #tpu.memory_space<hbm>>)
      tpu.yield
    }) : () -> ()
    %eq3A_81 = arith.constant 0 : i32
    %eq3A_82 = arith.cmpi eq, %arg0, %eq3A_81 : i32
    %lt3A_83 = arith.constant 10 : i32
    %lt3A_84 = arith.cmpi slt, %arg1, %lt3A_83 : i32
    %and3A_85 = arith.andi %eq3A_82, %lt3A_84 : i1
    %convert_element_type3A_86 = arith.extui %and3A_85 : i1 to i32
    %cond3A_87 = arith.constant 0 : i32
    %cond3A_88 = arith.cmpi ne, %convert_element_type3A_86, %cond3A_87 : i32
    scf.if %cond3A_88 {
      %mul3A_89 = arith.constant 5000 : i32
      %mul3A_90 = arith.muli %arg1, %mul3A_89 : i32
      %add3A_91 = arith.constant 0 : i32
      %add3A_92 = arith.addi %mul3A_90, %add3A_91 : i32
      "tpu.region"() ({
        %run_scoped3A = tpu.sem_alloc : memref<!tpu.dma_semaphore, #tpu.memory_space<semaphore_mem>>
        %dma_start3A = tpu.memref_slice %arg15[%add3A_92] : memref<50000xf32, #tpu.memory_space<vmem_shared>> -> memref<400xf32, #tpu.memory_space<vmem_shared>>
        %dma_start3A_193 = tpu.memref_slice %arg15[%add3A_92] : memref<50000xf32, #tpu.memory_space<vmem_shared>> -> memref<400xf32, #tpu.memory_space<vmem_shared>>
        tpu.enqueue_dma source(%dma_start3A_193 : memref<400xf32, #tpu.memory_space<vmem_shared>>) target(%arg13 : memref<400xf32, #tpu.memory_space<vmem>>) target_semaphore(%run_scoped3A : memref<!tpu.dma_semaphore, #tpu.memory_space<semaphore_mem>>)
        %dma_wait3A = tpu.memref_slice %arg15[%add3A_92] : memref<50000xf32, #tpu.memory_space<vmem_shared>> -> memref<400xf32, #tpu.memory_space<vmem_shared>>
        %dma_wait3A_194 = tpu.memref_slice %arg15[%add3A_92] : memref<50000xf32, #tpu.memory_space<vmem_shared>> -> memref<400xf32, #tpu.memory_space<vmem_shared>>
        tpu.wait_dma2 semaphore(%run_scoped3A : memref<!tpu.dma_semaphore, #tpu.memory_space<semaphore_mem>>) src(%dma_wait3A_194 : memref<400xf32, #tpu.memory_space<vmem_shared>>) dst(%arg13 : memref<400xf32, #tpu.memory_space<vmem>>)
        tpu.yield
      }) : () -> ()
      %mul3A_93 = arith.constant 5000 : i32
      %mul3A_94 = arith.muli %arg1, %mul3A_93 : i32
      %add3A_95 = arith.constant 0 : i32
      %add3A_96 = arith.addi %mul3A_94, %add3A_95 : i32
      "tpu.region"() ({
        %run_scoped3A = tpu.sem_alloc : memref<!tpu.dma_semaphore, #tpu.memory_space<semaphore_mem>>
        %dma_start3A = tpu.memref_slice %arg7[%add3A_96] : memref<50000xf32, #tpu.memory_space<hbm>> -> memref<400xf32, #tpu.memory_space<hbm>>
        %dma_start3A_193 = tpu.memref_slice %arg7[%add3A_96] : memref<50000xf32, #tpu.memory_space<hbm>> -> memref<400xf32, #tpu.memory_space<hbm>>
        tpu.enqueue_dma source(%arg13 : memref<400xf32, #tpu.memory_space<vmem>>) target(%dma_start3A_193 : memref<400xf32, #tpu.memory_space<hbm>>) target_semaphore(%run_scoped3A : memref<!tpu.dma_semaphore, #tpu.memory_space<semaphore_mem>>)
        %dma_wait3A = tpu.memref_slice %arg7[%add3A_96] : memref<50000xf32, #tpu.memory_space<hbm>> -> memref<400xf32, #tpu.memory_space<hbm>>
        %dma_wait3A_194 = tpu.memref_slice %arg7[%add3A_96] : memref<50000xf32, #tpu.memory_space<hbm>> -> memref<400xf32, #tpu.memory_space<hbm>>
        tpu.wait_dma2 semaphore(%run_scoped3A : memref<!tpu.dma_semaphore, #tpu.memory_space<semaphore_mem>>) src(%arg13 : memref<400xf32, #tpu.memory_space<vmem>>) dst(%dma_wait3A_194 : memref<400xf32, #tpu.memory_space<hbm>>)
        tpu.yield
      }) : () -> ()
      %mul3A_97 = arith.constant 5000 : i32
      %mul3A_98 = arith.muli %arg1, %mul3A_97 : i32
      %add3A_99 = arith.constant 400 : i32
      %add3A_100 = arith.addi %mul3A_98, %add3A_99 : i32
      "tpu.region"() ({
        %run_scoped3A = tpu.sem_alloc : memref<!tpu.dma_semaphore, #tpu.memory_space<semaphore_mem>>
        %dma_start3A = tpu.memref_slice %arg15[%add3A_100] : memref<50000xf32, #tpu.memory_space<vmem_shared>> -> memref<400xf32, #tpu.memory_space<vmem_shared>>
        %dma_start3A_193 = tpu.memref_slice %arg15[%add3A_100] : memref<50000xf32, #tpu.memory_space<vmem_shared>> -> memref<400xf32, #tpu.memory_space<vmem_shared>>
        tpu.enqueue_dma source(%dma_start3A_193 : memref<400xf32, #tpu.memory_space<vmem_shared>>) target(%arg13 : memref<400xf32, #tpu.memory_space<vmem>>) target_semaphore(%run_scoped3A : memref<!tpu.dma_semaphore, #tpu.memory_space<semaphore_mem>>)
        %dma_wait3A = tpu.memref_slice %arg15[%add3A_100] : memref<50000xf32, #tpu.memory_space<vmem_shared>> -> memref<400xf32, #tpu.memory_space<vmem_shared>>
        %dma_wait3A_194 = tpu.memref_slice %arg15[%add3A_100] : memref<50000xf32, #tpu.memory_space<vmem_shared>> -> memref<400xf32, #tpu.memory_space<vmem_shared>>
        tpu.wait_dma2 semaphore(%run_scoped3A : memref<!tpu.dma_semaphore, #tpu.memory_space<semaphore_mem>>) src(%dma_wait3A_194 : memref<400xf32, #tpu.memory_space<vmem_shared>>) dst(%arg13 : memref<400xf32, #tpu.memory_space<vmem>>)
        tpu.yield
      }) : () -> ()
      %mul3A_101 = arith.constant 5000 : i32
      %mul3A_102 = arith.muli %arg1, %mul3A_101 : i32
      %add3A_103 = arith.constant 400 : i32
      %add3A_104 = arith.addi %mul3A_102, %add3A_103 : i32
      "tpu.region"() ({
        %run_scoped3A = tpu.sem_alloc : memref<!tpu.dma_semaphore, #tpu.memory_space<semaphore_mem>>
        %dma_start3A = tpu.memref_slice %arg7[%add3A_104] : memref<50000xf32, #tpu.memory_space<hbm>> -> memref<400xf32, #tpu.memory_space<hbm>>
        %dma_start3A_193 = tpu.memref_slice %arg7[%add3A_104] : memref<50000xf32, #tpu.memory_space<hbm>> -> memref<400xf32, #tpu.memory_space<hbm>>
        tpu.enqueue_dma source(%arg13 : memref<400xf32, #tpu.memory_space<vmem>>) target(%dma_start3A_193 : memref<400xf32, #tpu.memory_space<hbm>>) target_semaphore(%run_scoped3A : memref<!tpu.dma_semaphore, #tpu.memory_space<semaphore_mem>>)
        %dma_wait3A = tpu.memref_slice %arg7[%add3A_104] : memref<50000xf32, #tpu.memory_space<hbm>> -> memref<400xf32, #tpu.memory_space<hbm>>
        %dma_wait3A_194 = tpu.memref_slice %arg7[%add3A_104] : memref<50000xf32, #tpu.memory_space<hbm>> -> memref<400xf32, #tpu.memory_space<hbm>>
        tpu.wait_dma2 semaphore(%run_scoped3A : memref<!tpu.dma_semaphore, #tpu.memory_space<semaphore_mem>>) src(%arg13 : memref<400xf32, #tpu.memory_space<vmem>>) dst(%dma_wait3A_194 : memref<400xf32, #tpu.memory_space<hbm>>)
        tpu.yield
      }) : () -> ()
      %mul3A_105 = arith.constant 5000 : i32
      %mul3A_106 = arith.muli %arg1, %mul3A_105 : i32
      %add3A_107 = arith.constant 800 : i32
      %add3A_108 = arith.addi %mul3A_106, %add3A_107 : i32
      "tpu.region"() ({
        %run_scoped3A = tpu.sem_alloc : memref<!tpu.dma_semaphore, #tpu.memory_space<semaphore_mem>>
        %dma_start3A = tpu.memref_slice %arg15[%add3A_108] : memref<50000xf32, #tpu.memory_space<vmem_shared>> -> memref<400xf32, #tpu.memory_space<vmem_shared>>
        %dma_start3A_193 = tpu.memref_slice %arg15[%add3A_108] : memref<50000xf32, #tpu.memory_space<vmem_shared>> -> memref<400xf32, #tpu.memory_space<vmem_shared>>
        tpu.enqueue_dma source(%dma_start3A_193 : memref<400xf32, #tpu.memory_space<vmem_shared>>) target(%arg13 : memref<400xf32, #tpu.memory_space<vmem>>) target_semaphore(%run_scoped3A : memref<!tpu.dma_semaphore, #tpu.memory_space<semaphore_mem>>)
        %dma_wait3A = tpu.memref_slice %arg15[%add3A_108] : memref<50000xf32, #tpu.memory_space<vmem_shared>> -> memref<400xf32, #tpu.memory_space<vmem_shared>>
        %dma_wait3A_194 = tpu.memref_slice %arg15[%add3A_108] : memref<50000xf32, #tpu.memory_space<vmem_shared>> -> memref<400xf32, #tpu.memory_space<vmem_shared>>
        tpu.wait_dma2 semaphore(%run_scoped3A : memref<!tpu.dma_semaphore, #tpu.memory_space<semaphore_mem>>) src(%dma_wait3A_194 : memref<400xf32, #tpu.memory_space<vmem_shared>>) dst(%arg13 : memref<400xf32, #tpu.memory_space<vmem>>)
        tpu.yield
      }) : () -> ()
      %mul3A_109 = arith.constant 5000 : i32
      %mul3A_110 = arith.muli %arg1, %mul3A_109 : i32
      %add3A_111 = arith.constant 800 : i32
      %add3A_112 = arith.addi %mul3A_110, %add3A_111 : i32
      "tpu.region"() ({
        %run_scoped3A = tpu.sem_alloc : memref<!tpu.dma_semaphore, #tpu.memory_space<semaphore_mem>>
        %dma_start3A = tpu.memref_slice %arg7[%add3A_112] : memref<50000xf32, #tpu.memory_space<hbm>> -> memref<400xf32, #tpu.memory_space<hbm>>
        %dma_start3A_193 = tpu.memref_slice %arg7[%add3A_112] : memref<50000xf32, #tpu.memory_space<hbm>> -> memref<400xf32, #tpu.memory_space<hbm>>
        tpu.enqueue_dma source(%arg13 : memref<400xf32, #tpu.memory_space<vmem>>) target(%dma_start3A_193 : memref<400xf32, #tpu.memory_space<hbm>>) target_semaphore(%run_scoped3A : memref<!tpu.dma_semaphore, #tpu.memory_space<semaphore_mem>>)
        %dma_wait3A = tpu.memref_slice %arg7[%add3A_112] : memref<50000xf32, #tpu.memory_space<hbm>> -> memref<400xf32, #tpu.memory_space<hbm>>
        %dma_wait3A_194 = tpu.memref_slice %arg7[%add3A_112] : memref<50000xf32, #tpu.memory_space<hbm>> -> memref<400xf32, #tpu.memory_space<hbm>>
        tpu.wait_dma2 semaphore(%run_scoped3A : memref<!tpu.dma_semaphore, #tpu.memory_space<semaphore_mem>>) src(%arg13 : memref<400xf32, #tpu.memory_space<vmem>>) dst(%dma_wait3A_194 : memref<400xf32, #tpu.memory_space<hbm>>)
        tpu.yield
      }) : () -> ()
      %mul3A_113 = arith.constant 5000 : i32
      %mul3A_114 = arith.muli %arg1, %mul3A_113 : i32
      %add3A_115 = arith.constant 1200 : i32
      %add3A_116 = arith.addi %mul3A_114, %add3A_115 : i32
      "tpu.region"() ({
        %run_scoped3A = tpu.sem_alloc : memref<!tpu.dma_semaphore, #tpu.memory_space<semaphore_mem>>
        %dma_start3A = tpu.memref_slice %arg15[%add3A_116] : memref<50000xf32, #tpu.memory_space<vmem_shared>> -> memref<400xf32, #tpu.memory_space<vmem_shared>>
        %dma_start3A_193 = tpu.memref_slice %arg15[%add3A_116] : memref<50000xf32, #tpu.memory_space<vmem_shared>> -> memref<400xf32, #tpu.memory_space<vmem_shared>>
        tpu.enqueue_dma source(%dma_start3A_193 : memref<400xf32, #tpu.memory_space<vmem_shared>>) target(%arg13 : memref<400xf32, #tpu.memory_space<vmem>>) target_semaphore(%run_scoped3A : memref<!tpu.dma_semaphore, #tpu.memory_space<semaphore_mem>>)
        %dma_wait3A = tpu.memref_slice %arg15[%add3A_116] : memref<50000xf32, #tpu.memory_space<vmem_shared>> -> memref<400xf32, #tpu.memory_space<vmem_shared>>
        %dma_wait3A_194 = tpu.memref_slice %arg15[%add3A_116] : memref<50000xf32, #tpu.memory_space<vmem_shared>> -> memref<400xf32, #tpu.memory_space<vmem_shared>>
        tpu.wait_dma2 semaphore(%run_scoped3A : memref<!tpu.dma_semaphore, #tpu.memory_space<semaphore_mem>>) src(%dma_wait3A_194 : memref<400xf32, #tpu.memory_space<vmem_shared>>) dst(%arg13 : memref<400xf32, #tpu.memory_space<vmem>>)
        tpu.yield
      }) : () -> ()
      %mul3A_117 = arith.constant 5000 : i32
      %mul3A_118 = arith.muli %arg1, %mul3A_117 : i32
      %add3A_119 = arith.constant 1200 : i32
      %add3A_120 = arith.addi %mul3A_118, %add3A_119 : i32
      "tpu.region"() ({
        %run_scoped3A = tpu.sem_alloc : memref<!tpu.dma_semaphore, #tpu.memory_space<semaphore_mem>>
        %dma_start3A = tpu.memref_slice %arg7[%add3A_120] : memref<50000xf32, #tpu.memory_space<hbm>> -> memref<400xf32, #tpu.memory_space<hbm>>
        %dma_start3A_193 = tpu.memref_slice %arg7[%add3A_120] : memref<50000xf32, #tpu.memory_space<hbm>> -> memref<400xf32, #tpu.memory_space<hbm>>
        tpu.enqueue_dma source(%arg13 : memref<400xf32, #tpu.memory_space<vmem>>) target(%dma_start3A_193 : memref<400xf32, #tpu.memory_space<hbm>>) target_semaphore(%run_scoped3A : memref<!tpu.dma_semaphore, #tpu.memory_space<semaphore_mem>>)
        %dma_wait3A = tpu.memref_slice %arg7[%add3A_120] : memref<50000xf32, #tpu.memory_space<hbm>> -> memref<400xf32, #tpu.memory_space<hbm>>
        %dma_wait3A_194 = tpu.memref_slice %arg7[%add3A_120] : memref<50000xf32, #tpu.memory_space<hbm>> -> memref<400xf32, #tpu.memory_space<hbm>>
        tpu.wait_dma2 semaphore(%run_scoped3A : memref<!tpu.dma_semaphore, #tpu.memory_space<semaphore_mem>>) src(%arg13 : memref<400xf32, #tpu.memory_space<vmem>>) dst(%dma_wait3A_194 : memref<400xf32, #tpu.memory_space<hbm>>)
        tpu.yield
      }) : () -> ()
      %mul3A_121 = arith.constant 5000 : i32
      %mul3A_122 = arith.muli %arg1, %mul3A_121 : i32
      %add3A_123 = arith.constant 1600 : i32
      %add3A_124 = arith.addi %mul3A_122, %add3A_123 : i32
      "tpu.region"() ({
        %run_scoped3A = tpu.sem_alloc : memref<!tpu.dma_semaphore, #tpu.memory_space<semaphore_mem>>
        %dma_start3A = tpu.memref_slice %arg15[%add3A_124] : memref<50000xf32, #tpu.memory_space<vmem_shared>> -> memref<400xf32, #tpu.memory_space<vmem_shared>>
        %dma_start3A_193 = tpu.memref_slice %arg15[%add3A_124] : memref<50000xf32, #tpu.memory_space<vmem_shared>> -> memref<400xf32, #tpu.memory_space<vmem_shared>>
        tpu.enqueue_dma source(%dma_start3A_193 : memref<400xf32, #tpu.memory_space<vmem_shared>>) target(%arg13 : memref<400xf32, #tpu.memory_space<vmem>>) target_semaphore(%run_scoped3A : memref<!tpu.dma_semaphore, #tpu.memory_space<semaphore_mem>>)
        %dma_wait3A = tpu.memref_slice %arg15[%add3A_124] : memref<50000xf32, #tpu.memory_space<vmem_shared>> -> memref<400xf32, #tpu.memory_space<vmem_shared>>
        %dma_wait3A_194 = tpu.memref_slice %arg15[%add3A_124] : memref<50000xf32, #tpu.memory_space<vmem_shared>> -> memref<400xf32, #tpu.memory_space<vmem_shared>>
        tpu.wait_dma2 semaphore(%run_scoped3A : memref<!tpu.dma_semaphore, #tpu.memory_space<semaphore_mem>>) src(%dma_wait3A_194 : memref<400xf32, #tpu.memory_space<vmem_shared>>) dst(%arg13 : memref<400xf32, #tpu.memory_space<vmem>>)
        tpu.yield
      }) : () -> ()
      %mul3A_125 = arith.constant 5000 : i32
      %mul3A_126 = arith.muli %arg1, %mul3A_125 : i32
      %add3A_127 = arith.constant 1600 : i32
      %add3A_128 = arith.addi %mul3A_126, %add3A_127 : i32
      "tpu.region"() ({
        %run_scoped3A = tpu.sem_alloc : memref<!tpu.dma_semaphore, #tpu.memory_space<semaphore_mem>>
        %dma_start3A = tpu.memref_slice %arg7[%add3A_128] : memref<50000xf32, #tpu.memory_space<hbm>> -> memref<400xf32, #tpu.memory_space<hbm>>
        %dma_start3A_193 = tpu.memref_slice %arg7[%add3A_128] : memref<50000xf32, #tpu.memory_space<hbm>> -> memref<400xf32, #tpu.memory_space<hbm>>
        tpu.enqueue_dma source(%arg13 : memref<400xf32, #tpu.memory_space<vmem>>) target(%dma_start3A_193 : memref<400xf32, #tpu.memory_space<hbm>>) target_semaphore(%run_scoped3A : memref<!tpu.dma_semaphore, #tpu.memory_space<semaphore_mem>>)
        %dma_wait3A = tpu.memref_slice %arg7[%add3A_128] : memref<50000xf32, #tpu.memory_space<hbm>> -> memref<400xf32, #tpu.memory_space<hbm>>
        %dma_wait3A_194 = tpu.memref_slice %arg7[%add3A_128] : memref<50000xf32, #tpu.memory_space<hbm>> -> memref<400xf32, #tpu.memory_space<hbm>>
        tpu.wait_dma2 semaphore(%run_scoped3A : memref<!tpu.dma_semaphore, #tpu.memory_space<semaphore_mem>>) src(%arg13 : memref<400xf32, #tpu.memory_space<vmem>>) dst(%dma_wait3A_194 : memref<400xf32, #tpu.memory_space<hbm>>)
        tpu.yield
      }) : () -> ()
      %mul3A_129 = arith.constant 5000 : i32
      %mul3A_130 = arith.muli %arg1, %mul3A_129 : i32
      %add3A_131 = arith.constant 2000 : i32
      %add3A_132 = arith.addi %mul3A_130, %add3A_131 : i32
      "tpu.region"() ({
        %run_scoped3A = tpu.sem_alloc : memref<!tpu.dma_semaphore, #tpu.memory_space<semaphore_mem>>
        %dma_start3A = tpu.memref_slice %arg15[%add3A_132] : memref<50000xf32, #tpu.memory_space<vmem_shared>> -> memref<400xf32, #tpu.memory_space<vmem_shared>>
        %dma_start3A_193 = tpu.memref_slice %arg15[%add3A_132] : memref<50000xf32, #tpu.memory_space<vmem_shared>> -> memref<400xf32, #tpu.memory_space<vmem_shared>>
        tpu.enqueue_dma source(%dma_start3A_193 : memref<400xf32, #tpu.memory_space<vmem_shared>>) target(%arg13 : memref<400xf32, #tpu.memory_space<vmem>>) target_semaphore(%run_scoped3A : memref<!tpu.dma_semaphore, #tpu.memory_space<semaphore_mem>>)
        %dma_wait3A = tpu.memref_slice %arg15[%add3A_132] : memref<50000xf32, #tpu.memory_space<vmem_shared>> -> memref<400xf32, #tpu.memory_space<vmem_shared>>
        %dma_wait3A_194 = tpu.memref_slice %arg15[%add3A_132] : memref<50000xf32, #tpu.memory_space<vmem_shared>> -> memref<400xf32, #tpu.memory_space<vmem_shared>>
        tpu.wait_dma2 semaphore(%run_scoped3A : memref<!tpu.dma_semaphore, #tpu.memory_space<semaphore_mem>>) src(%dma_wait3A_194 : memref<400xf32, #tpu.memory_space<vmem_shared>>) dst(%arg13 : memref<400xf32, #tpu.memory_space<vmem>>)
        tpu.yield
      }) : () -> ()
      %mul3A_133 = arith.constant 5000 : i32
      %mul3A_134 = arith.muli %arg1, %mul3A_133 : i32
      %add3A_135 = arith.constant 2000 : i32
      %add3A_136 = arith.addi %mul3A_134, %add3A_135 : i32
      "tpu.region"() ({
        %run_scoped3A = tpu.sem_alloc : memref<!tpu.dma_semaphore, #tpu.memory_space<semaphore_mem>>
        %dma_start3A = tpu.memref_slice %arg7[%add3A_136] : memref<50000xf32, #tpu.memory_space<hbm>> -> memref<400xf32, #tpu.memory_space<hbm>>
        %dma_start3A_193 = tpu.memref_slice %arg7[%add3A_136] : memref<50000xf32, #tpu.memory_space<hbm>> -> memref<400xf32, #tpu.memory_space<hbm>>
        tpu.enqueue_dma source(%arg13 : memref<400xf32, #tpu.memory_space<vmem>>) target(%dma_start3A_193 : memref<400xf32, #tpu.memory_space<hbm>>) target_semaphore(%run_scoped3A : memref<!tpu.dma_semaphore, #tpu.memory_space<semaphore_mem>>)
        %dma_wait3A = tpu.memref_slice %arg7[%add3A_136] : memref<50000xf32, #tpu.memory_space<hbm>> -> memref<400xf32, #tpu.memory_space<hbm>>
        %dma_wait3A_194 = tpu.memref_slice %arg7[%add3A_136] : memref<50000xf32, #tpu.memory_space<hbm>> -> memref<400xf32, #tpu.memory_space<hbm>>
        tpu.wait_dma2 semaphore(%run_scoped3A : memref<!tpu.dma_semaphore, #tpu.memory_space<semaphore_mem>>) src(%arg13 : memref<400xf32, #tpu.memory_space<vmem>>) dst(%dma_wait3A_194 : memref<400xf32, #tpu.memory_space<hbm>>)
        tpu.yield
      }) : () -> ()
      %mul3A_137 = arith.constant 5000 : i32
      %mul3A_138 = arith.muli %arg1, %mul3A_137 : i32
      %add3A_139 = arith.constant 2400 : i32
      %add3A_140 = arith.addi %mul3A_138, %add3A_139 : i32
      "tpu.region"() ({
        %run_scoped3A = tpu.sem_alloc : memref<!tpu.dma_semaphore, #tpu.memory_space<semaphore_mem>>
        %dma_start3A = tpu.memref_slice %arg15[%add3A_140] : memref<50000xf32, #tpu.memory_space<vmem_shared>> -> memref<400xf32, #tpu.memory_space<vmem_shared>>
        %dma_start3A_193 = tpu.memref_slice %arg15[%add3A_140] : memref<50000xf32, #tpu.memory_space<vmem_shared>> -> memref<400xf32, #tpu.memory_space<vmem_shared>>
        tpu.enqueue_dma source(%dma_start3A_193 : memref<400xf32, #tpu.memory_space<vmem_shared>>) target(%arg13 : memref<400xf32, #tpu.memory_space<vmem>>) target_semaphore(%run_scoped3A : memref<!tpu.dma_semaphore, #tpu.memory_space<semaphore_mem>>)
        %dma_wait3A = tpu.memref_slice %arg15[%add3A_140] : memref<50000xf32, #tpu.memory_space<vmem_shared>> -> memref<400xf32, #tpu.memory_space<vmem_shared>>
        %dma_wait3A_194 = tpu.memref_slice %arg15[%add3A_140] : memref<50000xf32, #tpu.memory_space<vmem_shared>> -> memref<400xf32, #tpu.memory_space<vmem_shared>>
        tpu.wait_dma2 semaphore(%run_scoped3A : memref<!tpu.dma_semaphore, #tpu.memory_space<semaphore_mem>>) src(%dma_wait3A_194 : memref<400xf32, #tpu.memory_space<vmem_shared>>) dst(%arg13 : memref<400xf32, #tpu.memory_space<vmem>>)
        tpu.yield
      }) : () -> ()
      %mul3A_141 = arith.constant 5000 : i32
      %mul3A_142 = arith.muli %arg1, %mul3A_141 : i32
      %add3A_143 = arith.constant 2400 : i32
      %add3A_144 = arith.addi %mul3A_142, %add3A_143 : i32
      "tpu.region"() ({
        %run_scoped3A = tpu.sem_alloc : memref<!tpu.dma_semaphore, #tpu.memory_space<semaphore_mem>>
        %dma_start3A = tpu.memref_slice %arg7[%add3A_144] : memref<50000xf32, #tpu.memory_space<hbm>> -> memref<400xf32, #tpu.memory_space<hbm>>
        %dma_start3A_193 = tpu.memref_slice %arg7[%add3A_144] : memref<50000xf32, #tpu.memory_space<hbm>> -> memref<400xf32, #tpu.memory_space<hbm>>
        tpu.enqueue_dma source(%arg13 : memref<400xf32, #tpu.memory_space<vmem>>) target(%dma_start3A_193 : memref<400xf32, #tpu.memory_space<hbm>>) target_semaphore(%run_scoped3A : memref<!tpu.dma_semaphore, #tpu.memory_space<semaphore_mem>>)
        %dma_wait3A = tpu.memref_slice %arg7[%add3A_144] : memref<50000xf32, #tpu.memory_space<hbm>> -> memref<400xf32, #tpu.memory_space<hbm>>
        %dma_wait3A_194 = tpu.memref_slice %arg7[%add3A_144] : memref<50000xf32, #tpu.memory_space<hbm>> -> memref<400xf32, #tpu.memory_space<hbm>>
        tpu.wait_dma2 semaphore(%run_scoped3A : memref<!tpu.dma_semaphore, #tpu.memory_space<semaphore_mem>>) src(%arg13 : memref<400xf32, #tpu.memory_space<vmem>>) dst(%dma_wait3A_194 : memref<400xf32, #tpu.memory_space<hbm>>)
        tpu.yield
      }) : () -> ()
      %mul3A_145 = arith.constant 5000 : i32
      %mul3A_146 = arith.muli %arg1, %mul3A_145 : i32
      %add3A_147 = arith.constant 2800 : i32
      %add3A_148 = arith.addi %mul3A_146, %add3A_147 : i32
      "tpu.region"() ({
        %run_scoped3A = tpu.sem_alloc : memref<!tpu.dma_semaphore, #tpu.memory_space<semaphore_mem>>
        %dma_start3A = tpu.memref_slice %arg15[%add3A_148] : memref<50000xf32, #tpu.memory_space<vmem_shared>> -> memref<400xf32, #tpu.memory_space<vmem_shared>>
        %dma_start3A_193 = tpu.memref_slice %arg15[%add3A_148] : memref<50000xf32, #tpu.memory_space<vmem_shared>> -> memref<400xf32, #tpu.memory_space<vmem_shared>>
        tpu.enqueue_dma source(%dma_start3A_193 : memref<400xf32, #tpu.memory_space<vmem_shared>>) target(%arg13 : memref<400xf32, #tpu.memory_space<vmem>>) target_semaphore(%run_scoped3A : memref<!tpu.dma_semaphore, #tpu.memory_space<semaphore_mem>>)
        %dma_wait3A = tpu.memref_slice %arg15[%add3A_148] : memref<50000xf32, #tpu.memory_space<vmem_shared>> -> memref<400xf32, #tpu.memory_space<vmem_shared>>
        %dma_wait3A_194 = tpu.memref_slice %arg15[%add3A_148] : memref<50000xf32, #tpu.memory_space<vmem_shared>> -> memref<400xf32, #tpu.memory_space<vmem_shared>>
        tpu.wait_dma2 semaphore(%run_scoped3A : memref<!tpu.dma_semaphore, #tpu.memory_space<semaphore_mem>>) src(%dma_wait3A_194 : memref<400xf32, #tpu.memory_space<vmem_shared>>) dst(%arg13 : memref<400xf32, #tpu.memory_space<vmem>>)
        tpu.yield
      }) : () -> ()
      %mul3A_149 = arith.constant 5000 : i32
      %mul3A_150 = arith.muli %arg1, %mul3A_149 : i32
      %add3A_151 = arith.constant 2800 : i32
      %add3A_152 = arith.addi %mul3A_150, %add3A_151 : i32
      "tpu.region"() ({
        %run_scoped3A = tpu.sem_alloc : memref<!tpu.dma_semaphore, #tpu.memory_space<semaphore_mem>>
        %dma_start3A = tpu.memref_slice %arg7[%add3A_152] : memref<50000xf32, #tpu.memory_space<hbm>> -> memref<400xf32, #tpu.memory_space<hbm>>
        %dma_start3A_193 = tpu.memref_slice %arg7[%add3A_152] : memref<50000xf32, #tpu.memory_space<hbm>> -> memref<400xf32, #tpu.memory_space<hbm>>
        tpu.enqueue_dma source(%arg13 : memref<400xf32, #tpu.memory_space<vmem>>) target(%dma_start3A_193 : memref<400xf32, #tpu.memory_space<hbm>>) target_semaphore(%run_scoped3A : memref<!tpu.dma_semaphore, #tpu.memory_space<semaphore_mem>>)
        %dma_wait3A = tpu.memref_slice %arg7[%add3A_152] : memref<50000xf32, #tpu.memory_space<hbm>> -> memref<400xf32, #tpu.memory_space<hbm>>
        %dma_wait3A_194 = tpu.memref_slice %arg7[%add3A_152] : memref<50000xf32, #tpu.memory_space<hbm>> -> memref<400xf32, #tpu.memory_space<hbm>>
        tpu.wait_dma2 semaphore(%run_scoped3A : memref<!tpu.dma_semaphore, #tpu.memory_space<semaphore_mem>>) src(%arg13 : memref<400xf32, #tpu.memory_space<vmem>>) dst(%dma_wait3A_194 : memref<400xf32, #tpu.memory_space<hbm>>)
        tpu.yield
      }) : () -> ()
      %mul3A_153 = arith.constant 5000 : i32
      %mul3A_154 = arith.muli %arg1, %mul3A_153 : i32
      %add3A_155 = arith.constant 3200 : i32
      %add3A_156 = arith.addi %mul3A_154, %add3A_155 : i32
      "tpu.region"() ({
        %run_scoped3A = tpu.sem_alloc : memref<!tpu.dma_semaphore, #tpu.memory_space<semaphore_mem>>
        %dma_start3A = tpu.memref_slice %arg15[%add3A_156] : memref<50000xf32, #tpu.memory_space<vmem_shared>> -> memref<400xf32, #tpu.memory_space<vmem_shared>>
        %dma_start3A_193 = tpu.memref_slice %arg15[%add3A_156] : memref<50000xf32, #tpu.memory_space<vmem_shared>> -> memref<400xf32, #tpu.memory_space<vmem_shared>>
        tpu.enqueue_dma source(%dma_start3A_193 : memref<400xf32, #tpu.memory_space<vmem_shared>>) target(%arg13 : memref<400xf32, #tpu.memory_space<vmem>>) target_semaphore(%run_scoped3A : memref<!tpu.dma_semaphore, #tpu.memory_space<semaphore_mem>>)
        %dma_wait3A = tpu.memref_slice %arg15[%add3A_156] : memref<50000xf32, #tpu.memory_space<vmem_shared>> -> memref<400xf32, #tpu.memory_space<vmem_shared>>
        %dma_wait3A_194 = tpu.memref_slice %arg15[%add3A_156] : memref<50000xf32, #tpu.memory_space<vmem_shared>> -> memref<400xf32, #tpu.memory_space<vmem_shared>>
        tpu.wait_dma2 semaphore(%run_scoped3A : memref<!tpu.dma_semaphore, #tpu.memory_space<semaphore_mem>>) src(%dma_wait3A_194 : memref<400xf32, #tpu.memory_space<vmem_shared>>) dst(%arg13 : memref<400xf32, #tpu.memory_space<vmem>>)
        tpu.yield
      }) : () -> ()
      %mul3A_157 = arith.constant 5000 : i32
      %mul3A_158 = arith.muli %arg1, %mul3A_157 : i32
      %add3A_159 = arith.constant 3200 : i32
      %add3A_160 = arith.addi %mul3A_158, %add3A_159 : i32
      "tpu.region"() ({
        %run_scoped3A = tpu.sem_alloc : memref<!tpu.dma_semaphore, #tpu.memory_space<semaphore_mem>>
        %dma_start3A = tpu.memref_slice %arg7[%add3A_160] : memref<50000xf32, #tpu.memory_space<hbm>> -> memref<400xf32, #tpu.memory_space<hbm>>
        %dma_start3A_193 = tpu.memref_slice %arg7[%add3A_160] : memref<50000xf32, #tpu.memory_space<hbm>> -> memref<400xf32, #tpu.memory_space<hbm>>
        tpu.enqueue_dma source(%arg13 : memref<400xf32, #tpu.memory_space<vmem>>) target(%dma_start3A_193 : memref<400xf32, #tpu.memory_space<hbm>>) target_semaphore(%run_scoped3A : memref<!tpu.dma_semaphore, #tpu.memory_space<semaphore_mem>>)
        %dma_wait3A = tpu.memref_slice %arg7[%add3A_160] : memref<50000xf32, #tpu.memory_space<hbm>> -> memref<400xf32, #tpu.memory_space<hbm>>
        %dma_wait3A_194 = tpu.memref_slice %arg7[%add3A_160] : memref<50000xf32, #tpu.memory_space<hbm>> -> memref<400xf32, #tpu.memory_space<hbm>>
        tpu.wait_dma2 semaphore(%run_scoped3A : memref<!tpu.dma_semaphore, #tpu.memory_space<semaphore_mem>>) src(%arg13 : memref<400xf32, #tpu.memory_space<vmem>>) dst(%dma_wait3A_194 : memref<400xf32, #tpu.memory_space<hbm>>)
        tpu.yield
      }) : () -> ()
      %mul3A_161 = arith.constant 5000 : i32
      %mul3A_162 = arith.muli %arg1, %mul3A_161 : i32
      %add3A_163 = arith.constant 3600 : i32
      %add3A_164 = arith.addi %mul3A_162, %add3A_163 : i32
      "tpu.region"() ({
        %run_scoped3A = tpu.sem_alloc : memref<!tpu.dma_semaphore, #tpu.memory_space<semaphore_mem>>
        %dma_start3A = tpu.memref_slice %arg15[%add3A_164] : memref<50000xf32, #tpu.memory_space<vmem_shared>> -> memref<400xf32, #tpu.memory_space<vmem_shared>>
        %dma_start3A_193 = tpu.memref_slice %arg15[%add3A_164] : memref<50000xf32, #tpu.memory_space<vmem_shared>> -> memref<400xf32, #tpu.memory_space<vmem_shared>>
        tpu.enqueue_dma source(%dma_start3A_193 : memref<400xf32, #tpu.memory_space<vmem_shared>>) target(%arg13 : memref<400xf32, #tpu.memory_space<vmem>>) target_semaphore(%run_scoped3A : memref<!tpu.dma_semaphore, #tpu.memory_space<semaphore_mem>>)
        %dma_wait3A = tpu.memref_slice %arg15[%add3A_164] : memref<50000xf32, #tpu.memory_space<vmem_shared>> -> memref<400xf32, #tpu.memory_space<vmem_shared>>
        %dma_wait3A_194 = tpu.memref_slice %arg15[%add3A_164] : memref<50000xf32, #tpu.memory_space<vmem_shared>> -> memref<400xf32, #tpu.memory_space<vmem_shared>>
        tpu.wait_dma2 semaphore(%run_scoped3A : memref<!tpu.dma_semaphore, #tpu.memory_space<semaphore_mem>>) src(%dma_wait3A_194 : memref<400xf32, #tpu.memory_space<vmem_shared>>) dst(%arg13 : memref<400xf32, #tpu.memory_space<vmem>>)
        tpu.yield
      }) : () -> ()
      %mul3A_165 = arith.constant 5000 : i32
      %mul3A_166 = arith.muli %arg1, %mul3A_165 : i32
      %add3A_167 = arith.constant 3600 : i32
      %add3A_168 = arith.addi %mul3A_166, %add3A_167 : i32
      "tpu.region"() ({
        %run_scoped3A = tpu.sem_alloc : memref<!tpu.dma_semaphore, #tpu.memory_space<semaphore_mem>>
        %dma_start3A = tpu.memref_slice %arg7[%add3A_168] : memref<50000xf32, #tpu.memory_space<hbm>> -> memref<400xf32, #tpu.memory_space<hbm>>
        %dma_start3A_193 = tpu.memref_slice %arg7[%add3A_168] : memref<50000xf32, #tpu.memory_space<hbm>> -> memref<400xf32, #tpu.memory_space<hbm>>
        tpu.enqueue_dma source(%arg13 : memref<400xf32, #tpu.memory_space<vmem>>) target(%dma_start3A_193 : memref<400xf32, #tpu.memory_space<hbm>>) target_semaphore(%run_scoped3A : memref<!tpu.dma_semaphore, #tpu.memory_space<semaphore_mem>>)
        %dma_wait3A = tpu.memref_slice %arg7[%add3A_168] : memref<50000xf32, #tpu.memory_space<hbm>> -> memref<400xf32, #tpu.memory_space<hbm>>
        %dma_wait3A_194 = tpu.memref_slice %arg7[%add3A_168] : memref<50000xf32, #tpu.memory_space<hbm>> -> memref<400xf32, #tpu.memory_space<hbm>>
        tpu.wait_dma2 semaphore(%run_scoped3A : memref<!tpu.dma_semaphore, #tpu.memory_space<semaphore_mem>>) src(%arg13 : memref<400xf32, #tpu.memory_space<vmem>>) dst(%dma_wait3A_194 : memref<400xf32, #tpu.memory_space<hbm>>)
        tpu.yield
      }) : () -> ()
      %mul3A_169 = arith.constant 5000 : i32
      %mul3A_170 = arith.muli %arg1, %mul3A_169 : i32
      %add3A_171 = arith.constant 4000 : i32
      %add3A_172 = arith.addi %mul3A_170, %add3A_171 : i32
      "tpu.region"() ({
        %run_scoped3A = tpu.sem_alloc : memref<!tpu.dma_semaphore, #tpu.memory_space<semaphore_mem>>
        %dma_start3A = tpu.memref_slice %arg15[%add3A_172] : memref<50000xf32, #tpu.memory_space<vmem_shared>> -> memref<400xf32, #tpu.memory_space<vmem_shared>>
        %dma_start3A_193 = tpu.memref_slice %arg15[%add3A_172] : memref<50000xf32, #tpu.memory_space<vmem_shared>> -> memref<400xf32, #tpu.memory_space<vmem_shared>>
        tpu.enqueue_dma source(%dma_start3A_193 : memref<400xf32, #tpu.memory_space<vmem_shared>>) target(%arg13 : memref<400xf32, #tpu.memory_space<vmem>>) target_semaphore(%run_scoped3A : memref<!tpu.dma_semaphore, #tpu.memory_space<semaphore_mem>>)
        %dma_wait3A = tpu.memref_slice %arg15[%add3A_172] : memref<50000xf32, #tpu.memory_space<vmem_shared>> -> memref<400xf32, #tpu.memory_space<vmem_shared>>
        %dma_wait3A_194 = tpu.memref_slice %arg15[%add3A_172] : memref<50000xf32, #tpu.memory_space<vmem_shared>> -> memref<400xf32, #tpu.memory_space<vmem_shared>>
        tpu.wait_dma2 semaphore(%run_scoped3A : memref<!tpu.dma_semaphore, #tpu.memory_space<semaphore_mem>>) src(%dma_wait3A_194 : memref<400xf32, #tpu.memory_space<vmem_shared>>) dst(%arg13 : memref<400xf32, #tpu.memory_space<vmem>>)
        tpu.yield
      }) : () -> ()
      %mul3A_173 = arith.constant 5000 : i32
      %mul3A_174 = arith.muli %arg1, %mul3A_173 : i32
      %add3A_175 = arith.constant 4000 : i32
      %add3A_176 = arith.addi %mul3A_174, %add3A_175 : i32
      "tpu.region"() ({
        %run_scoped3A = tpu.sem_alloc : memref<!tpu.dma_semaphore, #tpu.memory_space<semaphore_mem>>
        %dma_start3A = tpu.memref_slice %arg7[%add3A_176] : memref<50000xf32, #tpu.memory_space<hbm>> -> memref<400xf32, #tpu.memory_space<hbm>>
        %dma_start3A_193 = tpu.memref_slice %arg7[%add3A_176] : memref<50000xf32, #tpu.memory_space<hbm>> -> memref<400xf32, #tpu.memory_space<hbm>>
        tpu.enqueue_dma source(%arg13 : memref<400xf32, #tpu.memory_space<vmem>>) target(%dma_start3A_193 : memref<400xf32, #tpu.memory_space<hbm>>) target_semaphore(%run_scoped3A : memref<!tpu.dma_semaphore, #tpu.memory_space<semaphore_mem>>)
        %dma_wait3A = tpu.memref_slice %arg7[%add3A_176] : memref<50000xf32, #tpu.memory_space<hbm>> -> memref<400xf32, #tpu.memory_space<hbm>>
        %dma_wait3A_194 = tpu.memref_slice %arg7[%add3A_176] : memref<50000xf32, #tpu.memory_space<hbm>> -> memref<400xf32, #tpu.memory_space<hbm>>
        tpu.wait_dma2 semaphore(%run_scoped3A : memref<!tpu.dma_semaphore, #tpu.memory_space<semaphore_mem>>) src(%arg13 : memref<400xf32, #tpu.memory_space<vmem>>) dst(%dma_wait3A_194 : memref<400xf32, #tpu.memory_space<hbm>>)
        tpu.yield
      }) : () -> ()
      %mul3A_177 = arith.constant 5000 : i32
      %mul3A_178 = arith.muli %arg1, %mul3A_177 : i32
      %add3A_179 = arith.constant 4400 : i32
      %add3A_180 = arith.addi %mul3A_178, %add3A_179 : i32
      "tpu.region"() ({
        %run_scoped3A = tpu.sem_alloc : memref<!tpu.dma_semaphore, #tpu.memory_space<semaphore_mem>>
        %dma_start3A = tpu.memref_slice %arg15[%add3A_180] : memref<50000xf32, #tpu.memory_space<vmem_shared>> -> memref<400xf32, #tpu.memory_space<vmem_shared>>
        %dma_start3A_193 = tpu.memref_slice %arg15[%add3A_180] : memref<50000xf32, #tpu.memory_space<vmem_shared>> -> memref<400xf32, #tpu.memory_space<vmem_shared>>
        tpu.enqueue_dma source(%dma_start3A_193 : memref<400xf32, #tpu.memory_space<vmem_shared>>) target(%arg13 : memref<400xf32, #tpu.memory_space<vmem>>) target_semaphore(%run_scoped3A : memref<!tpu.dma_semaphore, #tpu.memory_space<semaphore_mem>>)
        %dma_wait3A = tpu.memref_slice %arg15[%add3A_180] : memref<50000xf32, #tpu.memory_space<vmem_shared>> -> memref<400xf32, #tpu.memory_space<vmem_shared>>
        %dma_wait3A_194 = tpu.memref_slice %arg15[%add3A_180] : memref<50000xf32, #tpu.memory_space<vmem_shared>> -> memref<400xf32, #tpu.memory_space<vmem_shared>>
        tpu.wait_dma2 semaphore(%run_scoped3A : memref<!tpu.dma_semaphore, #tpu.memory_space<semaphore_mem>>) src(%dma_wait3A_194 : memref<400xf32, #tpu.memory_space<vmem_shared>>) dst(%arg13 : memref<400xf32, #tpu.memory_space<vmem>>)
        tpu.yield
      }) : () -> ()
      %mul3A_181 = arith.constant 5000 : i32
      %mul3A_182 = arith.muli %arg1, %mul3A_181 : i32
      %add3A_183 = arith.constant 4400 : i32
      %add3A_184 = arith.addi %mul3A_182, %add3A_183 : i32
      "tpu.region"() ({
        %run_scoped3A = tpu.sem_alloc : memref<!tpu.dma_semaphore, #tpu.memory_space<semaphore_mem>>
        %dma_start3A = tpu.memref_slice %arg7[%add3A_184] : memref<50000xf32, #tpu.memory_space<hbm>> -> memref<400xf32, #tpu.memory_space<hbm>>
        %dma_start3A_193 = tpu.memref_slice %arg7[%add3A_184] : memref<50000xf32, #tpu.memory_space<hbm>> -> memref<400xf32, #tpu.memory_space<hbm>>
        tpu.enqueue_dma source(%arg13 : memref<400xf32, #tpu.memory_space<vmem>>) target(%dma_start3A_193 : memref<400xf32, #tpu.memory_space<hbm>>) target_semaphore(%run_scoped3A : memref<!tpu.dma_semaphore, #tpu.memory_space<semaphore_mem>>)
        %dma_wait3A = tpu.memref_slice %arg7[%add3A_184] : memref<50000xf32, #tpu.memory_space<hbm>> -> memref<400xf32, #tpu.memory_space<hbm>>
        %dma_wait3A_194 = tpu.memref_slice %arg7[%add3A_184] : memref<50000xf32, #tpu.memory_space<hbm>> -> memref<400xf32, #tpu.memory_space<hbm>>
        tpu.wait_dma2 semaphore(%run_scoped3A : memref<!tpu.dma_semaphore, #tpu.memory_space<semaphore_mem>>) src(%arg13 : memref<400xf32, #tpu.memory_space<vmem>>) dst(%dma_wait3A_194 : memref<400xf32, #tpu.memory_space<hbm>>)
        tpu.yield
      }) : () -> ()
      %mul3A_185 = arith.constant 5000 : i32
      %mul3A_186 = arith.muli %arg1, %mul3A_185 : i32
      %add3A_187 = arith.constant 4800 : i32
      %add3A_188 = arith.addi %mul3A_186, %add3A_187 : i32
      "tpu.region"() ({
        %run_scoped3A = tpu.sem_alloc : memref<!tpu.dma_semaphore, #tpu.memory_space<semaphore_mem>>
        %dma_start3A = arith.constant 0 : i32
        %dma_start3A_193 = tpu.memref_slice %arg13[%dma_start3A] : memref<400xf32, #tpu.memory_space<vmem>> -> memref<200xf32, #tpu.memory_space<vmem>>
        %dma_start3A_194 = tpu.memref_slice %arg15[%add3A_188] : memref<50000xf32, #tpu.memory_space<vmem_shared>> -> memref<200xf32, #tpu.memory_space<vmem_shared>>
        %dma_start3A_195 = arith.constant 0 : i32
        %dma_start3A_196 = tpu.memref_slice %arg13[%dma_start3A_195] : memref<400xf32, #tpu.memory_space<vmem>> -> memref<200xf32, #tpu.memory_space<vmem>>
        %dma_start3A_197 = tpu.memref_slice %arg15[%add3A_188] : memref<50000xf32, #tpu.memory_space<vmem_shared>> -> memref<200xf32, #tpu.memory_space<vmem_shared>>
        tpu.enqueue_dma source(%dma_start3A_197 : memref<200xf32, #tpu.memory_space<vmem_shared>>) target(%dma_start3A_196 : memref<200xf32, #tpu.memory_space<vmem>>) target_semaphore(%run_scoped3A : memref<!tpu.dma_semaphore, #tpu.memory_space<semaphore_mem>>)
        %dma_wait3A = arith.constant 0 : i32
        %dma_wait3A_198 = tpu.memref_slice %arg13[%dma_wait3A] : memref<400xf32, #tpu.memory_space<vmem>> -> memref<200xf32, #tpu.memory_space<vmem>>
        %dma_wait3A_199 = tpu.memref_slice %arg15[%add3A_188] : memref<50000xf32, #tpu.memory_space<vmem_shared>> -> memref<200xf32, #tpu.memory_space<vmem_shared>>
        %dma_wait3A_200 = arith.constant 0 : i32
        %dma_wait3A_201 = tpu.memref_slice %arg13[%dma_wait3A_200] : memref<400xf32, #tpu.memory_space<vmem>> -> memref<200xf32, #tpu.memory_space<vmem>>
        %dma_wait3A_202 = tpu.memref_slice %arg15[%add3A_188] : memref<50000xf32, #tpu.memory_space<vmem_shared>> -> memref<200xf32, #tpu.memory_space<vmem_shared>>
        tpu.wait_dma2 semaphore(%run_scoped3A : memref<!tpu.dma_semaphore, #tpu.memory_space<semaphore_mem>>) src(%dma_wait3A_202 : memref<200xf32, #tpu.memory_space<vmem_shared>>) dst(%dma_wait3A_201 : memref<200xf32, #tpu.memory_space<vmem>>)
        tpu.yield
      }) : () -> ()
      %mul3A_189 = arith.constant 5000 : i32
      %mul3A_190 = arith.muli %arg1, %mul3A_189 : i32
      %add3A_191 = arith.constant 4800 : i32
      %add3A_192 = arith.addi %mul3A_190, %add3A_191 : i32
      "tpu.region"() ({
        %run_scoped3A = tpu.sem_alloc : memref<!tpu.dma_semaphore, #tpu.memory_space<semaphore_mem>>
        %dma_start3A = arith.constant 0 : i32
        %dma_start3A_193 = tpu.memref_slice %arg13[%dma_start3A] : memref<400xf32, #tpu.memory_space<vmem>> -> memref<200xf32, #tpu.memory_space<vmem>>
        %dma_start3A_194 = tpu.memref_slice %arg7[%add3A_192] : memref<50000xf32, #tpu.memory_space<hbm>> -> memref<200xf32, #tpu.memory_space<hbm>>
        %dma_start3A_195 = tpu.memref_slice %arg7[%add3A_192] : memref<50000xf32, #tpu.memory_space<hbm>> -> memref<200xf32, #tpu.memory_space<hbm>>
        %dma_start3A_196 = arith.constant 0 : i32
        %dma_start3A_197 = tpu.memref_slice %arg13[%dma_start3A_196] : memref<400xf32, #tpu.memory_space<vmem>> -> memref<200xf32, #tpu.memory_space<vmem>>
        tpu.enqueue_dma source(%dma_start3A_197 : memref<200xf32, #tpu.memory_space<vmem>>) target(%dma_start3A_195 : memref<200xf32, #tpu.memory_space<hbm>>) target_semaphore(%run_scoped3A : memref<!tpu.dma_semaphore, #tpu.memory_space<semaphore_mem>>)
        %dma_wait3A = arith.constant 0 : i32
        %dma_wait3A_198 = tpu.memref_slice %arg13[%dma_wait3A] : memref<400xf32, #tpu.memory_space<vmem>> -> memref<200xf32, #tpu.memory_space<vmem>>
        %dma_wait3A_199 = tpu.memref_slice %arg7[%add3A_192] : memref<50000xf32, #tpu.memory_space<hbm>> -> memref<200xf32, #tpu.memory_space<hbm>>
        %dma_wait3A_200 = tpu.memref_slice %arg7[%add3A_192] : memref<50000xf32, #tpu.memory_space<hbm>> -> memref<200xf32, #tpu.memory_space<hbm>>
        %dma_wait3A_201 = arith.constant 0 : i32
        %dma_wait3A_202 = tpu.memref_slice %arg13[%dma_wait3A_201] : memref<400xf32, #tpu.memory_space<vmem>> -> memref<200xf32, #tpu.memory_space<vmem>>
        tpu.wait_dma2 semaphore(%run_scoped3A : memref<!tpu.dma_semaphore, #tpu.memory_space<semaphore_mem>>) src(%dma_wait3A_202 : memref<200xf32, #tpu.memory_space<vmem>>) dst(%dma_wait3A_200 : memref<200xf32, #tpu.memory_space<hbm>>)
        tpu.yield
      }) : () -> ()
    } else {
    }
    return
  }
}

module attributes {stable_mosaic.version = 14 : i64} {
  func.func @_encode_body(%arg0: i32, %arg1: memref<2000x8xf32, #tpu.memory_space<vmem>>, %arg2: memref<2000x1xi32, #tpu.memory_space<vmem>>, %arg3: memref<2000x1xi32, #tpu.memory_space<vmem>>, %arg4: memref<64x1xf32, #tpu.memory_space<vmem>>, %arg5: memref<64x8xf32, #tpu.memory_space<vmem>>, %arg6: memref<48x16xf32, #tpu.memory_space<vmem>>, %arg7: memref<8x64xf32, #tpu.memory_space<vmem>>, %arg8: memref<16x64xf32, #tpu.memory_space<vmem>>, %arg9: memref<1x64xf32, #tpu.memory_space<vmem>>, %arg10: memref<64x64xf32, #tpu.memory_space<vmem>>, %arg11: memref<1x64xf32, #tpu.memory_space<vmem>>, %arg12: memref<8x64xf32, #tpu.memory_space<vmem>>, %arg13: memref<1x64xf32, #tpu.memory_space<vmem>>, %arg14: memref<64x64xf32, #tpu.memory_space<vmem>>, %arg15: memref<1x64xf32, #tpu.memory_space<vmem>>, %arg16: memref<64x64xf32, #tpu.memory_space<vmem>>, %arg17: memref<64x64xf32, #tpu.memory_space<vmem>>, %arg18: memref<64x64xf32, #tpu.memory_space<vmem>>, %arg19: memref<1x64xf32, #tpu.memory_space<vmem>>, %arg20: memref<64x64xf32, #tpu.memory_space<vmem>>, %arg21: memref<1x64xf32, #tpu.memory_space<vmem>>, %arg22: memref<64x64xf32, #tpu.memory_space<vmem>>, %arg23: memref<64x64xf32, #tpu.memory_space<vmem>>, %arg24: memref<1x64xf32, #tpu.memory_space<vmem>>, %arg25: memref<2000x64xf32, #tpu.memory_space<vmem>>, %arg26: memref<2000x64xf32, #tpu.memory_space<vmem>>, %arg27: memref<2x2000x32xf32, #tpu.memory_space<vmem>>, %arg28: memref<2x2000x32xf32, #tpu.memory_space<vmem>>) attributes {dimension_semantics = [#tpu.dimension_semantics<arbitrary>], iteration_bounds = array<i64: 25>, scalar_prefetch = 0 : i64, scratch_operands = 0 : i64, tpu.core_type = #tpu.core_type<tc>, window_params = [{transform_indices = @transform_0, window_bounds = array<i64: 2000, 8>}, {transform_indices = @transform_1, window_bounds = array<i64: 2000, 1>}, {transform_indices = @transform_2, window_bounds = array<i64: 2000, 1>}, {pipeline_mode = #tpu.pipeline_mode<synchronous>, transform_indices = @transform_3, window_bounds = array<i64: 64, 1>}, {pipeline_mode = #tpu.pipeline_mode<synchronous>, transform_indices = @transform_4, window_bounds = array<i64: 64, 8>}, {pipeline_mode = #tpu.pipeline_mode<synchronous>, transform_indices = @transform_5, window_bounds = array<i64: 48, 16>}, {pipeline_mode = #tpu.pipeline_mode<synchronous>, transform_indices = @transform_6, window_bounds = array<i64: 8, 64>}, {pipeline_mode = #tpu.pipeline_mode<synchronous>, transform_indices = @transform_7, window_bounds = array<i64: 16, 64>}, {pipeline_mode = #tpu.pipeline_mode<synchronous>, transform_indices = @transform_8, window_bounds = array<i64: 1, 64>}, {pipeline_mode = #tpu.pipeline_mode<synchronous>, transform_indices = @transform_9, window_bounds = array<i64: 64, 64>}, {pipeline_mode = #tpu.pipeline_mode<synchronous>, transform_indices = @transform_10, window_bounds = array<i64: 1, 64>}, {pipeline_mode = #tpu.pipeline_mode<synchronous>, transform_indices = @transform_11, window_bounds = array<i64: 8, 64>}, {pipeline_mode = #tpu.pipeline_mode<synchronous>, transform_indices = @transform_12, window_bounds = array<i64: 1, 64>}, {pipeline_mode = #tpu.pipeline_mode<synchronous>, transform_indices = @transform_13, window_bounds = array<i64: 64, 64>}, {pipeline_mode = #tpu.pipeline_mode<synchronous>, transform_indices = @transform_14, window_bounds = array<i64: 1, 64>}, {pipeline_mode = #tpu.pipeline_mode<synchronous>, transform_indices = @transform_15, window_bounds = array<i64: 64, 64>}, {pipeline_mode = #tpu.pipeline_mode<synchronous>, transform_indices = @transform_16, window_bounds = array<i64: 64, 64>}, {pipeline_mode = #tpu.pipeline_mode<synchronous>, transform_indices = @transform_17, window_bounds = array<i64: 64, 64>}, {pipeline_mode = #tpu.pipeline_mode<synchronous>, transform_indices = @transform_18, window_bounds = array<i64: 1, 64>}, {pipeline_mode = #tpu.pipeline_mode<synchronous>, transform_indices = @transform_19, window_bounds = array<i64: 64, 64>}, {pipeline_mode = #tpu.pipeline_mode<synchronous>, transform_indices = @transform_20, window_bounds = array<i64: 1, 64>}, {pipeline_mode = #tpu.pipeline_mode<synchronous>, transform_indices = @transform_21, window_bounds = array<i64: 64, 64>}, {pipeline_mode = #tpu.pipeline_mode<synchronous>, transform_indices = @transform_22, window_bounds = array<i64: 64, 64>}, {pipeline_mode = #tpu.pipeline_mode<synchronous>, transform_indices = @transform_23, window_bounds = array<i64: 1, 64>}, {transform_indices = @transform_24, window_bounds = array<i64: 2000, 64>}, {transform_indices = @transform_25, window_bounds = array<i64: 2000, 64>}, {transform_indices = @transform_26, window_bounds = array<i64: 2, 2000, 32>}, {transform_indices = @transform_27, window_bounds = array<i64: 2, 2000, 32>}]} {
    %get3A = arith.constant 0 : index
    %get3A_0 = arith.constant 0 : index
    %get3A_1 = vector.load %arg4[%get3A, %get3A_0] : memref<64x1xf32, #tpu.memory_space<vmem>>, vector<64x1xf32>
    %iota3A = tpu.iota {dimensions = array<i32: 1>} : vector<1x32xi32>
    %convert_element_type3A = arith.sitofp %iota3A : vector<1x32xi32> to vector<1x32xf32>
    %mul3A = arith.constant -0.16557242 : f32
    %mul3A_2 = vector.broadcast %mul3A : f32 to vector<1x32xf32>
    %mul3A_3 = arith.mulf %convert_element_type3A, %mul3A_2 : vector<1x32xf32>
    %exp3A = math.exp %mul3A_3 : vector<1x32xf32>
    %mul3A_4 = vector.broadcast %get3A_1 : vector<64x1xf32> to vector<64x32xf32>
    %mul3A_5 = vector.broadcast %exp3A : vector<1x32xf32> to vector<64x32xf32>
    %mul3A_6 = arith.mulf %mul3A_4, %mul3A_5 : vector<64x32xf32>
    %cos3A = math.cos %mul3A_6 : vector<64x32xf32>
    %sin3A = math.sin %mul3A_6 : vector<64x32xf32>
    %concatenate3A = tpu.concatenate %cos3A, %sin3A in 1 : vector<64x32xf32>, vector<64x32xf32> -> vector<64x64xf32>
    %get3A_7 = arith.constant 0 : index
    %get3A_8 = arith.constant 0 : index
    %get3A_9 = vector.load %arg5[%get3A_7, %get3A_8] : memref<64x8xf32, #tpu.memory_space<vmem>>, vector<64x8xf32>
    %get3A_10 = arith.constant 0 : index
    %get3A_11 = arith.constant 0 : index
    %get3A_12 = vector.load %arg12[%get3A_10, %get3A_11] : memref<8x64xf32, #tpu.memory_space<vmem>>, vector<8x64xf32>
    %dot_general3A = arith.constant dense<0.000000e+00> : vector<64x64xf32>
    %dot_general3A_13 = tpu.matmul %get3A_9, %get3A_12, %dot_general3A {dimension_numbers = #tpu.dot_dimension_numbers<[1], [0], [0], [1], [0, 0, 1, 1], [], []>, transpose_lhs_hint = false} : vector<64x8xf32>, vector<8x64xf32>, vector<64x64xf32> -> vector<64x64xf32>
    %get3A_14 = arith.constant 0 : index
    %get3A_15 = arith.constant 0 : index
    %get3A_16 = vector.load %arg13[%get3A_14, %get3A_15] : memref<1x64xf32, #tpu.memory_space<vmem>>, vector<1x64xf32>
    %add3A = vector.broadcast %get3A_16 : vector<1x64xf32> to vector<64x64xf32>
    %add3A_17 = arith.addf %dot_general3A_13, %add3A : vector<64x64xf32>
    %max3A = arith.constant 0.000000e+00 : f32
    %max3A_18 = vector.broadcast %max3A : f32 to vector<64x64xf32>
    %max3A_19 = arith.maximumf %add3A_17, %max3A_18 : vector<64x64xf32>
    %get3A_20 = arith.constant 0 : index
    %get3A_21 = arith.constant 0 : index
    %get3A_22 = vector.load %arg14[%get3A_20, %get3A_21] : memref<64x64xf32, #tpu.memory_space<vmem>>, vector<64x64xf32>
    %dot_general3A_23 = arith.constant dense<0.000000e+00> : vector<64x64xf32>
    %dot_general3A_24 = tpu.matmul %max3A_19, %get3A_22, %dot_general3A_23 {dimension_numbers = #tpu.dot_dimension_numbers<[1], [0], [0], [1], [0, 0, 1, 1], [], []>, transpose_lhs_hint = false} : vector<64x64xf32>, vector<64x64xf32>, vector<64x64xf32> -> vector<64x64xf32>
    %get3A_25 = arith.constant 0 : index
    %get3A_26 = arith.constant 0 : index
    %get3A_27 = vector.load %arg15[%get3A_25, %get3A_26] : memref<1x64xf32, #tpu.memory_space<vmem>>, vector<1x64xf32>
    %add3A_28 = vector.broadcast %get3A_27 : vector<1x64xf32> to vector<64x64xf32>
    %add3A_29 = arith.addf %dot_general3A_24, %add3A_28 : vector<64x64xf32>
    %get3A_30 = arith.constant 0 : index
    %get3A_31 = arith.constant 0 : index
    %get3A_32 = vector.load %arg17[%get3A_30, %get3A_31] : memref<64x64xf32, #tpu.memory_space<vmem>>, vector<64x64xf32>
    %dot_general3A_33 = arith.constant dense<0.000000e+00> : vector<64x64xf32>
    %dot_general3A_34 = tpu.matmul %concatenate3A, %get3A_32, %dot_general3A_33 {dimension_numbers = #tpu.dot_dimension_numbers<[1], [0], [0], [1], [0, 0, 1, 1], [], []>, transpose_lhs_hint = false} : vector<64x64xf32>, vector<64x64xf32>, vector<64x64xf32> -> vector<64x64xf32>
    %get3A_35 = arith.constant 0 : index
    %get3A_36 = arith.constant 0 : index
    %get3A_37 = vector.load %arg18[%get3A_35, %get3A_36] : memref<64x64xf32, #tpu.memory_space<vmem>>, vector<64x64xf32>
    %dot_general3A_38 = arith.constant dense<0.000000e+00> : vector<64x64xf32>
    %dot_general3A_39 = tpu.matmul %add3A_29, %get3A_37, %dot_general3A_38 {dimension_numbers = #tpu.dot_dimension_numbers<[1], [0], [0], [1], [0, 0, 1, 1], [], []>, transpose_lhs_hint = false} : vector<64x64xf32>, vector<64x64xf32>, vector<64x64xf32> -> vector<64x64xf32>
    %add3A_40 = arith.addf %dot_general3A_34, %dot_general3A_39 : vector<64x64xf32>
    %get3A_41 = arith.constant 0 : index
    %get3A_42 = arith.constant 0 : index
    %get3A_43 = vector.load %arg6[%get3A_41, %get3A_42] : memref<48x16xf32, #tpu.memory_space<vmem>>, vector<48x16xf32>
    %get3A_44 = arith.constant 0 : index
    %get3A_45 = arith.constant 0 : index
    %get3A_46 = vector.load %arg8[%get3A_44, %get3A_45] : memref<16x64xf32, #tpu.memory_space<vmem>>, vector<16x64xf32>
    %dot_general3A_47 = arith.constant dense<0.000000e+00> : vector<48x64xf32>
    %dot_general3A_48 = tpu.matmul %get3A_43, %get3A_46, %dot_general3A_47 {dimension_numbers = #tpu.dot_dimension_numbers<[1], [0], [0], [1], [0, 0, 1, 1], [], []>, transpose_lhs_hint = false} : vector<48x16xf32>, vector<16x64xf32>, vector<48x64xf32> -> vector<48x64xf32>
    %get3A_49 = arith.constant 0 : index
    %get3A_50 = arith.constant 0 : index
    %get3A_51 = vector.load %arg2[%get3A_49, %get3A_50] : memref<2000x1xi32, #tpu.memory_space<vmem>>, vector<2000x1xi32>
    %iota3A_52 = tpu.iota {dimensions = array<i32: 1>} : vector<2000x48xi32>
    %eq3A = vector.broadcast %get3A_51 : vector<2000x1xi32> to vector<2000x48xi32>
    %eq3A_53 = arith.cmpi eq, %iota3A_52, %eq3A : vector<2000x48xi32>
    %convert_element_type3A_54 = arith.extui %eq3A_53 : vector<2000x48xi1> to vector<2000x48xi32>
    %convert_element_type3A_55 = arith.sitofp %convert_element_type3A_54 : vector<2000x48xi32> to vector<2000x48xf32>
    %get3A_56 = arith.constant 0 : index
    %get3A_57 = arith.constant 0 : index
    %get3A_58 = vector.load %arg1[%get3A_56, %get3A_57] : memref<2000x8xf32, #tpu.memory_space<vmem>>, vector<2000x8xf32>
    %get3A_59 = arith.constant 0 : index
    %get3A_60 = arith.constant 0 : index
    %get3A_61 = vector.load %arg7[%get3A_59, %get3A_60] : memref<8x64xf32, #tpu.memory_space<vmem>>, vector<8x64xf32>
    %dot_general3A_62 = arith.constant dense<0.000000e+00> : vector<2000x64xf32>
    %dot_general3A_63 = tpu.matmul %get3A_58, %get3A_61, %dot_general3A_62 {dimension_numbers = #tpu.dot_dimension_numbers<[1], [0], [0], [1], [0, 0, 1, 1], [], []>, transpose_lhs_hint = false} : vector<2000x8xf32>, vector<8x64xf32>, vector<2000x64xf32> -> vector<2000x64xf32>
    %dot_general3A_64 = arith.constant dense<0.000000e+00> : vector<2000x64xf32>
    %dot_general3A_65 = tpu.matmul %convert_element_type3A_55, %dot_general3A_48, %dot_general3A_64 {dimension_numbers = #tpu.dot_dimension_numbers<[1], [0], [0], [1], [0, 0, 1, 1], [], []>, precision = #tpu.contract_precision<fp32>, transpose_lhs_hint = false} : vector<2000x48xf32>, vector<48x64xf32>, vector<2000x64xf32> -> vector<2000x64xf32>
    %add3A_66 = arith.addf %dot_general3A_63, %dot_general3A_65 : vector<2000x64xf32>
    %get3A_67 = arith.constant 0 : index
    %get3A_68 = arith.constant 0 : index
    %get3A_69 = vector.load %arg9[%get3A_67, %get3A_68] : memref<1x64xf32, #tpu.memory_space<vmem>>, vector<1x64xf32>
    %add3A_70 = vector.broadcast %get3A_69 : vector<1x64xf32> to vector<2000x64xf32>
    %add3A_71 = arith.addf %add3A_66, %add3A_70 : vector<2000x64xf32>
    %max3A_72 = arith.constant 0.000000e+00 : f32
    %max3A_73 = vector.broadcast %max3A_72 : f32 to vector<2000x64xf32>
    %max3A_74 = arith.maximumf %add3A_71, %max3A_73 : vector<2000x64xf32>
    %get3A_75 = arith.constant 0 : index
    %get3A_76 = arith.constant 0 : index
    %get3A_77 = vector.load %arg10[%get3A_75, %get3A_76] : memref<64x64xf32, #tpu.memory_space<vmem>>, vector<64x64xf32>
    %dot_general3A_78 = arith.constant dense<0.000000e+00> : vector<2000x64xf32>
    %dot_general3A_79 = tpu.matmul %max3A_74, %get3A_77, %dot_general3A_78 {dimension_numbers = #tpu.dot_dimension_numbers<[1], [0], [0], [1], [0, 0, 1, 1], [], []>, transpose_lhs_hint = false} : vector<2000x64xf32>, vector<64x64xf32>, vector<2000x64xf32> -> vector<2000x64xf32>
    %get3A_80 = arith.constant 0 : index
    %get3A_81 = arith.constant 0 : index
    %get3A_82 = vector.load %arg11[%get3A_80, %get3A_81] : memref<1x64xf32, #tpu.memory_space<vmem>>, vector<1x64xf32>
    %add3A_83 = vector.broadcast %get3A_82 : vector<1x64xf32> to vector<2000x64xf32>
    %add3A_84 = arith.addf %dot_general3A_79, %add3A_83 : vector<2000x64xf32>
    %get3A_85 = arith.constant 0 : index
    %get3A_86 = arith.constant 0 : index
    %get3A_87 = vector.load %arg3[%get3A_85, %get3A_86] : memref<2000x1xi32, #tpu.memory_space<vmem>>, vector<2000x1xi32>
    %iota3A_88 = tpu.iota {dimensions = array<i32: 1>} : vector<2000x64xi32>
    %eq3A_89 = vector.broadcast %get3A_87 : vector<2000x1xi32> to vector<2000x64xi32>
    %eq3A_90 = arith.cmpi eq, %iota3A_88, %eq3A_89 : vector<2000x64xi32>
    %convert_element_type3A_91 = arith.extui %eq3A_90 : vector<2000x64xi1> to vector<2000x64xi32>
    %convert_element_type3A_92 = arith.sitofp %convert_element_type3A_91 : vector<2000x64xi32> to vector<2000x64xf32>
    %get3A_93 = arith.constant 0 : index
    %get3A_94 = arith.constant 0 : index
    %get3A_95 = vector.load %arg16[%get3A_93, %get3A_94] : memref<64x64xf32, #tpu.memory_space<vmem>>, vector<64x64xf32>
    %dot_general3A_96 = arith.constant dense<0.000000e+00> : vector<2000x64xf32>
    %dot_general3A_97 = tpu.matmul %add3A_84, %get3A_95, %dot_general3A_96 {dimension_numbers = #tpu.dot_dimension_numbers<[1], [0], [0], [1], [0, 0, 1, 1], [], []>, transpose_lhs_hint = false} : vector<2000x64xf32>, vector<64x64xf32>, vector<2000x64xf32> -> vector<2000x64xf32>
    %dot_general3A_98 = arith.constant dense<0.000000e+00> : vector<2000x64xf32>
    %dot_general3A_99 = tpu.matmul %convert_element_type3A_92, %add3A_40, %dot_general3A_98 {dimension_numbers = #tpu.dot_dimension_numbers<[1], [0], [0], [1], [0, 0, 1, 1], [], []>, precision = #tpu.contract_precision<fp32>, transpose_lhs_hint = false} : vector<2000x64xf32>, vector<64x64xf32>, vector<2000x64xf32> -> vector<2000x64xf32>
    %add3A_100 = arith.addf %dot_general3A_97, %dot_general3A_99 : vector<2000x64xf32>
    %get3A_101 = arith.constant 0 : index
    %get3A_102 = arith.constant 0 : index
    %get3A_103 = vector.load %arg19[%get3A_101, %get3A_102] : memref<1x64xf32, #tpu.memory_space<vmem>>, vector<1x64xf32>
    %add3A_104 = vector.broadcast %get3A_103 : vector<1x64xf32> to vector<2000x64xf32>
    %add3A_105 = arith.addf %add3A_100, %add3A_104 : vector<2000x64xf32>
    %max3A_106 = arith.constant 0.000000e+00 : f32
    %max3A_107 = vector.broadcast %max3A_106 : f32 to vector<2000x64xf32>
    %max3A_108 = arith.maximumf %add3A_105, %max3A_107 : vector<2000x64xf32>
    %get3A_109 = arith.constant 0 : index
    %get3A_110 = arith.constant 0 : index
    %get3A_111 = vector.load %arg20[%get3A_109, %get3A_110] : memref<64x64xf32, #tpu.memory_space<vmem>>, vector<64x64xf32>
    %dot_general3A_112 = arith.constant dense<0.000000e+00> : vector<2000x64xf32>
    %dot_general3A_113 = tpu.matmul %max3A_108, %get3A_111, %dot_general3A_112 {dimension_numbers = #tpu.dot_dimension_numbers<[1], [0], [0], [1], [0, 0, 1, 1], [], []>, transpose_lhs_hint = false} : vector<2000x64xf32>, vector<64x64xf32>, vector<2000x64xf32> -> vector<2000x64xf32>
    %get3A_114 = arith.constant 0 : index
    %get3A_115 = arith.constant 0 : index
    %get3A_116 = vector.load %arg21[%get3A_114, %get3A_115] : memref<1x64xf32, #tpu.memory_space<vmem>>, vector<1x64xf32>
    %add3A_117 = vector.broadcast %get3A_116 : vector<1x64xf32> to vector<2000x64xf32>
    %add3A_118 = arith.addf %dot_general3A_113, %add3A_117 : vector<2000x64xf32>
    %swap3A = arith.constant 0 : index
    %swap3A_119 = arith.constant 0 : index
    %swap3A_120 = vector.load %arg25[%swap3A, %swap3A_119] : memref<2000x64xf32, #tpu.memory_space<vmem>>, vector<2000x64xf32>
    tpu.vector_store %arg25[%swap3A, %swap3A_119], %add3A_84 {strides = array<i32>} : memref<2000x64xf32, #tpu.memory_space<vmem>>, vector<2000x64xf32>,
    %swap3A_121 = arith.constant 0 : index
    %swap3A_122 = arith.constant 0 : index
    %swap3A_123 = vector.load %arg26[%swap3A_121, %swap3A_122] : memref<2000x64xf32, #tpu.memory_space<vmem>>, vector<2000x64xf32>
    tpu.vector_store %arg26[%swap3A_121, %swap3A_122], %add3A_118 {strides = array<i32>} : memref<2000x64xf32, #tpu.memory_space<vmem>>, vector<2000x64xf32>,
    %get3A_124 = arith.constant 0 : index
    %get3A_125 = arith.constant 0 : index
    %get3A_126 = vector.load %arg22[%get3A_124, %get3A_125] : memref<64x64xf32, #tpu.memory_space<vmem>>, vector<64x64xf32>
    %dot_general3A_127 = arith.constant dense<0.000000e+00> : vector<2000x64xf32>
    %dot_general3A_128 = tpu.matmul %add3A_118, %get3A_126, %dot_general3A_127 {dimension_numbers = #tpu.dot_dimension_numbers<[1], [0], [0], [1], [0, 0, 1, 1], [], []>, transpose_lhs_hint = false} : vector<2000x64xf32>, vector<64x64xf32>, vector<2000x64xf32> -> vector<2000x64xf32>
    %get3A_129 = arith.constant 0 : index
    %get3A_130 = arith.constant 0 : index
    %get3A_131 = vector.load %arg24[%get3A_129, %get3A_130] : memref<1x64xf32, #tpu.memory_space<vmem>>, vector<1x64xf32>
    %add3A_132 = vector.broadcast %get3A_131 : vector<1x64xf32> to vector<2000x64xf32>
    %add3A_133 = arith.addf %dot_general3A_128, %add3A_132 : vector<2000x64xf32>
    %get3A_134 = arith.constant 0 : index
    %get3A_135 = arith.constant 0 : index
    %get3A_136 = vector.load %arg23[%get3A_134, %get3A_135] : memref<64x64xf32, #tpu.memory_space<vmem>>, vector<64x64xf32>
    %dot_general3A_137 = arith.constant dense<0.000000e+00> : vector<2000x64xf32>
    %dot_general3A_138 = tpu.matmul %add3A_118, %get3A_136, %dot_general3A_137 {dimension_numbers = #tpu.dot_dimension_numbers<[1], [0], [0], [1], [0, 0, 1, 1], [], []>, transpose_lhs_hint = false} : vector<2000x64xf32>, vector<64x64xf32>, vector<2000x64xf32> -> vector<2000x64xf32>
    %slice3A = vector.extract_strided_slice %add3A_133 {offsets = [0, 0], sizes = [2000, 32], strides = [1, 1]} : vector<2000x64xf32> to vector<2000x32xf32>
    %swap3A_139 = arith.constant 0 : index
    %swap3A_140 = arith.constant 0 : index
    %swap3A_141 = arith.constant 0 : index
    %swap3A_142 = vector.load %arg27[%swap3A_139, %swap3A_140, %swap3A_141] : memref<2x2000x32xf32, #tpu.memory_space<vmem>>, vector<1x2000x32xf32>
    %swap3A_143 = vector.shape_cast %swap3A_142 : vector<1x2000x32xf32> to vector<2000x32xf32>
    %swap3A_144 = vector.shape_cast %slice3A : vector<2000x32xf32> to vector<1x2000x32xf32>
    tpu.vector_store %arg27[%swap3A_139, %swap3A_140, %swap3A_141], %swap3A_144 {strides = array<i32>} : memref<2x2000x32xf32, #tpu.memory_space<vmem>>, vector<1x2000x32xf32>,
    %slice3A_145 = vector.extract_strided_slice %add3A_133 {offsets = [0, 32], sizes = [2000, 32], strides = [1, 1]} : vector<2000x64xf32> to vector<2000x32xf32>
    %swap3A_146 = arith.constant 1 : index
    %swap3A_147 = arith.constant 0 : index
    %swap3A_148 = arith.constant 0 : index
    %swap3A_149 = vector.load %arg27[%swap3A_146, %swap3A_147, %swap3A_148] : memref<2x2000x32xf32, #tpu.memory_space<vmem>>, vector<1x2000x32xf32>
    %swap3A_150 = vector.shape_cast %swap3A_149 : vector<1x2000x32xf32> to vector<2000x32xf32>
    %swap3A_151 = vector.shape_cast %slice3A_145 : vector<2000x32xf32> to vector<1x2000x32xf32>
    tpu.vector_store %arg27[%swap3A_146, %swap3A_147, %swap3A_148], %swap3A_151 {strides = array<i32>} : memref<2x2000x32xf32, #tpu.memory_space<vmem>>, vector<1x2000x32xf32>,
    %slice3A_152 = vector.extract_strided_slice %dot_general3A_138 {offsets = [0, 0], sizes = [2000, 32], strides = [1, 1]} : vector<2000x64xf32> to vector<2000x32xf32>
    %swap3A_153 = arith.constant 0 : index
    %swap3A_154 = arith.constant 0 : index
    %swap3A_155 = arith.constant 0 : index
    %swap3A_156 = vector.load %arg28[%swap3A_153, %swap3A_154, %swap3A_155] : memref<2x2000x32xf32, #tpu.memory_space<vmem>>, vector<1x2000x32xf32>
    %swap3A_157 = vector.shape_cast %swap3A_156 : vector<1x2000x32xf32> to vector<2000x32xf32>
    %swap3A_158 = vector.shape_cast %slice3A_152 : vector<2000x32xf32> to vector<1x2000x32xf32>
    tpu.vector_store %arg28[%swap3A_153, %swap3A_154, %swap3A_155], %swap3A_158 {strides = array<i32>} : memref<2x2000x32xf32, #tpu.memory_space<vmem>>, vector<1x2000x32xf32>,
    %slice3A_159 = vector.extract_strided_slice %dot_general3A_138 {offsets = [0, 32], sizes = [2000, 32], strides = [1, 1]} : vector<2000x64xf32> to vector<2000x32xf32>
    %swap3A_160 = arith.constant 1 : index
    %swap3A_161 = arith.constant 0 : index
    %swap3A_162 = arith.constant 0 : index
    %swap3A_163 = vector.load %arg28[%swap3A_160, %swap3A_161, %swap3A_162] : memref<2x2000x32xf32, #tpu.memory_space<vmem>>, vector<1x2000x32xf32>
    %swap3A_164 = vector.shape_cast %swap3A_163 : vector<1x2000x32xf32> to vector<2000x32xf32>
    %swap3A_165 = vector.shape_cast %slice3A_159 : vector<2000x32xf32> to vector<1x2000x32xf32>
    tpu.vector_store %arg28[%swap3A_160, %swap3A_161, %swap3A_162], %swap3A_165 {strides = array<i32>} : memref<2x2000x32xf32, #tpu.memory_space<vmem>>, vector<1x2000x32xf32>,
    return
  }
  func.func @transform_0(%arg0: i32) -> (i32, i32) {
    %c0_i32 = arith.constant 0 : i32
    %c0_i32_0 = arith.constant 0 : i32
    return %arg0, %c0_i32 : i32, i32
  }
  func.func @transform_1(%arg0: i32) -> (i32, i32) {
    %c0_i32 = arith.constant 0 : i32
    %c0_i32_0 = arith.constant 0 : i32
    return %arg0, %c0_i32 : i32, i32
  }
  func.func @transform_2(%arg0: i32) -> (i32, i32) {
    %c0_i32 = arith.constant 0 : i32
    %c0_i32_0 = arith.constant 0 : i32
    return %arg0, %c0_i32 : i32, i32
  }
  func.func @transform_3(%arg0: i32) -> (i32, i32) {
    %c0_i32 = arith.constant 0 : i32
    %c0_i32_0 = arith.constant 0 : i32
    %c0_i32_1 = arith.constant 0 : i32
    return %c0_i32, %c0_i32_0 : i32, i32
  }
  func.func @transform_4(%arg0: i32) -> (i32, i32) {
    %c0_i32 = arith.constant 0 : i32
    %c0_i32_0 = arith.constant 0 : i32
    %c0_i32_1 = arith.constant 0 : i32
    return %c0_i32, %c0_i32_0 : i32, i32
  }
  func.func @transform_5(%arg0: i32) -> (i32, i32) {
    %c0_i32 = arith.constant 0 : i32
    %c0_i32_0 = arith.constant 0 : i32
    %c0_i32_1 = arith.constant 0 : i32
    return %c0_i32, %c0_i32_0 : i32, i32
  }
  func.func @transform_6(%arg0: i32) -> (i32, i32) {
    %c0_i32 = arith.constant 0 : i32
    %c0_i32_0 = arith.constant 0 : i32
    %c0_i32_1 = arith.constant 0 : i32
    return %c0_i32, %c0_i32_0 : i32, i32
  }
  func.func @transform_7(%arg0: i32) -> (i32, i32) {
    %c0_i32 = arith.constant 0 : i32
    %c0_i32_0 = arith.constant 0 : i32
    %c0_i32_1 = arith.constant 0 : i32
    return %c0_i32, %c0_i32_0 : i32, i32
  }
  func.func @transform_8(%arg0: i32) -> (i32, i32) {
    %c0_i32 = arith.constant 0 : i32
    %c0_i32_0 = arith.constant 0 : i32
    %c0_i32_1 = arith.constant 0 : i32
    return %c0_i32, %c0_i32_0 : i32, i32
  }
  func.func @transform_9(%arg0: i32) -> (i32, i32) {
    %c0_i32 = arith.constant 0 : i32
    %c0_i32_0 = arith.constant 0 : i32
    %c0_i32_1 = arith.constant 0 : i32
    return %c0_i32, %c0_i32_0 : i32, i32
  }
  func.func @transform_10(%arg0: i32) -> (i32, i32) {
    %c0_i32 = arith.constant 0 : i32
    %c0_i32_0 = arith.constant 0 : i32
    %c0_i32_1 = arith.constant 0 : i32
    return %c0_i32, %c0_i32_0 : i32, i32
  }
  func.func @transform_11(%arg0: i32) -> (i32, i32) {
    %c0_i32 = arith.constant 0 : i32
    %c0_i32_0 = arith.constant 0 : i32
    %c0_i32_1 = arith.constant 0 : i32
    return %c0_i32, %c0_i32_0 : i32, i32
  }
  func.func @transform_12(%arg0: i32) -> (i32, i32) {
    %c0_i32 = arith.constant 0 : i32
    %c0_i32_0 = arith.constant 0 : i32
    %c0_i32_1 = arith.constant 0 : i32
    return %c0_i32, %c0_i32_0 : i32, i32
  }
  func.func @transform_13(%arg0: i32) -> (i32, i32) {
    %c0_i32 = arith.constant 0 : i32
    %c0_i32_0 = arith.constant 0 : i32
    %c0_i32_1 = arith.constant 0 : i32
    return %c0_i32, %c0_i32_0 : i32, i32
  }
  func.func @transform_14(%arg0: i32) -> (i32, i32) {
    %c0_i32 = arith.constant 0 : i32
    %c0_i32_0 = arith.constant 0 : i32
    %c0_i32_1 = arith.constant 0 : i32
    return %c0_i32, %c0_i32_0 : i32, i32
  }
  func.func @transform_15(%arg0: i32) -> (i32, i32) {
    %c0_i32 = arith.constant 0 : i32
    %c0_i32_0 = arith.constant 0 : i32
    %c0_i32_1 = arith.constant 0 : i32
    return %c0_i32, %c0_i32_0 : i32, i32
  }
  func.func @transform_16(%arg0: i32) -> (i32, i32) {
    %c0_i32 = arith.constant 0 : i32
    %c0_i32_0 = arith.constant 0 : i32
    %c0_i32_1 = arith.constant 0 : i32
    return %c0_i32, %c0_i32_0 : i32, i32
  }
  func.func @transform_17(%arg0: i32) -> (i32, i32) {
    %c0_i32 = arith.constant 0 : i32
    %c0_i32_0 = arith.constant 0 : i32
    %c0_i32_1 = arith.constant 0 : i32
    return %c0_i32, %c0_i32_0 : i32, i32
  }
  func.func @transform_18(%arg0: i32) -> (i32, i32) {
    %c0_i32 = arith.constant 0 : i32
    %c0_i32_0 = arith.constant 0 : i32
    %c0_i32_1 = arith.constant 0 : i32
    return %c0_i32, %c0_i32_0 : i32, i32
  }
  func.func @transform_19(%arg0: i32) -> (i32, i32) {
    %c0_i32 = arith.constant 0 : i32
    %c0_i32_0 = arith.constant 0 : i32
    %c0_i32_1 = arith.constant 0 : i32
    return %c0_i32, %c0_i32_0 : i32, i32
  }
  func.func @transform_20(%arg0: i32) -> (i32, i32) {
    %c0_i32 = arith.constant 0 : i32
    %c0_i32_0 = arith.constant 0 : i32
    %c0_i32_1 = arith.constant 0 : i32
    return %c0_i32, %c0_i32_0 : i32, i32
  }
  func.func @transform_21(%arg0: i32) -> (i32, i32) {
    %c0_i32 = arith.constant 0 : i32
    %c0_i32_0 = arith.constant 0 : i32
    %c0_i32_1 = arith.constant 0 : i32
    return %c0_i32, %c0_i32_0 : i32, i32
  }
  func.func @transform_22(%arg0: i32) -> (i32, i32) {
    %c0_i32 = arith.constant 0 : i32
    %c0_i32_0 = arith.constant 0 : i32
    %c0_i32_1 = arith.constant 0 : i32
    return %c0_i32, %c0_i32_0 : i32, i32
  }
  func.func @transform_23(%arg0: i32) -> (i32, i32) {
    %c0_i32 = arith.constant 0 : i32
    %c0_i32_0 = arith.constant 0 : i32
    %c0_i32_1 = arith.constant 0 : i32
    return %c0_i32, %c0_i32_0 : i32, i32
  }
  func.func @transform_24(%arg0: i32) -> (i32, i32) {
    %c0_i32 = arith.constant 0 : i32
    %c0_i32_0 = arith.constant 0 : i32
    return %arg0, %c0_i32 : i32, i32
  }
  func.func @transform_25(%arg0: i32) -> (i32, i32) {
    %c0_i32 = arith.constant 0 : i32
    %c0_i32_0 = arith.constant 0 : i32
    return %arg0, %c0_i32 : i32, i32
  }
  func.func @transform_26(%arg0: i32) -> (i32, i32, i32) {
    %c0_i32 = arith.constant 0 : i32
    %c0_i32_0 = arith.constant 0 : i32
    %c0_i32_1 = arith.constant 0 : i32
    return %c0_i32, %arg0, %c0_i32_0 : i32, i32, i32
  }
  func.func @transform_27(%arg0: i32) -> (i32, i32, i32) {
    %c0_i32 = arith.constant 0 : i32
    %c0_i32_0 = arith.constant 0 : i32
    %c0_i32_1 = arith.constant 0 : i32
    return %c0_i32, %arg0, %c0_i32_0 : i32, i32, i32
  }
}

module attributes {stable_mosaic.version = 14 : i64} {
  func.func @_update_body(%arg0: i32, %arg1: memref<2000x64xf32, #tpu.memory_space<vmem>>, %arg2: memref<2x2000x32xf32, #tpu.memory_space<vmem>>, %arg3: memref<2000x1xf32, #tpu.memory_space<vmem>>, %arg4: memref<32x64xf32, #tpu.memory_space<vmem>>, %arg5: memref<32x64xf32, #tpu.memory_space<vmem>>, %arg6: memref<1x64xf32, #tpu.memory_space<vmem>>, %arg7: memref<64x64xf32, #tpu.memory_space<vmem>>, %arg8: memref<64x64xf32, #tpu.memory_space<vmem>>, %arg9: memref<1x64xf32, #tpu.memory_space<vmem>>, %arg10: memref<64x64xf32, #tpu.memory_space<vmem>>, %arg11: memref<1x64xf32, #tpu.memory_space<vmem>>, %arg12: memref<64x64xf32, #tpu.memory_space<vmem>>, %arg13: memref<64x64xf32, #tpu.memory_space<vmem>>, %arg14: memref<1x64xf32, #tpu.memory_space<vmem>>, %arg15: memref<2000x64xf32, #tpu.memory_space<vmem>>, %arg16: memref<2x2000x32xf32, #tpu.memory_space<vmem>>, %arg17: memref<2x2000x32xf32, #tpu.memory_space<vmem>>) attributes {dimension_semantics = [#tpu.dimension_semantics<arbitrary>], iteration_bounds = array<i64: 25>, scalar_prefetch = 0 : i64, scratch_operands = 0 : i64, tpu.core_type = #tpu.core_type<tc>, window_params = [{transform_indices = @transform_0, window_bounds = array<i64: 2000, 64>}, {transform_indices = @transform_1, window_bounds = array<i64: 2, 2000, 32>}, {transform_indices = @transform_2, window_bounds = array<i64: 2000, 1>}, {pipeline_mode = #tpu.pipeline_mode<synchronous>, transform_indices = @transform_3, window_bounds = array<i64: 32, 64>}, {pipeline_mode = #tpu.pipeline_mode<synchronous>, transform_indices = @transform_4, window_bounds = array<i64: 32, 64>}, {pipeline_mode = #tpu.pipeline_mode<synchronous>, transform_indices = @transform_5, window_bounds = array<i64: 1, 64>}, {pipeline_mode = #tpu.pipeline_mode<synchronous>, transform_indices = @transform_6, window_bounds = array<i64: 64, 64>}, {pipeline_mode = #tpu.pipeline_mode<synchronous>, transform_indices = @transform_7, window_bounds = array<i64: 64, 64>}, {pipeline_mode = #tpu.pipeline_mode<synchronous>, transform_indices = @transform_8, window_bounds = array<i64: 1, 64>}, {pipeline_mode = #tpu.pipeline_mode<synchronous>, transform_indices = @transform_9, window_bounds = array<i64: 64, 64>}, {pipeline_mode = #tpu.pipeline_mode<synchronous>, transform_indices = @transform_10, window_bounds = array<i64: 1, 64>}, {pipeline_mode = #tpu.pipeline_mode<synchronous>, transform_indices = @transform_11, window_bounds = array<i64: 64, 64>}, {pipeline_mode = #tpu.pipeline_mode<synchronous>, transform_indices = @transform_12, window_bounds = array<i64: 64, 64>}, {pipeline_mode = #tpu.pipeline_mode<synchronous>, transform_indices = @transform_13, window_bounds = array<i64: 1, 64>}, {transform_indices = @transform_14, window_bounds = array<i64: 2000, 64>}, {transform_indices = @transform_15, window_bounds = array<i64: 2, 2000, 32>}, {transform_indices = @transform_16, window_bounds = array<i64: 2, 2000, 32>}]} {
    %get3A = arith.constant 0 : index
    %get3A_0 = arith.constant 0 : index
    %get3A_1 = vector.load %arg1[%get3A, %get3A_0] : memref<2000x64xf32, #tpu.memory_space<vmem>>, vector<2000x64xf32>
    %get3A_2 = arith.constant 0 : index
    %get3A_3 = arith.constant 0 : index
    %get3A_4 = arith.constant 0 : index
    %get3A_5 = vector.load %arg2[%get3A_2, %get3A_3, %get3A_4] : memref<2x2000x32xf32, #tpu.memory_space<vmem>>, vector<1x2000x32xf32>
    %get3A_6 = vector.shape_cast %get3A_5 : vector<1x2000x32xf32> to vector<2000x32xf32>
    %get3A_7 = arith.constant 0 : index
    %get3A_8 = arith.constant 0 : index
    %get3A_9 = vector.load %arg4[%get3A_7, %get3A_8] : memref<32x64xf32, #tpu.memory_space<vmem>>, vector<32x64xf32>
    %dot_general3A = arith.constant dense<0.000000e+00> : vector<2000x64xf32>
    %dot_general3A_10 = tpu.matmul %get3A_6, %get3A_9, %dot_general3A {dimension_numbers = #tpu.dot_dimension_numbers<[1], [0], [0], [1], [0, 0, 1, 1], [], []>, precision = #tpu.contract_precision<fp32>, transpose_lhs_hint = false} : vector<2000x32xf32>, vector<32x64xf32>, vector<2000x64xf32> -> vector<2000x64xf32>
    %get3A_11 = arith.constant 1 : index
    %get3A_12 = arith.constant 0 : index
    %get3A_13 = arith.constant 0 : index
    %get3A_14 = vector.load %arg2[%get3A_11, %get3A_12, %get3A_13] : memref<2x2000x32xf32, #tpu.memory_space<vmem>>, vector<1x2000x32xf32>
    %get3A_15 = vector.shape_cast %get3A_14 : vector<1x2000x32xf32> to vector<2000x32xf32>
    %get3A_16 = arith.constant 0 : index
    %get3A_17 = arith.constant 0 : index
    %get3A_18 = vector.load %arg5[%get3A_16, %get3A_17] : memref<32x64xf32, #tpu.memory_space<vmem>>, vector<32x64xf32>
    %dot_general3A_19 = arith.constant dense<0.000000e+00> : vector<2000x64xf32>
    %dot_general3A_20 = tpu.matmul %get3A_15, %get3A_18, %dot_general3A_19 {dimension_numbers = #tpu.dot_dimension_numbers<[1], [0], [0], [1], [0, 0, 1, 1], [], []>, precision = #tpu.contract_precision<fp32>, transpose_lhs_hint = false} : vector<2000x32xf32>, vector<32x64xf32>, vector<2000x64xf32> -> vector<2000x64xf32>
    %add3A = arith.addf %dot_general3A_10, %dot_general3A_20 : vector<2000x64xf32>
    %get3A_21 = arith.constant 0 : index
    %get3A_22 = arith.constant 0 : index
    %get3A_23 = vector.load %arg3[%get3A_21, %get3A_22] : memref<2000x1xf32, #tpu.memory_space<vmem>>, vector<2000x1xf32>
    %get3A_24 = arith.constant 0 : index
    %get3A_25 = arith.constant 0 : index
    %get3A_26 = vector.load %arg6[%get3A_24, %get3A_25] : memref<1x64xf32, #tpu.memory_space<vmem>>, vector<1x64xf32>
    %mul3A = vector.broadcast %get3A_23 : vector<2000x1xf32> to vector<2000x64xf32>
    %mul3A_27 = vector.broadcast %get3A_26 : vector<1x64xf32> to vector<2000x64xf32>
    %mul3A_28 = arith.mulf %mul3A, %mul3A_27 : vector<2000x64xf32>
    %add3A_29 = arith.addf %add3A, %mul3A_28 : vector<2000x64xf32>
    %get3A_30 = arith.constant 0 : index
    %get3A_31 = arith.constant 0 : index
    %get3A_32 = vector.load %arg7[%get3A_30, %get3A_31] : memref<64x64xf32, #tpu.memory_space<vmem>>, vector<64x64xf32>
    %dot_general3A_33 = arith.constant dense<0.000000e+00> : vector<2000x64xf32>
    %dot_general3A_34 = tpu.matmul %get3A_1, %get3A_32, %dot_general3A_33 {dimension_numbers = #tpu.dot_dimension_numbers<[1], [0], [0], [1], [0, 0, 1, 1], [], []>, transpose_lhs_hint = false} : vector<2000x64xf32>, vector<64x64xf32>, vector<2000x64xf32> -> vector<2000x64xf32>
    %get3A_35 = arith.constant 0 : index
    %get3A_36 = arith.constant 0 : index
    %get3A_37 = vector.load %arg8[%get3A_35, %get3A_36] : memref<64x64xf32, #tpu.memory_space<vmem>>, vector<64x64xf32>
    %dot_general3A_38 = arith.constant dense<0.000000e+00> : vector<2000x64xf32>
    %dot_general3A_39 = tpu.matmul %add3A_29, %get3A_37, %dot_general3A_38 {dimension_numbers = #tpu.dot_dimension_numbers<[1], [0], [0], [1], [0, 0, 1, 1], [], []>, transpose_lhs_hint = false} : vector<2000x64xf32>, vector<64x64xf32>, vector<2000x64xf32> -> vector<2000x64xf32>
    %add3A_40 = arith.addf %dot_general3A_34, %dot_general3A_39 : vector<2000x64xf32>
    %get3A_41 = arith.constant 0 : index
    %get3A_42 = arith.constant 0 : index
    %get3A_43 = vector.load %arg9[%get3A_41, %get3A_42] : memref<1x64xf32, #tpu.memory_space<vmem>>, vector<1x64xf32>
    %add3A_44 = vector.broadcast %get3A_43 : vector<1x64xf32> to vector<2000x64xf32>
    %add3A_45 = arith.addf %add3A_40, %add3A_44 : vector<2000x64xf32>
    %max3A = arith.constant 0.000000e+00 : f32
    %max3A_46 = vector.broadcast %max3A : f32 to vector<2000x64xf32>
    %max3A_47 = arith.maximumf %add3A_45, %max3A_46 : vector<2000x64xf32>
    %get3A_48 = arith.constant 0 : index
    %get3A_49 = arith.constant 0 : index
    %get3A_50 = vector.load %arg10[%get3A_48, %get3A_49] : memref<64x64xf32, #tpu.memory_space<vmem>>, vector<64x64xf32>
    %dot_general3A_51 = arith.constant dense<0.000000e+00> : vector<2000x64xf32>
    %dot_general3A_52 = tpu.matmul %max3A_47, %get3A_50, %dot_general3A_51 {dimension_numbers = #tpu.dot_dimension_numbers<[1], [0], [0], [1], [0, 0, 1, 1], [], []>, transpose_lhs_hint = false} : vector<2000x64xf32>, vector<64x64xf32>, vector<2000x64xf32> -> vector<2000x64xf32>
    %add3A_53 = arith.addf %get3A_1, %dot_general3A_52 : vector<2000x64xf32>
    %get3A_54 = arith.constant 0 : index
    %get3A_55 = arith.constant 0 : index
    %get3A_56 = vector.load %arg11[%get3A_54, %get3A_55] : memref<1x64xf32, #tpu.memory_space<vmem>>, vector<1x64xf32>
    %add3A_57 = vector.broadcast %get3A_56 : vector<1x64xf32> to vector<2000x64xf32>
    %add3A_58 = arith.addf %add3A_53, %add3A_57 : vector<2000x64xf32>
    %swap3A = arith.constant 0 : index
    %swap3A_59 = arith.constant 0 : index
    %swap3A_60 = vector.load %arg15[%swap3A, %swap3A_59] : memref<2000x64xf32, #tpu.memory_space<vmem>>, vector<2000x64xf32>
    tpu.vector_store %arg15[%swap3A, %swap3A_59], %add3A_58 {strides = array<i32>} : memref<2000x64xf32, #tpu.memory_space<vmem>>, vector<2000x64xf32>,
    %get3A_61 = arith.constant 0 : index
    %get3A_62 = arith.constant 0 : index
    %get3A_63 = vector.load %arg12[%get3A_61, %get3A_62] : memref<64x64xf32, #tpu.memory_space<vmem>>, vector<64x64xf32>
    %dot_general3A_64 = arith.constant dense<0.000000e+00> : vector<2000x64xf32>
    %dot_general3A_65 = tpu.matmul %add3A_58, %get3A_63, %dot_general3A_64 {dimension_numbers = #tpu.dot_dimension_numbers<[1], [0], [0], [1], [0, 0, 1, 1], [], []>, transpose_lhs_hint = false} : vector<2000x64xf32>, vector<64x64xf32>, vector<2000x64xf32> -> vector<2000x64xf32>
    %get3A_66 = arith.constant 0 : index
    %get3A_67 = arith.constant 0 : index
    %get3A_68 = vector.load %arg14[%get3A_66, %get3A_67] : memref<1x64xf32, #tpu.memory_space<vmem>>, vector<1x64xf32>
    %add3A_69 = vector.broadcast %get3A_68 : vector<1x64xf32> to vector<2000x64xf32>
    %add3A_70 = arith.addf %dot_general3A_65, %add3A_69 : vector<2000x64xf32>
    %get3A_71 = arith.constant 0 : index
    %get3A_72 = arith.constant 0 : index
    %get3A_73 = vector.load %arg13[%get3A_71, %get3A_72] : memref<64x64xf32, #tpu.memory_space<vmem>>, vector<64x64xf32>
    %dot_general3A_74 = arith.constant dense<0.000000e+00> : vector<2000x64xf32>
    %dot_general3A_75 = tpu.matmul %add3A_58, %get3A_73, %dot_general3A_74 {dimension_numbers = #tpu.dot_dimension_numbers<[1], [0], [0], [1], [0, 0, 1, 1], [], []>, transpose_lhs_hint = false} : vector<2000x64xf32>, vector<64x64xf32>, vector<2000x64xf32> -> vector<2000x64xf32>
    %slice3A = vector.extract_strided_slice %add3A_70 {offsets = [0, 0], sizes = [2000, 32], strides = [1, 1]} : vector<2000x64xf32> to vector<2000x32xf32>
    %swap3A_76 = arith.constant 0 : index
    %swap3A_77 = arith.constant 0 : index
    %swap3A_78 = arith.constant 0 : index
    %swap3A_79 = vector.load %arg16[%swap3A_76, %swap3A_77, %swap3A_78] : memref<2x2000x32xf32, #tpu.memory_space<vmem>>, vector<1x2000x32xf32>
    %swap3A_80 = vector.shape_cast %swap3A_79 : vector<1x2000x32xf32> to vector<2000x32xf32>
    %swap3A_81 = vector.shape_cast %slice3A : vector<2000x32xf32> to vector<1x2000x32xf32>
    tpu.vector_store %arg16[%swap3A_76, %swap3A_77, %swap3A_78], %swap3A_81 {strides = array<i32>} : memref<2x2000x32xf32, #tpu.memory_space<vmem>>, vector<1x2000x32xf32>,
    %slice3A_82 = vector.extract_strided_slice %add3A_70 {offsets = [0, 32], sizes = [2000, 32], strides = [1, 1]} : vector<2000x64xf32> to vector<2000x32xf32>
    %swap3A_83 = arith.constant 1 : index
    %swap3A_84 = arith.constant 0 : index
    %swap3A_85 = arith.constant 0 : index
    %swap3A_86 = vector.load %arg16[%swap3A_83, %swap3A_84, %swap3A_85] : memref<2x2000x32xf32, #tpu.memory_space<vmem>>, vector<1x2000x32xf32>
    %swap3A_87 = vector.shape_cast %swap3A_86 : vector<1x2000x32xf32> to vector<2000x32xf32>
    %swap3A_88 = vector.shape_cast %slice3A_82 : vector<2000x32xf32> to vector<1x2000x32xf32>
    tpu.vector_store %arg16[%swap3A_83, %swap3A_84, %swap3A_85], %swap3A_88 {strides = array<i32>} : memref<2x2000x32xf32, #tpu.memory_space<vmem>>, vector<1x2000x32xf32>,
    %slice3A_89 = vector.extract_strided_slice %dot_general3A_75 {offsets = [0, 0], sizes = [2000, 32], strides = [1, 1]} : vector<2000x64xf32> to vector<2000x32xf32>
    %swap3A_90 = arith.constant 0 : index
    %swap3A_91 = arith.constant 0 : index
    %swap3A_92 = arith.constant 0 : index
    %swap3A_93 = vector.load %arg17[%swap3A_90, %swap3A_91, %swap3A_92] : memref<2x2000x32xf32, #tpu.memory_space<vmem>>, vector<1x2000x32xf32>
    %swap3A_94 = vector.shape_cast %swap3A_93 : vector<1x2000x32xf32> to vector<2000x32xf32>
    %swap3A_95 = vector.shape_cast %slice3A_89 : vector<2000x32xf32> to vector<1x2000x32xf32>
    tpu.vector_store %arg17[%swap3A_90, %swap3A_91, %swap3A_92], %swap3A_95 {strides = array<i32>} : memref<2x2000x32xf32, #tpu.memory_space<vmem>>, vector<1x2000x32xf32>,
    %slice3A_96 = vector.extract_strided_slice %dot_general3A_75 {offsets = [0, 32], sizes = [2000, 32], strides = [1, 1]} : vector<2000x64xf32> to vector<2000x32xf32>
    %swap3A_97 = arith.constant 1 : index
    %swap3A_98 = arith.constant 0 : index
    %swap3A_99 = arith.constant 0 : index
    %swap3A_100 = vector.load %arg17[%swap3A_97, %swap3A_98, %swap3A_99] : memref<2x2000x32xf32, #tpu.memory_space<vmem>>, vector<1x2000x32xf32>
    %swap3A_101 = vector.shape_cast %swap3A_100 : vector<1x2000x32xf32> to vector<2000x32xf32>
    %swap3A_102 = vector.shape_cast %slice3A_96 : vector<2000x32xf32> to vector<1x2000x32xf32>
    tpu.vector_store %arg17[%swap3A_97, %swap3A_98, %swap3A_99], %swap3A_102 {strides = array<i32>} : memref<2x2000x32xf32, #tpu.memory_space<vmem>>, vector<1x2000x32xf32>,
    return
  }
  func.func @transform_0(%arg0: i32) -> (i32, i32) {
    %c0_i32 = arith.constant 0 : i32
    %c0_i32_0 = arith.constant 0 : i32
    return %arg0, %c0_i32 : i32, i32
  }
  func.func @transform_1(%arg0: i32) -> (i32, i32, i32) {
    %c0_i32 = arith.constant 0 : i32
    %c0_i32_0 = arith.constant 0 : i32
    %c0_i32_1 = arith.constant 0 : i32
    return %c0_i32, %arg0, %c0_i32_0 : i32, i32, i32
  }
  func.func @transform_2(%arg0: i32) -> (i32, i32) {
    %c0_i32 = arith.constant 0 : i32
    %c0_i32_0 = arith.constant 0 : i32
    return %arg0, %c0_i32 : i32, i32
  }
  func.func @transform_3(%arg0: i32) -> (i32, i32) {
    %c0_i32 = arith.constant 0 : i32
    %c0_i32_0 = arith.constant 0 : i32
    %c0_i32_1 = arith.constant 0 : i32
    return %c0_i32, %c0_i32_0 : i32, i32
  }
  func.func @transform_4(%arg0: i32) -> (i32, i32) {
    %c0_i32 = arith.constant 0 : i32
    %c0_i32_0 = arith.constant 0 : i32
    %c0_i32_1 = arith.constant 0 : i32
    return %c0_i32, %c0_i32_0 : i32, i32
  }
  func.func @transform_5(%arg0: i32) -> (i32, i32) {
    %c0_i32 = arith.constant 0 : i32
    %c0_i32_0 = arith.constant 0 : i32
    %c0_i32_1 = arith.constant 0 : i32
    return %c0_i32, %c0_i32_0 : i32, i32
  }
  func.func @transform_6(%arg0: i32) -> (i32, i32) {
    %c0_i32 = arith.constant 0 : i32
    %c0_i32_0 = arith.constant 0 : i32
    %c0_i32_1 = arith.constant 0 : i32
    return %c0_i32, %c0_i32_0 : i32, i32
  }
  func.func @transform_7(%arg0: i32) -> (i32, i32) {
    %c0_i32 = arith.constant 0 : i32
    %c0_i32_0 = arith.constant 0 : i32
    %c0_i32_1 = arith.constant 0 : i32
    return %c0_i32, %c0_i32_0 : i32, i32
  }
  func.func @transform_8(%arg0: i32) -> (i32, i32) {
    %c0_i32 = arith.constant 0 : i32
    %c0_i32_0 = arith.constant 0 : i32
    %c0_i32_1 = arith.constant 0 : i32
    return %c0_i32, %c0_i32_0 : i32, i32
  }
  func.func @transform_9(%arg0: i32) -> (i32, i32) {
    %c0_i32 = arith.constant 0 : i32
    %c0_i32_0 = arith.constant 0 : i32
    %c0_i32_1 = arith.constant 0 : i32
    return %c0_i32, %c0_i32_0 : i32, i32
  }
  func.func @transform_10(%arg0: i32) -> (i32, i32) {
    %c0_i32 = arith.constant 0 : i32
    %c0_i32_0 = arith.constant 0 : i32
    %c0_i32_1 = arith.constant 0 : i32
    return %c0_i32, %c0_i32_0 : i32, i32
  }
  func.func @transform_11(%arg0: i32) -> (i32, i32) {
    %c0_i32 = arith.constant 0 : i32
    %c0_i32_0 = arith.constant 0 : i32
    %c0_i32_1 = arith.constant 0 : i32
    return %c0_i32, %c0_i32_0 : i32, i32
  }
  func.func @transform_12(%arg0: i32) -> (i32, i32) {
    %c0_i32 = arith.constant 0 : i32
    %c0_i32_0 = arith.constant 0 : i32
    %c0_i32_1 = arith.constant 0 : i32
    return %c0_i32, %c0_i32_0 : i32, i32
  }
  func.func @transform_13(%arg0: i32) -> (i32, i32) {
    %c0_i32 = arith.constant 0 : i32
    %c0_i32_0 = arith.constant 0 : i32
    %c0_i32_1 = arith.constant 0 : i32
    return %c0_i32, %c0_i32_0 : i32, i32
  }
  func.func @transform_14(%arg0: i32) -> (i32, i32) {
    %c0_i32 = arith.constant 0 : i32
    %c0_i32_0 = arith.constant 0 : i32
    return %arg0, %c0_i32 : i32, i32
  }
  func.func @transform_15(%arg0: i32) -> (i32, i32, i32) {
    %c0_i32 = arith.constant 0 : i32
    %c0_i32_0 = arith.constant 0 : i32
    %c0_i32_1 = arith.constant 0 : i32
    return %c0_i32, %arg0, %c0_i32_0 : i32, i32, i32
  }
  func.func @transform_16(%arg0: i32) -> (i32, i32, i32) {
    %c0_i32 = arith.constant 0 : i32
    %c0_i32_0 = arith.constant 0 : i32
    %c0_i32_1 = arith.constant 0 : i32
    return %c0_i32, %arg0, %c0_i32_0 : i32, i32, i32
  }
}

module attributes {stable_mosaic.version = 14 : i64} {
  func.func @_update_final_body(%arg0: i32, %arg1: memref<2000x64xf32, #tpu.memory_space<vmem>>, %arg2: memref<2x2000x32xf32, #tpu.memory_space<vmem>>, %arg3: memref<2000x1xf32, #tpu.memory_space<vmem>>, %arg4: memref<2000x64xf32, #tpu.memory_space<vmem>>, %arg5: memref<2000x1xi32, #tpu.memory_space<vmem>>, %arg6: memref<64x1xf32, #tpu.memory_space<vmem>>, %arg7: memref<64x8xf32, #tpu.memory_space<vmem>>, %arg8: memref<32x64xf32, #tpu.memory_space<vmem>>, %arg9: memref<32x64xf32, #tpu.memory_space<vmem>>, %arg10: memref<1x64xf32, #tpu.memory_space<vmem>>, %arg11: memref<64x64xf32, #tpu.memory_space<vmem>>, %arg12: memref<64x64xf32, #tpu.memory_space<vmem>>, %arg13: memref<1x64xf32, #tpu.memory_space<vmem>>, %arg14: memref<64x64xf32, #tpu.memory_space<vmem>>, %arg15: memref<1x64xf32, #tpu.memory_space<vmem>>, %arg16: memref<8x64xf32, #tpu.memory_space<vmem>>, %arg17: memref<1x64xf32, #tpu.memory_space<vmem>>, %arg18: memref<64x64xf32, #tpu.memory_space<vmem>>, %arg19: memref<1x64xf32, #tpu.memory_space<vmem>>, %arg20: memref<64x64xf32, #tpu.memory_space<vmem>>, %arg21: memref<64x64xf32, #tpu.memory_space<vmem>>, %arg22: memref<64x64xf32, #tpu.memory_space<vmem>>, %arg23: memref<64x64xf32, #tpu.memory_space<vmem>>, %arg24: memref<1x64xf32, #tpu.memory_space<vmem>>, %arg25: memref<64x1xf32, #tpu.memory_space<vmem>>, %arg26: memref<1x1xf32, #tpu.memory_space<vmem>>, %arg27: memref<2000x1xf32, #tpu.memory_space<vmem>>) attributes {dimension_semantics = [#tpu.dimension_semantics<arbitrary>], iteration_bounds = array<i64: 25>, scalar_prefetch = 0 : i64, scratch_operands = 0 : i64, tpu.core_type = #tpu.core_type<tc>, window_params = [{transform_indices = @transform_0, window_bounds = array<i64: 2000, 64>}, {transform_indices = @transform_1, window_bounds = array<i64: 2, 2000, 32>}, {transform_indices = @transform_2, window_bounds = array<i64: 2000, 1>}, {transform_indices = @transform_3, window_bounds = array<i64: 2000, 64>}, {transform_indices = @transform_4, window_bounds = array<i64: 2000, 1>}, {pipeline_mode = #tpu.pipeline_mode<synchronous>, transform_indices = @transform_5, window_bounds = array<i64: 64, 1>}, {pipeline_mode = #tpu.pipeline_mode<synchronous>, transform_indices = @transform_6, window_bounds = array<i64: 64, 8>}, {pipeline_mode = #tpu.pipeline_mode<synchronous>, transform_indices = @transform_7, window_bounds = array<i64: 32, 64>}, {pipeline_mode = #tpu.pipeline_mode<synchronous>, transform_indices = @transform_8, window_bounds = array<i64: 32, 64>}, {pipeline_mode = #tpu.pipeline_mode<synchronous>, transform_indices = @transform_9, window_bounds = array<i64: 1, 64>}, {pipeline_mode = #tpu.pipeline_mode<synchronous>, transform_indices = @transform_10, window_bounds = array<i64: 64, 64>}, {pipeline_mode = #tpu.pipeline_mode<synchronous>, transform_indices = @transform_11, window_bounds = array<i64: 64, 64>}, {pipeline_mode = #tpu.pipeline_mode<synchronous>, transform_indices = @transform_12, window_bounds = array<i64: 1, 64>}, {pipeline_mode = #tpu.pipeline_mode<synchronous>, transform_indices = @transform_13, window_bounds = array<i64: 64, 64>}, {pipeline_mode = #tpu.pipeline_mode<synchronous>, transform_indices = @transform_14, window_bounds = array<i64: 1, 64>}, {pipeline_mode = #tpu.pipeline_mode<synchronous>, transform_indices = @transform_15, window_bounds = array<i64: 8, 64>}, {pipeline_mode = #tpu.pipeline_mode<synchronous>, transform_indices = @transform_16, window_bounds = array<i64: 1, 64>}, {pipeline_mode = #tpu.pipeline_mode<synchronous>, transform_indices = @transform_17, window_bounds = array<i64: 64, 64>}, {pipeline_mode = #tpu.pipeline_mode<synchronous>, transform_indices = @transform_18, window_bounds = array<i64: 1, 64>}, {pipeline_mode = #tpu.pipeline_mode<synchronous>, transform_indices = @transform_19, window_bounds = array<i64: 64, 64>}, {pipeline_mode = #tpu.pipeline_mode<synchronous>, transform_indices = @transform_20, window_bounds = array<i64: 64, 64>}, {pipeline_mode = #tpu.pipeline_mode<synchronous>, transform_indices = @transform_21, window_bounds = array<i64: 64, 64>}, {pipeline_mode = #tpu.pipeline_mode<synchronous>, transform_indices = @transform_22, window_bounds = array<i64: 64, 64>}, {pipeline_mode = #tpu.pipeline_mode<synchronous>, transform_indices = @transform_23, window_bounds = array<i64: 1, 64>}, {pipeline_mode = #tpu.pipeline_mode<synchronous>, transform_indices = @transform_24, window_bounds = array<i64: 64, 1>}, {pipeline_mode = #tpu.pipeline_mode<synchronous>, transform_indices = @transform_25, window_bounds = array<i64: 1, 1>}, {transform_indices = @transform_26, window_bounds = array<i64: 2000, 1>}]} {
    %get3A = arith.constant 0 : index
    %get3A_0 = arith.constant 0 : index
    %get3A_1 = vector.load %arg1[%get3A, %get3A_0] : memref<2000x64xf32, #tpu.memory_space<vmem>>, vector<2000x64xf32>
    %get3A_2 = arith.constant 0 : index
    %get3A_3 = arith.constant 0 : index
    %get3A_4 = arith.constant 0 : index
    %get3A_5 = vector.load %arg2[%get3A_2, %get3A_3, %get3A_4] : memref<2x2000x32xf32, #tpu.memory_space<vmem>>, vector<1x2000x32xf32>
    %get3A_6 = vector.shape_cast %get3A_5 : vector<1x2000x32xf32> to vector<2000x32xf32>
    %get3A_7 = arith.constant 0 : index
    %get3A_8 = arith.constant 0 : index
    %get3A_9 = vector.load %arg8[%get3A_7, %get3A_8] : memref<32x64xf32, #tpu.memory_space<vmem>>, vector<32x64xf32>
    %dot_general3A = arith.constant dense<0.000000e+00> : vector<2000x64xf32>
    %dot_general3A_10 = tpu.matmul %get3A_6, %get3A_9, %dot_general3A {dimension_numbers = #tpu.dot_dimension_numbers<[1], [0], [0], [1], [0, 0, 1, 1], [], []>, precision = #tpu.contract_precision<fp32>, transpose_lhs_hint = false} : vector<2000x32xf32>, vector<32x64xf32>, vector<2000x64xf32> -> vector<2000x64xf32>
    %get3A_11 = arith.constant 1 : index
    %get3A_12 = arith.constant 0 : index
    %get3A_13 = arith.constant 0 : index
    %get3A_14 = vector.load %arg2[%get3A_11, %get3A_12, %get3A_13] : memref<2x2000x32xf32, #tpu.memory_space<vmem>>, vector<1x2000x32xf32>
    %get3A_15 = vector.shape_cast %get3A_14 : vector<1x2000x32xf32> to vector<2000x32xf32>
    %get3A_16 = arith.constant 0 : index
    %get3A_17 = arith.constant 0 : index
    %get3A_18 = vector.load %arg9[%get3A_16, %get3A_17] : memref<32x64xf32, #tpu.memory_space<vmem>>, vector<32x64xf32>
    %dot_general3A_19 = arith.constant dense<0.000000e+00> : vector<2000x64xf32>
    %dot_general3A_20 = tpu.matmul %get3A_15, %get3A_18, %dot_general3A_19 {dimension_numbers = #tpu.dot_dimension_numbers<[1], [0], [0], [1], [0, 0, 1, 1], [], []>, precision = #tpu.contract_precision<fp32>, transpose_lhs_hint = false} : vector<2000x32xf32>, vector<32x64xf32>, vector<2000x64xf32> -> vector<2000x64xf32>
    %add3A = arith.addf %dot_general3A_10, %dot_general3A_20 : vector<2000x64xf32>
    %get3A_21 = arith.constant 0 : index
    %get3A_22 = arith.constant 0 : index
    %get3A_23 = vector.load %arg3[%get3A_21, %get3A_22] : memref<2000x1xf32, #tpu.memory_space<vmem>>, vector<2000x1xf32>
    %get3A_24 = arith.constant 0 : index
    %get3A_25 = arith.constant 0 : index
    %get3A_26 = vector.load %arg10[%get3A_24, %get3A_25] : memref<1x64xf32, #tpu.memory_space<vmem>>, vector<1x64xf32>
    %mul3A = vector.broadcast %get3A_23 : vector<2000x1xf32> to vector<2000x64xf32>
    %mul3A_27 = vector.broadcast %get3A_26 : vector<1x64xf32> to vector<2000x64xf32>
    %mul3A_28 = arith.mulf %mul3A, %mul3A_27 : vector<2000x64xf32>
    %add3A_29 = arith.addf %add3A, %mul3A_28 : vector<2000x64xf32>
    %get3A_30 = arith.constant 0 : index
    %get3A_31 = arith.constant 0 : index
    %get3A_32 = vector.load %arg11[%get3A_30, %get3A_31] : memref<64x64xf32, #tpu.memory_space<vmem>>, vector<64x64xf32>
    %dot_general3A_33 = arith.constant dense<0.000000e+00> : vector<2000x64xf32>
    %dot_general3A_34 = tpu.matmul %get3A_1, %get3A_32, %dot_general3A_33 {dimension_numbers = #tpu.dot_dimension_numbers<[1], [0], [0], [1], [0, 0, 1, 1], [], []>, transpose_lhs_hint = false} : vector<2000x64xf32>, vector<64x64xf32>, vector<2000x64xf32> -> vector<2000x64xf32>
    %get3A_35 = arith.constant 0 : index
    %get3A_36 = arith.constant 0 : index
    %get3A_37 = vector.load %arg12[%get3A_35, %get3A_36] : memref<64x64xf32, #tpu.memory_space<vmem>>, vector<64x64xf32>
    %dot_general3A_38 = arith.constant dense<0.000000e+00> : vector<2000x64xf32>
    %dot_general3A_39 = tpu.matmul %add3A_29, %get3A_37, %dot_general3A_38 {dimension_numbers = #tpu.dot_dimension_numbers<[1], [0], [0], [1], [0, 0, 1, 1], [], []>, transpose_lhs_hint = false} : vector<2000x64xf32>, vector<64x64xf32>, vector<2000x64xf32> -> vector<2000x64xf32>
    %add3A_40 = arith.addf %dot_general3A_34, %dot_general3A_39 : vector<2000x64xf32>
    %get3A_41 = arith.constant 0 : index
    %get3A_42 = arith.constant 0 : index
    %get3A_43 = vector.load %arg13[%get3A_41, %get3A_42] : memref<1x64xf32, #tpu.memory_space<vmem>>, vector<1x64xf32>
    %add3A_44 = vector.broadcast %get3A_43 : vector<1x64xf32> to vector<2000x64xf32>
    %add3A_45 = arith.addf %add3A_40, %add3A_44 : vector<2000x64xf32>
    %max3A = arith.constant 0.000000e+00 : f32
    %max3A_46 = vector.broadcast %max3A : f32 to vector<2000x64xf32>
    %max3A_47 = arith.maximumf %add3A_45, %max3A_46 : vector<2000x64xf32>
    %get3A_48 = arith.constant 0 : index
    %get3A_49 = arith.constant 0 : index
    %get3A_50 = vector.load %arg14[%get3A_48, %get3A_49] : memref<64x64xf32, #tpu.memory_space<vmem>>, vector<64x64xf32>
    %dot_general3A_51 = arith.constant dense<0.000000e+00> : vector<2000x64xf32>
    %dot_general3A_52 = tpu.matmul %max3A_47, %get3A_50, %dot_general3A_51 {dimension_numbers = #tpu.dot_dimension_numbers<[1], [0], [0], [1], [0, 0, 1, 1], [], []>, transpose_lhs_hint = false} : vector<2000x64xf32>, vector<64x64xf32>, vector<2000x64xf32> -> vector<2000x64xf32>
    %add3A_53 = arith.addf %get3A_1, %dot_general3A_52 : vector<2000x64xf32>
    %get3A_54 = arith.constant 0 : index
    %get3A_55 = arith.constant 0 : index
    %get3A_56 = vector.load %arg15[%get3A_54, %get3A_55] : memref<1x64xf32, #tpu.memory_space<vmem>>, vector<1x64xf32>
    %add3A_57 = vector.broadcast %get3A_56 : vector<1x64xf32> to vector<2000x64xf32>
    %add3A_58 = arith.addf %add3A_53, %add3A_57 : vector<2000x64xf32>
    %get3A_59 = arith.constant 0 : index
    %get3A_60 = arith.constant 0 : index
    %get3A_61 = vector.load %arg6[%get3A_59, %get3A_60] : memref<64x1xf32, #tpu.memory_space<vmem>>, vector<64x1xf32>
    %iota3A = tpu.iota {dimensions = array<i32: 1>} : vector<1x32xi32>
    %convert_element_type3A = arith.sitofp %iota3A : vector<1x32xi32> to vector<1x32xf32>
    %mul3A_62 = arith.constant -0.16557242 : f32
    %mul3A_63 = vector.broadcast %mul3A_62 : f32 to vector<1x32xf32>
    %mul3A_64 = arith.mulf %convert_element_type3A, %mul3A_63 : vector<1x32xf32>
    %exp3A = math.exp %mul3A_64 : vector<1x32xf32>
    %mul3A_65 = vector.broadcast %get3A_61 : vector<64x1xf32> to vector<64x32xf32>
    %mul3A_66 = vector.broadcast %exp3A : vector<1x32xf32> to vector<64x32xf32>
    %mul3A_67 = arith.mulf %mul3A_65, %mul3A_66 : vector<64x32xf32>
    %cos3A = math.cos %mul3A_67 : vector<64x32xf32>
    %sin3A = math.sin %mul3A_67 : vector<64x32xf32>
    %concatenate3A = tpu.concatenate %cos3A, %sin3A in 1 : vector<64x32xf32>, vector<64x32xf32> -> vector<64x64xf32>
    %get3A_68 = arith.constant 0 : index
    %get3A_69 = arith.constant 0 : index
    %get3A_70 = vector.load %arg7[%get3A_68, %get3A_69] : memref<64x8xf32, #tpu.memory_space<vmem>>, vector<64x8xf32>
    %get3A_71 = arith.constant 0 : index
    %get3A_72 = arith.constant 0 : index
    %get3A_73 = vector.load %arg16[%get3A_71, %get3A_72] : memref<8x64xf32, #tpu.memory_space<vmem>>, vector<8x64xf32>
    %dot_general3A_74 = arith.constant dense<0.000000e+00> : vector<64x64xf32>
    %dot_general3A_75 = tpu.matmul %get3A_70, %get3A_73, %dot_general3A_74 {dimension_numbers = #tpu.dot_dimension_numbers<[1], [0], [0], [1], [0, 0, 1, 1], [], []>, transpose_lhs_hint = false} : vector<64x8xf32>, vector<8x64xf32>, vector<64x64xf32> -> vector<64x64xf32>
    %get3A_76 = arith.constant 0 : index
    %get3A_77 = arith.constant 0 : index
    %get3A_78 = vector.load %arg17[%get3A_76, %get3A_77] : memref<1x64xf32, #tpu.memory_space<vmem>>, vector<1x64xf32>
    %add3A_79 = vector.broadcast %get3A_78 : vector<1x64xf32> to vector<64x64xf32>
    %add3A_80 = arith.addf %dot_general3A_75, %add3A_79 : vector<64x64xf32>
    %max3A_81 = arith.constant 0.000000e+00 : f32
    %max3A_82 = vector.broadcast %max3A_81 : f32 to vector<64x64xf32>
    %max3A_83 = arith.maximumf %add3A_80, %max3A_82 : vector<64x64xf32>
    %get3A_84 = arith.constant 0 : index
    %get3A_85 = arith.constant 0 : index
    %get3A_86 = vector.load %arg18[%get3A_84, %get3A_85] : memref<64x64xf32, #tpu.memory_space<vmem>>, vector<64x64xf32>
    %dot_general3A_87 = arith.constant dense<0.000000e+00> : vector<64x64xf32>
    %dot_general3A_88 = tpu.matmul %max3A_83, %get3A_86, %dot_general3A_87 {dimension_numbers = #tpu.dot_dimension_numbers<[1], [0], [0], [1], [0, 0, 1, 1], [], []>, transpose_lhs_hint = false} : vector<64x64xf32>, vector<64x64xf32>, vector<64x64xf32> -> vector<64x64xf32>
    %get3A_89 = arith.constant 0 : index
    %get3A_90 = arith.constant 0 : index
    %get3A_91 = vector.load %arg19[%get3A_89, %get3A_90] : memref<1x64xf32, #tpu.memory_space<vmem>>, vector<1x64xf32>
    %add3A_92 = vector.broadcast %get3A_91 : vector<1x64xf32> to vector<64x64xf32>
    %add3A_93 = arith.addf %dot_general3A_88, %add3A_92 : vector<64x64xf32>
    %get3A_94 = arith.constant 0 : index
    %get3A_95 = arith.constant 0 : index
    %get3A_96 = vector.load %arg22[%get3A_94, %get3A_95] : memref<64x64xf32, #tpu.memory_space<vmem>>, vector<64x64xf32>
    %dot_general3A_97 = arith.constant dense<0.000000e+00> : vector<64x64xf32>
    %dot_general3A_98 = tpu.matmul %concatenate3A, %get3A_96, %dot_general3A_97 {dimension_numbers = #tpu.dot_dimension_numbers<[1], [0], [0], [1], [0, 0, 1, 1], [], []>, transpose_lhs_hint = false} : vector<64x64xf32>, vector<64x64xf32>, vector<64x64xf32> -> vector<64x64xf32>
    %get3A_99 = arith.constant 0 : index
    %get3A_100 = arith.constant 0 : index
    %get3A_101 = vector.load %arg23[%get3A_99, %get3A_100] : memref<64x64xf32, #tpu.memory_space<vmem>>, vector<64x64xf32>
    %dot_general3A_102 = arith.constant dense<0.000000e+00> : vector<64x64xf32>
    %dot_general3A_103 = tpu.matmul %add3A_93, %get3A_101, %dot_general3A_102 {dimension_numbers = #tpu.dot_dimension_numbers<[1], [0], [0], [1], [0, 0, 1, 1], [], []>, transpose_lhs_hint = false} : vector<64x64xf32>, vector<64x64xf32>, vector<64x64xf32> -> vector<64x64xf32>
    %add3A_104 = arith.addf %dot_general3A_98, %dot_general3A_103 : vector<64x64xf32>
    %get3A_105 = arith.constant 0 : index
    %get3A_106 = arith.constant 0 : index
    %get3A_107 = vector.load %arg5[%get3A_105, %get3A_106] : memref<2000x1xi32, #tpu.memory_space<vmem>>, vector<2000x1xi32>
    %iota3A_108 = tpu.iota {dimensions = array<i32: 1>} : vector<2000x64xi32>
    %eq3A = vector.broadcast %get3A_107 : vector<2000x1xi32> to vector<2000x64xi32>
    %eq3A_109 = arith.cmpi eq, %iota3A_108, %eq3A : vector<2000x64xi32>
    %convert_element_type3A_110 = arith.extui %eq3A_109 : vector<2000x64xi1> to vector<2000x64xi32>
    %convert_element_type3A_111 = arith.sitofp %convert_element_type3A_110 : vector<2000x64xi32> to vector<2000x64xf32>
    %get3A_112 = arith.constant 0 : index
    %get3A_113 = arith.constant 0 : index
    %get3A_114 = vector.load %arg20[%get3A_112, %get3A_113] : memref<64x64xf32, #tpu.memory_space<vmem>>, vector<64x64xf32>
    %dot_general3A_115 = arith.constant dense<0.000000e+00> : vector<2000x64xf32>
    %dot_general3A_116 = tpu.matmul %add3A_58, %get3A_114, %dot_general3A_115 {dimension_numbers = #tpu.dot_dimension_numbers<[1], [0], [0], [1], [0, 0, 1, 1], [], []>, transpose_lhs_hint = false} : vector<2000x64xf32>, vector<64x64xf32>, vector<2000x64xf32> -> vector<2000x64xf32>
    %get3A_117 = arith.constant 0 : index
    %get3A_118 = arith.constant 0 : index
    %get3A_119 = vector.load %arg4[%get3A_117, %get3A_118] : memref<2000x64xf32, #tpu.memory_space<vmem>>, vector<2000x64xf32>
    %get3A_120 = arith.constant 0 : index
    %get3A_121 = arith.constant 0 : index
    %get3A_122 = vector.load %arg21[%get3A_120, %get3A_121] : memref<64x64xf32, #tpu.memory_space<vmem>>, vector<64x64xf32>
    %dot_general3A_123 = arith.constant dense<0.000000e+00> : vector<2000x64xf32>
    %dot_general3A_124 = tpu.matmul %get3A_119, %get3A_122, %dot_general3A_123 {dimension_numbers = #tpu.dot_dimension_numbers<[1], [0], [0], [1], [0, 0, 1, 1], [], []>, transpose_lhs_hint = false} : vector<2000x64xf32>, vector<64x64xf32>, vector<2000x64xf32> -> vector<2000x64xf32>
    %add3A_125 = arith.addf %dot_general3A_116, %dot_general3A_124 : vector<2000x64xf32>
    %dot_general3A_126 = arith.constant dense<0.000000e+00> : vector<2000x64xf32>
    %dot_general3A_127 = tpu.matmul %convert_element_type3A_111, %add3A_104, %dot_general3A_126 {dimension_numbers = #tpu.dot_dimension_numbers<[1], [0], [0], [1], [0, 0, 1, 1], [], []>, precision = #tpu.contract_precision<fp32>, transpose_lhs_hint = false} : vector<2000x64xf32>, vector<64x64xf32>, vector<2000x64xf32> -> vector<2000x64xf32>
    %add3A_128 = arith.addf %add3A_125, %dot_general3A_127 : vector<2000x64xf32>
    %get3A_129 = arith.constant 0 : index
    %get3A_130 = arith.constant 0 : index
    %get3A_131 = vector.load %arg24[%get3A_129, %get3A_130] : memref<1x64xf32, #tpu.memory_space<vmem>>, vector<1x64xf32>
    %add3A_132 = vector.broadcast %get3A_131 : vector<1x64xf32> to vector<2000x64xf32>
    %add3A_133 = arith.addf %add3A_128, %add3A_132 : vector<2000x64xf32>
    %max3A_134 = arith.constant 0.000000e+00 : f32
    %max3A_135 = vector.broadcast %max3A_134 : f32 to vector<2000x64xf32>
    %max3A_136 = arith.maximumf %add3A_133, %max3A_135 : vector<2000x64xf32>
    %get3A_137 = arith.constant 0 : index
    %get3A_138 = arith.constant 0 : index
    %get3A_139 = vector.load %arg25[%get3A_137, %get3A_138] : memref<64x1xf32, #tpu.memory_space<vmem>>, vector<64x1xf32>
    %dot_general3A_140 = arith.constant dense<0.000000e+00> : vector<2000x1xf32>
    %dot_general3A_141 = tpu.matmul %max3A_136, %get3A_139, %dot_general3A_140 {dimension_numbers = #tpu.dot_dimension_numbers<[1], [0], [0], [1], [0, 0, 1, 1], [], []>, transpose_lhs_hint = false} : vector<2000x64xf32>, vector<64x1xf32>, vector<2000x1xf32> -> vector<2000x1xf32>
    %get3A_142 = arith.constant 0 : index
    %get3A_143 = arith.constant 0 : index
    %get3A_144 = vector.load %arg26[%get3A_142, %get3A_143] : memref<1x1xf32, #tpu.memory_space<vmem>>, vector<1x1xf32>
    %add3A_145 = vector.broadcast %get3A_144 : vector<1x1xf32> to vector<2000x1xf32>
    %add3A_146 = arith.addf %dot_general3A_141, %add3A_145 : vector<2000x1xf32>
    %swap3A = arith.constant 0 : index
    %swap3A_147 = arith.constant 0 : index
    %swap3A_148 = vector.load %arg27[%swap3A, %swap3A_147] : memref<2000x1xf32, #tpu.memory_space<vmem>>, vector<2000x1xf32>
    tpu.vector_store %arg27[%swap3A, %swap3A_147], %add3A_146 {strides = array<i32>} : memref<2000x1xf32, #tpu.memory_space<vmem>>, vector<2000x1xf32>,
    return
  }
  func.func @transform_0(%arg0: i32) -> (i32, i32) {
    %c0_i32 = arith.constant 0 : i32
    %c0_i32_0 = arith.constant 0 : i32
    return %arg0, %c0_i32 : i32, i32
  }
  func.func @transform_1(%arg0: i32) -> (i32, i32, i32) {
    %c0_i32 = arith.constant 0 : i32
    %c0_i32_0 = arith.constant 0 : i32
    %c0_i32_1 = arith.constant 0 : i32
    return %c0_i32, %arg0, %c0_i32_0 : i32, i32, i32
  }
  func.func @transform_2(%arg0: i32) -> (i32, i32) {
    %c0_i32 = arith.constant 0 : i32
    %c0_i32_0 = arith.constant 0 : i32
    return %arg0, %c0_i32 : i32, i32
  }
  func.func @transform_3(%arg0: i32) -> (i32, i32) {
    %c0_i32 = arith.constant 0 : i32
    %c0_i32_0 = arith.constant 0 : i32
    return %arg0, %c0_i32 : i32, i32
  }
  func.func @transform_4(%arg0: i32) -> (i32, i32) {
    %c0_i32 = arith.constant 0 : i32
    %c0_i32_0 = arith.constant 0 : i32
    return %arg0, %c0_i32 : i32, i32
  }
  func.func @transform_5(%arg0: i32) -> (i32, i32) {
    %c0_i32 = arith.constant 0 : i32
    %c0_i32_0 = arith.constant 0 : i32
    %c0_i32_1 = arith.constant 0 : i32
    return %c0_i32, %c0_i32_0 : i32, i32
  }
  func.func @transform_6(%arg0: i32) -> (i32, i32) {
    %c0_i32 = arith.constant 0 : i32
    %c0_i32_0 = arith.constant 0 : i32
    %c0_i32_1 = arith.constant 0 : i32
    return %c0_i32, %c0_i32_0 : i32, i32
  }
  func.func @transform_7(%arg0: i32) -> (i32, i32) {
    %c0_i32 = arith.constant 0 : i32
    %c0_i32_0 = arith.constant 0 : i32
    %c0_i32_1 = arith.constant 0 : i32
    return %c0_i32, %c0_i32_0 : i32, i32
  }
  func.func @transform_8(%arg0: i32) -> (i32, i32) {
    %c0_i32 = arith.constant 0 : i32
    %c0_i32_0 = arith.constant 0 : i32
    %c0_i32_1 = arith.constant 0 : i32
    return %c0_i32, %c0_i32_0 : i32, i32
  }
  func.func @transform_9(%arg0: i32) -> (i32, i32) {
    %c0_i32 = arith.constant 0 : i32
    %c0_i32_0 = arith.constant 0 : i32
    %c0_i32_1 = arith.constant 0 : i32
    return %c0_i32, %c0_i32_0 : i32, i32
  }
  func.func @transform_10(%arg0: i32) -> (i32, i32) {
    %c0_i32 = arith.constant 0 : i32
    %c0_i32_0 = arith.constant 0 : i32
    %c0_i32_1 = arith.constant 0 : i32
    return %c0_i32, %c0_i32_0 : i32, i32
  }
  func.func @transform_11(%arg0: i32) -> (i32, i32) {
    %c0_i32 = arith.constant 0 : i32
    %c0_i32_0 = arith.constant 0 : i32
    %c0_i32_1 = arith.constant 0 : i32
    return %c0_i32, %c0_i32_0 : i32, i32
  }
  func.func @transform_12(%arg0: i32) -> (i32, i32) {
    %c0_i32 = arith.constant 0 : i32
    %c0_i32_0 = arith.constant 0 : i32
    %c0_i32_1 = arith.constant 0 : i32
    return %c0_i32, %c0_i32_0 : i32, i32
  }
  func.func @transform_13(%arg0: i32) -> (i32, i32) {
    %c0_i32 = arith.constant 0 : i32
    %c0_i32_0 = arith.constant 0 : i32
    %c0_i32_1 = arith.constant 0 : i32
    return %c0_i32, %c0_i32_0 : i32, i32
  }
  func.func @transform_14(%arg0: i32) -> (i32, i32) {
    %c0_i32 = arith.constant 0 : i32
    %c0_i32_0 = arith.constant 0 : i32
    %c0_i32_1 = arith.constant 0 : i32
    return %c0_i32, %c0_i32_0 : i32, i32
  }
  func.func @transform_15(%arg0: i32) -> (i32, i32) {
    %c0_i32 = arith.constant 0 : i32
    %c0_i32_0 = arith.constant 0 : i32
    %c0_i32_1 = arith.constant 0 : i32
    return %c0_i32, %c0_i32_0 : i32, i32
  }
  func.func @transform_16(%arg0: i32) -> (i32, i32) {
    %c0_i32 = arith.constant 0 : i32
    %c0_i32_0 = arith.constant 0 : i32
    %c0_i32_1 = arith.constant 0 : i32
    return %c0_i32, %c0_i32_0 : i32, i32
  }
  func.func @transform_17(%arg0: i32) -> (i32, i32) {
    %c0_i32 = arith.constant 0 : i32
    %c0_i32_0 = arith.constant 0 : i32
    %c0_i32_1 = arith.constant 0 : i32
    return %c0_i32, %c0_i32_0 : i32, i32
  }
  func.func @transform_18(%arg0: i32) -> (i32, i32) {
    %c0_i32 = arith.constant 0 : i32
    %c0_i32_0 = arith.constant 0 : i32
    %c0_i32_1 = arith.constant 0 : i32
    return %c0_i32, %c0_i32_0 : i32, i32
  }
  func.func @transform_19(%arg0: i32) -> (i32, i32) {
    %c0_i32 = arith.constant 0 : i32
    %c0_i32_0 = arith.constant 0 : i32
    %c0_i32_1 = arith.constant 0 : i32
    return %c0_i32, %c0_i32_0 : i32, i32
  }
  func.func @transform_20(%arg0: i32) -> (i32, i32) {
    %c0_i32 = arith.constant 0 : i32
    %c0_i32_0 = arith.constant 0 : i32
    %c0_i32_1 = arith.constant 0 : i32
    return %c0_i32, %c0_i32_0 : i32, i32
  }
  func.func @transform_21(%arg0: i32) -> (i32, i32) {
    %c0_i32 = arith.constant 0 : i32
    %c0_i32_0 = arith.constant 0 : i32
    %c0_i32_1 = arith.constant 0 : i32
    return %c0_i32, %c0_i32_0 : i32, i32
  }
  func.func @transform_22(%arg0: i32) -> (i32, i32) {
    %c0_i32 = arith.constant 0 : i32
    %c0_i32_0 = arith.constant 0 : i32
    %c0_i32_1 = arith.constant 0 : i32
    return %c0_i32, %c0_i32_0 : i32, i32
  }
  func.func @transform_23(%arg0: i32) -> (i32, i32) {
    %c0_i32 = arith.constant 0 : i32
    %c0_i32_0 = arith.constant 0 : i32
    %c0_i32_1 = arith.constant 0 : i32
    return %c0_i32, %c0_i32_0 : i32, i32
  }
  func.func @transform_24(%arg0: i32) -> (i32, i32) {
    %c0_i32 = arith.constant 0 : i32
    %c0_i32_0 = arith.constant 0 : i32
    %c0_i32_1 = arith.constant 0 : i32
    return %c0_i32, %c0_i32_0 : i32, i32
  }
  func.func @transform_25(%arg0: i32) -> (i32, i32) {
    %c0_i32 = arith.constant 0 : i32
    %c0_i32_0 = arith.constant 0 : i32
    %c0_i32_1 = arith.constant 0 : i32
    return %c0_i32, %c0_i32_0 : i32, i32
  }
  func.func @transform_26(%arg0: i32) -> (i32, i32) {
    %c0_i32 = arith.constant 0 : i32
    %c0_i32_0 = arith.constant 0 : i32
    return %arg0, %c0_i32 : i32, i32
  }
}

</mosaic_0001>

<sc_bundles>
// kernel: kernel.10.cloned.1.call-start
scs
__scs_entry_jumppad:
0x0: {  	(pc) =	sbr.rel $0x88, $3  }
0x1: {  	(tag) =	ssettag $0x0;
	lr =	simm.s32 $0x1  }
0x2: {  	[smem:$0x3F79] =	sst lr;
	_ =	strace $0xD0000000  }
0x3: {  	_ = 	snop  }
0x4: {  	_ = 	snop  }
0x5: {  	_ = 	snop  }
0x6: {  	_ = 	snop  }
0x7: {  	_ = 	snop  }
__scs_overlays_trampoline_lowered:
0x8: {  	[smem:$0x3F88] =	sst s0  }
0x9: {  	[smem:$0x3F89] =	sst s1  }
0xa: {  	[smem:$0x3F8A] =	sst s2  }
0xb: {  	[smem:$0x3F8B] =	sst s3  }
0xc: {  	[smem:$0x3F8C] =	sst s4  }
0xd: {  	[smem:$0x3F8D] =	sst s5  }
0xe: {  	[smem:$0x3F8E] =	sst s6  }
0xf: {  	[smem:$0x3F8F] =	sst s7  }
0x10: {  	[smem:$0x3F90] =	sst s8  }
0x11: {  	[smem:$0x3F91] =	sst s9;
	s0 =	simm.s32 @!p0 $0x0  }
0x12: {  	s1 =	sld [smem:$0x3F77];
	s0 =	simm.s32 @p0 $0x1  }
0x13: {  	[smem:$0x3F92] =	sst s0;
	s0 =	simm.s32 @!p1 $0x0  }
0x14: {  	s2 =	sld [smem:$0x3F76];
	s0 =	simm.s32 @p1 $0x1  }
0x15: {  	[smem:$0x3F93] =	sst s0;
	s0 =	simm.s32 @!p2 $0x0  }
0x16: {  	s3 =	sld [smem:$0x3FDB];
	s0 =	simm.s32 @p2 $0x1  }
0x17: {  	s4 =	simm.s32 $0x1BF5;
	[smem:$0x3F95] =	sst s0  }
0x18: {  	s0 =	sld [smem:$0x3F78];
	_ =	swait.ge [sflag:s4], $0x0  }
0x19: {  	s7 =	sld [smem:$0x3F79]  }
0x1a: {  	s8 =	sadd.s32 $0xFFFFE003, lr  }
0x1b: {  	s9 =	sadd.s32 $0xFFFFFEF7, lr;
	s5 =	simm.s32 $0xFFFFFFFF;
	p2 =	slt.u32 s8, $0xFFFFF086  }
0x1c: {  	p1 =	slt.u32 s9, $0xF7A;
	s5 =	simm.s32 @!p2 $0x0  }
0x1d: {  	s5 =	simm.s32 @p1 $0x1;
	p0 =	seq.s32 s7, s2  }
0x1e: {  	s7 =	smul.u32 @!p0 $0xF7A, s2;
	p2 =	seq.s32 @!p0 s5, $0x0  }
0x1f: {  	s9 =	smul.u32 $0xF7A, s1;
	s8 =	simm.s32 @!p0 $0x1BF5;
	p2 =	por !p2, p0  }
0x20: {  	[sflag:s8] =	ssyncset.s32 @!p0 $0xFFFFF086;
	s6 =	sadd.s32 @!p0 s3, s7;
	s7 =	simm.s32 @!p0 $0x108  }
0x21: {  	s3 =	sadd.s32 s3, s9;
	s6 =	sadd.s32 @!p0 $0x88, s6;
	s7 =	simm.s32 @p2 $0x1082  }
0x22: {  	[simem:s7], [sflag:s8] =	dma.local @!p0 [hbm:s6], $0xF7A  }
0x23: {  	s9 =	sor.u32 $0xD0000000, s2;
	s6 =	simm.s32 $0x108;
	_ =	swait.ge @!p0 [sflag:s8], $0x0  }
0x24: {  	s3 =	sadd.s32 $0x88, s3;
	s6 =	simm.s32 @!p1 $0x1082;
	[sflag:s4] =	ssyncset.s32 $0xFFFFF086  }
0x25: {  	[simem:s6], [sflag:s4] =	dma.local [hbm:s3], $0xF7A  }
0x26: {  	[smem:$0x3F79] =	sst s1;
	(tag) =	ssettag s2;
	_ =	strace s9  }
0x27: {  	s1 =	sld [smem:$0x3F89]  }
0x28: {  	s2 =	sld [smem:$0x3F8A]  }
0x29: {  	s4 =	sld [smem:$0x3F8C]  }
0x2a: {  	p0 =	seq.s32 s5, $0x0;
	s5 =	sld [smem:$0x3F8D]  }
0x2b: {  	s6 =	sld [smem:$0x3F8E]  }
0x2c: {  	s7 =	sld [smem:$0x3F8F]  }
0x2d: {  	s3 =	simm.s32 $0x108;
	s8 =	sld [smem:$0x3F90]  }
0x2e: {  	s3 =	simm.s32 @!p0 $0x1082;
	s9 =	sld [smem:$0x3F91]  }
0x2f: {  	lr =	sadd.s32 s0, s3;
	s0 =	sld [smem:$0x3F88]  }
0x30: {  	s3 =	sld [smem:$0x3F8B]  }
0x31: {  	[smem:$0x3F94] =	sst s10  }
0x32: {  	s10 =	sld [smem:$0x3F92];
	_ =	sdelay $0x3  }
0x33: {  	p0 =	seq.s32 s10, $0x1;
	s10 =	sld [smem:$0x3F94];
	_ =	sdelay $0x3  }
0x34: {  	[smem:$0x3F94] =	sst s10  }
0x35: {  	s10 =	sld [smem:$0x3F93];
	_ =	sdelay $0x3  }
0x36: {  	p1 =	seq.s32 s10, $0x1;
	s10 =	sld [smem:$0x3F94];
	_ =	sdelay $0x3  }
0x37: {  	[smem:$0x3F94] =	sst s10  }
0x38: {  	s10 =	sld [smem:$0x3F95]  }
0x39: {  	_ = 	snop;
	(pc) =	sbr.ind lr, $3  }
0x3a: {  	_ = 	snop  }
0x3b: {  	_ = 	snop  }
0x3c: {  	p2 =	seq.s32 s10, $0x1;
	s10 =	sld [smem:$0x3F94]  }
0x3d: {  	_ =	shalt  }
0x3e: {  	_ =	shalt  }
0x3f: {  	_ =	shalt  }
0x40: {  	_ =	shalt  }
0x41: {  	_ =	shalt  }
0x42: {  	_ =	shalt  }
0x43: {  	_ =	shalt  }
0x44: {  	_ =	shalt  }
0x45: {  	_ =	shalt  }
0x46: {  	_ =	shalt  }
0x47: {  	_ =	shalt  }
0x48: {  	_ =	shalt  }
0x49: {  	_ =	shalt  }
0x4a: {  	_ =	shalt  }
0x4b: {  	_ =	shalt  }
0x4c: {  	_ =	shalt  }
0x4d: {  	_ =	shalt  }
0x4e: {  	_ =	shalt  }
0x4f: {  	_ =	shalt  }
0x50: {  	_ =	shalt  }
0x51: {  	_ =	shalt  }
0x52: {  	_ =	shalt  }
0x53: {  	_ =	shalt  }
0x54: {  	_ =	shalt  }
0x55: {  	_ =	shalt  }
0x56: {  	_ =	shalt  }
0x57: {  	_ =	shalt  }
0x58: {  	_ =	shalt  }
0x59: {  	_ =	shalt  }
0x5a: {  	_ =	shalt  }
0x5b: {  	_ =	shalt  }
0x5c: {  	_ =	shalt  }
0x5d: {  	_ =	shalt  }
0x5e: {  	_ =	shalt  }
0x5f: {  	_ =	shalt  }
0x60: {  	_ =	shalt  }
0x61: {  	_ =	shalt  }
0x62: {  	_ =	shalt  }
0x63: {  	_ =	shalt  }
0x64: {  	_ =	shalt  }
0x65: {  	_ =	shalt  }
0x66: {  	_ =	shalt  }
0x67: {  	_ =	shalt  }
0x68: {  	_ =	shalt  }
0x69: {  	_ =	shalt  }
0x6a: {  	_ =	shalt  }
0x6b: {  	_ =	shalt  }
0x6c: {  	_ =	shalt  }
0x6d: {  	_ =	shalt  }
0x6e: {  	_ =	shalt  }
0x6f: {  	_ =	shalt  }
0x70: {  	_ =	shalt  }
0x71: {  	_ =	shalt  }
0x72: {  	_ =	shalt  }
0x73: {  	_ =	shalt  }
0x74: {  	_ =	shalt  }
0x75: {  	_ =	shalt  }
0x76: {  	_ =	shalt  }
0x77: {  	_ =	shalt  }
0x78: {  	_ =	shalt  }
0x79: {  	_ =	shalt  }
0x7a: {  	_ =	shalt  }
0x7b: {  	_ =	shalt  }
0x7c: {  	_ =	shalt  }
0x7d: {  	_ =	shalt  }
0x7e: {  	_ =	shalt  }
0x7f: {  	_ =	shalt  }
0x80: {  	_ =	shalt  }
0x81: {  	_ =	shalt  }
0x82: {  	_ =	shalt  }
0x83: {  	_ =	shalt  }
0x84: {  	_ =	shalt  }
0x85: {  	_ =	shalt  }
0x86: {  	_ =	shalt  }
0x87: {  	_ =	shalt  }
.Lfunc_end0:
.L_simem_size_0:
called_computation.1_lowered:
.L_overlay_start_0:
0x88: {  	s2 =	sld [smem:$0x3FD9]  }
0x89: {  	s3 =	sld [smem:$0x3FFE];
	_ =	sdelay $0x1  }
0x8a: {  	s1 =	srdreg.scid  }
0x8b: {  	s0 =	sand.u32 $0x1, s1  }
0x8c: {  	s16 =	sshll.u32 s0, $0xA;
	s2 =	sadd.s32 s3, s2  }
0x8d: {  	s2 =	sadd.s32 s2, s16  }
0x8e: {  	[smem:$0x3FA0] =	sst s2  }
0x8f: {  	_ = 	snop  }
0x90: {  	(tm) =	ssettm $0x1  }
0x91: {  	s17 =	sld [smem:$0x3FFB];
	_ =	sdelay $0x3  }
0x92: {  	_ =	strace s17  }
0x93: {  	s2 =	sld [smem:$0x3FFC];
	_ =	sdelay $0x3  }
0x94: {  	_ =	strace s2  }
0x95: {  	s2 =	sld [smem:$0x3FFD];
	_ =	sdelay $0x3  }
0x96: {  	_ =	strace s2  }
0x97: {  	_ =	strace $0x8FFFFFFF  }
0x98: {  	s18 =	sld [smem:$0x3FDB];
	_ =	sdelay $0x1  }
0x99: {  	s19 =	simm.s32 $_scs_section_size  }
0x9a: {  	s4 =	simm.s32 $_size__tile_overlayer_lowered;
	s5 =	simm.s32 $_tile_overlayer_lowered  }
0x9b: {  	s22 =	simm.s32 $0x1BFF;
	s21 =	sshll.u32 s5, $0x1;
	s2 =	sadd.s32 s19, s18  }
0x9c: {  	s6 =	simm.s32 $0x0;
	s20 =	sshll.u32 s4, $0x1;
	s4 =	sadd.s32 s21, s2  }
0x9d: {  	[timem:s6], [sflag:s22] =	dma.local [hbm:s4], s20  }
0x9e: {  	_ =	swait.ge [sflag:s22], s20  }
0x9f: {  	s3 =	ssub.s32 $0x0, s20;
	[sflag:s22] =	ssyncset.done $0x0  }
0xa0: {  	[sflag:s22] =	ssyncadd.s32 s3;
	_ =	sdelay $0x1  }
0xa1: {  	s23 =	simm.s32 $0x1B8B  }
0xa2: {  	_ =	swait.ge [sflag:s23], $0x1  }
0xa3: {  	[sflag:s23] =	ssyncset.done $0x0  }
0xa4: {  	s25 =	simm.s32 $0x1B8E;
	s24 =	sld [smem:$0x3FFE];
	[sflag:s23] =	ssyncadd.s32 $0xFFFFFFFF  }
0xa5: {  	s26 =	simm.s32 $execute0_lowered;
	[smem:$0x3FD2] =	sst s25  }
0xa6: {  	s4 =	sshll.u32 s26, $0x1;
	_ =	strace $0x80000049;
	[dreg:$0x1] =	wrdreg $0xFFFFFFFF  }
0xa7: {  	s28 =	simm.s32 $_size_execute0_lowered;
	s2 =	sadd.s32 s2, s4;
	[dreg:$0x0] =	wrdreg $0x0  }
0xa8: {  	s4 =	sshll.u32 s28, $0x1;
	[dreg:$0x2] =	wrdreg s2  }
0xa9: {  	[dreg:$0x3] =	wrdreg s4  }
0xaa: {  	[dreg:$0x4] =	wrdreg $0xC0  }
0xab: {  	_ =	task [dreg:s6], $0x5FFFF  }
0xac: {  	[dreg:$0x1] =	wrdreg $0xFFFFFFFF  }
0xad: {  	[dreg:$0x0] =	wrdreg $0x60  }
0xae: {  	[dreg:$0x2] =	wrdreg s24  }
0xaf: {  	[dreg:$0x3] =	wrdreg $0x6A400  }
0xb0: {  	[dreg:$0x4] =	wrdreg $0x9  }
0xb1: {  	_ =	task.clear_ibuf [dreg:s6], $0x5FFFF;
	_ =	strace $0x90000049  }
0xb2: {  	s29 =	simm.s32 $0x9;
	_ =	strace $0x8000004B  }
0xb3: {  	_ =	swait.ge [sflag:s29], $0x1  }
0xb4: {  	[sflag:s29] =	ssyncadd.s32 $0xFFFFFFFF  }
0xb5: {  	_ =	strace $0x9000004B  }
0xb6: {  	_ =	sfence  }
0xb7: {  	s30 =	sld [smem:$0x0];
	_ =	sdelay $0x2  }
0xb8: {  	s31 =	sshll.u32 s1, $0xD;
	s1 =	sshrl.u32 s1, $0x2  }
0xb9: {  	s3 =	sand.u32 $0x4000, s31;
	s1 =	sadd.s32 s1, s30  }
0xba: {  	s0 =	sor.u32 s3, s0;
	s1 =	sshll.u32 s1, $0x11  }
0xbb: {  	s0 =	sor.u32 s1, s0  }
0xbc: {  	s0 =	sadd.s32 $0x8F2B, s0  }
0xbd: {  	[sflag:s0] =	ssyncadd.remote.s32 $0x1  }
0xbe: {  	_ =	sfence.sel $0xFFFF  }
0xbf: {  	[dreg:$0x0] =	wrdreg $0xFFFFFFFF;
	(pc) =	sbr.abs _section_cstart, $3  }
0xc0: {  	[dreg:$0x1] =	wrdreg $0xFFFFFFFF  }
0xc1: {  	_ =	task.clear_ibuf [dreg:s6], $0x2FFFF;
	_ =	strace $0x9FFFFFFF  }
0xc2: {  	(tm) =	ssettm $0x7FFFFFFF  }
0xc3: {  	_ =	shalt  }
tec
execute0_lowered:
.L_overlay_start_1:
0x0: {  	(tag) =	ssettag $0x1  }
0x1: {  	s0 =	rddreg [dreg:$0x0]  }
0x2: {  	s1 =	rddreg [dreg:$0x1]  }
0x3: {  	s2 =	srdreg.scid;
	s3 =	simm.s32 $0x0;
	s18 =	stileid.u32  }
0x4: {  	s28 =	simm.s32 $0x3;
	s29 =	simm.s32 $0x190;
	s6 =	smul.u32 $0xC38, s18  }
0x5: {  	s30 =	simm.s32 $0x320;
	s2 =	sand.u32 $0x1, s2;
	s8 =	smul.u32 $0x61C00, s18  }
0x6: {  	s31 =	simm.s32 $0x36B0;
	[smem:$0x7FF] =	sst s3;
	s5 =	smul.u32 $0xC380, s2  }
0x7: {  	s4 =	sadd.s32 $0x52F400, s0;
	_ =	strace $0x8000004A;
	s16 =	ssub.s32 $0x2, s2  }
0x8: {  	s2 =	smul.u32 $0xC350, s2;
	s8 =	sshrl.u32 s8, $0x2;
	s7 =	sadd.s32 s6, s5  }
0x9: {  	s22 =	sshrl.u32 s16, $0x1;
	s5 =	sadd.s32 $0x4CD800, s0;
	s9 =	sshll.u32 s7, $0x2  }
0xa: {  	s6 =	sadd.s32 $0x1A7600, s0;
	s7 =	sadd.s32 $0x18EE00, s0;
	s0 =	sadd.s32 s9, s0  }
0xb: {  	s8 =	sadd.s32 s8, s1;
	s16 =	ssub.s32 s16, s22;
	s17 =	sadd.s32 $0x591000, s0  }
0xc: {  	v0 =	vmov s2;
	s2 =	simm.s32 $0x2;
	s21 =	sadd.s32 $0x591640, s0;
	[dreg:$0x3] =	wrdreg s17  }
0xd: {  	s10 =	sadd.s32 $0x6400, s8;
	s19 =	sadd.s32 $0x591C80, s0;
	[dreg:$0x4] =	wrdreg s21  }
0xe: {  	s11 =	sadd.s32 $0x9600, s8;
	s23 =	sadd.s32 $0x5922C0, s0;
	[dreg:$0x5] =	wrdreg s19  }
0xf: {  	s12 =	sadd.s32 $0xC800, s8;
	s24 =	sadd.s32 $0x592900, s0;
	[dreg:$0x6] =	wrdreg s23  }
0x10: {  	s13 =	sadd.s32 $0xFA00, s8;
	s25 =	sadd.s32 $0x592F40, s0;
	[dreg:$0x7] =	wrdreg s24  }
0x11: {  	s14 =	sadd.s32 $0x12C00, s8;
	s26 =	sadd.s32 $0x593580, s0;
	[dreg:$0x8] =	wrdreg s25  }
0x12: {  	s15 =	sadd.s32 $0x15E00, s8;
	s9 =	sadd.s32 $0x3200, s8;
	[dreg:$0x9] =	wrdreg s26  }
0x13: {  	s23 =	sadd.s32 $0x593BC0, s0;
	s24 =	smax.u32 s16, $0x1;
	s25 =	smul.u32 $0xC350, s18  }
0x14: {  	v1 =	vimm.f32 $0.0e+00;
	s26 =	simm.s32 $0x4B0;
	s0 =	simm.s32 $0x1;
	s16 =	simm.s32 $0x0  }
.LBB2_1:
0x15: {  	s17 =	simm.s32 $0x80;
	s18 =	simm.s32 $0x0  }
.LBB2_2:
0x16: {  	p0 =	sne.s32 s17, $0xC780;
	[tilespmem:s18+$0x4B0] =	vst v1;
	s19 =	smov.u32 s17;
	s17 =	sadd.s32 $0x80, s17  }
.Ltmp0:
0x17: {  	[tilespmem:s18+$0x4C0] =	vst v1;
	(pc) =	sbr.rel @p0 .LBB2_2-.Ltmp0, $2  }
0x18: {  	_ =	sdelay $0x2  }
0x19: {  	s18 =	sshra.s32 s19, $0x2  }
0x1a: {  	[tilespmem:s18+$0x4B0] =	vst v1  }
0x1b: {  	[tilespmem:s18+$0x4C0] =	vst v1  }
0x1c: {  	[tilespmem:$0x68B0] =	vst v1  }
0x1d: {  	[tilespmem:$0x68C0] =	vst v1  }
0x1e: {  	[tilespmem:$0x68D0] =	vst v1  }
0x1f: {  	[tilespmem:$0x68E0] =	vst v1  }
0x20: {  	[tilespmem:$0x68F0] =	vst v1  }
0x21: {  	[tilespmem:$0x6900] =	vst v1  }
0x22: {  	[tilespmem:$0x6910] =	vst v1  }
0x23: {  	[tilespmem:$0x6920] =	vst v1  }
0x24: {  	[tilespmem:$0x6930] =	vst v1  }
0x25: {  	[tilespmem:$0x6940] =	vst v1  }
0x26: {  	[tilespmem:$0x6950] =	vst v1  }
0x27: {  	[tilespmem:$0x6960] =	vst v1  }
0x28: {  	[tilespmem:$0x6970] =	vst v1  }
0x29: {  	[tilespmem:$0x6980] =	vst v1  }
0x2a: {  	[tilespmem:$0x6990] =	vst v1  }
0x2b: {  	[tilespmem:$0x69A0] =	vst v1  }
0x2c: {  	[tilespmem:$0x69B0] =	vst v1  }
0x2d: {  	[tilespmem:$0x69C0] =	vst v1  }
0x2e: {  	[tilespmem:$0x69D0] =	vst v1  }
0x2f: {  	[tilespmem:$0x69E0] =	vst v1  }
0x30: {  	[tilespmem:$0x69F0] =	vst v1  }
0x31: {  	[tilespmem:$0x6A00] =	vst v1  }
0x32: {  	[tilespmem:$0x6A10] =	vst v1  }
0x33: {  	[tilespmem:$0x6A20] =	vst v1  }
0x34: {  	[tilespmem:$0x6A30] =	vst v1  }
0x35: {  	[spmem:s8] =	stream.linear.scatter [tilespmem:s26], [sflag:$0x3], $0x3200, $0x38;
	[tilespmem:$0x1F140] =	vst v63  }
0x36: {  	_ =	swait.ge [sflag:s28], $0x3200  }
0x37: {  	[sflag:s28] =	ssyncset.done $0x0  }
0x38: {  	[sflag:s28] =	ssyncadd.s32 $0xFFFFCE00  }
0x39: {  	[spmem:s9] =	stream.linear.scatter [tilespmem:s26], [sflag:$0x3], $0x3200, $0x38;
	[tilespmem:$0x1F140] =	vst v63  }
0x3a: {  	_ =	swait.ge [sflag:s28], $0x3200  }
0x3b: {  	[sflag:s28] =	ssyncset.done $0x0  }
0x3c: {  	[sflag:s28] =	ssyncadd.s32 $0xFFFFCE00  }
0x3d: {  	[spmem:s10] =	stream.linear.scatter [tilespmem:s26], [sflag:$0x3], $0x3200, $0x38;
	[tilespmem:$0x1F140] =	vst v63  }
0x3e: {  	_ =	swait.ge [sflag:s28], $0x3200  }
0x3f: {  	[sflag:s28] =	ssyncset.done $0x0  }
0x40: {  	[sflag:s28] =	ssyncadd.s32 $0xFFFFCE00  }
0x41: {  	[spmem:s11] =	stream.linear.scatter [tilespmem:s26], [sflag:$0x3], $0x3200, $0x38;
	[tilespmem:$0x1F140] =	vst v63  }
0x42: {  	_ =	swait.ge [sflag:s28], $0x3200  }
0x43: {  	[sflag:s28] =	ssyncset.done $0x0  }
0x44: {  	[sflag:s28] =	ssyncadd.s32 $0xFFFFCE00  }
0x45: {  	[spmem:s12] =	stream.linear.scatter [tilespmem:s26], [sflag:$0x3], $0x3200, $0x38;
	[tilespmem:$0x1F140] =	vst v63  }
0x46: {  	_ =	swait.ge [sflag:s28], $0x3200  }
0x47: {  	[sflag:s28] =	ssyncset.done $0x0  }
0x48: {  	[sflag:s28] =	ssyncadd.s32 $0xFFFFCE00  }
0x49: {  	[spmem:s13] =	stream.linear.scatter [tilespmem:s26], [sflag:$0x3], $0x3200, $0x38;
	[tilespmem:$0x1F140] =	vst v63  }
0x4a: {  	_ =	swait.ge [sflag:s28], $0x3200  }
0x4b: {  	[sflag:s28] =	ssyncset.done $0x0  }
0x4c: {  	[sflag:s28] =	ssyncadd.s32 $0xFFFFCE00  }
0x4d: {  	[spmem:s14] =	stream.linear.scatter [tilespmem:s26], [sflag:$0x3], $0x3200, $0x38;
	[tilespmem:$0x1F140] =	vst v63  }
0x4e: {  	_ =	swait.ge [sflag:s28], $0x3200  }
0x4f: {  	[sflag:s28] =	ssyncset.done $0x0  }
0x50: {  	[sflag:s28] =	ssyncadd.s32 $0xFFFFCE00  }
0x51: {  	[spmem:s15] =	stream.linear.scatter [tilespmem:s26], [sflag:$0x3], $0x2900, $0x38;
	[tilespmem:$0x1F140] =	vst v63  }
0x52: {  	_ =	swait.ge [sflag:s28], $0x2900  }
0x53: {  	[sflag:s28] =	ssyncset.done $0x0  }
0x54: {  	[sflag:s28] =	ssyncadd.s32 $0xFFFFD700  }
0x55: {  	s17 =	simm.s32 $0x0;
	[bflag:$0x0] =	sbarrier.arrive $0xFFFF  }
.LBB2_4:
0x56: {  	s18 =	smul.u32 $0x190, s17;
	_ =	sdelay $0x1  }
0x57: {  	s18 =	sadd.s32 s25, s18  }
0x58: {  	s18 =	sshrl.u32 s18, $0x3  }
0x59: {  	s19 =	sadd.s32 s6, s18  }
0x5a: {  	[tilespmem:s3], [sflag:$0x3] =	stream.linear.gather [hbm4b:s19+s3], $0x190, $0x38;
	[tilespmem:$0x1F140] =	vst v63  }
0x5b: {  	_ =	swait.ge [sflag:s28], $0x190  }
0x5c: {  	[sflag:s28] =	ssyncset.done $0x0  }
0x5d: {  	s18 =	sadd.s32 s7, s18;
	[sflag:s28] =	ssyncadd.s32 $0xFFFFFE70  }
0x5e: {  	[tilespmem:s29], [sflag:$0x3] =	stream.linear.gather [hbm4b:s18+s3], $0x190, $0x38;
	[tilespmem:$0x1F140] =	vst v63  }
0x5f: {  	_ =	swait.ge [sflag:s28], $0x190  }
0x60: {  	[sflag:s28] =	ssyncset.done $0x0  }
0x61: {  	s20 =	simm.s32 $0x20;
	[sflag:s28] =	ssyncadd.s32 $0xFFFFFE70  }
0x62: {  	v2 =	vld [tilespmem:s20+$0x10];
	_ =	sdelay $0x3  }
0x63: {  	v3 =	vld [tilespmem:s20+$0xFFFFFFF0]  }
0x64: {  	v4 =	vld [tilespmem:s20+$0xFFFFFFE0];
	v2 =	vadd.s32 v0, v2  }
0x65: {  	s21 =	simm.s32 $0x1B0;
	v5 =	vld [tilespmem:s20+$0x0];
	[tilespmem:s20+$0x10] =	vst v2  }
0x66: {  	s19 =	simm.s32 $0x60;
	v6 =	vld [tilespmem:s21+$0x10]  }
0x67: {  	v7 =	vld [tilespmem:s19+$0x10]  }
0x68: {  	v8 =	vld [tilespmem:s19+$0xFFFFFFF0];
	v2 =	vadd.s32 v0, v3  }
0x69: {  	v9 =	vld [tilespmem:s19+$0x0];
	[tilespmem:s20+$0xFFFFFFF0] =	vst v2;
	v2 =	vadd.s32 v0, v4  }
0x6a: {  	v3 =	vadd.s32 v0, v5;
	v4 =	vld [tilespmem:s19+$0xFFFFFFE0];
	[tilespmem:s20+$0xFFFFFFE0] =	vst v2  }
0x6b: {  	s18 =	simm.s32 $0x340;
	[tilespmem:s20+$0x0] =	vst v3;
	v2 =	vld [tilespmem:s21+$0xFFFFFFE0];
	v5 =	vadd.s32 v0, v6  }
0x6c: {  	v3 =	vld [tilespmem:s21+$0xFFFFFFF0];
	v6 =	vadd.s32 v0, v7;
	[tilespmem:s18+$0x10] =	vst v5  }
0x6d: {  	s20 =	simm.s32 $0x1F0;
	v7 =	vadd.s32 v0, v8;
	[tilespmem:s19+$0x10] =	vst v6;
	v5 =	vld [tilespmem:s21+$0x0]  }
0x6e: {  	s22 =	simm.s32 $0xA0;
	s21 =	simm.s32 $0x4;
	[tilespmem:s19+$0xFFFFFFF0] =	vst v7;
	v7 =	vadd.s32 v0, v9;
	v6 =	vld [tilespmem:s20+$0x10]  }
.LBB2_5:
0x6f: {  	v8 =	vld [tilespmem:s22+$0x10];
	s21 =	sadd.s32 $0x4, s21;
	v4 =	vadd.s32 v0, v4;
	[tilespmem:s19+$0x0] =	vst v7  }
0x70: {  	v7 =	vld [tilespmem:s22+$0xFFFFFFF0];
	p0 =	slt.u32 s21, $0x14;
	[tilespmem:s19+$0xFFFFFFE0] =	vst v4;
	v2 =	vadd.s32 v0, v2;
	s19 =	smov.u32 s22  }
0x71: {  	v9 =	vld [tilespmem:s22+$0x0];
	[tilespmem:s18+$0xFFFFFFE0] =	vst v2;
	v2 =	vadd.s32 v0, v3  }
.Ltmp1:
0x72: {  	v4 =	vld [tilespmem:s22+$0xFFFFFFE0];
	[tilespmem:s18+$0xFFFFFFF0] =	vst v2;
	v3 =	vadd.s32 v0, v5;
	(pc) =	sbr.rel @p0 .LBB2_5-.Ltmp1, $4  }
0x73: {  	v2 =	vld [tilespmem:s20+$0xFFFFFFE0];
	v5 =	vadd.s32 v0, v6;
	[tilespmem:s18+$0x0] =	vst v3;
	s18 =	sadd.s32 $0x40, s18  }
0x74: {  	v6 =	vadd.s32 v0, v8;
	v3 =	vld [tilespmem:s20+$0xFFFFFFF0];
	[tilespmem:s18+$0x10] =	vst v5  }
0x75: {  	v7 =	vadd.s32 v0, v7;
	[tilespmem:s22+$0x10] =	vst v6;
	v5 =	vld [tilespmem:s20+$0x0];
	s20 =	sadd.s32 $0x40, s20  }
0x76: {  	s22 =	sadd.s32 $0x40, s22;
	[tilespmem:s19+$0xFFFFFFF0] =	vst v7;
	v7 =	vadd.s32 v0, v9;
	v6 =	vld [tilespmem:s20+$0x10]  }
0x77: {  	v4 =	vadd.s32 v0, v4  }
0x78: {  	[tilespmem:s19+$0xFFFFFFE0] =	vst v4  }
0x79: {  	v4 =	vld [tilespmem:s20+$0xFFFFFFE0]  }
0x7a: {  	[tilespmem:s19+$0x0] =	vst v7;
	v7 =	vld [tilespmem:s20+$0xFFFFFFF0];
	v2 =	vadd.s32 v0, v2  }
0x7b: {  	[tilespmem:s18+$0xFFFFFFE0] =	vst v2;
	v2 =	vadd.s32 v0, v3;
	v3 =	vld [tilespmem:s20+$0x0]  }
0x7c: {  	[tilespmem:s18+$0xFFFFFFF0] =	vst v2;
	v2 =	vadd.s32 v0, v5  }
0x7d: {  	s21 =	sadd.s32 $0x40, s18;
	v5 =	vadd.s32 v0, v6;
	[tilespmem:s18+$0x0] =	vst v2  }
0x7e: {  	[tilespmem:s21+$0x10] =	vst v5;
	v2 =	vadd.s32 v0, v4  }
0x7f: {  	[tilespmem:s21+$0xFFFFFFE0] =	vst v2;
	v2 =	vadd.s32 v0, v7  }
0x80: {  	[tilespmem:s21+$0xFFFFFFF0] =	vst v2;
	v2 =	vadd.s32 v0, v3  }
0x81: {  	[tilespmem:s21+$0x0] =	vst v2  }
0x82: {  	v2 =	vld [tilespmem:$0x180]  }
0x83: {  	v3 =	vld [tilespmem:$0x310];
	_ =	sdelay $0x3  }
0x84: {  	v2 =	vadd.s32 v0, v2  }
0x85: {  	[tilespmem:$0x180] =	vst v2;
	v2 =	vadd.s32 v0, v3  }
0x86: {  	[tilespmem:$0x4A0] =	vst v2  }
0x87: {  	[tilespmem:s26], [sflag:$0x1] =	stream.indirect.gather [hbm4b:s4+s29], $0x20, s3, s29, $0xb8;
	[tilespmem:$0x1F140] =	vst v63  }
0x88: {  	_ = 	snop  }
0x89: {  	[tilespmem:s31], [sflag:$0x2] =	stream.indirect.gather [hbm4b:s5+s29], $0x20, s30, s29, $0xb8;
	[tilespmem:$0x1F140] =	vst v63  }
0x8a: {  	_ =	swait.ge [sflag:s0], $0x3200  }
0x8b: {  	[sflag:s0] =	ssyncset.done $0x0  }
0x8c: {  	[sflag:s0] =	ssyncadd.s32 $0xFFFFCE00  }
0x8d: {  	_ =	swait.ge [sflag:s2], $0x3200  }
0x8e: {  	[sflag:s2] =	ssyncset.done $0x0  }
0x8f: {  	s18 =	simm.s32 $0x530;
	[sflag:s2] =	ssyncadd.s32 $0xFFFFCE00  }
0x90: {  	s22 =	simm.s32 $0x3730;
	v2 =	vld [tilespmem:s18+$0x60]  }
0x91: {  	v3 =	vld [tilespmem:s22+$0x60]  }
0x92: {  	v4 =	vld [tilespmem:s22+$0xFFFFFF80]  }
0x93: {  	v5 =	vld [tilespmem:s18+$0xFFFFFFA0]  }
0x94: {  	v6 =	vld [tilespmem:s22+$0xFFFFFFA0]  }
0x95: {  	v7 =	vld [tilespmem:s18+$0xFFFFFFC0]  }
0x96: {  	v8 =	vld [tilespmem:s22+$0xFFFFFFC0]  }
0x97: {  	v12 =	vld [tilespmem:s18+$0xFFFFFF80]  }
0x98: {  	v9 =	vld [tilespmem:s22+$0xFFFFFFE0]  }
0x99: {  	v11 =	vld [tilespmem:s22+$0x0]  }
0x9a: {  	v13 =	vld [tilespmem:s22+$0x20]  }
0x9b: {  	v2 =	vadd.f32 v3, v2;
	v3 =	vld [tilespmem:s18+$0xFFFFFFE0];
	v5 =	vadd.f32 v6, v5  }
0x9c: {  	v6 =	vld [tilespmem:s18+$0x0];
	v7 =	vadd.f32 v8, v7;
	v4 =	vadd.f32 v4, v12  }
0x9d: {  	v8 =	vld [tilespmem:s18+$0x20];
	v2 =	vmax.f32 v2, $0.0e+00;
	v5 =	vmax.f32 v5, $0.0e+00  }
0x9e: {  	v15 =	vld [tilespmem:s18+$0xFFFFFFD0];
	v7 =	vmax.f32 v7, $0.0e+00;
	v4 =	vmax.f32 v4, $0.0e+00;
	v10 =	vshrl.u32 v2, $0x10  }
0x9f: {  	s19 =	simm.s32 $0x630;
	v17 =	vld [tilespmem:s18+$0xFFFFFFF0];
	v14 =	vshrl.u32 v7, $0x10;
	v16 =	vshrl.u32 v4, $0x10;
	v10 =	vand.u32 $0x1, v10  }
0xa0: {  	s20 =	simm.s32 $0x3830;
	v22 =	vld [tilespmem:s19+$0xFFFFFFE0];
	v14 =	vand.u32 $0x1, v14;
	v16 =	vand.u32 $0x1, v16;
	v2 =	vadd.s32 v10, v2  }
0xa1: {  	v23 =	vld [tilespmem:s20+$0xFFFFFFE0];
	v10 =	vshrl.u32 v5, $0x10;
	v3 =	vadd.f32 v9, v3;
	v6 =	vadd.f32 v11, v6  }
0xa2: {  	v9 =	vld [tilespmem:s18+$0x40];
	v7 =	vadd.s32 v14, v7;
	v8 =	vadd.f32 v13, v8;
	v4 =	vadd.s32 v16, v4  }
0xa3: {  	v14 =	vld [tilespmem:s22+$0x40];
	v2 =	vadd.s32 $0x7FFF, v2;
	v10 =	vand.u32 $0x1, v10;
	v7 =	vadd.s32 $0x7FFF, v7  }
0xa4: {  	v12 =	vld [tilespmem:s18+$0xFFFFFF90];
	v4 =	vadd.s32 $0x7FFF, v4;
	v2 =	vand.u32 $0xFFFF0000, v2;
	v3 =	vmax.f32 v3, $0.0e+00  }
0xa5: {  	v5 =	vadd.s32 v10, v5;
	v6 =	vmax.f32 v6, $0.0e+00;
	[tilespmem:s18+$0x60] =	vst v2;
	v2 =	vld [tilespmem:s18+$0x70];
	v10 =	vshrl.u32 v3, $0x10  }
0xa6: {  	v8 =	vmax.f32 v8, $0.0e+00;
	v4 =	vand.u32 $0xFFFF0000, v4;
	v11 =	vld [tilespmem:s22+$0x70];
	v10 =	vand.u32 $0x1, v10  }
0xa7: {  	v13 =	vld [tilespmem:s18+$0xFFFFFFB0];
	v5 =	vadd.s32 $0x7FFF, v5;
	v3 =	vadd.s32 v10, v3;
	v10 =	vshrl.u32 v6, $0x10  }
0xa8: {  	v16 =	vld [tilespmem:s18+$0x50];
	v5 =	vand.u32 $0xFFFF0000, v5;
	v9 =	vadd.f32 v14, v9;
	v10 =	vand.u32 $0x1, v10  }
0xa9: {  	v7 =	vand.u32 $0xFFFF0000, v7;
	v14 =	vld [tilespmem:s18+$0x30];
	[tilespmem:s18+$0xFFFFFFA0] =	vst v5;
	v6 =	vadd.s32 v10, v6;
	v10 =	vshrl.u32 v8, $0x10  }
0xaa: {  	[tilespmem:s18+$0xFFFFFF80] =	vst v4;
	v4 =	vld [tilespmem:s22+$0xFFFFFFB0];
	v9 =	vmax.f32 v9, $0.0e+00;
	v10 =	vand.u32 $0x1, v10;
	v6 =	vadd.s32 $0x7FFF, v6  }
0xab: {  	v2 =	vadd.f32 v11, v2;
	v11 =	vld [tilespmem:s18+$0x10];
	v5 =	vadd.s32 v10, v8;
	v8 =	vshrl.u32 v9, $0x10  }
0xac: {  	[tilespmem:s18+$0xFFFFFFC0] =	vst v7;
	v3 =	vadd.s32 $0x7FFF, v3;
	v10 =	vld [tilespmem:s22+$0xFFFFFF90];
	v6 =	vand.u32 $0xFFFF0000, v6;
	v8 =	vand.u32 $0x1, v8  }
0xad: {  	v3 =	vand.u32 $0xFFFF0000, v3;
	v5 =	vadd.s32 $0x7FFF, v5;
	[tilespmem:s18+$0x0] =	vst v6;
	v7 =	vadd.s32 v8, v9;
	v8 =	vld [tilespmem:s22+$0xFFFFFFD0]  }
0xae: {  	[tilespmem:s18+$0xFFFFFFE0] =	vst v3;
	v2 =	vmax.f32 v2, $0.0e+00;
	v5 =	vand.u32 $0xFFFF0000, v5;
	v9 =	vld [tilespmem:s22+$0x10]  }
0xaf: {  	v3 =	vadd.s32 $0x7FFF, v7;
	v7 =	vld [tilespmem:s22+$0xFFFFFFF0];
	v6 =	vshrl.u32 v2, $0x10;
	[tilespmem:s18+$0x20] =	vst v5  }
0xb0: {  	v4 =	vadd.f32 v4, v13;
	v3 =	vand.u32 $0xFFFF0000, v3;
	v5 =	vand.u32 $0x1, v6;
	v6 =	vld [tilespmem:s22+$0x30]  }
0xb1: {  	[tilespmem:s18+$0x40] =	vst v3;
	v3 =	vadd.f32 v10, v12;
	v10 =	vld [tilespmem:s19+$0x60]  }
0xb2: {  	v52 =	vadd.f32 v23, v22;
	v4 =	vmax.f32 v4, $0.0e+00;
	v2 =	vadd.s32 v5, v2;
	v12 =	vld [tilespmem:s20+$0x60]  }
0xb3: {  	v13 =	vshrl.u32 v4, $0x10;
	v5 =	vld [tilespmem:s22+$0x50];
	v2 =	vadd.s32 $0x7FFF, v2;
	v8 =	vadd.f32 v8, v15  }
0xb4: {  	v3 =	vmax.f32 v3, $0.0e+00;
	v2 =	vand.u32 $0xFFFF0000, v2;
	v9 =	vadd.f32 v9, v11  }
0xb5: {  	v7 =	vadd.f32 v7, v17;
	v15 =	vshrl.u32 v3, $0x10;
	v8 =	vmax.f32 v8, $0.0e+00  }
0xb6: {  	v19 =	vld [tilespmem:s19+$0xFFFFFFC0];
	v6 =	vadd.f32 v6, v14;
	v9 =	vmax.f32 v9, $0.0e+00;
	v15 =	vand.u32 $0x1, v15  }
0xb7: {  	v14 =	vld [tilespmem:s19+$0xFFFFFFA0];
	v7 =	vmax.f32 v7, $0.0e+00;
	v11 =	vshrl.u32 v8, $0x10;
	v10 =	vadd.f32 v12, v10  }
0xb8: {  	v18 =	vshrl.u32 v9, $0x10;
	v12 =	vand.u32 $0x1, v13;
	v5 =	vadd.f32 v5, v16;
	v16 =	vld [tilespmem:s20+$0xFFFFFFA0]  }
0xb9: {  	v20 =	vld [tilespmem:s20+$0xFFFFFFC0];
	v15 =	vadd.s32 v15, v3;
	v17 =	vshrl.u32 v7, $0x10;
	v10 =	vmax.f32 v10, $0.0e+00  }
0xba: {  	v6 =	vmax.f32 v6, $0.0e+00;
	v11 =	vand.u32 $0x1, v11;
	v24 =	vshrl.u32 v10, $0x10  }
0xbb: {  	v25 =	vld [tilespmem:s20+$0xFFFFFF80];
	v18 =	vand.u32 $0x1, v18;
	v13 =	vshrl.u32 v6, $0x10;
	v3 =	vand.u32 $0x1, v24  }
0xbc: {  	v17 =	vand.u32 $0x1, v17;
	v3 =	vadd.s32 v3, v10;
	v10 =	vadd.s32 v12, v4;
	v4 =	vld [tilespmem:s20+$0x0]  }
0xbd: {  	v8 =	vadd.s32 v11, v8;
	v9 =	vadd.s32 v18, v9;
	v14 =	vadd.f32 v16, v14;
	v16 =	vld [tilespmem:s19+$0x0]  }
0xbe: {  	v13 =	vand.u32 $0x1, v13;
	v12 =	vadd.f32 v20, v19;
	v19 =	vld [tilespmem:s20+$0x20];
	v3 =	vadd.s32 $0x7FFF, v3  }
0xbf: {  	v7 =	vadd.s32 v17, v7;
	v3 =	vand.u32 $0xFFFF0000, v3;
	v11 =	vmax.f32 v14, $0.0e+00;
	v14 =	vld [tilespmem:s19+$0x20]  }
0xc0: {  	v54 =	vld [tilespmem:s19+$0x40];
	v6 =	vadd.s32 v13, v6;
	[tilespmem:s19+$0x60] =	vst v3;
	v3 =	vmax.f32 v12, $0.0e+00;
	v17 =	vshrl.u32 v11, $0x10  }
0xc1: {  	v13 =	vmax.f32 v52, $0.0e+00;
	v18 =	vshrl.u32 v3, $0x10;
	v53 =	vld [tilespmem:s20+$0x70];
	v12 =	vand.u32 $0x1, v17  }
0xc2: {  	v17 =	vld [tilespmem:s19+$0x70];
	v18 =	vand.u32 $0x1, v18;
	v4 =	vadd.f32 v4, v16;
	v16 =	vshrl.u32 v13, $0x10  }
0xc3: {  	v11 =	vadd.s32 v12, v11;
	v3 =	vadd.s32 v18, v3;
	v12 =	vld [tilespmem:s19+$0xFFFFFF80];
	v16 =	vand.u32 $0x1, v16  }
0xc4: {  	v18 =	vld [tilespmem:s20+$0x40];
	v11 =	vadd.s32 $0x7FFF, v11;
	v4 =	vmax.f32 v4, $0.0e+00;
	v14 =	vadd.f32 v19, v14  }
0xc5: {  	v13 =	vadd.s32 v16, v13;
	v19 =	vadd.s32 $0x7FFF, v3;
	v11 =	vand.u32 $0xFFFF0000, v11  }
0xc6: {  	v16 =	vshrl.u32 v4, $0x10;
	v13 =	vadd.s32 $0x7FFF, v13;
	[tilespmem:s19+$0xFFFFFFA0] =	vst v11;
	v11 =	vand.u32 $0xFFFF0000, v19  }
0xc7: {  	v3 =	vand.u32 $0x1, v16;
	v14 =	vmax.f32 v14, $0.0e+00;
	v16 =	vadd.f32 v53, v17  }
0xc8: {  	v13 =	vand.u32 $0xFFFF0000, v13;
	[tilespmem:s19+$0xFFFFFFC0] =	vst v11;
	v11 =	vadd.s32 $0x7FFF, v15;
	v3 =	vadd.s32 v3, v4  }
0xc9: {  	v4 =	vshrl.u32 v14, $0x10;
	v12 =	vadd.f32 v25, v12;
	v17 =	vadd.f32 v18, v54  }
0xca: {  	v56 =	vld [tilespmem:s19+$0xFFFFFFB0];
	v4 =	vand.u32 $0x1, v4;
	v16 =	vmax.f32 v16, $0.0e+00;
	v55 =	vadd.s32 $0x7FFF, v3  }
0xcb: {  	[tilespmem:s18+$0x70] =	vst v2;
	v2 =	vld [tilespmem:s19+$0x10];
	v14 =	vadd.s32 v4, v14;
	v4 =	vshrl.u32 v16, $0x10;
	v3 =	vmax.f32 v12, $0.0e+00  }
0xcc: {  	v18 =	vld [tilespmem:s19+$0xFFFFFF90];
	v12 =	vmax.f32 v17, $0.0e+00;
	v4 =	vand.u32 $0x1, v4;
	v17 =	vshrl.u32 v3, $0x10  }
0xcd: {  	v62 =	vld [tilespmem:s20+$0xFFFFFFD0];
	[tilespmem:s19+$0xFFFFFFE0] =	vst v13;
	v15 =	vand.u32 $0xFFFF0000, v11;
	v4 =	vadd.s32 v4, v16;
	v17 =	vand.u32 $0x1, v17  }
0xce: {  	v11 =	vld [tilespmem:s20+$0xFFFFFFF0];
	v19 =	vand.u32 $0xFFFF0000, v55;
	v58 =	vadd.s32 $0x7FFF, v4;
	v3 =	vadd.s32 v17, v3  }
0xcf: {  	v5 =	vmax.f32 v5, $0.0e+00;
	[tilespmem:s19+$0x0] =	vst v19;
	v16 =	vld [tilespmem:s19+$0xFFFFFFD0];
	v17 =	vand.u32 $0xFFFF0000, v58;
	v59 =	vadd.s32 $0x7FFF, v3  }
0xd0: {  	v8 =	vadd.s32 $0x7FFF, v8;
	v9 =	vadd.s32 $0x7FFF, v9;
	v13 =	vld [tilespmem:s20+$0x10];
	[tilespmem:s19+$0x70] =	vst v17;
	v17 =	vand.u32 $0xFFFF0000, v59  }
0xd1: {  	v21 =	vshrl.u32 v5, $0x10;
	v7 =	vadd.s32 $0x7FFF, v7;
	v57 =	vshrl.u32 v12, $0x10;
	[tilespmem:s19+$0xFFFFFF80] =	vst v17;
	v17 =	vld [tilespmem:s20+$0xFFFFFFB0]  }
0xd2: {  	v9 =	vand.u32 $0xFFFF0000, v9;
	v14 =	vadd.s32 $0x7FFF, v14;
	v23 =	vand.u32 $0x1, v57;
	v61 =	vld [tilespmem:s20+$0xFFFFFF90]  }
0xd3: {  	v21 =	vand.u32 $0x1, v21;
	v14 =	vand.u32 $0xFFFF0000, v14;
	v4 =	vld [tilespmem:s19+$0xFFFFFFF0];
	v12 =	vadd.s32 v23, v12  }
0xd4: {  	v6 =	vadd.s32 $0x7FFF, v6;
	v10 =	vadd.s32 $0x7FFF, v10;
	[tilespmem:s19+$0x20] =	vst v14;
	v3 =	vld [tilespmem:s19+$0x30];
	v12 =	vadd.s32 $0x7FFF, v12  }
0xd5: {  	v6 =	vand.u32 $0xFFFF0000, v6;
	v63 =	vand.u32 $0xFFFF0000, v10;
	v14 =	vld [tilespmem:s20+$0x30];
	v60 =	vand.u32 $0xFFFF0000, v12  }
0xd6: {  	v10 =	vand.u32 $0xFFFF0000, v7;
	v12 =	vadd.s32 v21, v5;
	v5 =	vld [tilespmem:s19+$0x50];
	[tilespmem:s19+$0x40] =	vst v60;
	v7 =	vadd.f32 v17, v56  }
0xd7: {  	[tilespmem:s18+$0xFFFFFF90] =	vst v15;
	v19 =	vadd.s32 $0x7FFF, v12;
	v12 =	vand.u32 $0xFFFF0000, v8;
	v15 =	vld [tilespmem:s20+$0x50];
	v17 =	vadd.f32 v61, v18  }
0xd8: {  	s21 =	simm.s32 $0x8;
	s22 =	simm.s32 $0x730;
	[tilespmem:s18+$0xFFFFFFB0] =	vst v63;
	v8 =	vand.u32 $0xFFFF0000, v19;
	v16 =	vadd.f32 v62, v16;
	v7 =	vmax.f32 v7, $0.0e+00  }
.LBB2_7:
0xd9: {  	v18 =	vld [tilespmem:s22+$0x60];
	v17 =	vmax.f32 v17, $0.0e+00;
	v19 =	vshrl.u32 v7, $0x10;
	v4 =	vadd.f32 v11, v4;
	s20 =	sadd.s32 $0x100, s20;
	[tilespmem:s18+$0xFFFFFFD0] =	vst v12  }
0xda: {  	s21 =	sadd.s32 $0x8, s21;
	v11 =	vld [tilespmem:s20+$0x60];
	v12 =	vshrl.u32 v17, $0x10;
	v16 =	vmax.f32 v16, $0.0e+00;
	v2 =	vadd.f32 v13, v2;
	[tilespmem:s18+$0xFFFFFFF0] =	vst v10  }
0xdb: {  	p0 =	slt.u32 s21, $0x188;
	v10 =	vld [tilespmem:s20+$0xFFFFFF80];
	v13 =	vshrl.u32 v16, $0x10;
	v4 =	vmax.f32 v4, $0.0e+00;
	v3 =	vadd.f32 v14, v3;
	[tilespmem:s18+$0x10] =	vst v9  }
0xdc: {  	v9 =	vld [tilespmem:s22+$0xFFFFFFA0];
	v14 =	vshrl.u32 v4, $0x10;
	v2 =	vmax.f32 v2, $0.0e+00;
	v5 =	vadd.f32 v15, v5;
	[tilespmem:s18+$0x30] =	vst v6  }
0xdd: {  	v12 =	vand.u32 $0x1, v12;
	v15 =	vld [tilespmem:s20+$0xFFFFFFA0];
	v20 =	vshrl.u32 v2, $0x10;
	v3 =	vmax.f32 v3, $0.0e+00;
	[tilespmem:s18+$0x50] =	vst v8;
	s18 =	smov.u32 s19;
	s19 =	smov.u32 s22  }
0xde: {  	v19 =	vand.u32 $0x1, v19;
	v8 =	vld [tilespmem:s22+$0xFFFFFFC0];
	v21 =	vshrl.u32 v3, $0x10;
	v6 =	vmax.f32 v5, $0.0e+00  }
0xdf: {  	v13 =	vand.u32 $0x1, v13;
	v5 =	vld [tilespmem:s20+$0xFFFFFFC0];
	v11 =	vadd.f32 v11, v18;
	v18 =	vshrl.u32 v6, $0x10  }
0xe0: {  	v14 =	vand.u32 $0x1, v14;
	v20 =	vand.u32 $0x1, v20;
	v21 =	vand.u32 $0x1, v21;
	v22 =	vld [tilespmem:s22+$0xFFFFFFE0]  }
0xe1: {  	v12 =	vadd.s32 v12, v17;
	v17 =	vand.u32 $0x1, v18;
	v23 =	vld [tilespmem:s20+$0xFFFFFFE0];
	v11 =	vmax.f32 v11, $0.0e+00  }
0xe2: {  	v7 =	vadd.s32 v19, v7;
	v9 =	vadd.f32 v15, v9;
	v15 =	vld [tilespmem:s22+$0x0];
	v18 =	vshrl.u32 v11, $0x10  }
0xe3: {  	v13 =	vadd.s32 v13, v16;
	v14 =	vadd.s32 v14, v4;
	v19 =	vld [tilespmem:s20+$0x0];
	v18 =	vand.u32 $0x1, v18  }
0xe4: {  	v4 =	vmax.f32 v9, $0.0e+00;
	v5 =	vadd.f32 v5, v8;
	v8 =	vld [tilespmem:s22+$0x20];
	v9 =	vadd.s32 v18, v11  }
0xe5: {  	v18 =	vadd.s32 v20, v2;
	v11 =	vshrl.u32 v4, $0x10;
	v16 =	vld [tilespmem:s20+$0x20];
	v9 =	vadd.s32 $0x7FFF, v9  }
0xe6: {  	v2 =	vmax.f32 v5, $0.0e+00;
	v5 =	vadd.f32 v23, v22;
	v20 =	vld [tilespmem:s22+$0x40];
	v9 =	vand.u32 $0xFFFF0000, v9  }
0xe7: {  	v21 =	vadd.s32 v21, v3;
	v11 =	vand.u32 $0x1, v11;
	v22 =	vshrl.u32 v2, $0x10;
	[tilespmem:s22+$0x60] =	vst v9;
	v9 =	vld [tilespmem:s22+$0x70]  }
0xe8: {  	v3 =	vand.u32 $0x1, v22;
	v5 =	vmax.f32 v5, $0.0e+00;
	v15 =	vadd.f32 v19, v15;
	v19 =	vld [tilespmem:s20+$0x70]  }
0xe9: {  	v4 =	vadd.s32 v11, v4;
	v2 =	vadd.s32 v3, v2;
	v3 =	vshrl.u32 v5, $0x10;
	v11 =	vld [tilespmem:s20+$0x40]  }
0xea: {  	v22 =	vld [tilespmem:s22+$0xFFFFFF80];
	v3 =	vand.u32 $0x1, v3;
	v15 =	vmax.f32 v15, $0.0e+00;
	v8 =	vadd.f32 v16, v8  }
0xeb: {  	v23 =	vadd.s32 $0x7FFF, v4;
	v16 =	vld [tilespmem:s22+$0xFFFFFF90];
	v3 =	vadd.s32 v3, v5;
	v4 =	vshrl.u32 v15, $0x10  }
0xec: {  	v25 =	vadd.s32 $0x7FFF, v2;
	v24 =	vld [tilespmem:s22+$0xFFFFFFB0];
	v2 =	vand.u32 $0x1, v4;
	v5 =	vmax.f32 v8, $0.0e+00  }
0xed: {  	v26 =	vld [tilespmem:s22+$0xFFFFFFD0];
	v8 =	vadd.s32 v2, v15;
	v2 =	vshrl.u32 v5, $0x10;
	v9 =	vadd.f32 v19, v9  }
0xee: {  	v15 =	vadd.s32 $0x7FFF, v3;
	v4 =	vld [tilespmem:s22+$0xFFFFFFF0];
	v3 =	vand.u32 $0x1, v2;
	v11 =	vadd.f32 v11, v20  }
0xef: {  	v10 =	vadd.f32 v10, v22;
	v2 =	vld [tilespmem:s22+$0x10];
	v19 =	vadd.s32 v3, v5;
	v9 =	vmax.f32 v9, $0.0e+00  }
0xf0: {  	v8 =	vadd.s32 $0x7FFF, v8;
	v3 =	vld [tilespmem:s22+$0x30];
	v11 =	vmax.f32 v11, $0.0e+00;
	v20 =	vshrl.u32 v9, $0x10  }
0xf1: {  	v10 =	vmax.f32 v10, $0.0e+00;
	v22 =	vshrl.u32 v11, $0x10;
	v5 =	vld [tilespmem:s22+$0x50];
	v20 =	vand.u32 $0x1, v20  }
0xf2: {  	v27 =	vshrl.u32 v10, $0x10;
	v22 =	vand.u32 $0x1, v22;
	v9 =	vadd.s32 v20, v9  }
0xf3: {  	v20 =	vand.u32 $0x1, v27;
	v11 =	vadd.s32 v22, v11;
	v9 =	vadd.s32 $0x7FFF, v9  }
0xf4: {  	v19 =	vadd.s32 $0x7FFF, v19;
	v10 =	vadd.s32 v20, v10;
	v9 =	vand.u32 $0xFFFF0000, v9  }
0xf5: {  	v20 =	vand.u32 $0xFFFF0000, v23;
	v11 =	vadd.s32 $0x7FFF, v11;
	v10 =	vadd.s32 $0x7FFF, v10;
	[tilespmem:s22+$0x70] =	vst v9  }
0xf6: {  	v15 =	vand.u32 $0xFFFF0000, v15;
	v9 =	vand.u32 $0xFFFF0000, v10;
	[tilespmem:s22+$0xFFFFFFA0] =	vst v20;
	v10 =	vand.u32 $0xFFFF0000, v25  }
0xf7: {  	v8 =	vand.u32 $0xFFFF0000, v8;
	v19 =	vand.u32 $0xFFFF0000, v19;
	v20 =	vand.u32 $0xFFFF0000, v11;
	[tilespmem:s22+$0xFFFFFF80] =	vst v9;
	v9 =	vld [tilespmem:s20+$0xFFFFFFB0]  }
0xf8: {  	v7 =	vadd.s32 $0x7FFF, v7;
	v6 =	vadd.s32 v17, v6;
	v22 =	vld [tilespmem:s20+$0xFFFFFF90];
	[tilespmem:s22+$0xFFFFFFC0] =	vst v10;
	v10 =	vadd.s32 $0x7FFF, v12  }
0xf9: {  	v14 =	vadd.s32 $0x7FFF, v14;
	v12 =	vadd.s32 $0x7FFF, v13;
	v23 =	vld [tilespmem:s20+$0xFFFFFFD0];
	[tilespmem:s22+$0xFFFFFFE0] =	vst v15;
	v15 =	vadd.s32 $0x7FFF, v18  }
.Ltmp2:
0xfa: {  	v17 =	vadd.s32 $0x7FFF, v21;
	v18 =	vadd.s32 $0x7FFF, v6;
	v11 =	vld [tilespmem:s20+$0xFFFFFFF0];
	[tilespmem:s22+$0x0] =	vst v8;
	v8 =	vand.u32 $0xFFFF0000, v10;
	(pc) =	sbr.rel @p0 .LBB2_7-.Ltmp2, $4  }
0xfb: {  	v12 =	vand.u32 $0xFFFF0000, v12;
	v10 =	vand.u32 $0xFFFF0000, v14;
	v13 =	vld [tilespmem:s20+$0x10];
	[tilespmem:s22+$0x20] =	vst v19;
	v19 =	vand.u32 $0xFFFF0000, v7  }
0xfc: {  	v6 =	vand.u32 $0xFFFF0000, v17;
	v7 =	vadd.f32 v9, v24;
	v14 =	vld [tilespmem:s20+$0x30];
	[tilespmem:s22+$0x40] =	vst v20;
	v9 =	vand.u32 $0xFFFF0000, v15  }
0xfd: {  	v17 =	vadd.f32 v22, v16;
	v15 =	vld [tilespmem:s20+$0x50];
	[tilespmem:s18+$0xFFFFFF90] =	vst v8;
	v8 =	vand.u32 $0xFFFF0000, v18  }
0xfe: {  	s22 =	sadd.s32 $0x100, s22;
	v7 =	vmax.f32 v7, $0.0e+00;
	v16 =	vadd.f32 v23, v26;
	[tilespmem:s18+$0xFFFFFFB0] =	vst v19  }
0xff: {  	v17 =	vmax.f32 v17, $0.0e+00;
	v18 =	vshrl.u32 v7, $0x10;
	v4 =	vadd.f32 v11, v4  }
0x100: {  	v49 =	vshrl.u32 v17, $0x10;
	v16 =	vmax.f32 v16, $0.0e+00;
	v2 =	vadd.f32 v13, v2  }
0x101: {  	v53 =	vand.u32 $0x1, v18;
	v50 =	vshrl.u32 v16, $0x10;
	v4 =	vmax.f32 v4, $0.0e+00  }
0x102: {  	v3 =	vadd.f32 v14, v3;
	v11 =	vand.u32 $0x1, v49;
	v60 =	vadd.s32 v53, v7  }
0x103: {  	v51 =	vshrl.u32 v4, $0x10;
	v2 =	vmax.f32 v2, $0.0e+00;
	v5 =	vadd.f32 v15, v5  }
0x104: {  	[tilespmem:s18+$0xFFFFFFD0] =	vst v12;
	v55 =	vand.u32 $0x1, v50;
	v11 =	vadd.s32 v11, v17;
	v7 =	vadd.s32 $0x7FFF, v60  }
0x105: {  	[tilespmem:s18+$0xFFFFFFF0] =	vst v10;
	v52 =	vshrl.u32 v2, $0x10;
	v3 =	vmax.f32 v3, $0.0e+00;
	v14 =	vand.u32 $0x1, v51  }
0x106: {  	[tilespmem:s18+$0x10] =	vst v9;
	v11 =	vadd.s32 $0x7FFF, v11;
	v61 =	vadd.s32 v55, v16;
	v7 =	vand.u32 $0xFFFF0000, v7  }
0x107: {  	[tilespmem:s18+$0x30] =	vst v6;
	v54 =	vshrl.u32 v3, $0x10;
	v5 =	vmax.f32 v5, $0.0e+00;
	v57 =	vand.u32 $0x1, v52  }
0x108: {  	[tilespmem:s18+$0x50] =	vst v8;
	v62 =	vand.u32 $0xFFFF0000, v11;
	v4 =	vadd.s32 v14, v4;
	v8 =	vadd.s32 $0x7FFF, v61  }
0x109: {  	[tilespmem:s19+$0xFFFFFFB0] =	vst v7;
	v56 =	vshrl.u32 v5, $0x10;
	v58 =	vand.u32 $0x1, v54;
	v2 =	vadd.s32 v57, v2  }
0x10a: {  	[tilespmem:s19+$0xFFFFFF90] =	vst v62;
	v4 =	vadd.s32 $0x7FFF, v4;
	v8 =	vand.u32 $0xFFFF0000, v8;
	v59 =	vand.u32 $0x1, v56  }
0x10b: {  	v3 =	vadd.s32 v58, v3;
	v2 =	vadd.s32 $0x7FFF, v2;
	v4 =	vand.u32 $0xFFFF0000, v4;
	[tilespmem:s19+$0xFFFFFFD0] =	vst v8  }
0x10c: {  	v5 =	vadd.s32 v59, v5;
	v3 =	vadd.s32 $0x7FFF, v3;
	v2 =	vand.u32 $0xFFFF0000, v2;
	[tilespmem:s19+$0xFFFFFFF0] =	vst v4  }
0x10d: {  	s17 =	sadd.s32 $0x1, s17;
	v63 =	vadd.s32 $0x7FFF, v5;
	v3 =	vand.u32 $0xFFFF0000, v3;
	[tilespmem:s19+$0x10] =	vst v2  }
0x10e: {  	p0 =	sne.s32 s17, $0x7D;
	v2 =	vand.u32 $0xFFFF0000, v63;
	[tilespmem:s19+$0x30] =	vst v3  }
.Ltmp3:
0x10f: {  	[tilespmem:s19+$0x50] =	vst v2;
	(pc) =	sbr.rel @p0 .LBB2_4-.Ltmp3, $4  }
0x110: {  	[spmem:s1] =	stream.indirect.scatter.add.f32 [tilespmem:s26], [sflag:$0x3], $0x20, s29, s29, $0xb8;
	[tilespmem:$0x1F140] =	vst v63  }
0x111: {  	_ =	swait.ge [sflag:s28], $0x3200  }
0x112: {  	[sflag:s28] =	ssyncset.done $0x0  }
0x113: {  	[sflag:s28] =	ssyncadd.s32 $0xFFFFCE00  }
0x114: {  	[bflag:$0x0] =	sbarrier.arrive $0xFFFF  }
0x115: {  	[tilespmem:s26], [sflag:$0x3] =	stream.linear.gather [spmem:s8], $0x3200, $0x38;
	[tilespmem:$0x1F140] =	vst v63  }
0x116: {  	_ =	swait.ge [sflag:s28], $0x3200  }
0x117: {  	[sflag:s28] =	ssyncset.done $0x0  }
0x118: {  	s17 =	rddreg [dreg:$0x3];
	[sflag:s28] =	ssyncadd.s32 $0xFFFFCE00  }
0x119: {  	[hbm4b:s17+s3] =	stream.linear.scatter [tilespmem:s26], [sflag:$0x3], $0x3200, $0x38;
	[tilespmem:$0x1F140] =	vst v63  }
0x11a: {  	_ =	swait.ge [sflag:s28], $0x3200  }
0x11b: {  	[sflag:s28] =	ssyncset.done $0x0  }
0x11c: {  	[sflag:s28] =	ssyncadd.s32 $0xFFFFCE00  }
0x11d: {  	[tilespmem:s26], [sflag:$0x3] =	stream.linear.gather [spmem:s9], $0x3200, $0x38;
	[tilespmem:$0x1F140] =	vst v63  }
0x11e: {  	_ =	swait.ge [sflag:s28], $0x3200  }
0x11f: {  	[sflag:s28] =	ssyncset.done $0x0  }
0x120: {  	s22 =	rddreg [dreg:$0x4];
	[sflag:s28] =	ssyncadd.s32 $0xFFFFCE00  }
0x121: {  	[hbm4b:s22+s3] =	stream.linear.scatter [tilespmem:s26], [sflag:$0x3], $0x3200, $0x38;
	[tilespmem:$0x1F140] =	vst v63  }
0x122: {  	_ =	swait.ge [sflag:s28], $0x3200  }
0x123: {  	[sflag:s28] =	ssyncset.done $0x0  }
0x124: {  	[sflag:s28] =	ssyncadd.s32 $0xFFFFCE00  }
0x125: {  	[tilespmem:s26], [sflag:$0x3] =	stream.linear.gather [spmem:s10], $0x3200, $0x38;
	[tilespmem:$0x1F140] =	vst v63  }
0x126: {  	_ =	swait.ge [sflag:s28], $0x3200  }
0x127: {  	[sflag:s28] =	ssyncset.done $0x0  }
0x128: {  	s18 =	rddreg [dreg:$0x5];
	[sflag:s28] =	ssyncadd.s32 $0xFFFFCE00  }
0x129: {  	[hbm4b:s18+s3] =	stream.linear.scatter [tilespmem:s26], [sflag:$0x3], $0x3200, $0x38;
	[tilespmem:$0x1F140] =	vst v63  }
0x12a: {  	_ =	swait.ge [sflag:s28], $0x3200  }
0x12b: {  	[sflag:s28] =	ssyncset.done $0x0  }
0x12c: {  	[sflag:s28] =	ssyncadd.s32 $0xFFFFCE00  }
0x12d: {  	[tilespmem:s26], [sflag:$0x3] =	stream.linear.gather [spmem:s11], $0x3200, $0x38;
	[tilespmem:$0x1F140] =	vst v63  }
0x12e: {  	_ =	swait.ge [sflag:s28], $0x3200  }
0x12f: {  	[sflag:s28] =	ssyncset.done $0x0  }
0x130: {  	s19 =	rddreg [dreg:$0x6];
	[sflag:s28] =	ssyncadd.s32 $0xFFFFCE00  }
0x131: {  	[hbm4b:s19+s3] =	stream.linear.scatter [tilespmem:s26], [sflag:$0x3], $0x3200, $0x38;
	[tilespmem:$0x1F140] =	vst v63  }
0x132: {  	_ =	swait.ge [sflag:s28], $0x3200  }
0x133: {  	[sflag:s28] =	ssyncset.done $0x0  }
0x134: {  	[sflag:s28] =	ssyncadd.s32 $0xFFFFCE00  }
0x135: {  	[tilespmem:s26], [sflag:$0x3] =	stream.linear.gather [spmem:s12], $0x3200, $0x38;
	[tilespmem:$0x1F140] =	vst v63  }
0x136: {  	_ =	swait.ge [sflag:s28], $0x3200  }
0x137: {  	[sflag:s28] =	ssyncset.done $0x0  }
0x138: {  	s20 =	rddreg [dreg:$0x7];
	[sflag:s28] =	ssyncadd.s32 $0xFFFFCE00  }
0x139: {  	[hbm4b:s20+s3] =	stream.linear.scatter [tilespmem:s26], [sflag:$0x3], $0x3200, $0x38;
	[tilespmem:$0x1F140] =	vst v63  }
0x13a: {  	_ =	swait.ge [sflag:s28], $0x3200  }
0x13b: {  	[sflag:s28] =	ssyncset.done $0x0  }
0x13c: {  	[sflag:s28] =	ssyncadd.s32 $0xFFFFCE00  }
0x13d: {  	[tilespmem:s26], [sflag:$0x3] =	stream.linear.gather [spmem:s13], $0x3200, $0x38;
	[tilespmem:$0x1F140] =	vst v63  }
0x13e: {  	_ =	swait.ge [sflag:s28], $0x3200  }
0x13f: {  	[sflag:s28] =	ssyncset.done $0x0  }
0x140: {  	s21 =	rddreg [dreg:$0x8];
	[sflag:s28] =	ssyncadd.s32 $0xFFFFCE00  }
0x141: {  	[hbm4b:s21+s3] =	stream.linear.scatter [tilespmem:s26], [sflag:$0x3], $0x3200, $0x38;
	[tilespmem:$0x1F140] =	vst v63  }
0x142: {  	_ =	swait.ge [sflag:s28], $0x3200  }
0x143: {  	[sflag:s28] =	ssyncset.done $0x0  }
0x144: {  	[sflag:s28] =	ssyncadd.s32 $0xFFFFCE00  }
0x145: {  	[tilespmem:s26], [sflag:$0x3] =	stream.linear.gather [spmem:s14], $0x3200, $0x38;
	[tilespmem:$0x1F140] =	vst v63  }
0x146: {  	_ =	swait.ge [sflag:s28], $0x3200  }
0x147: {  	[sflag:s28] =	ssyncset.done $0x0  }
0x148: {  	s22 =	rddreg [dreg:$0x9];
	[sflag:s28] =	ssyncadd.s32 $0xFFFFCE00  }
0x149: {  	[hbm4b:s22+s3] =	stream.linear.scatter [tilespmem:s26], [sflag:$0x3], $0x3200, $0x38;
	[tilespmem:$0x1F140] =	vst v63  }
0x14a: {  	_ =	swait.ge [sflag:s28], $0x3200  }
0x14b: {  	[sflag:s28] =	ssyncset.done $0x0  }
0x14c: {  	[sflag:s28] =	ssyncadd.s32 $0xFFFFCE00  }
0x14d: {  	[tilespmem:s26], [sflag:$0x3] =	stream.linear.gather [spmem:s15], $0x2900, $0x38;
	[tilespmem:$0x1F140] =	vst v63  }
0x14e: {  	s16 =	sadd.s32 $0x1, s16;
	_ =	swait.ge [sflag:s28], $0x2900  }
0x14f: {  	p0 =	sne.s32 s16, s24;
	[sflag:s28] =	ssyncset.done $0x0  }
.Ltmp4:
0x150: {  	[sflag:s28] =	ssyncadd.s32 $0xFFFFD700;
	(pc) =	sbr.rel @p0 .LBB2_1-.Ltmp4, $4  }
0x151: {  	[hbm4b:s23+s3] =	stream.linear.scatter [tilespmem:s26], [sflag:$0x3], $0x2900, $0x38;
	[tilespmem:$0x1F140] =	vst v63  }
0x152: {  	_ =	swait.ge [sflag:s28], $0x2900  }
0x153: {  	[sflag:s28] =	ssyncset.done $0x0  }
0x154: {  	[sflag:s28] =	ssyncadd.s32 $0xFFFFD700  }
0x155: {  	_ =	sfence.sel $0x180000  }
0x156: {  	[bflag:$0x0] =	sbarrier.arrive $0xFFFF  }
0x157: {  	_ =	strace $0x9000004A  }
0x158: {  	s0 =	stileid.u32;
	[bflag:$0x2] =	sbarrier.arrive $0xFFFF  }
0x159: {  	p0 =	sne.s32 s0, $0x0;
	s0 =	rddreg [dreg:$0x2]  }
0x15a: {  	s0 =	sadd.s32 @!p0 $0x100000, s0  }
0x15b: {  	[sflag:s0] =	ssyncadd.tile.s32 @!p0 $0x1;
	_ =	shalt  }
.Lfunc_end2:
_tile_overlayer_lowered:
.L_overlay_start_2:
0x15c: {  	(tag) =	ssettag $0x2  }
0x15d: {  	s0 =	rddreg [dreg:$0x0];
	s2 =	stileid.u32  }
0x15e: {  	s1 =	rddreg [dreg:$0x1];
	p0 =	sne.s32 s2, $0x0  }
0x15f: {  	s3 =	rddreg [dreg:$0x2];
	[bflag:$0x3] =	sbarrier.arrive $0xFFFF;
	s2 =	simm.s32 @!p0 $0x1C03  }
0x160: {  	[timem:s3], [sflag:s2] =	dma.local @!p0 [hbm:s0], s1  }
0x161: {  	s0 =	simm.s32 @!p0 $0x3  }
0x162: {  	_ =	swait.ge @!p0 [sflag:s0], s1  }
0x163: {  	s1 =	ssub.s32 @!p0 $0x0, s1;
	[sflag:s0] =	ssyncset.done @!p0 $0x0  }
0x164: {  	[sflag:s0] =	ssyncadd.s32 @!p0 s1  }
0x165: {  	[bflag:$0x3] =	sbarrier.arrive $0xFFFF  }
0x166: {  	_ =	shalt  }

// kernel: kernel.7.cloned.1.call-start
scs
__scs_entry_jumppad:
0x0: {  	(pc) =	sbr.rel $0x88, $3  }
0x1: {  	(tag) =	ssettag $0x0;
	lr =	simm.s32 $0x1  }
0x2: {  	[smem:$0x3F79] =	sst lr;
	_ =	strace $0xD0000000  }
0x3: {  	_ = 	snop  }
0x4: {  	_ = 	snop  }
0x5: {  	_ = 	snop  }
0x6: {  	_ = 	snop  }
0x7: {  	_ = 	snop  }
__scs_overlays_trampoline_lowered:
0x8: {  	[smem:$0x3F88] =	sst s0  }
0x9: {  	[smem:$0x3F89] =	sst s1  }
0xa: {  	[smem:$0x3F8A] =	sst s2  }
0xb: {  	[smem:$0x3F8B] =	sst s3  }
0xc: {  	[smem:$0x3F8C] =	sst s4  }
0xd: {  	[smem:$0x3F8D] =	sst s5  }
0xe: {  	[smem:$0x3F8E] =	sst s6  }
0xf: {  	[smem:$0x3F8F] =	sst s7  }
0x10: {  	[smem:$0x3F90] =	sst s8  }
0x11: {  	[smem:$0x3F91] =	sst s9;
	s0 =	simm.s32 @!p0 $0x0  }
0x12: {  	s1 =	sld [smem:$0x3F77];
	s0 =	simm.s32 @p0 $0x1  }
0x13: {  	[smem:$0x3F92] =	sst s0;
	s0 =	simm.s32 @!p1 $0x0  }
0x14: {  	s2 =	sld [smem:$0x3F76];
	s0 =	simm.s32 @p1 $0x1  }
0x15: {  	[smem:$0x3F93] =	sst s0;
	s0 =	simm.s32 @!p2 $0x0  }
0x16: {  	s3 =	sld [smem:$0x3FDB];
	s0 =	simm.s32 @p2 $0x1  }
0x17: {  	s4 =	simm.s32 $0x1BF5;
	[smem:$0x3F95] =	sst s0  }
0x18: {  	s0 =	sld [smem:$0x3F78];
	_ =	swait.ge [sflag:s4], $0x0  }
0x19: {  	s7 =	sld [smem:$0x3F79]  }
0x1a: {  	s8 =	sadd.s32 $0xFFFFE003, lr  }
0x1b: {  	s9 =	sadd.s32 $0xFFFFFEF7, lr;
	s5 =	simm.s32 $0xFFFFFFFF;
	p2 =	slt.u32 s8, $0xFFFFF086  }
0x1c: {  	p1 =	slt.u32 s9, $0xF7A;
	s5 =	simm.s32 @!p2 $0x0  }
0x1d: {  	s5 =	simm.s32 @p1 $0x1;
	p0 =	seq.s32 s7, s2  }
0x1e: {  	s7 =	smul.u32 @!p0 $0xF7A, s2;
	p2 =	seq.s32 @!p0 s5, $0x0  }
0x1f: {  	s9 =	smul.u32 $0xF7A, s1;
	s8 =	simm.s32 @!p0 $0x1BF5;
	p2 =	por !p2, p0  }
0x20: {  	[sflag:s8] =	ssyncset.s32 @!p0 $0xFFFFF086;
	s6 =	sadd.s32 @!p0 s3, s7;
	s7 =	simm.s32 @!p0 $0x108  }
0x21: {  	s3 =	sadd.s32 s3, s9;
	s6 =	sadd.s32 @!p0 $0x88, s6;
	s7 =	simm.s32 @p2 $0x1082  }
0x22: {  	[simem:s7], [sflag:s8] =	dma.local @!p0 [hbm:s6], $0xF7A  }
0x23: {  	s9 =	sor.u32 $0xD0000000, s2;
	s6 =	simm.s32 $0x108;
	_ =	swait.ge @!p0 [sflag:s8], $0x0  }
0x24: {  	s3 =	sadd.s32 $0x88, s3;
	s6 =	simm.s32 @!p1 $0x1082;
	[sflag:s4] =	ssyncset.s32 $0xFFFFF086  }
0x25: {  	[simem:s6], [sflag:s4] =	dma.local [hbm:s3], $0xF7A  }
0x26: {  	[smem:$0x3F79] =	sst s1;
	(tag) =	ssettag s2;
	_ =	strace s9  }
0x27: {  	s1 =	sld [smem:$0x3F89]  }
0x28: {  	s2 =	sld [smem:$0x3F8A]  }
0x29: {  	s4 =	sld [smem:$0x3F8C]  }
0x2a: {  	p0 =	seq.s32 s5, $0x0;
	s5 =	sld [smem:$0x3F8D]  }
0x2b: {  	s6 =	sld [smem:$0x3F8E]  }
0x2c: {  	s7 =	sld [smem:$0x3F8F]  }
0x2d: {  	s3 =	simm.s32 $0x108;
	s8 =	sld [smem:$0x3F90]  }
0x2e: {  	s3 =	simm.s32 @!p0 $0x1082;
	s9 =	sld [smem:$0x3F91]  }
0x2f: {  	lr =	sadd.s32 s0, s3;
	s0 =	sld [smem:$0x3F88]  }
0x30: {  	s3 =	sld [smem:$0x3F8B]  }
0x31: {  	[smem:$0x3F94] =	sst s10  }
0x32: {  	s10 =	sld [smem:$0x3F92];
	_ =	sdelay $0x3  }
0x33: {  	p0 =	seq.s32 s10, $0x1;
	s10 =	sld [smem:$0x3F94];
	_ =	sdelay $0x3  }
0x34: {  	[smem:$0x3F94] =	sst s10  }
0x35: {  	s10 =	sld [smem:$0x3F93];
	_ =	sdelay $0x3  }
0x36: {  	p1 =	seq.s32 s10, $0x1;
	s10 =	sld [smem:$0x3F94];
	_ =	sdelay $0x3  }
0x37: {  	[smem:$0x3F94] =	sst s10  }
0x38: {  	s10 =	sld [smem:$0x3F95]  }
0x39: {  	_ = 	snop;
	(pc) =	sbr.ind lr, $3  }
0x3a: {  	_ = 	snop  }
0x3b: {  	_ = 	snop  }
0x3c: {  	p2 =	seq.s32 s10, $0x1;
	s10 =	sld [smem:$0x3F94]  }
0x3d: {  	_ =	shalt  }
0x3e: {  	_ =	shalt  }
0x3f: {  	_ =	shalt  }
0x40: {  	_ =	shalt  }
0x41: {  	_ =	shalt  }
0x42: {  	_ =	shalt  }
0x43: {  	_ =	shalt  }
0x44: {  	_ =	shalt  }
0x45: {  	_ =	shalt  }
0x46: {  	_ =	shalt  }
0x47: {  	_ =	shalt  }
0x48: {  	_ =	shalt  }
0x49: {  	_ =	shalt  }
0x4a: {  	_ =	shalt  }
0x4b: {  	_ =	shalt  }
0x4c: {  	_ =	shalt  }
0x4d: {  	_ =	shalt  }
0x4e: {  	_ =	shalt  }
0x4f: {  	_ =	shalt  }
0x50: {  	_ =	shalt  }
0x51: {  	_ =	shalt  }
0x52: {  	_ =	shalt  }
0x53: {  	_ =	shalt  }
0x54: {  	_ =	shalt  }
0x55: {  	_ =	shalt  }
0x56: {  	_ =	shalt  }
0x57: {  	_ =	shalt  }
0x58: {  	_ =	shalt  }
0x59: {  	_ =	shalt  }
0x5a: {  	_ =	shalt  }
0x5b: {  	_ =	shalt  }
0x5c: {  	_ =	shalt  }
0x5d: {  	_ =	shalt  }
0x5e: {  	_ =	shalt  }
0x5f: {  	_ =	shalt  }
0x60: {  	_ =	shalt  }
0x61: {  	_ =	shalt  }
0x62: {  	_ =	shalt  }
0x63: {  	_ =	shalt  }
0x64: {  	_ =	shalt  }
0x65: {  	_ =	shalt  }
0x66: {  	_ =	shalt  }
0x67: {  	_ =	shalt  }
0x68: {  	_ =	shalt  }
0x69: {  	_ =	shalt  }
0x6a: {  	_ =	shalt  }
0x6b: {  	_ =	shalt  }
0x6c: {  	_ =	shalt  }
0x6d: {  	_ =	shalt  }
0x6e: {  	_ =	shalt  }
0x6f: {  	_ =	shalt  }
0x70: {  	_ =	shalt  }
0x71: {  	_ =	shalt  }
0x72: {  	_ =	shalt  }
0x73: {  	_ =	shalt  }
0x74: {  	_ =	shalt  }
0x75: {  	_ =	shalt  }
0x76: {  	_ =	shalt  }
0x77: {  	_ =	shalt  }
0x78: {  	_ =	shalt  }
0x79: {  	_ =	shalt  }
0x7a: {  	_ =	shalt  }
0x7b: {  	_ =	shalt  }
0x7c: {  	_ =	shalt  }
0x7d: {  	_ =	shalt  }
0x7e: {  	_ =	shalt  }
0x7f: {  	_ =	shalt  }
0x80: {  	_ =	shalt  }
0x81: {  	_ =	shalt  }
0x82: {  	_ =	shalt  }
0x83: {  	_ =	shalt  }
0x84: {  	_ =	shalt  }
0x85: {  	_ =	shalt  }
0x86: {  	_ =	shalt  }
0x87: {  	_ =	shalt  }
.Lfunc_end0:
.L_simem_size_0:
called_computation_lowered:
.L_overlay_start_0:
0x88: {  	s2 =	sld [smem:$0x3FD9]  }
0x89: {  	s3 =	sld [smem:$0x3FFE];
	_ =	sdelay $0x1  }
0x8a: {  	s1 =	srdreg.scid  }
0x8b: {  	s0 =	sand.u32 $0x1, s1  }
0x8c: {  	s16 =	sshll.u32 s0, $0xA;
	s2 =	sadd.s32 s3, s2  }
0x8d: {  	s2 =	sadd.s32 s2, s16  }
0x8e: {  	[smem:$0x3FA0] =	sst s2  }
0x8f: {  	_ = 	snop  }
0x90: {  	(tm) =	ssettm $0x1  }
0x91: {  	s17 =	sld [smem:$0x3FFB];
	_ =	sdelay $0x3  }
0x92: {  	_ =	strace s17  }
0x93: {  	s2 =	sld [smem:$0x3FFC];
	_ =	sdelay $0x3  }
0x94: {  	_ =	strace s2  }
0x95: {  	s2 =	sld [smem:$0x3FFD];
	_ =	sdelay $0x3  }
0x96: {  	_ =	strace s2  }
0x97: {  	_ =	strace $0x8FFFFFFF  }
0x98: {  	s18 =	sld [smem:$0x3FDB];
	_ =	sdelay $0x1  }
0x99: {  	s19 =	simm.s32 $_scs_section_size  }
0x9a: {  	s4 =	simm.s32 $_size__tile_overlayer_lowered;
	s5 =	simm.s32 $_tile_overlayer_lowered  }
0x9b: {  	s22 =	simm.s32 $0x1BFF;
	s21 =	sshll.u32 s5, $0x1;
	s2 =	sadd.s32 s19, s18  }
0x9c: {  	s6 =	simm.s32 $0x0;
	s20 =	sshll.u32 s4, $0x1;
	s4 =	sadd.s32 s21, s2  }
0x9d: {  	[timem:s6], [sflag:s22] =	dma.local [hbm:s4], s20  }
0x9e: {  	_ =	swait.ge [sflag:s22], s20  }
0x9f: {  	s3 =	ssub.s32 $0x0, s20;
	[sflag:s22] =	ssyncset.done $0x0  }
0xa0: {  	[sflag:s22] =	ssyncadd.s32 s3;
	_ =	sdelay $0x1  }
0xa1: {  	s23 =	simm.s32 $0x1B8B  }
0xa2: {  	_ =	swait.ge [sflag:s23], $0x1  }
0xa3: {  	[sflag:s23] =	ssyncset.done $0x0  }
0xa4: {  	s25 =	simm.s32 $0x1B8E;
	s24 =	sld [smem:$0x3FFE];
	[sflag:s23] =	ssyncadd.s32 $0xFFFFFFFF  }
0xa5: {  	s26 =	simm.s32 $execute0_lowered;
	[smem:$0x3FD2] =	sst s25  }
0xa6: {  	s4 =	sshll.u32 s26, $0x1;
	_ =	strace $0x80000046;
	[dreg:$0x1] =	wrdreg $0xFFFFFFFF  }
0xa7: {  	s28 =	simm.s32 $_size_execute0_lowered;
	s2 =	sadd.s32 s2, s4;
	[dreg:$0x0] =	wrdreg $0x0  }
0xa8: {  	s4 =	sshll.u32 s28, $0x1;
	[dreg:$0x2] =	wrdreg s2  }
0xa9: {  	[dreg:$0x3] =	wrdreg s4  }
0xaa: {  	[dreg:$0x4] =	wrdreg $0xC0  }
0xab: {  	_ =	task [dreg:s6], $0x5FFFF  }
0xac: {  	[dreg:$0x1] =	wrdreg $0xFFFFFFFF  }
0xad: {  	[dreg:$0x0] =	wrdreg $0x60  }
0xae: {  	[dreg:$0x2] =	wrdreg s24  }
0xaf: {  	[dreg:$0x3] =	wrdreg $0x6A400  }
0xb0: {  	[dreg:$0x4] =	wrdreg $0x1F1400  }
0xb1: {  	[dreg:$0x5] =	wrdreg $0x9  }
0xb2: {  	_ =	task.clear_ibuf [dreg:s6], $0x6FFFF;
	_ =	strace $0x90000046  }
0xb3: {  	s29 =	simm.s32 $0x9;
	_ =	strace $0x80000048  }
0xb4: {  	_ =	swait.ge [sflag:s29], $0x1  }
0xb5: {  	[sflag:s29] =	ssyncadd.s32 $0xFFFFFFFF  }
0xb6: {  	_ =	strace $0x90000048  }
0xb7: {  	_ =	sfence  }
0xb8: {  	s30 =	sld [smem:$0x0];
	_ =	sdelay $0x2  }
0xb9: {  	s31 =	sshll.u32 s1, $0xD;
	s1 =	sshrl.u32 s1, $0x2  }
0xba: {  	s3 =	sand.u32 $0x4000, s31;
	s1 =	sadd.s32 s1, s30  }
0xbb: {  	s0 =	sor.u32 s3, s0;
	s1 =	sshll.u32 s1, $0x11  }
0xbc: {  	s0 =	sor.u32 s1, s0  }
0xbd: {  	s0 =	sadd.s32 $0x8F2B, s0  }
0xbe: {  	[sflag:s0] =	ssyncadd.remote.s32 $0x1  }
0xbf: {  	_ =	sfence.sel $0xFFFF  }
0xc0: {  	[dreg:$0x0] =	wrdreg $0xFFFFFFFF;
	(pc) =	sbr.abs _section_cstart, $3  }
0xc1: {  	[dreg:$0x1] =	wrdreg $0xFFFFFFFF  }
0xc2: {  	_ =	task.clear_ibuf [dreg:s6], $0x2FFFF;
	_ =	strace $0x9FFFFFFF  }
0xc3: {  	(tm) =	ssettm $0x7FFFFFFF  }
tec
execute0_lowered:
.L_overlay_start_1:
0x0: {  	(tag) =	ssettag $0x1  }
0x1: {  	s0 =	srdreg.scid;
	s28 =	stileid.u32  }
0x2: {  	s8 =	rddreg [dreg:$0x0];
	s3 =	smul.u32 $0xC38, s28  }
0x3: {  	s1 =	simm.s32 $0x0;
	s4 =	sand.u32 $0x1, s0;
	s2 =	smul.u32 $0x1388, s28  }
0x4: {  	[smem:$0x7FF] =	sst s1;
	s10 =	sadd.s32 $0x1BFE00, s8;
	s22 =	smul.u32 $0x61C00, s28  }
0x5: {  	p1 =	slt.u32 s28, $0xA;
	s0 =	smul.u32 $0xC380, s4;
	s7 =	ssub.s32 $0x2, s4  }
0x6: {  	p0 =	seq.s32 s4, $0x0;
	s26 =	smul.u32 $0xC350, s4;
	s5 =	sshrl.u32 s7, $0x1  }
0x7: {  	s6 =	sshrl.u32 s2, $0x3;
	s16 =	sadd.s32 $0xAF0, s2;
	s23 =	sadd.s32 $0xFA0, s2  }
0x8: {  	s24 =	sadd.s32 $0x1130, s2;
	s25 =	sadd.s32 $0x12C0, s2;
	p1 =	por !p0, !p1  }
0x9: {  	p0 =	sne.s32 s4, $0x0;
	s9 =	sadd.s32 s3, s0;
	s3 =	sadd.s32 $0x190, s2  }
0xa: {  	s4 =	smul.u32 $0x4E20, s28;
	s0 =	ssub.s32 s7, s5;
	s12 =	sshrl.u32 s3, $0x3  }
0xb: {  	s11 =	sadd.s32 s10, s6;
	s6 =	sadd.s32 $0x4B0, s2;
	s5 =	sadd.s32 s10, s12  }
0xc: {  	s7 =	sadd.s32 $0x640, s2;
	[dreg:$0x5] =	wrdreg s5;
	s5 =	sadd.s32 $0x320, s2  }
0xd: {  	[dreg:$0x4] =	wrdreg s11;
	s12 =	sshrl.u32 s6, $0x3;
	s11 =	sshrl.u32 s5, $0x3  }
0xe: {  	s14 =	sshrl.u32 s7, $0x3;
	s13 =	sadd.s32 s10, s12;
	s11 =	sadd.s32 s10, s11  }
0xf: {  	s12 =	sadd.s32 $0x960, s2;
	[dreg:$0x6] =	wrdreg s11;
	s11 =	sadd.s32 s10, s14  }
0x10: {  	s14 =	sshrl.u32 s12, $0x3;
	[dreg:$0x8] =	wrdreg s11;
	s11 =	sadd.s32 $0x7D0, s2  }
0x11: {  	[dreg:$0x7] =	wrdreg s13;
	s15 =	sadd.s32 s10, s14;
	s13 =	sshrl.u32 s11, $0x3  }
0x12: {  	s17 =	sshrl.u32 s16, $0x3;
	[dreg:$0xa] =	wrdreg s15;
	s13 =	sadd.s32 s10, s13  }
0x13: {  	[dreg:$0x9] =	wrdreg s13;
	s13 =	sadd.s32 s10, s17;
	s17 =	sadd.s32 $0xE10, s2  }
0x14: {  	[dreg:$0xb] =	wrdreg s13;
	s13 =	sadd.s32 $0xC80, s2;
	s15 =	sshrl.u32 s17, $0x3  }
0x15: {  	s18 =	sshrl.u32 s13, $0x3;
	s19 =	sadd.s32 s10, s15;
	s15 =	rddreg [dreg:$0x2]  }
0x16: {  	s20 =	sshrl.u32 s23, $0x3;
	s14 =	sadd.s32 s10, s18;
	[dreg:$0xd] =	wrdreg s19  }
0x17: {  	s21 =	sshrl.u32 s25, $0x3;
	[dreg:$0xc] =	wrdreg s14;
	s14 =	sadd.s32 s10, s20  }
0x18: {  	s9 =	sshll.u32 s9, $0x2;
	s18 =	sshrl.u32 s24, $0x3;
	[dreg:$0xe] =	wrdreg s14  }
0x19: {  	s4 =	sshrl.u32 s4, $0x2;
	s18 =	sadd.s32 s10, s18;
	s14 =	rddreg [dreg:$0x1]  }
0x1a: {  	s9 =	sadd.s32 s9, s8;
	s10 =	sadd.s32 s10, s21;
	[dreg:$0xf] =	wrdreg s18  }
0x1b: {  	s0 =	smax.u32 s0, $0x1;
	[dreg:$0x10] =	wrdreg s10;
	s10 =	sadd.s32 $0x1C1800, s9  }
0x1c: {  	s2 =	sadd.s32 s2, s15;
	_ =	strace $0x80000047;
	[dreg:$0x11] =	wrdreg s10  }
0x1d: {  	s19 =	sadd.s32 $0x12D200, s8;
	s5 =	sadd.s32 s5, s15;
	[dreg:$0x1a] =	wrdreg s2  }
0x1e: {  	s6 =	sadd.s32 s6, s15;
	s13 =	sadd.s32 s13, s15;
	[dreg:$0x1c] =	wrdreg s5  }
0x1f: {  	s20 =	sadd.s32 $0x1A7600, s8;
	s21 =	sadd.s32 $0x18EE00, s8;
	[dreg:$0x1d] =	wrdreg s6  }
0x20: {  	s18 =	sadd.s32 $0xCB600, s8;
	s8 =	sshrl.u32 s22, $0x2;
	[smem:$0x7EB] =	sst s13  }
0x21: {  	s22 =	sadd.s32 s8, s14;
	s10 =	sadd.s32 $0x1C1E40, s9;
	[smem:$0x7F0] =	sst s0  }
0x22: {  	s8 =	sadd.s32 s4, s15;
	s4 =	sadd.s32 s3, s15;
	[dreg:$0x12] =	wrdreg s10  }
0x23: {  	[dreg:$0x1b] =	wrdreg s4  }
0x24: {  	s10 =	sadd.s32 $0x1C2480, s9;
	[dreg:$0x16] =	wrdreg s8  }
0x25: {  	s2 =	sadd.s32 $0x190, s8;
	[dreg:$0x13] =	wrdreg s10  }
0x26: {  	s3 =	sadd.s32 $0x320, s8;
	[smem:$0x7F2] =	sst s2  }
0x27: {  	s13 =	sadd.s32 $0xAF0, s8;
	[smem:$0x7F3] =	sst s3  }
0x28: {  	s10 =	sadd.s32 $0x1C2AC0, s9;
	[smem:$0x7F8] =	sst s13  }
0x29: {  	[dreg:$0x14] =	wrdreg s10;
	s10 =	sadd.s32 $0x1C3100, s9  }
0x2a: {  	[dreg:$0x15] =	wrdreg s10;
	s10 =	sadd.s32 $0x1C3740, s9  }
0x2b: {  	[dreg:$0x17] =	wrdreg s10;
	s10 =	sadd.s32 $0x1C3D80, s9  }
0x2c: {  	[dreg:$0x18] =	wrdreg s10;
	s10 =	sadd.s32 $0x1C43C0, s9  }
0x2d: {  	s9 =	sadd.s32 s7, s15;
	[dreg:$0x19] =	wrdreg s10  }
0x2e: {  	[dreg:$0x1e] =	wrdreg s9;
	s10 =	sadd.s32 s11, s15  }
0x2f: {  	s11 =	sadd.s32 s12, s15;
	[dreg:$0x1f] =	wrdreg s10  }
0x30: {  	s12 =	sadd.s32 s16, s15;
	[smem:$0x7E9] =	sst s11  }
0x31: {  	s16 =	sadd.s32 s17, s15;
	[smem:$0x7EA] =	sst s12  }
0x32: {  	s17 =	sadd.s32 s23, s15;
	[smem:$0x7EC] =	sst s16  }
0x33: {  	s23 =	sadd.s32 s24, s15;
	[smem:$0x7ED] =	sst s17  }
0x34: {  	s31 =	smul.u32 $0xC350, s28;
	s24 =	sadd.s32 s25, s15;
	[smem:$0x7EE] =	sst s23  }
0x35: {  	p1 =	por !p1, !p1;
	s25 =	sadd.s32 $0x9600, s22;
	[smem:$0x7EF] =	sst s24  }
0x36: {  	s29 =	sadd.s32 $0x3200, s22;
	s9 =	sadd.s32 $0x4B0, s8;
	[smem:$0x7F1] =	sst s25  }
0x37: {  	s30 =	sadd.s32 $0x6400, s22;
	[smem:$0x7F4] =	sst s9;
	s10 =	sadd.s32 $0x640, s8  }
0x38: {  	s4 =	sadd.s32 $0xC800, s22;
	s11 =	sadd.s32 $0x7D0, s8;
	[smem:$0x7F5] =	sst s10  }
0x39: {  	s5 =	sadd.s32 $0xFA00, s22;
	s12 =	sadd.s32 $0x960, s8;
	[smem:$0x7F6] =	sst s11  }
0x3a: {  	s6 =	sadd.s32 $0x12C00, s22;
	s16 =	sadd.s32 $0xC80, s8;
	[smem:$0x7F7] =	sst s12  }
0x3b: {  	s13 =	simm.s32 $0x4B0;
	s17 =	sadd.s32 $0xE10, s8;
	[smem:$0x7F9] =	sst s16  }
0x3c: {  	s7 =	sadd.s32 $0x15E00, s22;
	s23 =	sadd.s32 $0xFA0, s8;
	[smem:$0x7FA] =	sst s17  }
.Ltmp0:
0x3d: {  	s24 =	sadd.s32 $0x1130, s8;
	[smem:$0x7FB] =	sst s23;
	(pc) =	sbr.rel .LBB2_1-.Ltmp0, $4  }
0x3e: {  	s25 =	sadd.s32 $0x12C0, s8;
	s8 =	simm.s32 $0x4;
	[smem:$0x7FC] =	sst s24  }
0x3f: {  	s9 =	simm.s32 $0x190;
	[smem:$0x7FD] =	sst s25;
	s17 =	simm.s32 $0x3  }
0x40: {  	s10 =	simm.s32 $0x320;
	s11 =	simm.s32 $0x36B0;
	s12 =	simm.s32 $0x1  }
0x41: {  	v1 =	vimm.f32 $0.0e+00;
	v2 =	vimm.f32 $1.000000000e+00;
	v0 =	vmov s26;
	s16 =	simm.s32 $0x2;
	s23 =	simm.s32 $0x68B0;
	s24 =	simm.s32 $0x0  }
.LBB2_11:
0x42: {  	s0 =	sld [smem:$0x7F0];
	_ =	sdelay $0x1  }
0x43: {  	s24 =	sadd.s32 $0x1, s24  }
0x44: {  	p2 =	sne.s32 s24, s0  }
.Ltmp1:
0x45: {  	_ = 	snop;
	(pc) =	sbr.rel @!p2 .LBB2_12-.Ltmp1, $1  }
0x46: {  	_ =	sdelay $0x3  }
.LBB2_1:
0x47: {  	s0 =	simm.s32 $0x80;
	s25 =	simm.s32 $0x0  }
.LBB2_2:
0x48: {  	p2 =	sne.s32 s0, $0xC780;
	[tilespmem:s25+$0x4B0] =	vst v1;
	s26 =	smov.u32 s0;
	s0 =	sadd.s32 $0x80, s0  }
.Ltmp2:
0x49: {  	[tilespmem:s25+$0x4C0] =	vst v1;
	(pc) =	sbr.rel @p2 .LBB2_2-.Ltmp2, $2  }
0x4a: {  	_ =	sdelay $0x2  }
0x4b: {  	s25 =	sshra.s32 s26, $0x2  }
0x4c: {  	[tilespmem:s25+$0x4B0] =	vst v1  }
0x4d: {  	[tilespmem:s25+$0x4C0] =	vst v1  }
0x4e: {  	[tilespmem:$0x68B0] =	vst v1  }
0x4f: {  	[tilespmem:$0x68C0] =	vst v1  }
0x50: {  	[tilespmem:$0x68D0] =	vst v1  }
0x51: {  	[tilespmem:$0x68E0] =	vst v1  }
0x52: {  	[tilespmem:$0x68F0] =	vst v1  }
0x53: {  	[tilespmem:$0x6900] =	vst v1  }
0x54: {  	[tilespmem:$0x6910] =	vst v1  }
0x55: {  	[tilespmem:$0x6920] =	vst v1  }
0x56: {  	[tilespmem:$0x6930] =	vst v1  }
0x57: {  	[tilespmem:$0x6940] =	vst v1  }
0x58: {  	[tilespmem:$0x6950] =	vst v1  }
0x59: {  	[tilespmem:$0x6960] =	vst v1  }
0x5a: {  	[tilespmem:$0x6970] =	vst v1  }
0x5b: {  	[tilespmem:$0x6980] =	vst v1  }
0x5c: {  	[tilespmem:$0x6990] =	vst v1  }
0x5d: {  	[tilespmem:$0x69A0] =	vst v1  }
0x5e: {  	[tilespmem:$0x69B0] =	vst v1  }
0x5f: {  	[tilespmem:$0x69C0] =	vst v1  }
0x60: {  	[tilespmem:$0x69D0] =	vst v1  }
0x61: {  	[tilespmem:$0x69E0] =	vst v1  }
0x62: {  	[tilespmem:$0x69F0] =	vst v1  }
0x63: {  	[tilespmem:$0x6A00] =	vst v1  }
0x64: {  	[tilespmem:$0x6A10] =	vst v1  }
0x65: {  	[tilespmem:$0x6A20] =	vst v1  }
0x66: {  	[tilespmem:$0x6A30] =	vst v1  }
0x67: {  	[spmem:s22] =	stream.linear.scatter [tilespmem:s13], [sflag:$0x3], $0x3200, $0x38;
	[tilespmem:$0x1FD78] =	vst v63  }
0x68: {  	_ =	swait.ge [sflag:s17], $0x3200  }
0x69: {  	[sflag:s17] =	ssyncset.done $0x0  }
0x6a: {  	[sflag:s17] =	ssyncadd.s32 $0xFFFFCE00  }
0x6b: {  	[spmem:s29] =	stream.linear.scatter [tilespmem:s13], [sflag:$0x3], $0x3200, $0x38;
	[tilespmem:$0x1FD78] =	vst v63  }
0x6c: {  	_ =	swait.ge [sflag:s17], $0x3200  }
0x6d: {  	[sflag:s17] =	ssyncset.done $0x0  }
0x6e: {  	[sflag:s17] =	ssyncadd.s32 $0xFFFFCE00  }
0x6f: {  	[spmem:s30] =	stream.linear.scatter [tilespmem:s13], [sflag:$0x3], $0x3200, $0x38;
	[tilespmem:$0x1FD78] =	vst v63  }
0x70: {  	_ =	swait.ge [sflag:s17], $0x3200  }
0x71: {  	s0 =	sld [smem:$0x7F1]  }
0x72: {  	[sflag:s17] =	ssyncset.done $0x0  }
0x73: {  	[sflag:s17] =	ssyncadd.s32 $0xFFFFCE00  }
0x74: {  	[spmem:s0] =	stream.linear.scatter [tilespmem:s13], [sflag:$0x3], $0x3200, $0x38;
	[tilespmem:$0x1FD78] =	vst v63  }
0x75: {  	_ =	swait.ge [sflag:s17], $0x3200  }
0x76: {  	[sflag:s17] =	ssyncset.done $0x0  }
0x77: {  	[sflag:s17] =	ssyncadd.s32 $0xFFFFCE00  }
0x78: {  	[spmem:s4] =	stream.linear.scatter [tilespmem:s13], [sflag:$0x3], $0x3200, $0x38;
	[tilespmem:$0x1FD78] =	vst v63  }
0x79: {  	_ =	swait.ge [sflag:s17], $0x3200  }
0x7a: {  	[sflag:s17] =	ssyncset.done $0x0  }
0x7b: {  	[sflag:s17] =	ssyncadd.s32 $0xFFFFCE00  }
0x7c: {  	[spmem:s5] =	stream.linear.scatter [tilespmem:s13], [sflag:$0x3], $0x3200, $0x38;
	[tilespmem:$0x1FD78] =	vst v63  }
0x7d: {  	_ =	swait.ge [sflag:s17], $0x3200  }
0x7e: {  	[sflag:s17] =	ssyncset.done $0x0  }
0x7f: {  	[sflag:s17] =	ssyncadd.s32 $0xFFFFCE00  }
0x80: {  	[spmem:s6] =	stream.linear.scatter [tilespmem:s13], [sflag:$0x3], $0x3200, $0x38;
	[tilespmem:$0x1FD78] =	vst v63  }
0x81: {  	_ =	swait.ge [sflag:s17], $0x3200  }
0x82: {  	[sflag:s17] =	ssyncset.done $0x0  }
0x83: {  	[sflag:s17] =	ssyncadd.s32 $0xFFFFCE00  }
0x84: {  	[spmem:s7] =	stream.linear.scatter [tilespmem:s13], [sflag:$0x3], $0x2900, $0x38;
	[tilespmem:$0x1FD78] =	vst v63  }
0x85: {  	_ =	swait.ge [sflag:s17], $0x2900  }
0x86: {  	[sflag:s17] =	ssyncset.done $0x0  }
0x87: {  	s0 =	simm.s32 @p1 $0x68B0;
	s25 =	rddreg [dreg:$0x16];
	[sflag:s17] =	ssyncadd.s32 $0xFFFFD700  }
0x88: {  	[spmem:s25] =	stream.linear.scatter @p1 [tilespmem:s0], [sflag:$0x3], $0x190, $0x38;
	[tilespmem:$0x1FD78] =	vst v63  }
0x89: {  	s25 =	simm.s32 @p1 $0x3  }
0x8a: {  	_ =	swait.ge @p1 [sflag:s25], $0x190  }
0x8b: {  	s26 =	sld [smem:$0x7F2]  }
0x8c: {  	[sflag:s25] =	ssyncset.done @p1 $0x0  }
0x8d: {  	[sflag:s25] =	ssyncadd.s32 @p1 $0xFFFFFE70  }
0x8e: {  	[spmem:s26] =	stream.linear.scatter @p1 [tilespmem:s0], [sflag:$0x3], $0x190, $0x38;
	[tilespmem:$0x1FD78] =	vst v63  }
0x8f: {  	_ =	swait.ge @p1 [sflag:s25], $0x190  }
0x90: {  	s26 =	sld [smem:$0x7F3]  }
0x91: {  	[sflag:s25] =	ssyncset.done @p1 $0x0  }
0x92: {  	[sflag:s25] =	ssyncadd.s32 @p1 $0xFFFFFE70  }
0x93: {  	[spmem:s26] =	stream.linear.scatter @p1 [tilespmem:s0], [sflag:$0x3], $0x190, $0x38;
	[tilespmem:$0x1FD78] =	vst v63  }
0x94: {  	_ =	swait.ge @p1 [sflag:s25], $0x190  }
0x95: {  	s26 =	sld [smem:$0x7F4]  }
0x96: {  	[sflag:s25] =	ssyncset.done @p1 $0x0  }
0x97: {  	[sflag:s25] =	ssyncadd.s32 @p1 $0xFFFFFE70  }
0x98: {  	[spmem:s26] =	stream.linear.scatter @p1 [tilespmem:s0], [sflag:$0x3], $0x190, $0x38;
	[tilespmem:$0x1FD78] =	vst v63  }
0x99: {  	_ =	swait.ge @p1 [sflag:s25], $0x190  }
0x9a: {  	s26 =	sld [smem:$0x7F5]  }
0x9b: {  	[sflag:s25] =	ssyncset.done @p1 $0x0  }
0x9c: {  	[sflag:s25] =	ssyncadd.s32 @p1 $0xFFFFFE70  }
0x9d: {  	[spmem:s26] =	stream.linear.scatter @p1 [tilespmem:s0], [sflag:$0x3], $0x190, $0x38;
	[tilespmem:$0x1FD78] =	vst v63  }
0x9e: {  	_ =	swait.ge @p1 [sflag:s25], $0x190  }
0x9f: {  	s26 =	sld [smem:$0x7F6]  }
0xa0: {  	[sflag:s25] =	ssyncset.done @p1 $0x0  }
0xa1: {  	[sflag:s25] =	ssyncadd.s32 @p1 $0xFFFFFE70  }
0xa2: {  	[spmem:s26] =	stream.linear.scatter @p1 [tilespmem:s0], [sflag:$0x3], $0x190, $0x38;
	[tilespmem:$0x1FD78] =	vst v63  }
0xa3: {  	_ =	swait.ge @p1 [sflag:s25], $0x190  }
0xa4: {  	s26 =	sld [smem:$0x7F7]  }
0xa5: {  	[sflag:s25] =	ssyncset.done @p1 $0x0  }
0xa6: {  	[sflag:s25] =	ssyncadd.s32 @p1 $0xFFFFFE70  }
0xa7: {  	[spmem:s26] =	stream.linear.scatter @p1 [tilespmem:s0], [sflag:$0x3], $0x190, $0x38;
	[tilespmem:$0x1FD78] =	vst v63  }
0xa8: {  	_ =	swait.ge @p1 [sflag:s25], $0x190  }
0xa9: {  	s26 =	sld [smem:$0x7F8]  }
0xaa: {  	[sflag:s25] =	ssyncset.done @p1 $0x0  }
0xab: {  	[sflag:s25] =	ssyncadd.s32 @p1 $0xFFFFFE70  }
0xac: {  	[spmem:s26] =	stream.linear.scatter @p1 [tilespmem:s0], [sflag:$0x3], $0x190, $0x38;
	[tilespmem:$0x1FD78] =	vst v63  }
0xad: {  	_ =	swait.ge @p1 [sflag:s25], $0x190  }
0xae: {  	s26 =	sld [smem:$0x7F9]  }
0xaf: {  	[sflag:s25] =	ssyncset.done @p1 $0x0  }
0xb0: {  	[sflag:s25] =	ssyncadd.s32 @p1 $0xFFFFFE70  }
0xb1: {  	[spmem:s26] =	stream.linear.scatter @p1 [tilespmem:s0], [sflag:$0x3], $0x190, $0x38;
	[tilespmem:$0x1FD78] =	vst v63  }
0xb2: {  	_ =	swait.ge @p1 [sflag:s25], $0x190  }
0xb3: {  	s26 =	sld [smem:$0x7FA]  }
0xb4: {  	[sflag:s25] =	ssyncset.done @p1 $0x0  }
0xb5: {  	[sflag:s25] =	ssyncadd.s32 @p1 $0xFFFFFE70  }
0xb6: {  	[spmem:s26] =	stream.linear.scatter @p1 [tilespmem:s0], [sflag:$0x3], $0x190, $0x38;
	[tilespmem:$0x1FD78] =	vst v63  }
0xb7: {  	_ =	swait.ge @p1 [sflag:s25], $0x190  }
0xb8: {  	s26 =	sld [smem:$0x7FB]  }
0xb9: {  	[sflag:s25] =	ssyncset.done @p1 $0x0  }
0xba: {  	[sflag:s25] =	ssyncadd.s32 @p1 $0xFFFFFE70  }
0xbb: {  	[spmem:s26] =	stream.linear.scatter @p1 [tilespmem:s0], [sflag:$0x3], $0x190, $0x38;
	[tilespmem:$0x1FD78] =	vst v63  }
0xbc: {  	_ =	swait.ge @p1 [sflag:s25], $0x190  }
0xbd: {  	s26 =	sld [smem:$0x7FC]  }
0xbe: {  	[sflag:s25] =	ssyncset.done @p1 $0x0  }
0xbf: {  	[sflag:s25] =	ssyncadd.s32 @p1 $0xFFFFFE70  }
0xc0: {  	[spmem:s26] =	stream.linear.scatter @p1 [tilespmem:s0], [sflag:$0x3], $0x190, $0x38;
	[tilespmem:$0x1FD78] =	vst v63  }
0xc1: {  	_ =	swait.ge @p1 [sflag:s25], $0x190  }
0xc2: {  	s26 =	sld [smem:$0x7FD]  }
0xc3: {  	[sflag:s25] =	ssyncset.done @p1 $0x0  }
0xc4: {  	[sflag:s25] =	ssyncadd.s32 @p1 $0xFFFFFE70  }
0xc5: {  	[spmem:s26] =	stream.linear.scatter @p1 [tilespmem:s0], [sflag:$0x3], $0xC8, $0x38;
	[tilespmem:$0x1FD78] =	vst v63  }
0xc6: {  	_ =	swait.ge @p1 [sflag:s25], $0xC8  }
0xc7: {  	[sflag:s25] =	ssyncset.done @p1 $0x0  }
0xc8: {  	[sflag:s25] =	ssyncadd.s32 @p1 $0xFFFFFF38  }
0xc9: {  	[tilespmem:$0x68B0] =	vst v2  }
0xca: {  	[tilespmem:$0x68C0] =	vst v2  }
0xcb: {  	[tilespmem:$0x68D0] =	vst v2  }
0xcc: {  	[tilespmem:$0x68E0] =	vst v2  }
0xcd: {  	[tilespmem:$0x68F0] =	vst v2  }
0xce: {  	[tilespmem:$0x6900] =	vst v2  }
0xcf: {  	[tilespmem:$0x6910] =	vst v2  }
0xd0: {  	[tilespmem:$0x6920] =	vst v2  }
0xd1: {  	[tilespmem:$0x6930] =	vst v2  }
0xd2: {  	[tilespmem:$0x6940] =	vst v2  }
0xd3: {  	[tilespmem:$0x6950] =	vst v2  }
0xd4: {  	[tilespmem:$0x6960] =	vst v2  }
0xd5: {  	[tilespmem:$0x6970] =	vst v2  }
0xd6: {  	[tilespmem:$0x6980] =	vst v2  }
0xd7: {  	[tilespmem:$0x6990] =	vst v2  }
0xd8: {  	[tilespmem:$0x69A0] =	vst v2  }
0xd9: {  	[tilespmem:$0x69B0] =	vst v2  }
0xda: {  	[tilespmem:$0x69C0] =	vst v2  }
0xdb: {  	[tilespmem:$0x69D0] =	vst v2  }
0xdc: {  	[tilespmem:$0x69E0] =	vst v2  }
0xdd: {  	[tilespmem:$0x69F0] =	vst v2  }
0xde: {  	[tilespmem:$0x6A00] =	vst v2  }
0xdf: {  	[tilespmem:$0x6A10] =	vst v2  }
0xe0: {  	[tilespmem:$0x6A20] =	vst v2  }
0xe1: {  	s2 =	smov.u32 s29;
	[tilespmem:$0x6A30] =	vst v2  }
0xe2: {  	s3 =	smov.u32 s30;
	s25 =	simm.s32 $0x0;
	[bflag:$0x0] =	sbarrier.arrive $0xFFFF  }
.LBB2_4:
0xe3: {  	s0 =	smul.u32 $0x190, s25;
	_ =	sdelay $0x1  }
0xe4: {  	s0 =	sadd.s32 s31, s0  }
0xe5: {  	s0 =	sshrl.u32 s0, $0x3  }
0xe6: {  	s26 =	sadd.s32 s20, s0  }
0xe7: {  	[tilespmem:s1], [sflag:$0x4] =	stream.linear.gather [hbm4b:s26+s1], $0x190, $0x38;
	[tilespmem:$0x1FD78] =	vst v63  }
0xe8: {  	_ =	swait.ge [sflag:s8], $0x190  }
0xe9: {  	[sflag:s8] =	ssyncset.done $0x0  }
0xea: {  	s0 =	sadd.s32 s21, s0;
	[sflag:s8] =	ssyncadd.s32 $0xFFFFFE70  }
0xeb: {  	[tilespmem:s9], [sflag:$0x4] =	stream.linear.gather [hbm4b:s0+s1], $0x190, $0x38;
	[tilespmem:$0x1FD78] =	vst v63  }
0xec: {  	_ =	swait.ge [sflag:s8], $0x190  }
0xed: {  	[sflag:s8] =	ssyncset.done $0x0  }
0xee: {  	s28 =	simm.s32 $0x20;
	[sflag:s8] =	ssyncadd.s32 $0xFFFFFE70  }
0xef: {  	v3 =	vld [tilespmem:s28+$0x10];
	_ =	sdelay $0x3  }
0xf0: {  	v4 =	vld [tilespmem:s28+$0xFFFFFFF0]  }
0xf1: {  	v5 =	vld [tilespmem:s28+$0xFFFFFFE0];
	v3 =	vadd.s32 v0, v3  }
0xf2: {  	s29 =	simm.s32 $0x1B0;
	v6 =	vld [tilespmem:s28+$0x0];
	[tilespmem:s28+$0x10] =	vst v3  }
0xf3: {  	s26 =	simm.s32 $0x60;
	v7 =	vld [tilespmem:s29+$0x10]  }
0xf4: {  	v8 =	vld [tilespmem:s26+$0x10]  }
0xf5: {  	v9 =	vld [tilespmem:s26+$0xFFFFFFF0];
	v3 =	vadd.s32 v0, v4  }
0xf6: {  	v10 =	vld [tilespmem:s26+$0x0];
	[tilespmem:s28+$0xFFFFFFF0] =	vst v3;
	v3 =	vadd.s32 v0, v5  }
0xf7: {  	v4 =	vadd.s32 v0, v6;
	v5 =	vld [tilespmem:s26+$0xFFFFFFE0];
	[tilespmem:s28+$0xFFFFFFE0] =	vst v3  }
0xf8: {  	s0 =	simm.s32 $0x340;
	[tilespmem:s28+$0x0] =	vst v4;
	v3 =	vld [tilespmem:s29+$0xFFFFFFE0];
	v6 =	vadd.s32 v0, v7  }
0xf9: {  	v4 =	vld [tilespmem:s29+$0xFFFFFFF0];
	v7 =	vadd.s32 v0, v8;
	[tilespmem:s0+$0x10] =	vst v6  }
0xfa: {  	s28 =	simm.s32 $0x1F0;
	v8 =	vadd.s32 v0, v9;
	[tilespmem:s26+$0x10] =	vst v7;
	v6 =	vld [tilespmem:s29+$0x0]  }
0xfb: {  	s30 =	simm.s32 $0xA0;
	s29 =	simm.s32 $0x4;
	[tilespmem:s26+$0xFFFFFFF0] =	vst v8;
	v8 =	vadd.s32 v0, v10;
	v7 =	vld [tilespmem:s28+$0x10]  }
.LBB2_5:
0xfc: {  	v9 =	vld [tilespmem:s30+$0x10];
	s29 =	sadd.s32 $0x4, s29;
	v5 =	vadd.s32 v0, v5;
	[tilespmem:s26+$0x0] =	vst v8  }
0xfd: {  	v8 =	vld [tilespmem:s30+$0xFFFFFFF0];
	p2 =	slt.u32 s29, $0x14;
	[tilespmem:s26+$0xFFFFFFE0] =	vst v5;
	v3 =	vadd.s32 v0, v3;
	s26 =	smov.u32 s30  }
0xfe: {  	v10 =	vld [tilespmem:s30+$0x0];
	[tilespmem:s0+$0xFFFFFFE0] =	vst v3;
	v3 =	vadd.s32 v0, v4  }
.Ltmp3:
0xff: {  	v5 =	vld [tilespmem:s30+$0xFFFFFFE0];
	[tilespmem:s0+$0xFFFFFFF0] =	vst v3;
	v4 =	vadd.s32 v0, v6;
	(pc) =	sbr.rel @p2 .LBB2_5-.Ltmp3, $4  }
0x100: {  	v3 =	vld [tilespmem:s28+$0xFFFFFFE0];
	v6 =	vadd.s32 v0, v7;
	[tilespmem:s0+$0x0] =	vst v4;
	s0 =	sadd.s32 $0x40, s0  }
0x101: {  	v7 =	vadd.s32 v0, v9;
	v4 =	vld [tilespmem:s28+$0xFFFFFFF0];
	[tilespmem:s0+$0x10] =	vst v6  }
0x102: {  	v8 =	vadd.s32 v0, v8;
	[tilespmem:s30+$0x10] =	vst v7;
	v6 =	vld [tilespmem:s28+$0x0];
	s28 =	sadd.s32 $0x40, s28  }
0x103: {  	s30 =	sadd.s32 $0x40, s30;
	[tilespmem:s26+$0xFFFFFFF0] =	vst v8;
	v8 =	vadd.s32 v0, v10;
	v7 =	vld [tilespmem:s28+$0x10]  }
0x104: {  	v5 =	vadd.s32 v0, v5  }
0x105: {  	[tilespmem:s26+$0xFFFFFFE0] =	vst v5  }
0x106: {  	v5 =	vld [tilespmem:s28+$0xFFFFFFE0]  }
0x107: {  	[tilespmem:s26+$0x0] =	vst v8;
	v8 =	vld [tilespmem:s28+$0xFFFFFFF0];
	v3 =	vadd.s32 v0, v3  }
0x108: {  	[tilespmem:s0+$0xFFFFFFE0] =	vst v3;
	v3 =	vadd.s32 v0, v4;
	v4 =	vld [tilespmem:s28+$0x0]  }
0x109: {  	[tilespmem:s0+$0xFFFFFFF0] =	vst v3;
	v3 =	vadd.s32 v0, v6  }
0x10a: {  	s26 =	sadd.s32 $0x40, s0;
	v6 =	vadd.s32 v0, v7;
	[tilespmem:s0+$0x0] =	vst v3  }
0x10b: {  	[tilespmem:s26+$0x10] =	vst v6;
	v3 =	vadd.s32 v0, v5  }
0x10c: {  	[tilespmem:s26+$0xFFFFFFE0] =	vst v3;
	v3 =	vadd.s32 v0, v8  }
0x10d: {  	[tilespmem:s26+$0xFFFFFFF0] =	vst v3;
	v3 =	vadd.s32 v0, v4  }
0x10e: {  	[tilespmem:s26+$0x0] =	vst v3  }
0x10f: {  	v3 =	vld [tilespmem:$0x180]  }
0x110: {  	v4 =	vld [tilespmem:$0x310];
	_ =	sdelay $0x3  }
0x111: {  	v3 =	vadd.s32 v0, v3  }
0x112: {  	[tilespmem:$0x180] =	vst v3;
	v3 =	vadd.s32 v0, v4  }
0x113: {  	[tilespmem:$0x4A0] =	vst v3  }
0x114: {  	[tilespmem:s13], [sflag:$0x1] =	stream.indirect.gather [hbm4b:s18+s9], $0x20, s1, s9, $0xb8;
	[tilespmem:$0x1FD78] =	vst v63  }
0x115: {  	_ = 	snop  }
0x116: {  	[tilespmem:s11], [sflag:$0x2] =	stream.indirect.gather [hbm4b:s19+s9], $0x20, s10, s9, $0xb8;
	[tilespmem:$0x1FD78] =	vst v63  }
0x117: {  	_ =	swait.ge [sflag:s12], $0x3200  }
0x118: {  	[sflag:s12] =	ssyncset.done $0x0  }
0x119: {  	[sflag:s12] =	ssyncadd.s32 $0xFFFFCE00  }
0x11a: {  	_ =	swait.ge [sflag:s16], $0x3200  }
0x11b: {  	[sflag:s16] =	ssyncset.done $0x0  }
0x11c: {  	s26 =	simm.s32 $0x530;
	[sflag:s16] =	ssyncadd.s32 $0xFFFFCE00  }
0x11d: {  	s0 =	simm.s32 $0x3730;
	v3 =	vld [tilespmem:s26+$0x60]  }
0x11e: {  	v4 =	vld [tilespmem:s0+$0x60]  }
0x11f: {  	v5 =	vld [tilespmem:s0+$0xFFFFFF80]  }
0x120: {  	v6 =	vld [tilespmem:s26+$0xFFFFFFA0]  }
0x121: {  	v7 =	vld [tilespmem:s0+$0xFFFFFFA0]  }
0x122: {  	v8 =	vld [tilespmem:s26+$0xFFFFFFC0]  }
0x123: {  	v9 =	vld [tilespmem:s0+$0xFFFFFFC0]  }
0x124: {  	v13 =	vld [tilespmem:s26+$0xFFFFFF80]  }
0x125: {  	v10 =	vld [tilespmem:s0+$0xFFFFFFE0]  }
0x126: {  	v12 =	vld [tilespmem:s0+$0x0]  }
0x127: {  	v14 =	vld [tilespmem:s0+$0x20]  }
0x128: {  	v3 =	vadd.f32 v4, v3;
	v4 =	vld [tilespmem:s26+$0xFFFFFFE0];
	v6 =	vadd.f32 v7, v6  }
0x129: {  	v7 =	vld [tilespmem:s26+$0x0];
	v8 =	vadd.f32 v9, v8;
	v5 =	vadd.f32 v5, v13  }
0x12a: {  	v9 =	vld [tilespmem:s26+$0x20];
	v3 =	vmax.f32 v3, $0.0e+00;
	v6 =	vmax.f32 v6, $0.0e+00  }
0x12b: {  	v16 =	vld [tilespmem:s26+$0xFFFFFFD0];
	v8 =	vmax.f32 v8, $0.0e+00;
	v5 =	vmax.f32 v5, $0.0e+00;
	v11 =	vshrl.u32 v3, $0x10  }
0x12c: {  	s28 =	simm.s32 $0x630;
	v18 =	vld [tilespmem:s26+$0xFFFFFFF0];
	v15 =	vshrl.u32 v8, $0x10;
	v17 =	vshrl.u32 v5, $0x10;
	v11 =	vand.u32 $0x1, v11  }
0x12d: {  	s30 =	simm.s32 $0x3830;
	v23 =	vld [tilespmem:s28+$0xFFFFFFE0];
	v15 =	vand.u32 $0x1, v15;
	v17 =	vand.u32 $0x1, v17;
	v3 =	vadd.s32 v11, v3  }
0x12e: {  	v24 =	vld [tilespmem:s30+$0xFFFFFFE0];
	v11 =	vshrl.u32 v6, $0x10;
	v4 =	vadd.f32 v10, v4;
	v7 =	vadd.f32 v12, v7  }
0x12f: {  	v10 =	vld [tilespmem:s26+$0x40];
	v8 =	vadd.s32 v15, v8;
	v9 =	vadd.f32 v14, v9;
	v5 =	vadd.s32 v17, v5  }
0x130: {  	v15 =	vld [tilespmem:s0+$0x40];
	v3 =	vadd.s32 $0x7FFF, v3;
	v11 =	vand.u32 $0x1, v11;
	v8 =	vadd.s32 $0x7FFF, v8  }
0x131: {  	v13 =	vld [tilespmem:s26+$0xFFFFFF90];
	v5 =	vadd.s32 $0x7FFF, v5;
	v3 =	vand.u32 $0xFFFF0000, v3;
	v4 =	vmax.f32 v4, $0.0e+00  }
0x132: {  	v6 =	vadd.s32 v11, v6;
	v7 =	vmax.f32 v7, $0.0e+00;
	[tilespmem:s26+$0x60] =	vst v3;
	v3 =	vld [tilespmem:s26+$0x70];
	v11 =	vshrl.u32 v4, $0x10  }
0x133: {  	v9 =	vmax.f32 v9, $0.0e+00;
	v5 =	vand.u32 $0xFFFF0000, v5;
	v12 =	vld [tilespmem:s0+$0x70];
	v11 =	vand.u32 $0x1, v11  }
0x134: {  	v14 =	vld [tilespmem:s26+$0xFFFFFFB0];
	v6 =	vadd.s32 $0x7FFF, v6;
	v4 =	vadd.s32 v11, v4;
	v11 =	vshrl.u32 v7, $0x10  }
0x135: {  	v17 =	vld [tilespmem:s26+$0x50];
	v6 =	vand.u32 $0xFFFF0000, v6;
	v10 =	vadd.f32 v15, v10;
	v11 =	vand.u32 $0x1, v11  }
0x136: {  	v8 =	vand.u32 $0xFFFF0000, v8;
	v15 =	vld [tilespmem:s26+$0x30];
	[tilespmem:s26+$0xFFFFFFA0] =	vst v6;
	v7 =	vadd.s32 v11, v7;
	v11 =	vshrl.u32 v9, $0x10  }
0x137: {  	[tilespmem:s26+$0xFFFFFF80] =	vst v5;
	v5 =	vld [tilespmem:s0+$0xFFFFFFB0];
	v10 =	vmax.f32 v10, $0.0e+00;
	v11 =	vand.u32 $0x1, v11;
	v7 =	vadd.s32 $0x7FFF, v7  }
0x138: {  	v3 =	vadd.f32 v12, v3;
	v12 =	vld [tilespmem:s26+$0x10];
	v6 =	vadd.s32 v11, v9;
	v9 =	vshrl.u32 v10, $0x10  }
0x139: {  	[tilespmem:s26+$0xFFFFFFC0] =	vst v8;
	v4 =	vadd.s32 $0x7FFF, v4;
	v11 =	vld [tilespmem:s0+$0xFFFFFF90];
	v7 =	vand.u32 $0xFFFF0000, v7;
	v9 =	vand.u32 $0x1, v9  }
0x13a: {  	v4 =	vand.u32 $0xFFFF0000, v4;
	v6 =	vadd.s32 $0x7FFF, v6;
	[tilespmem:s26+$0x0] =	vst v7;
	v8 =	vadd.s32 v9, v10;
	v9 =	vld [tilespmem:s0+$0xFFFFFFD0]  }
0x13b: {  	[tilespmem:s26+$0xFFFFFFE0] =	vst v4;
	v3 =	vmax.f32 v3, $0.0e+00;
	v6 =	vand.u32 $0xFFFF0000, v6;
	v10 =	vld [tilespmem:s0+$0x10]  }
0x13c: {  	v4 =	vadd.s32 $0x7FFF, v8;
	v8 =	vld [tilespmem:s0+$0xFFFFFFF0];
	v7 =	vshrl.u32 v3, $0x10;
	[tilespmem:s26+$0x20] =	vst v6  }
0x13d: {  	v5 =	vadd.f32 v5, v14;
	v4 =	vand.u32 $0xFFFF0000, v4;
	v6 =	vand.u32 $0x1, v7;
	v7 =	vld [tilespmem:s0+$0x30]  }
0x13e: {  	[tilespmem:s26+$0x40] =	vst v4;
	v4 =	vadd.f32 v11, v13;
	v11 =	vld [tilespmem:s28+$0x60]  }
0x13f: {  	v52 =	vadd.f32 v24, v23;
	v5 =	vmax.f32 v5, $0.0e+00;
	v3 =	vadd.s32 v6, v3;
	v13 =	vld [tilespmem:s30+$0x60]  }
0x140: {  	v14 =	vshrl.u32 v5, $0x10;
	v6 =	vld [tilespmem:s0+$0x50];
	v3 =	vadd.s32 $0x7FFF, v3;
	v9 =	vadd.f32 v9, v16  }
0x141: {  	v4 =	vmax.f32 v4, $0.0e+00;
	v3 =	vand.u32 $0xFFFF0000, v3;
	v10 =	vadd.f32 v10, v12  }
0x142: {  	v8 =	vadd.f32 v8, v18;
	v16 =	vshrl.u32 v4, $0x10;
	v9 =	vmax.f32 v9, $0.0e+00  }
0x143: {  	v20 =	vld [tilespmem:s28+$0xFFFFFFC0];
	v7 =	vadd.f32 v7, v15;
	v10 =	vmax.f32 v10, $0.0e+00;
	v16 =	vand.u32 $0x1, v16  }
0x144: {  	v15 =	vld [tilespmem:s28+$0xFFFFFFA0];
	v8 =	vmax.f32 v8, $0.0e+00;
	v12 =	vshrl.u32 v9, $0x10;
	v11 =	vadd.f32 v13, v11  }
0x145: {  	v19 =	vshrl.u32 v10, $0x10;
	v13 =	vand.u32 $0x1, v14;
	v6 =	vadd.f32 v6, v17;
	v17 =	vld [tilespmem:s30+$0xFFFFFFA0]  }
0x146: {  	v21 =	vld [tilespmem:s30+$0xFFFFFFC0];
	v16 =	vadd.s32 v16, v4;
	v18 =	vshrl.u32 v8, $0x10;
	v11 =	vmax.f32 v11, $0.0e+00  }
0x147: {  	v7 =	vmax.f32 v7, $0.0e+00;
	v12 =	vand.u32 $0x1, v12;
	v25 =	vshrl.u32 v11, $0x10  }
0x148: {  	v26 =	vld [tilespmem:s30+$0xFFFFFF80];
	v19 =	vand.u32 $0x1, v19;
	v14 =	vshrl.u32 v7, $0x10;
	v4 =	vand.u32 $0x1, v25  }
0x149: {  	v18 =	vand.u32 $0x1, v18;
	v4 =	vadd.s32 v4, v11;
	v11 =	vadd.s32 v13, v5;
	v5 =	vld [tilespmem:s30+$0x0]  }
0x14a: {  	v9 =	vadd.s32 v12, v9;
	v10 =	vadd.s32 v19, v10;
	v15 =	vadd.f32 v17, v15;
	v17 =	vld [tilespmem:s28+$0x0]  }
0x14b: {  	v14 =	vand.u32 $0x1, v14;
	v13 =	vadd.f32 v21, v20;
	v20 =	vld [tilespmem:s30+$0x20];
	v4 =	vadd.s32 $0x7FFF, v4  }
0x14c: {  	v8 =	vadd.s32 v18, v8;
	v4 =	vand.u32 $0xFFFF0000, v4;
	v12 =	vmax.f32 v15, $0.0e+00;
	v15 =	vld [tilespmem:s28+$0x20]  }
0x14d: {  	v54 =	vld [tilespmem:s28+$0x40];
	v7 =	vadd.s32 v14, v7;
	[tilespmem:s28+$0x60] =	vst v4;
	v4 =	vmax.f32 v13, $0.0e+00;
	v18 =	vshrl.u32 v12, $0x10  }
0x14e: {  	v14 =	vmax.f32 v52, $0.0e+00;
	v19 =	vshrl.u32 v4, $0x10;
	v53 =	vld [tilespmem:s30+$0x70];
	v13 =	vand.u32 $0x1, v18  }
0x14f: {  	v18 =	vld [tilespmem:s28+$0x70];
	v19 =	vand.u32 $0x1, v19;
	v5 =	vadd.f32 v5, v17;
	v17 =	vshrl.u32 v14, $0x10  }
0x150: {  	v12 =	vadd.s32 v13, v12;
	v4 =	vadd.s32 v19, v4;
	v13 =	vld [tilespmem:s28+$0xFFFFFF80];
	v17 =	vand.u32 $0x1, v17  }
0x151: {  	v19 =	vld [tilespmem:s30+$0x40];
	v12 =	vadd.s32 $0x7FFF, v12;
	v5 =	vmax.f32 v5, $0.0e+00;
	v15 =	vadd.f32 v20, v15  }
0x152: {  	v14 =	vadd.s32 v17, v14;
	v20 =	vadd.s32 $0x7FFF, v4;
	v12 =	vand.u32 $0xFFFF0000, v12  }
0x153: {  	v17 =	vshrl.u32 v5, $0x10;
	v14 =	vadd.s32 $0x7FFF, v14;
	[tilespmem:s28+$0xFFFFFFA0] =	vst v12;
	v12 =	vand.u32 $0xFFFF0000, v20  }
0x154: {  	v4 =	vand.u32 $0x1, v17;
	v15 =	vmax.f32 v15, $0.0e+00;
	v17 =	vadd.f32 v53, v18  }
0x155: {  	v14 =	vand.u32 $0xFFFF0000, v14;
	[tilespmem:s28+$0xFFFFFFC0] =	vst v12;
	v12 =	vadd.s32 $0x7FFF, v16;
	v4 =	vadd.s32 v4, v5  }
0x156: {  	v5 =	vshrl.u32 v15, $0x10;
	v13 =	vadd.f32 v26, v13;
	v18 =	vadd.f32 v19, v54  }
0x157: {  	v56 =	vld [tilespmem:s28+$0xFFFFFFB0];
	v5 =	vand.u32 $0x1, v5;
	v17 =	vmax.f32 v17, $0.0e+00;
	v55 =	vadd.s32 $0x7FFF, v4  }
0x158: {  	[tilespmem:s26+$0x70] =	vst v3;
	v3 =	vld [tilespmem:s28+$0x10];
	v15 =	vadd.s32 v5, v15;
	v5 =	vshrl.u32 v17, $0x10;
	v4 =	vmax.f32 v13, $0.0e+00  }
0x159: {  	v19 =	vld [tilespmem:s28+$0xFFFFFF90];
	v13 =	vmax.f32 v18, $0.0e+00;
	v5 =	vand.u32 $0x1, v5;
	v18 =	vshrl.u32 v4, $0x10  }
0x15a: {  	v62 =	vld [tilespmem:s30+$0xFFFFFFD0];
	[tilespmem:s28+$0xFFFFFFE0] =	vst v14;
	v16 =	vand.u32 $0xFFFF0000, v12;
	v5 =	vadd.s32 v5, v17;
	v18 =	vand.u32 $0x1, v18  }
0x15b: {  	v12 =	vld [tilespmem:s30+$0xFFFFFFF0];
	v20 =	vand.u32 $0xFFFF0000, v55;
	v58 =	vadd.s32 $0x7FFF, v5;
	v4 =	vadd.s32 v18, v4  }
0x15c: {  	v6 =	vmax.f32 v6, $0.0e+00;
	[tilespmem:s28+$0x0] =	vst v20;
	v17 =	vld [tilespmem:s28+$0xFFFFFFD0];
	v18 =	vand.u32 $0xFFFF0000, v58;
	v59 =	vadd.s32 $0x7FFF, v4  }
0x15d: {  	v9 =	vadd.s32 $0x7FFF, v9;
	v10 =	vadd.s32 $0x7FFF, v10;
	v14 =	vld [tilespmem:s30+$0x10];
	[tilespmem:s28+$0x70] =	vst v18;
	v18 =	vand.u32 $0xFFFF0000, v59  }
0x15e: {  	v22 =	vshrl.u32 v6, $0x10;
	v8 =	vadd.s32 $0x7FFF, v8;
	v57 =	vshrl.u32 v13, $0x10;
	[tilespmem:s28+$0xFFFFFF80] =	vst v18;
	v18 =	vld [tilespmem:s30+$0xFFFFFFB0]  }
0x15f: {  	v10 =	vand.u32 $0xFFFF0000, v10;
	v15 =	vadd.s32 $0x7FFF, v15;
	v24 =	vand.u32 $0x1, v57;
	v61 =	vld [tilespmem:s30+$0xFFFFFF90]  }
0x160: {  	v22 =	vand.u32 $0x1, v22;
	v15 =	vand.u32 $0xFFFF0000, v15;
	v5 =	vld [tilespmem:s28+$0xFFFFFFF0];
	v13 =	vadd.s32 v24, v13  }
0x161: {  	v7 =	vadd.s32 $0x7FFF, v7;
	v11 =	vadd.s32 $0x7FFF, v11;
	[tilespmem:s28+$0x20] =	vst v15;
	v4 =	vld [tilespmem:s28+$0x30];
	v13 =	vadd.s32 $0x7FFF, v13  }
0x162: {  	v7 =	vand.u32 $0xFFFF0000, v7;
	v63 =	vand.u32 $0xFFFF0000, v11;
	v15 =	vld [tilespmem:s30+$0x30];
	v60 =	vand.u32 $0xFFFF0000, v13  }
0x163: {  	v11 =	vand.u32 $0xFFFF0000, v8;
	v13 =	vadd.s32 v22, v6;
	v6 =	vld [tilespmem:s28+$0x50];
	[tilespmem:s28+$0x40] =	vst v60;
	v8 =	vadd.f32 v18, v56  }
0x164: {  	[tilespmem:s26+$0xFFFFFF90] =	vst v16;
	v20 =	vadd.s32 $0x7FFF, v13;
	v13 =	vand.u32 $0xFFFF0000, v9;
	v16 =	vld [tilespmem:s30+$0x50];
	v18 =	vadd.f32 v61, v19  }
0x165: {  	s29 =	simm.s32 $0x8;
	s0 =	simm.s32 $0x730;
	[tilespmem:s26+$0xFFFFFFB0] =	vst v63;
	v9 =	vand.u32 $0xFFFF0000, v20;
	v17 =	vadd.f32 v62, v17;
	v8 =	vmax.f32 v8, $0.0e+00  }
.LBB2_7:
0x166: {  	v19 =	vld [tilespmem:s0+$0x60];
	v18 =	vmax.f32 v18, $0.0e+00;
	v20 =	vshrl.u32 v8, $0x10;
	v5 =	vadd.f32 v12, v5;
	s30 =	sadd.s32 $0x100, s30;
	[tilespmem:s26+$0xFFFFFFD0] =	vst v13  }
0x167: {  	s29 =	sadd.s32 $0x8, s29;
	v12 =	vld [tilespmem:s30+$0x60];
	v13 =	vshrl.u32 v18, $0x10;
	v17 =	vmax.f32 v17, $0.0e+00;
	v3 =	vadd.f32 v14, v3;
	[tilespmem:s26+$0xFFFFFFF0] =	vst v11  }
0x168: {  	p2 =	slt.u32 s29, $0x188;
	v11 =	vld [tilespmem:s30+$0xFFFFFF80];
	v14 =	vshrl.u32 v17, $0x10;
	v5 =	vmax.f32 v5, $0.0e+00;
	v4 =	vadd.f32 v15, v4;
	[tilespmem:s26+$0x10] =	vst v10  }
0x169: {  	v10 =	vld [tilespmem:s0+$0xFFFFFFA0];
	v15 =	vshrl.u32 v5, $0x10;
	v3 =	vmax.f32 v3, $0.0e+00;
	v6 =	vadd.f32 v16, v6;
	[tilespmem:s26+$0x30] =	vst v7  }
0x16a: {  	v13 =	vand.u32 $0x1, v13;
	v16 =	vld [tilespmem:s30+$0xFFFFFFA0];
	v21 =	vshrl.u32 v3, $0x10;
	v4 =	vmax.f32 v4, $0.0e+00;
	[tilespmem:s26+$0x50] =	vst v9;
	s26 =	smov.u32 s28;
	s28 =	smov.u32 s0  }
0x16b: {  	v20 =	vand.u32 $0x1, v20;
	v9 =	vld [tilespmem:s0+$0xFFFFFFC0];
	v22 =	vshrl.u32 v4, $0x10;
	v7 =	vmax.f32 v6, $0.0e+00  }
0x16c: {  	v14 =	vand.u32 $0x1, v14;
	v6 =	vld [tilespmem:s30+$0xFFFFFFC0];
	v12 =	vadd.f32 v12, v19;
	v19 =	vshrl.u32 v7, $0x10  }
0x16d: {  	v15 =	vand.u32 $0x1, v15;
	v21 =	vand.u32 $0x1, v21;
	v22 =	vand.u32 $0x1, v22;
	v23 =	vld [tilespmem:s0+$0xFFFFFFE0]  }
0x16e: {  	v13 =	vadd.s32 v13, v18;
	v18 =	vand.u32 $0x1, v19;
	v24 =	vld [tilespmem:s30+$0xFFFFFFE0];
	v12 =	vmax.f32 v12, $0.0e+00  }
0x16f: {  	v8 =	vadd.s32 v20, v8;
	v10 =	vadd.f32 v16, v10;
	v16 =	vld [tilespmem:s0+$0x0];
	v19 =	vshrl.u32 v12, $0x10  }
0x170: {  	v14 =	vadd.s32 v14, v17;
	v15 =	vadd.s32 v15, v5;
	v20 =	vld [tilespmem:s30+$0x0];
	v19 =	vand.u32 $0x1, v19  }
0x171: {  	v5 =	vmax.f32 v10, $0.0e+00;
	v6 =	vadd.f32 v6, v9;
	v9 =	vld [tilespmem:s0+$0x20];
	v10 =	vadd.s32 v19, v12  }
0x172: {  	v19 =	vadd.s32 v21, v3;
	v12 =	vshrl.u32 v5, $0x10;
	v17 =	vld [tilespmem:s30+$0x20];
	v10 =	vadd.s32 $0x7FFF, v10  }
0x173: {  	v3 =	vmax.f32 v6, $0.0e+00;
	v6 =	vadd.f32 v24, v23;
	v21 =	vld [tilespmem:s0+$0x40];
	v10 =	vand.u32 $0xFFFF0000, v10  }
0x174: {  	v22 =	vadd.s32 v22, v4;
	v12 =	vand.u32 $0x1, v12;
	v23 =	vshrl.u32 v3, $0x10;
	[tilespmem:s0+$0x60] =	vst v10;
	v10 =	vld [tilespmem:s0+$0x70]  }
0x175: {  	v4 =	vand.u32 $0x1, v23;
	v6 =	vmax.f32 v6, $0.0e+00;
	v16 =	vadd.f32 v20, v16;
	v20 =	vld [tilespmem:s30+$0x70]  }
0x176: {  	v5 =	vadd.s32 v12, v5;
	v3 =	vadd.s32 v4, v3;
	v4 =	vshrl.u32 v6, $0x10;
	v12 =	vld [tilespmem:s30+$0x40]  }
0x177: {  	v23 =	vld [tilespmem:s0+$0xFFFFFF80];
	v4 =	vand.u32 $0x1, v4;
	v16 =	vmax.f32 v16, $0.0e+00;
	v9 =	vadd.f32 v17, v9  }
0x178: {  	v24 =	vadd.s32 $0x7FFF, v5;
	v17 =	vld [tilespmem:s0+$0xFFFFFF90];
	v4 =	vadd.s32 v4, v6;
	v5 =	vshrl.u32 v16, $0x10  }
0x179: {  	v26 =	vadd.s32 $0x7FFF, v3;
	v25 =	vld [tilespmem:s0+$0xFFFFFFB0];
	v3 =	vand.u32 $0x1, v5;
	v6 =	vmax.f32 v9, $0.0e+00  }
0x17a: {  	v27 =	vld [tilespmem:s0+$0xFFFFFFD0];
	v9 =	vadd.s32 v3, v16;
	v3 =	vshrl.u32 v6, $0x10;
	v10 =	vadd.f32 v20, v10  }
0x17b: {  	v16 =	vadd.s32 $0x7FFF, v4;
	v5 =	vld [tilespmem:s0+$0xFFFFFFF0];
	v4 =	vand.u32 $0x1, v3;
	v12 =	vadd.f32 v12, v21  }
0x17c: {  	v11 =	vadd.f32 v11, v23;
	v3 =	vld [tilespmem:s0+$0x10];
	v20 =	vadd.s32 v4, v6;
	v10 =	vmax.f32 v10, $0.0e+00  }
0x17d: {  	v9 =	vadd.s32 $0x7FFF, v9;
	v4 =	vld [tilespmem:s0+$0x30];
	v12 =	vmax.f32 v12, $0.0e+00;
	v21 =	vshrl.u32 v10, $0x10  }
0x17e: {  	v11 =	vmax.f32 v11, $0.0e+00;
	v23 =	vshrl.u32 v12, $0x10;
	v6 =	vld [tilespmem:s0+$0x50];
	v21 =	vand.u32 $0x1, v21  }
0x17f: {  	v28 =	vshrl.u32 v11, $0x10;
	v23 =	vand.u32 $0x1, v23;
	v10 =	vadd.s32 v21, v10  }
0x180: {  	v21 =	vand.u32 $0x1, v28;
	v12 =	vadd.s32 v23, v12;
	v10 =	vadd.s32 $0x7FFF, v10  }
0x181: {  	v20 =	vadd.s32 $0x7FFF, v20;
	v11 =	vadd.s32 v21, v11;
	v10 =	vand.u32 $0xFFFF0000, v10  }
0x182: {  	v21 =	vand.u32 $0xFFFF0000, v24;
	v12 =	vadd.s32 $0x7FFF, v12;
	v11 =	vadd.s32 $0x7FFF, v11;
	[tilespmem:s0+$0x70] =	vst v10  }
0x183: {  	v16 =	vand.u32 $0xFFFF0000, v16;
	v10 =	vand.u32 $0xFFFF0000, v11;
	[tilespmem:s0+$0xFFFFFFA0] =	vst v21;
	v11 =	vand.u32 $0xFFFF0000, v26  }
0x184: {  	v9 =	vand.u32 $0xFFFF0000, v9;
	v20 =	vand.u32 $0xFFFF0000, v20;
	v21 =	vand.u32 $0xFFFF0000, v12;
	[tilespmem:s0+$0xFFFFFF80] =	vst v10;
	v10 =	vld [tilespmem:s30+$0xFFFFFFB0]  }
0x185: {  	v8 =	vadd.s32 $0x7FFF, v8;
	v7 =	vadd.s32 v18, v7;
	v23 =	vld [tilespmem:s30+$0xFFFFFF90];
	[tilespmem:s0+$0xFFFFFFC0] =	vst v11;
	v11 =	vadd.s32 $0x7FFF, v13  }
0x186: {  	v15 =	vadd.s32 $0x7FFF, v15;
	v13 =	vadd.s32 $0x7FFF, v14;
	v24 =	vld [tilespmem:s30+$0xFFFFFFD0];
	[tilespmem:s0+$0xFFFFFFE0] =	vst v16;
	v16 =	vadd.s32 $0x7FFF, v19  }
.Ltmp4:
0x187: {  	v18 =	vadd.s32 $0x7FFF, v22;
	v19 =	vadd.s32 $0x7FFF, v7;
	v12 =	vld [tilespmem:s30+$0xFFFFFFF0];
	[tilespmem:s0+$0x0] =	vst v9;
	v9 =	vand.u32 $0xFFFF0000, v11;
	(pc) =	sbr.rel @p2 .LBB2_7-.Ltmp4, $4  }
0x188: {  	v13 =	vand.u32 $0xFFFF0000, v13;
	v11 =	vand.u32 $0xFFFF0000, v15;
	v14 =	vld [tilespmem:s30+$0x10];
	[tilespmem:s0+$0x20] =	vst v20;
	v20 =	vand.u32 $0xFFFF0000, v8  }
0x189: {  	v7 =	vand.u32 $0xFFFF0000, v18;
	v8 =	vadd.f32 v10, v25;
	v15 =	vld [tilespmem:s30+$0x30];
	[tilespmem:s0+$0x40] =	vst v21;
	v10 =	vand.u32 $0xFFFF0000, v16  }
0x18a: {  	v18 =	vadd.f32 v23, v17;
	v16 =	vld [tilespmem:s30+$0x50];
	[tilespmem:s26+$0xFFFFFF90] =	vst v9;
	v9 =	vand.u32 $0xFFFF0000, v19  }
0x18b: {  	s0 =	sadd.s32 $0x100, s0;
	v8 =	vmax.f32 v8, $0.0e+00;
	v17 =	vadd.f32 v24, v27;
	[tilespmem:s26+$0xFFFFFFB0] =	vst v20  }
0x18c: {  	v18 =	vmax.f32 v18, $0.0e+00;
	v19 =	vshrl.u32 v8, $0x10;
	v5 =	vadd.f32 v12, v5  }
0x18d: {  	v49 =	vshrl.u32 v18, $0x10;
	v17 =	vmax.f32 v17, $0.0e+00;
	v3 =	vadd.f32 v14, v3  }
0x18e: {  	v53 =	vand.u32 $0x1, v19;
	v50 =	vshrl.u32 v17, $0x10;
	v5 =	vmax.f32 v5, $0.0e+00  }
0x18f: {  	v4 =	vadd.f32 v15, v4;
	v12 =	vand.u32 $0x1, v49;
	v60 =	vadd.s32 v53, v8  }
0x190: {  	v51 =	vshrl.u32 v5, $0x10;
	v3 =	vmax.f32 v3, $0.0e+00;
	v6 =	vadd.f32 v16, v6  }
0x191: {  	[tilespmem:s26+$0xFFFFFFD0] =	vst v13;
	v55 =	vand.u32 $0x1, v50;
	v12 =	vadd.s32 v12, v18;
	v8 =	vadd.s32 $0x7FFF, v60  }
0x192: {  	[tilespmem:s26+$0xFFFFFFF0] =	vst v11;
	v52 =	vshrl.u32 v3, $0x10;
	v4 =	vmax.f32 v4, $0.0e+00;
	v15 =	vand.u32 $0x1, v51  }
0x193: {  	[tilespmem:s26+$0x10] =	vst v10;
	v12 =	vadd.s32 $0x7FFF, v12;
	v61 =	vadd.s32 v55, v17;
	v8 =	vand.u32 $0xFFFF0000, v8  }
0x194: {  	[tilespmem:s26+$0x30] =	vst v7;
	v54 =	vshrl.u32 v4, $0x10;
	v6 =	vmax.f32 v6, $0.0e+00;
	v57 =	vand.u32 $0x1, v52  }
0x195: {  	[tilespmem:s26+$0x50] =	vst v9;
	v62 =	vand.u32 $0xFFFF0000, v12;
	v5 =	vadd.s32 v15, v5;
	v9 =	vadd.s32 $0x7FFF, v61  }
0x196: {  	[tilespmem:s28+$0xFFFFFFB0] =	vst v8;
	v56 =	vshrl.u32 v6, $0x10;
	v58 =	vand.u32 $0x1, v54;
	v3 =	vadd.s32 v57, v3  }
0x197: {  	[tilespmem:s28+$0xFFFFFF90] =	vst v62;
	v5 =	vadd.s32 $0x7FFF, v5;
	v9 =	vand.u32 $0xFFFF0000, v9;
	v59 =	vand.u32 $0x1, v56  }
0x198: {  	v4 =	vadd.s32 v58, v4;
	v3 =	vadd.s32 $0x7FFF, v3;
	v5 =	vand.u32 $0xFFFF0000, v5;
	[tilespmem:s28+$0xFFFFFFD0] =	vst v9  }
0x199: {  	v6 =	vadd.s32 v59, v6;
	v4 =	vadd.s32 $0x7FFF, v4;
	v3 =	vand.u32 $0xFFFF0000, v3;
	[tilespmem:s28+$0xFFFFFFF0] =	vst v5  }
0x19a: {  	v63 =	vadd.s32 $0x7FFF, v6;
	v4 =	vand.u32 $0xFFFF0000, v4;
	[tilespmem:s28+$0x10] =	vst v3  }
0x19b: {  	v3 =	vand.u32 $0xFFFF0000, v63;
	[tilespmem:s28+$0x30] =	vst v4  }
0x19c: {  	[tilespmem:s28+$0x50] =	vst v3  }
0x19d: {  	[spmem:s14] =	stream.indirect.scatter.add.f32 [tilespmem:s13], [sflag:$0x4], $0x20, s9, s9, $0xb8;
	[tilespmem:$0x1FD78] =	vst v63  }
0x19e: {  	_ =	swait.ge [sflag:s8], $0x3200  }
0x19f: {  	s0 =	simm.s32 @!p0 $0x190;
	s25 =	sadd.s32 $0x1, s25;
	[sflag:s8] =	ssyncset.done $0x0  }
0x1a0: {  	s26 =	simm.s32 @!p0 $0x68B0;
	p2 =	sne.s32 s25, $0x7D;
	[sflag:s8] =	ssyncadd.s32 $0xFFFFCE00  }
0x1a1: {  	[spmem:s15] =	stream.indirect.scatter.add.f32 @!p0 [tilespmem:s26], [sflag:$0x3], $0x1, s0, s0, $0xb8;
	[tilespmem:$0x1FD78] =	vst v63  }
.Ltmp5:
0x1a2: {  	_ = 	snop;
	(pc) =	sbr.rel @p2 .LBB2_4-.Ltmp5, $4  }
0x1a3: {  	s0 =	simm.s32 @!p0 $0x3  }
0x1a4: {  	_ =	swait.ge @!p0 [sflag:s0], $0x190  }
0x1a5: {  	[sflag:s0] =	ssyncset.done @!p0 $0x0  }
0x1a6: {  	[sflag:s0] =	ssyncadd.s32 @!p0 $0xFFFFFE70  }
0x1a7: {  	[bflag:$0x0] =	sbarrier.arrive $0xFFFF  }
0x1a8: {  	[tilespmem:s13], [sflag:$0x3] =	stream.linear.gather [spmem:s22], $0x3200, $0x38;
	[tilespmem:$0x1FD78] =	vst v63  }
0x1a9: {  	_ =	swait.ge [sflag:s17], $0x3200  }
0x1aa: {  	[sflag:s17] =	ssyncset.done $0x0  }
0x1ab: {  	s0 =	rddreg [dreg:$0x11];
	[sflag:s17] =	ssyncadd.s32 $0xFFFFCE00  }
0x1ac: {  	[hbm4b:s0+s1] =	stream.linear.scatter [tilespmem:s13], [sflag:$0x3], $0x3200, $0x38;
	[tilespmem:$0x1FD78] =	vst v63  }
0x1ad: {  	_ =	swait.ge [sflag:s17], $0x3200  }
0x1ae: {  	[sflag:s17] =	ssyncset.done $0x0  }
0x1af: {  	[sflag:s17] =	ssyncadd.s32 $0xFFFFCE00  }
0x1b0: {  	[tilespmem:s13], [sflag:$0x3] =	stream.linear.gather [spmem:s2], $0x3200, $0x38;
	[tilespmem:$0x1FD78] =	vst v63  }
0x1b1: {  	_ =	swait.ge [sflag:s17], $0x3200  }
0x1b2: {  	[sflag:s17] =	ssyncset.done $0x0  }
0x1b3: {  	s25 =	rddreg [dreg:$0x12];
	[sflag:s17] =	ssyncadd.s32 $0xFFFFCE00  }
0x1b4: {  	[hbm4b:s25+s1] =	stream.linear.scatter [tilespmem:s13], [sflag:$0x3], $0x3200, $0x38;
	[tilespmem:$0x1FD78] =	vst v63  }
0x1b5: {  	_ =	swait.ge [sflag:s17], $0x3200  }
0x1b6: {  	[sflag:s17] =	ssyncset.done $0x0  }
0x1b7: {  	[sflag:s17] =	ssyncadd.s32 $0xFFFFCE00  }
0x1b8: {  	[tilespmem:s13], [sflag:$0x3] =	stream.linear.gather [spmem:s3], $0x3200, $0x38;
	[tilespmem:$0x1FD78] =	vst v63  }
0x1b9: {  	_ =	swait.ge [sflag:s17], $0x3200  }
0x1ba: {  	[sflag:s17] =	ssyncset.done $0x0  }
0x1bb: {  	s26 =	rddreg [dreg:$0x13];
	[sflag:s17] =	ssyncadd.s32 $0xFFFFCE00  }
0x1bc: {  	[hbm4b:s26+s1] =	stream.linear.scatter [tilespmem:s13], [sflag:$0x3], $0x3200, $0x38;
	[tilespmem:$0x1FD78] =	vst v63  }
0x1bd: {  	_ =	swait.ge [sflag:s17], $0x3200  }
0x1be: {  	s28 =	sld [smem:$0x7F1]  }
0x1bf: {  	[sflag:s17] =	ssyncset.done $0x0  }
0x1c0: {  	[sflag:s17] =	ssyncadd.s32 $0xFFFFCE00  }
0x1c1: {  	[tilespmem:s13], [sflag:$0x3] =	stream.linear.gather [spmem:s28], $0x3200, $0x38;
	[tilespmem:$0x1FD78] =	vst v63  }
0x1c2: {  	_ =	swait.ge [sflag:s17], $0x3200  }
0x1c3: {  	[sflag:s17] =	ssyncset.done $0x0  }
0x1c4: {  	s29 =	smov.u32 s2;
	s2 =	rddreg [dreg:$0x14];
	[sflag:s17] =	ssyncadd.s32 $0xFFFFCE00  }
0x1c5: {  	[hbm4b:s2+s1] =	stream.linear.scatter [tilespmem:s13], [sflag:$0x3], $0x3200, $0x38;
	[tilespmem:$0x1FD78] =	vst v63  }
0x1c6: {  	_ =	swait.ge [sflag:s17], $0x3200  }
0x1c7: {  	[sflag:s17] =	ssyncset.done $0x0  }
0x1c8: {  	[sflag:s17] =	ssyncadd.s32 $0xFFFFCE00  }
0x1c9: {  	[tilespmem:s13], [sflag:$0x3] =	stream.linear.gather [spmem:s4], $0x3200, $0x38;
	[tilespmem:$0x1FD78] =	vst v63  }
0x1ca: {  	_ =	swait.ge [sflag:s17], $0x3200  }
0x1cb: {  	[sflag:s17] =	ssyncset.done $0x0  }
0x1cc: {  	s30 =	smov.u32 s3;
	s3 =	rddreg [dreg:$0x15];
	[sflag:s17] =	ssyncadd.s32 $0xFFFFCE00  }
0x1cd: {  	[hbm4b:s3+s1] =	stream.linear.scatter [tilespmem:s13], [sflag:$0x3], $0x3200, $0x38;
	[tilespmem:$0x1FD78] =	vst v63  }
0x1ce: {  	_ =	swait.ge [sflag:s17], $0x3200  }
0x1cf: {  	[sflag:s17] =	ssyncset.done $0x0  }
0x1d0: {  	[sflag:s17] =	ssyncadd.s32 $0xFFFFCE00  }
0x1d1: {  	[tilespmem:s13], [sflag:$0x3] =	stream.linear.gather [spmem:s5], $0x3200, $0x38;
	[tilespmem:$0x1FD78] =	vst v63  }
0x1d2: {  	_ =	swait.ge [sflag:s17], $0x3200  }
0x1d3: {  	[sflag:s17] =	ssyncset.done $0x0  }
0x1d4: {  	s25 =	rddreg [dreg:$0x17];
	[sflag:s17] =	ssyncadd.s32 $0xFFFFCE00  }
0x1d5: {  	[hbm4b:s25+s1] =	stream.linear.scatter [tilespmem:s13], [sflag:$0x3], $0x3200, $0x38;
	[tilespmem:$0x1FD78] =	vst v63  }
0x1d6: {  	_ =	swait.ge [sflag:s17], $0x3200  }
0x1d7: {  	[sflag:s17] =	ssyncset.done $0x0  }
0x1d8: {  	[sflag:s17] =	ssyncadd.s32 $0xFFFFCE00  }
0x1d9: {  	[tilespmem:s13], [sflag:$0x3] =	stream.linear.gather [spmem:s6], $0x3200, $0x38;
	[tilespmem:$0x1FD78] =	vst v63  }
0x1da: {  	_ =	swait.ge [sflag:s17], $0x3200  }
0x1db: {  	[sflag:s17] =	ssyncset.done $0x0  }
0x1dc: {  	s26 =	rddreg [dreg:$0x18];
	[sflag:s17] =	ssyncadd.s32 $0xFFFFCE00  }
0x1dd: {  	[hbm4b:s26+s1] =	stream.linear.scatter [tilespmem:s13], [sflag:$0x3], $0x3200, $0x38;
	[tilespmem:$0x1FD78] =	vst v63  }
0x1de: {  	_ =	swait.ge [sflag:s17], $0x3200  }
0x1df: {  	[sflag:s17] =	ssyncset.done $0x0  }
0x1e0: {  	[sflag:s17] =	ssyncadd.s32 $0xFFFFCE00  }
0x1e1: {  	[tilespmem:s13], [sflag:$0x3] =	stream.linear.gather [spmem:s7], $0x2900, $0x38;
	[tilespmem:$0x1FD78] =	vst v63  }
0x1e2: {  	_ =	swait.ge [sflag:s17], $0x2900  }
0x1e3: {  	[sflag:s17] =	ssyncset.done $0x0  }
.Ltmp6:
0x1e4: {  	s28 =	rddreg [dreg:$0x19];
	[sflag:s17] =	ssyncadd.s32 $0xFFFFD700;
	(pc) =	sbr.rel @!p1 .LBB2_11-.Ltmp6, $4  }
0x1e5: {  	[hbm4b:s28+s1] =	stream.linear.scatter [tilespmem:s13], [sflag:$0x3], $0x2900, $0x38;
	[tilespmem:$0x1FD78] =	vst v63  }
0x1e6: {  	_ =	swait.ge [sflag:s17], $0x2900  }
0x1e7: {  	[sflag:s17] =	ssyncset.done $0x0  }
0x1e8: {  	[sflag:s17] =	ssyncadd.s32 $0xFFFFD700  }
0x1e9: {  	s0 =	rddreg [dreg:$0x1a]  }
0x1ea: {  	[tilespmem:s23], [sflag:$0x3] =	stream.linear.gather [spmem:s0], $0x190, $0x38;
	[tilespmem:$0x1FD78] =	vst v63  }
0x1eb: {  	_ =	swait.ge [sflag:s17], $0x190  }
0x1ec: {  	[sflag:s17] =	ssyncset.done $0x0  }
0x1ed: {  	s2 =	rddreg [dreg:$0x4];
	[sflag:s17] =	ssyncadd.s32 $0xFFFFFE70  }
0x1ee: {  	[hbm4b:s2+s1] =	stream.linear.scatter [tilespmem:s23], [sflag:$0x3], $0x190, $0x38;
	[tilespmem:$0x1FD78] =	vst v63  }
0x1ef: {  	_ =	swait.ge [sflag:s17], $0x190  }
0x1f0: {  	[sflag:s17] =	ssyncset.done $0x0  }
0x1f1: {  	s3 =	rddreg [dreg:$0x1b];
	[sflag:s17] =	ssyncadd.s32 $0xFFFFFE70  }
0x1f2: {  	[tilespmem:s23], [sflag:$0x3] =	stream.linear.gather [spmem:s3], $0x190, $0x38;
	[tilespmem:$0x1FD78] =	vst v63  }
0x1f3: {  	_ =	swait.ge [sflag:s17], $0x190  }
0x1f4: {  	[sflag:s17] =	ssyncset.done $0x0  }
0x1f5: {  	s25 =	rddreg [dreg:$0x5];
	[sflag:s17] =	ssyncadd.s32 $0xFFFFFE70  }
0x1f6: {  	[hbm4b:s25+s1] =	stream.linear.scatter [tilespmem:s23], [sflag:$0x3], $0x190, $0x38;
	[tilespmem:$0x1FD78] =	vst v63  }
0x1f7: {  	_ =	swait.ge [sflag:s17], $0x190  }
0x1f8: {  	[sflag:s17] =	ssyncset.done $0x0  }
0x1f9: {  	s26 =	rddreg [dreg:$0x1c];
	[sflag:s17] =	ssyncadd.s32 $0xFFFFFE70  }
0x1fa: {  	[tilespmem:s23], [sflag:$0x3] =	stream.linear.gather [spmem:s26], $0x190, $0x38;
	[tilespmem:$0x1FD78] =	vst v63  }
0x1fb: {  	_ =	swait.ge [sflag:s17], $0x190  }
0x1fc: {  	[sflag:s17] =	ssyncset.done $0x0  }
0x1fd: {  	s28 =	rddreg [dreg:$0x6];
	[sflag:s17] =	ssyncadd.s32 $0xFFFFFE70  }
0x1fe: {  	[hbm4b:s28+s1] =	stream.linear.scatter [tilespmem:s23], [sflag:$0x3], $0x190, $0x38;
	[tilespmem:$0x1FD78] =	vst v63  }
0x1ff: {  	_ =	swait.ge [sflag:s17], $0x190  }
0x200: {  	[sflag:s17] =	ssyncset.done $0x0  }
0x201: {  	s2 =	rddreg [dreg:$0x1d];
	[sflag:s17] =	ssyncadd.s32 $0xFFFFFE70  }
0x202: {  	[tilespmem:s23], [sflag:$0x3] =	stream.linear.gather [spmem:s2], $0x190, $0x38;
	[tilespmem:$0x1FD78] =	vst v63  }
0x203: {  	_ =	swait.ge [sflag:s17], $0x190  }
0x204: {  	[sflag:s17] =	ssyncset.done $0x0  }
0x205: {  	s3 =	rddreg [dreg:$0x7];
	[sflag:s17] =	ssyncadd.s32 $0xFFFFFE70  }
0x206: {  	[hbm4b:s3+s1] =	stream.linear.scatter [tilespmem:s23], [sflag:$0x3], $0x190, $0x38;
	[tilespmem:$0x1FD78] =	vst v63  }
0x207: {  	_ =	swait.ge [sflag:s17], $0x190  }
0x208: {  	[sflag:s17] =	ssyncset.done $0x0  }
0x209: {  	s25 =	rddreg [dreg:$0x1e];
	[sflag:s17] =	ssyncadd.s32 $0xFFFFFE70  }
0x20a: {  	[tilespmem:s23], [sflag:$0x3] =	stream.linear.gather [spmem:s25], $0x190, $0x38;
	[tilespmem:$0x1FD78] =	vst v63  }
0x20b: {  	_ =	swait.ge [sflag:s17], $0x190  }
0x20c: {  	[sflag:s17] =	ssyncset.done $0x0  }
0x20d: {  	s26 =	rddreg [dreg:$0x8];
	[sflag:s17] =	ssyncadd.s32 $0xFFFFFE70  }
0x20e: {  	[hbm4b:s26+s1] =	stream.linear.scatter [tilespmem:s23], [sflag:$0x3], $0x190, $0x38;
	[tilespmem:$0x1FD78] =	vst v63  }
0x20f: {  	_ =	swait.ge [sflag:s17], $0x190  }
0x210: {  	[sflag:s17] =	ssyncset.done $0x0  }
0x211: {  	s28 =	rddreg [dreg:$0x1f];
	[sflag:s17] =	ssyncadd.s32 $0xFFFFFE70  }
0x212: {  	[tilespmem:s23], [sflag:$0x3] =	stream.linear.gather [spmem:s28], $0x190, $0x38;
	[tilespmem:$0x1FD78] =	vst v63  }
0x213: {  	_ =	swait.ge [sflag:s17], $0x190  }
0x214: {  	[sflag:s17] =	ssyncset.done $0x0  }
0x215: {  	s2 =	rddreg [dreg:$0x9];
	[sflag:s17] =	ssyncadd.s32 $0xFFFFFE70  }
0x216: {  	[hbm4b:s2+s1] =	stream.linear.scatter [tilespmem:s23], [sflag:$0x3], $0x190, $0x38;
	[tilespmem:$0x1FD78] =	vst v63  }
0x217: {  	_ =	swait.ge [sflag:s17], $0x190  }
0x218: {  	s3 =	sld [smem:$0x7E9]  }
0x219: {  	[sflag:s17] =	ssyncset.done $0x0  }
0x21a: {  	[sflag:s17] =	ssyncadd.s32 $0xFFFFFE70  }
0x21b: {  	[tilespmem:s23], [sflag:$0x3] =	stream.linear.gather [spmem:s3], $0x190, $0x38;
	[tilespmem:$0x1FD78] =	vst v63  }
0x21c: {  	_ =	swait.ge [sflag:s17], $0x190  }
0x21d: {  	[sflag:s17] =	ssyncset.done $0x0  }
0x21e: {  	s25 =	rddreg [dreg:$0xa];
	[sflag:s17] =	ssyncadd.s32 $0xFFFFFE70  }
0x21f: {  	[hbm4b:s25+s1] =	stream.linear.scatter [tilespmem:s23], [sflag:$0x3], $0x190, $0x38;
	[tilespmem:$0x1FD78] =	vst v63  }
0x220: {  	_ =	swait.ge [sflag:s17], $0x190  }
0x221: {  	s26 =	sld [smem:$0x7EA]  }
0x222: {  	[sflag:s17] =	ssyncset.done $0x0  }
0x223: {  	[sflag:s17] =	ssyncadd.s32 $0xFFFFFE70  }
0x224: {  	[tilespmem:s23], [sflag:$0x3] =	stream.linear.gather [spmem:s26], $0x190, $0x38;
	[tilespmem:$0x1FD78] =	vst v63  }
0x225: {  	_ =	swait.ge [sflag:s17], $0x190  }
0x226: {  	[sflag:s17] =	ssyncset.done $0x0  }
0x227: {  	s28 =	rddreg [dreg:$0xb];
	[sflag:s17] =	ssyncadd.s32 $0xFFFFFE70  }
0x228: {  	[hbm4b:s28+s1] =	stream.linear.scatter [tilespmem:s23], [sflag:$0x3], $0x190, $0x38;
	[tilespmem:$0x1FD78] =	vst v63  }
0x229: {  	_ =	swait.ge [sflag:s17], $0x190  }
0x22a: {  	s2 =	sld [smem:$0x7EB]  }
0x22b: {  	[sflag:s17] =	ssyncset.done $0x0  }
0x22c: {  	[sflag:s17] =	ssyncadd.s32 $0xFFFFFE70  }
0x22d: {  	[tilespmem:s23], [sflag:$0x3] =	stream.linear.gather [spmem:s2], $0x190, $0x38;
	[tilespmem:$0x1FD78] =	vst v63  }
0x22e: {  	_ =	swait.ge [sflag:s17], $0x190  }
0x22f: {  	[sflag:s17] =	ssyncset.done $0x0  }
0x230: {  	s3 =	rddreg [dreg:$0xc];
	[sflag:s17] =	ssyncadd.s32 $0xFFFFFE70  }
0x231: {  	[hbm4b:s3+s1] =	stream.linear.scatter [tilespmem:s23], [sflag:$0x3], $0x190, $0x38;
	[tilespmem:$0x1FD78] =	vst v63  }
0x232: {  	_ =	swait.ge [sflag:s17], $0x190  }
0x233: {  	s25 =	sld [smem:$0x7EC]  }
0x234: {  	[sflag:s17] =	ssyncset.done $0x0  }
0x235: {  	[sflag:s17] =	ssyncadd.s32 $0xFFFFFE70  }
0x236: {  	[tilespmem:s23], [sflag:$0x3] =	stream.linear.gather [spmem:s25], $0x190, $0x38;
	[tilespmem:$0x1FD78] =	vst v63  }
0x237: {  	_ =	swait.ge [sflag:s17], $0x190  }
0x238: {  	[sflag:s17] =	ssyncset.done $0x0  }
0x239: {  	s26 =	rddreg [dreg:$0xd];
	[sflag:s17] =	ssyncadd.s32 $0xFFFFFE70  }
0x23a: {  	[hbm4b:s26+s1] =	stream.linear.scatter [tilespmem:s23], [sflag:$0x3], $0x190, $0x38;
	[tilespmem:$0x1FD78] =	vst v63  }
0x23b: {  	_ =	swait.ge [sflag:s17], $0x190  }
0x23c: {  	s28 =	sld [smem:$0x7ED]  }
0x23d: {  	[sflag:s17] =	ssyncset.done $0x0  }
0x23e: {  	[sflag:s17] =	ssyncadd.s32 $0xFFFFFE70  }
0x23f: {  	[tilespmem:s23], [sflag:$0x3] =	stream.linear.gather [spmem:s28], $0x190, $0x38;
	[tilespmem:$0x1FD78] =	vst v63  }
0x240: {  	_ =	swait.ge [sflag:s17], $0x190  }
0x241: {  	[sflag:s17] =	ssyncset.done $0x0  }
0x242: {  	s2 =	rddreg [dreg:$0xe];
	[sflag:s17] =	ssyncadd.s32 $0xFFFFFE70  }
0x243: {  	[hbm4b:s2+s1] =	stream.linear.scatter [tilespmem:s23], [sflag:$0x3], $0x190, $0x38;
	[tilespmem:$0x1FD78] =	vst v63  }
0x244: {  	_ =	swait.ge [sflag:s17], $0x190  }
0x245: {  	s3 =	sld [smem:$0x7EE]  }
0x246: {  	[sflag:s17] =	ssyncset.done $0x0  }
0x247: {  	[sflag:s17] =	ssyncadd.s32 $0xFFFFFE70  }
0x248: {  	[tilespmem:s23], [sflag:$0x3] =	stream.linear.gather [spmem:s3], $0x190, $0x38;
	[tilespmem:$0x1FD78] =	vst v63  }
0x249: {  	_ =	swait.ge [sflag:s17], $0x190  }
0x24a: {  	[sflag:s17] =	ssyncset.done $0x0  }
0x24b: {  	s25 =	rddreg [dreg:$0xf];
	[sflag:s17] =	ssyncadd.s32 $0xFFFFFE70  }
0x24c: {  	[hbm4b:s25+s1] =	stream.linear.scatter [tilespmem:s23], [sflag:$0x3], $0x190, $0x38;
	[tilespmem:$0x1FD78] =	vst v63  }
0x24d: {  	_ =	swait.ge [sflag:s17], $0x190  }
0x24e: {  	s26 =	sld [smem:$0x7EF]  }
0x24f: {  	[sflag:s17] =	ssyncset.done $0x0  }
0x250: {  	[sflag:s17] =	ssyncadd.s32 $0xFFFFFE70  }
0x251: {  	[tilespmem:s23], [sflag:$0x3] =	stream.linear.gather [spmem:s26], $0xC8, $0x38;
	[tilespmem:$0x1FD78] =	vst v63  }
0x252: {  	_ =	swait.ge [sflag:s17], $0xC8  }
0x253: {  	[sflag:s17] =	ssyncset.done $0x0  }
.Ltmp7:
0x254: {  	s28 =	rddreg [dreg:$0x10];
	[sflag:s17] =	ssyncadd.s32 $0xFFFFFF38;
	(pc) =	sbr.rel .LBB2_11-.Ltmp7, $4  }
0x255: {  	[hbm4b:s28+s1] =	stream.linear.scatter [tilespmem:s23], [sflag:$0x3], $0xC8, $0x38;
	[tilespmem:$0x1FD78] =	vst v63  }
0x256: {  	_ =	swait.ge [sflag:s17], $0xC8  }
0x257: {  	[sflag:s17] =	ssyncset.done $0x0  }
0x258: {  	[sflag:s17] =	ssyncadd.s32 $0xFFFFFF38  }
.LBB2_12:
0x259: {  	_ =	sfence.sel $0x180000  }
0x25a: {  	[bflag:$0x0] =	sbarrier.arrive $0xFFFF  }
0x25b: {  	_ =	strace $0x90000047  }
0x25c: {  	s0 =	stileid.u32;
	[bflag:$0x2] =	sbarrier.arrive $0xFFFF  }
0x25d: {  	p0 =	sne.s32 s0, $0x0;
	s0 =	rddreg [dreg:$0x3]  }
0x25e: {  	s0 =	sadd.s32 @!p0 $0x100000, s0  }
0x25f: {  	[sflag:s0] =	ssyncadd.tile.s32 @!p0 $0x1;
	_ =	shalt  }
.Lfunc_end2:
_tile_overlayer_lowered:
.L_overlay_start_2:
0x260: {  	(tag) =	ssettag $0x2  }
0x261: {  	s0 =	rddreg [dreg:$0x0];
	s2 =	stileid.u32  }
0x262: {  	s1 =	rddreg [dreg:$0x1];
	p0 =	sne.s32 s2, $0x0  }
0x263: {  	s3 =	rddreg [dreg:$0x2];
	[bflag:$0x3] =	sbarrier.arrive $0xFFFF;
	s2 =	simm.s32 @!p0 $0x1C03  }
0x264: {  	[timem:s3], [sflag:s2] =	dma.local @!p0 [hbm:s0], s1  }
0x265: {  	s0 =	simm.s32 @!p0 $0x3  }
0x266: {  	_ =	swait.ge @!p0 [sflag:s0], s1  }
0x267: {  	s1 =	ssub.s32 @!p0 $0x0, s1;
	[sflag:s0] =	ssyncset.done @!p0 $0x0  }
0x268: {  	[sflag:s0] =	ssyncadd.s32 @!p0 s1  }
0x269: {  	[bflag:$0x3] =	sbarrier.arrive $0xFFFF  }
0x26a: {  	_ =	shalt  }

</sc_bundles>
